<compile_context>
chip_gen: v7x
topology: tpu7x:2x2x1
jax: 0.10.2.dev20260603
libtpu: 0.0.44.dev20260713+nightly
codegen_flags: <defaults>
</compile_context>

<pallas_src>
import functools

import jax
import jax.numpy as jnp
from jax import lax
from jax.experimental import pallas as pl
from jax.experimental.pallas import tpu as pltpu, tpu_sc as plsc

C = 128
V = 10000
M = 320000
NW = 32
RG = 8
MG = NW // RG
M_PER_W = M // MG
ROWS_PER_G = C // RG
NPAIR = ROWS_PER_G // 2
IB = 40000
NIB = M_PER_W // IB
S = 10000
NSUB = IB // S


def _sc_gather_concat(t0, t1, idx):
    mesh = plsc.VectorSubcoreMesh(core_axis_name="c", subcore_axis_name="s")

    @functools.partial(
        pl.kernel,
        out_type=jax.ShapeDtypeStruct((2 * C * M,), jnp.float32),
        mesh=mesh,
        scratch_types=[
            pltpu.VMEM((IB,), jnp.int32),
            pltpu.VMEM((V,), jnp.float32),
            pltpu.VMEM((V,), jnp.float32),
            pltpu.VMEM((V,), jnp.float32),
            pltpu.VMEM((V,), jnp.float32),
            pltpu.VMEM((S,), jnp.float32),
            pltpu.VMEM((S,), jnp.float32),
            pltpu.VMEM((S,), jnp.float32),
            pltpu.VMEM((S,), jnp.float32),
            pltpu.SemaphoreType.DMA,
            pltpu.SemaphoreType.DMA,
            pltpu.SemaphoreType.DMA,
            pltpu.SemaphoreType.DMA,
            pltpu.SemaphoreType.DMA,
            pltpu.SemaphoreType.DMA,
        ],
        compiler_params=pltpu.CompilerParams(needs_layout_passes=False),
    )
    def body(t0_hbm, t1_hbm, idx_hbm, out_hbm,
             idx_v, rv0a, rv0b, rv1a, rv1b, ov0a, ov0b, ov1a, ov1b,
             rsem0, rsem1, os0a, os0b, os1a, os1b):
        wid = lax.axis_index("s") * 2 + lax.axis_index("c")
        rg = wid % RG
        mg = wid // RG
        m_base = mg * M_PER_W
        row0 = rg * ROWS_PER_G

        row_bufs = ((rv0a, rv0b), (rv1a, rv1b))
        row_sems = (rsem0, rsem1)
        out_bufs = ((ov0a, ov0b), (ov1a, ov1b))
        out_sems = ((os0a, os0b), (os1a, os1b))

        def row_src(t_hbm, r):
            return t_hbm.at[pl.ds((row0 + r) * V, V)]

        def out_dst(half, r, ib, s):
            off = ((half * C + row0 + r) * M
                   + m_base + ib * IB + s * S)
            return out_hbm.at[pl.ds(off, S)]

        def gather_pair(s, rows, outs):
            ra, rb = rows
            oa, ob_ = outs

            @plsc.parallel_loop(0, S // 16, unroll=8)
            def _g(j):
                ids = idx_v[pl.ds(s * S + j * 16, 16)]
                sl = pl.ds(j * 16, 16)
                oa[sl] = plsc.load_gather(ra, [ids])
                ob_[sl] = plsc.load_gather(rb, [ids])

        def prefetch_pair(t_hbm, pr, pb):
            for k in (0, 1):
                pltpu.async_copy(row_src(t_hbm, pr * 2 + k),
                                 row_bufs[pb][k], row_sems[pb])

        def do_pair(half, t_hbm, ib, pr, pb, wait_subs):
            rows = row_bufs[pb]
            for k in (0, 1):
                pltpu.make_async_copy(row_src(t_hbm, pr * 2 + k), rows[k],
                                      row_sems[pb]).wait()

            @pl.when(pr + 1 < NPAIR)
            def _():
                prefetch_pair(t_hbm, pr + 1, 1 - pb)

            for s in range(NSUB):
                ose = s % 2
                pass
                gather_pair(s, rows, out_bufs[ose])

        first_segment = True
        for half, t_hbm in ((0, t0_hbm), (1, t1_hbm)):
            for ib in range(NIB):
                pltpu.sync_copy(
                    idx_hbm.at[pl.ds(half * M + m_base + ib * IB, IB)],
                    idx_v)
                prefetch_pair(t_hbm, 0, 0)

                if first_segment:
                    do_pair(half, t_hbm, ib, 0, 0, wait_subs=False)
                    do_pair(half, t_hbm, ib, 1, 1, wait_subs=True)
                    pp_lo = 1
                    first_segment = False
                else:
                    pp_lo = 0

                def pp_body(pp, _, half=half, t_hbm=t_hbm, ib=ib):
                    for b in (0, 1):
                        do_pair(half, t_hbm, ib, pp * 2 + b, b,
                                wait_subs=True)
                    return 0

                lax.fori_loop(pp_lo, NPAIR // 2, pp_body, 0)



    return body(t0, t1, idx)


def kernel(in0, in1, matches):
    t0 = in0.reshape(C * V)
    t1 = in1.reshape(C * V)
    idx = matches.astype(jnp.int32).reshape(2 * M)
    out = _sc_gather_concat(t0, t1, idx)
    return out.reshape(1, 2 * C, M)

# --- scband reference (transcript-rebuilt; emitter-appended) ---
"""Pipeline reference for scband-concatenation-layer-39840116638151 (READ-ONLY COPY).

The authoritative reference and input builder live on the scoring server;
editing this copy changes nothing except your own understanding.
"""

import jax, jax.numpy as jnp
import numpy as np


def setup_inputs(seed: int = 0) -> dict:
    key = jax.random.key(seed)
    k0, k1, k2 = jax.random.split(key, 3)
    in0 = jax.random.normal(k0, (1, 128, 10000), dtype=jnp.float32)
    in1 = jax.random.normal(k1, (1, 128, 10000), dtype=jnp.float32)
    matches = jax.random.randint(k2, (2, 320000), 0, 10000, dtype=jnp.int64)
    return {"in0": in0, "in1": in1, "matches": matches}


def reference(in0, in1, matches):
    # Faithful translation of ConcatenationLayer.forward
    # edges_feature_0[0] = index_select(in0[0], dim=1, index=matches[0])
    edges_feature_0 = jnp.take(in0[0], matches[0], axis=1)[None]  # [1, C0, M]
    edges_feature_1 = jnp.take(in1[0], matches[1], axis=1)[None]  # [1, C1, M]
    edge_feature = jnp.concatenate((edges_feature_0, edges_feature_1), axis=1)  # [1, C0+C1, M]
    return edge_feature

if __name__ == "__main__":
    import jax
    _d = setup_inputs()
    print(jax.jit(kernel)(*tuple(_d.values())))

</pallas_src>

<mosaic_0001>
#map = affine_map<(d0, d1) -> (0)>
module attributes {stable_mosaic.version = 14 : i64} {
  func.func @body(%arg0: i32, %arg1: i32, %arg2: memref<1280000xf32, #tpu.memory_space<hbm>>, %arg3: memref<1280000xf32, #tpu.memory_space<hbm>>, %arg4: memref<640000xi32, #tpu.memory_space<hbm>>, %arg5: memref<81920000xf32, #tpu.memory_space<hbm>>, %arg6: memref<40000xi32, #tpu.memory_space<vmem>>, %arg7: memref<10000xf32, #tpu.memory_space<vmem>>, %arg8: memref<10000xf32, #tpu.memory_space<vmem>>, %arg9: memref<10000xf32, #tpu.memory_space<vmem>>, %arg10: memref<10000xf32, #tpu.memory_space<vmem>>, %arg11: memref<10000xf32, #tpu.memory_space<vmem>>, %arg12: memref<10000xf32, #tpu.memory_space<vmem>>, %arg13: memref<10000xf32, #tpu.memory_space<vmem>>, %arg14: memref<10000xf32, #tpu.memory_space<vmem>>, %arg15: memref<!tpu.dma_semaphore, #tpu.memory_space<semaphore_mem>>, %arg16: memref<!tpu.dma_semaphore, #tpu.memory_space<semaphore_mem>>, %arg17: memref<!tpu.dma_semaphore, #tpu.memory_space<semaphore_mem>>, %arg18: memref<!tpu.dma_semaphore, #tpu.memory_space<semaphore_mem>>, %arg19: memref<!tpu.dma_semaphore, #tpu.memory_space<semaphore_mem>>, %arg20: memref<!tpu.dma_semaphore, #tpu.memory_space<semaphore_mem>>) attributes {dimension_semantics = [#tpu.dimension_semantics<core_parallel>, #tpu.dimension_semantics<subcore_parallel>], iteration_bounds = array<i64: 2, 16>, scalar_prefetch = 0 : i64, scratch_operands = 15 : i64, tpu.core_type = #tpu.core_type<sc_vector_subcore>, window_params = [{transform_indices = #map}, {transform_indices = #map}, {transform_indices = #map}, {transform_indices = #map}]} {
    %mul3A = arith.constant 2 : i32
    %mul3A_0 = arith.muli %arg1, %mul3A : i32
    %add3A = arith.addi %mul3A_0, %arg0 : i32
    %jit3A = arith.constant 8 : i32
    %eq3A = arith.constant 0 : i32
    %eq3A_1 = arith.cmpi eq, %jit3A, %eq3A : i32
    %jit3A_2 = arith.constant 1 : i32
    %select_n3A = arith.select %eq3A_1, %jit3A_2, %jit3A : i32
    %rem3A = arith.remsi %add3A, %select_n3A : i32
    %ne3A = arith.constant 0 : i32
    %ne3A_3 = arith.cmpi ne, %rem3A, %ne3A : i32
    %lt3A = arith.constant 0 : i32
    %lt3A_4 = arith.cmpi slt, %rem3A, %lt3A : i32
    %lt3A_5 = arith.constant 0 : i32
    %lt3A_6 = arith.cmpi slt, %select_n3A, %lt3A_5 : i32
    %ne3A_7 = arith.xori %lt3A_4, %lt3A_6 : i1
    %and3A = arith.andi %ne3A_7, %ne3A_3 : i1
    %add3A_8 = arith.addi %rem3A, %select_n3A : i32
    %select_n3A_9 = arith.select %and3A, %add3A_8, %rem3A : i32
    %jit3A_10 = arith.constant 8 : i32
    %div3A = arith.divsi %add3A, %jit3A_10 : i32
    %sign3A = arith.constant 0 : i32
    %sign3A_11 = arith.cmpi sgt, %add3A, %sign3A : i32
    %sign3A_12 = arith.extui %sign3A_11 : i1 to i32
    %sign3A_13 = arith.constant 0 : i32
    %sign3A_14 = arith.cmpi slt, %add3A, %sign3A_13 : i32
    %sign3A_15 = arith.extui %sign3A_14 : i1 to i32
    %sign3A_16 = arith.subi %sign3A_12, %sign3A_15 : i32
    %sign3A_17 = arith.constant 0 : i32
    %sign3A_18 = arith.cmpi sgt, %jit3A_10, %sign3A_17 : i32
    %sign3A_19 = arith.extui %sign3A_18 : i1 to i32
    %sign3A_20 = arith.constant 0 : i32
    %sign3A_21 = arith.cmpi slt, %jit3A_10, %sign3A_20 : i32
    %sign3A_22 = arith.extui %sign3A_21 : i1 to i32
    %sign3A_23 = arith.subi %sign3A_19, %sign3A_22 : i32
    %ne3A_24 = arith.cmpi ne, %sign3A_16, %sign3A_23 : i32
    %rem3A_25 = arith.remsi %add3A, %jit3A_10 : i32
    %ne3A_26 = arith.constant 0 : i32
    %ne3A_27 = arith.cmpi ne, %rem3A_25, %ne3A_26 : i32
    %and3A_28 = arith.andi %ne3A_24, %ne3A_27 : i1
    %sub3A = arith.constant 1 : i32
    %sub3A_29 = arith.subi %div3A, %sub3A : i32
    %select_n3A_30 = arith.select %and3A_28, %sub3A_29, %div3A : i32
    %mul3A_31 = arith.constant 80000 : i32
    %mul3A_32 = arith.muli %select_n3A_30, %mul3A_31 : i32
    %mul3A_33 = arith.constant 16 : i32
    %mul3A_34 = arith.muli %select_n3A_9, %mul3A_33 : i32
    %add3A_35 = arith.constant 0 : i32
    %add3A_36 = arith.addi %add3A_35, %mul3A_32 : i32
    %add3A_37 = arith.constant 0 : i32
    %add3A_38 = arith.addi %add3A_36, %add3A_37 : i32
    "tpu.region"() ({
      %run_scoped3A = tpu.sem_alloc : memref<!tpu.dma_semaphore, #tpu.memory_space<semaphore_mem>>
      %dma_start3A_195 = tpu.memref_slice %arg4[%add3A_38] : memref<640000xi32, #tpu.memory_space<hbm>> -> memref<40000xi32, #tpu.memory_space<hbm>>
      %dma_start3A_196 = tpu.memref_slice %arg4[%add3A_38] : memref<640000xi32, #tpu.memory_space<hbm>> -> memref<40000xi32, #tpu.memory_space<hbm>>
      tpu.enqueue_dma source(%dma_start3A_196 : memref<40000xi32, #tpu.memory_space<hbm>>) target(%arg6 : memref<40000xi32, #tpu.memory_space<vmem>>) target_semaphore(%run_scoped3A : memref<!tpu.dma_semaphore, #tpu.memory_space<semaphore_mem>>)
      %dma_wait3A_197 = tpu.memref_slice %arg4[%add3A_38] : memref<640000xi32, #tpu.memory_space<hbm>> -> memref<40000xi32, #tpu.memory_space<hbm>>
      %dma_wait3A_198 = tpu.memref_slice %arg4[%add3A_38] : memref<640000xi32, #tpu.memory_space<hbm>> -> memref<40000xi32, #tpu.memory_space<hbm>>
      tpu.wait_dma2 semaphore(%run_scoped3A : memref<!tpu.dma_semaphore, #tpu.memory_space<semaphore_mem>>) src(%dma_wait3A_198 : memref<40000xi32, #tpu.memory_space<hbm>>) dst(%arg6 : memref<40000xi32, #tpu.memory_space<vmem>>)
      tpu.yield
    }) : () -> ()
    %add3A_39 = arith.constant 0 : i32
    %add3A_40 = arith.addi %mul3A_34, %add3A_39 : i32
    %mul3A_41 = arith.constant 10000 : i32
    %mul3A_42 = arith.muli %add3A_40, %mul3A_41 : i32
    %dma_start3A = tpu.memref_slice %arg2[%mul3A_42] : memref<1280000xf32, #tpu.memory_space<hbm>> -> memref<10000xf32, #tpu.memory_space<hbm>>
    %dma_start3A_43 = tpu.memref_slice %arg2[%mul3A_42] : memref<1280000xf32, #tpu.memory_space<hbm>> -> memref<10000xf32, #tpu.memory_space<hbm>>
    tpu.enqueue_dma source(%dma_start3A_43 : memref<10000xf32, #tpu.memory_space<hbm>>) target(%arg7 : memref<10000xf32, #tpu.memory_space<vmem>>) target_semaphore(%arg15 : memref<!tpu.dma_semaphore, #tpu.memory_space<semaphore_mem>>)
    %add3A_44 = arith.constant 1 : i32
    %add3A_45 = arith.addi %mul3A_34, %add3A_44 : i32
    %mul3A_46 = arith.constant 10000 : i32
    %mul3A_47 = arith.muli %add3A_45, %mul3A_46 : i32
    %dma_start3A_48 = tpu.memref_slice %arg2[%mul3A_47] : memref<1280000xf32, #tpu.memory_space<hbm>> -> memref<10000xf32, #tpu.memory_space<hbm>>
    %dma_start3A_49 = tpu.memref_slice %arg2[%mul3A_47] : memref<1280000xf32, #tpu.memory_space<hbm>> -> memref<10000xf32, #tpu.memory_space<hbm>>
    tpu.enqueue_dma source(%dma_start3A_49 : memref<10000xf32, #tpu.memory_space<hbm>>) target(%arg8 : memref<10000xf32, #tpu.memory_space<vmem>>) target_semaphore(%arg15 : memref<!tpu.dma_semaphore, #tpu.memory_space<semaphore_mem>>)
    %add3A_50 = arith.constant 0 : i32
    %add3A_51 = arith.addi %mul3A_34, %add3A_50 : i32
    %mul3A_52 = arith.constant 10000 : i32
    %mul3A_53 = arith.muli %add3A_51, %mul3A_52 : i32
    %dma_wait3A = tpu.memref_slice %arg2[%mul3A_53] : memref<1280000xf32, #tpu.memory_space<hbm>> -> memref<10000xf32, #tpu.memory_space<hbm>>
    %dma_wait3A_54 = tpu.memref_slice %arg2[%mul3A_53] : memref<1280000xf32, #tpu.memory_space<hbm>> -> memref<10000xf32, #tpu.memory_space<hbm>>
    tpu.wait_dma2 semaphore(%arg15 : memref<!tpu.dma_semaphore, #tpu.memory_space<semaphore_mem>>) src(%dma_wait3A_54 : memref<10000xf32, #tpu.memory_space<hbm>>) dst(%arg7 : memref<10000xf32, #tpu.memory_space<vmem>>)
    %add3A_55 = arith.constant 1 : i32
    %add3A_56 = arith.addi %mul3A_34, %add3A_55 : i32
    %mul3A_57 = arith.constant 10000 : i32
    %mul3A_58 = arith.muli %add3A_56, %mul3A_57 : i32
    %dma_wait3A_59 = tpu.memref_slice %arg2[%mul3A_58] : memref<1280000xf32, #tpu.memory_space<hbm>> -> memref<10000xf32, #tpu.memory_space<hbm>>
    %dma_wait3A_60 = tpu.memref_slice %arg2[%mul3A_58] : memref<1280000xf32, #tpu.memory_space<hbm>> -> memref<10000xf32, #tpu.memory_space<hbm>>
    tpu.wait_dma2 semaphore(%arg15 : memref<!tpu.dma_semaphore, #tpu.memory_space<semaphore_mem>>) src(%dma_wait3A_60 : memref<10000xf32, #tpu.memory_space<hbm>>) dst(%arg8 : memref<10000xf32, #tpu.memory_space<vmem>>)
    %add3A_61 = arith.constant 2 : i32
    %add3A_62 = arith.addi %mul3A_34, %add3A_61 : i32
    %mul3A_63 = arith.constant 10000 : i32
    %mul3A_64 = arith.muli %add3A_62, %mul3A_63 : i32
    %dma_start3A_65 = tpu.memref_slice %arg2[%mul3A_64] : memref<1280000xf32, #tpu.memory_space<hbm>> -> memref<10000xf32, #tpu.memory_space<hbm>>
    %dma_start3A_66 = tpu.memref_slice %arg2[%mul3A_64] : memref<1280000xf32, #tpu.memory_space<hbm>> -> memref<10000xf32, #tpu.memory_space<hbm>>
    tpu.enqueue_dma source(%dma_start3A_66 : memref<10000xf32, #tpu.memory_space<hbm>>) target(%arg9 : memref<10000xf32, #tpu.memory_space<vmem>>) target_semaphore(%arg16 : memref<!tpu.dma_semaphore, #tpu.memory_space<semaphore_mem>>)
    %add3A_67 = arith.constant 3 : i32
    %add3A_68 = arith.addi %mul3A_34, %add3A_67 : i32
    %mul3A_69 = arith.constant 10000 : i32
    %mul3A_70 = arith.muli %add3A_68, %mul3A_69 : i32
    %dma_start3A_71 = tpu.memref_slice %arg2[%mul3A_70] : memref<1280000xf32, #tpu.memory_space<hbm>> -> memref<10000xf32, #tpu.memory_space<hbm>>
    %dma_start3A_72 = tpu.memref_slice %arg2[%mul3A_70] : memref<1280000xf32, #tpu.memory_space<hbm>> -> memref<10000xf32, #tpu.memory_space<hbm>>
    tpu.enqueue_dma source(%dma_start3A_72 : memref<10000xf32, #tpu.memory_space<hbm>>) target(%arg10 : memref<10000xf32, #tpu.memory_space<vmem>>) target_semaphore(%arg16 : memref<!tpu.dma_semaphore, #tpu.memory_space<semaphore_mem>>)
    %parallel_loop3A = arith.constant 0 : i32
    %parallel_loop3A_73 = arith.constant 625 : i32
    %parallel_loop3A_74 = arith.constant 1 : i32
    scf.for %parallel_loop3A_195 = %parallel_loop3A to %parallel_loop3A_73 step %parallel_loop3A_74  : i32 {
      %parallel_loop3A_196 = arith.constant 16 : i32
      %parallel_loop3A_197 = arith.muli %parallel_loop3A_195, %parallel_loop3A_196 : i32
      %parallel_loop3A_198 = arith.constant 0 : i32
      %parallel_loop3A_199 = arith.addi %parallel_loop3A_198, %parallel_loop3A_197 : i32
      %parallel_loop3A_200 = arith.index_cast %parallel_loop3A_199 : i32 to index
      %parallel_loop3A_201 = tpu.vector_load %arg6[%parallel_loop3A_200] {strides = array<i32>} : memref<40000xi32, #tpu.memory_space<vmem>>, vector<16xi32>,
      %parallel_loop3A_202 = arith.constant 16 : i32
      %parallel_loop3A_203 = arith.muli %parallel_loop3A_195, %parallel_loop3A_202 : i32
      %parallel_loop3A_204 = tpu.vector_load_idx %arg7[%parallel_loop3A_201] : memref<10000xf32, #tpu.memory_space<vmem>>[vector<16xi32>], vector<16xf32>,
      %parallel_loop3A_205 = arith.index_cast %parallel_loop3A_203 : i32 to index
      %parallel_loop3A_206 = tpu.vector_load %arg11[%parallel_loop3A_205] {strides = array<i32>} : memref<10000xf32, #tpu.memory_space<vmem>>, vector<16xf32>,
      tpu.vector_store %arg11[%parallel_loop3A_205], %parallel_loop3A_204 {strides = array<i32>} : memref<10000xf32, #tpu.memory_space<vmem>>, vector<16xf32>,
      %parallel_loop3A_207 = tpu.vector_load_idx %arg8[%parallel_loop3A_201] : memref<10000xf32, #tpu.memory_space<vmem>>[vector<16xi32>], vector<16xf32>,
      %parallel_loop3A_208 = arith.index_cast %parallel_loop3A_203 : i32 to index
      %parallel_loop3A_209 = tpu.vector_load %arg12[%parallel_loop3A_208] {strides = array<i32>} : memref<10000xf32, #tpu.memory_space<vmem>>, vector<16xf32>,
      tpu.vector_store %arg12[%parallel_loop3A_208], %parallel_loop3A_207 {strides = array<i32>} : memref<10000xf32, #tpu.memory_space<vmem>>, vector<16xf32>,
    } {sc.loop_unroll_factor = 8 : i64, sc.parallel_access}
    %parallel_loop3A_75 = arith.constant 0 : i32
    %parallel_loop3A_76 = arith.constant 625 : i32
    %parallel_loop3A_77 = arith.constant 1 : i32
    scf.for %parallel_loop3A_195 = %parallel_loop3A_75 to %parallel_loop3A_76 step %parallel_loop3A_77  : i32 {
      %parallel_loop3A_196 = arith.constant 16 : i32
      %parallel_loop3A_197 = arith.muli %parallel_loop3A_195, %parallel_loop3A_196 : i32
      %parallel_loop3A_198 = arith.constant 10000 : i32
      %parallel_loop3A_199 = arith.addi %parallel_loop3A_198, %parallel_loop3A_197 : i32
      %parallel_loop3A_200 = arith.index_cast %parallel_loop3A_199 : i32 to index
      %parallel_loop3A_201 = tpu.vector_load %arg6[%parallel_loop3A_200] {strides = array<i32>} : memref<40000xi32, #tpu.memory_space<vmem>>, vector<16xi32>,
      %parallel_loop3A_202 = arith.constant 16 : i32
      %parallel_loop3A_203 = arith.muli %parallel_loop3A_195, %parallel_loop3A_202 : i32
      %parallel_loop3A_204 = tpu.vector_load_idx %arg7[%parallel_loop3A_201] : memref<10000xf32, #tpu.memory_space<vmem>>[vector<16xi32>], vector<16xf32>,
      %parallel_loop3A_205 = arith.index_cast %parallel_loop3A_203 : i32 to index
      %parallel_loop3A_206 = tpu.vector_load %arg13[%parallel_loop3A_205] {strides = array<i32>} : memref<10000xf32, #tpu.memory_space<vmem>>, vector<16xf32>,
      tpu.vector_store %arg13[%parallel_loop3A_205], %parallel_loop3A_204 {strides = array<i32>} : memref<10000xf32, #tpu.memory_space<vmem>>, vector<16xf32>,
      %parallel_loop3A_207 = tpu.vector_load_idx %arg8[%parallel_loop3A_201] : memref<10000xf32, #tpu.memory_space<vmem>>[vector<16xi32>], vector<16xf32>,
      %parallel_loop3A_208 = arith.index_cast %parallel_loop3A_203 : i32 to index
      %parallel_loop3A_209 = tpu.vector_load %arg14[%parallel_loop3A_208] {strides = array<i32>} : memref<10000xf32, #tpu.memory_space<vmem>>, vector<16xf32>,
      tpu.vector_store %arg14[%parallel_loop3A_208], %parallel_loop3A_207 {strides = array<i32>} : memref<10000xf32, #tpu.memory_space<vmem>>, vector<16xf32>,
    } {sc.loop_unroll_factor = 8 : i64, sc.parallel_access}
    %parallel_loop3A_78 = arith.constant 0 : i32
    %parallel_loop3A_79 = arith.constant 625 : i32
    %parallel_loop3A_80 = arith.constant 1 : i32
    scf.for %parallel_loop3A_195 = %parallel_loop3A_78 to %parallel_loop3A_79 step %parallel_loop3A_80  : i32 {
      %parallel_loop3A_196 = arith.constant 16 : i32
      %parallel_loop3A_197 = arith.muli %parallel_loop3A_195, %parallel_loop3A_196 : i32
      %parallel_loop3A_198 = arith.constant 20000 : i32
      %parallel_loop3A_199 = arith.addi %parallel_loop3A_198, %parallel_loop3A_197 : i32
      %parallel_loop3A_200 = arith.index_cast %parallel_loop3A_199 : i32 to index
      %parallel_loop3A_201 = tpu.vector_load %arg6[%parallel_loop3A_200] {strides = array<i32>} : memref<40000xi32, #tpu.memory_space<vmem>>, vector<16xi32>,
      %parallel_loop3A_202 = arith.constant 16 : i32
      %parallel_loop3A_203 = arith.muli %parallel_loop3A_195, %parallel_loop3A_202 : i32
      %parallel_loop3A_204 = tpu.vector_load_idx %arg7[%parallel_loop3A_201] : memref<10000xf32, #tpu.memory_space<vmem>>[vector<16xi32>], vector<16xf32>,
      %parallel_loop3A_205 = arith.index_cast %parallel_loop3A_203 : i32 to index
      %parallel_loop3A_206 = tpu.vector_load %arg11[%parallel_loop3A_205] {strides = array<i32>} : memref<10000xf32, #tpu.memory_space<vmem>>, vector<16xf32>,
      tpu.vector_store %arg11[%parallel_loop3A_205], %parallel_loop3A_204 {strides = array<i32>} : memref<10000xf32, #tpu.memory_space<vmem>>, vector<16xf32>,
      %parallel_loop3A_207 = tpu.vector_load_idx %arg8[%parallel_loop3A_201] : memref<10000xf32, #tpu.memory_space<vmem>>[vector<16xi32>], vector<16xf32>,
      %parallel_loop3A_208 = arith.index_cast %parallel_loop3A_203 : i32 to index
      %parallel_loop3A_209 = tpu.vector_load %arg12[%parallel_loop3A_208] {strides = array<i32>} : memref<10000xf32, #tpu.memory_space<vmem>>, vector<16xf32>,
      tpu.vector_store %arg12[%parallel_loop3A_208], %parallel_loop3A_207 {strides = array<i32>} : memref<10000xf32, #tpu.memory_space<vmem>>, vector<16xf32>,
    } {sc.loop_unroll_factor = 8 : i64, sc.parallel_access}
    %parallel_loop3A_81 = arith.constant 0 : i32
    %parallel_loop3A_82 = arith.constant 625 : i32
    %parallel_loop3A_83 = arith.constant 1 : i32
    scf.for %parallel_loop3A_195 = %parallel_loop3A_81 to %parallel_loop3A_82 step %parallel_loop3A_83  : i32 {
      %parallel_loop3A_196 = arith.constant 16 : i32
      %parallel_loop3A_197 = arith.muli %parallel_loop3A_195, %parallel_loop3A_196 : i32
      %parallel_loop3A_198 = arith.constant 30000 : i32
      %parallel_loop3A_199 = arith.addi %parallel_loop3A_198, %parallel_loop3A_197 : i32
      %parallel_loop3A_200 = arith.index_cast %parallel_loop3A_199 : i32 to index
      %parallel_loop3A_201 = tpu.vector_load %arg6[%parallel_loop3A_200] {strides = array<i32>} : memref<40000xi32, #tpu.memory_space<vmem>>, vector<16xi32>,
      %parallel_loop3A_202 = arith.constant 16 : i32
      %parallel_loop3A_203 = arith.muli %parallel_loop3A_195, %parallel_loop3A_202 : i32
      %parallel_loop3A_204 = tpu.vector_load_idx %arg7[%parallel_loop3A_201] : memref<10000xf32, #tpu.memory_space<vmem>>[vector<16xi32>], vector<16xf32>,
      %parallel_loop3A_205 = arith.index_cast %parallel_loop3A_203 : i32 to index
      %parallel_loop3A_206 = tpu.vector_load %arg13[%parallel_loop3A_205] {strides = array<i32>} : memref<10000xf32, #tpu.memory_space<vmem>>, vector<16xf32>,
      tpu.vector_store %arg13[%parallel_loop3A_205], %parallel_loop3A_204 {strides = array<i32>} : memref<10000xf32, #tpu.memory_space<vmem>>, vector<16xf32>,
      %parallel_loop3A_207 = tpu.vector_load_idx %arg8[%parallel_loop3A_201] : memref<10000xf32, #tpu.memory_space<vmem>>[vector<16xi32>], vector<16xf32>,
      %parallel_loop3A_208 = arith.index_cast %parallel_loop3A_203 : i32 to index
      %parallel_loop3A_209 = tpu.vector_load %arg14[%parallel_loop3A_208] {strides = array<i32>} : memref<10000xf32, #tpu.memory_space<vmem>>, vector<16xf32>,
      tpu.vector_store %arg14[%parallel_loop3A_208], %parallel_loop3A_207 {strides = array<i32>} : memref<10000xf32, #tpu.memory_space<vmem>>, vector<16xf32>,
    } {sc.loop_unroll_factor = 8 : i64, sc.parallel_access}
    %add3A_84 = arith.constant 2 : i32
    %add3A_85 = arith.addi %mul3A_34, %add3A_84 : i32
    %mul3A_86 = arith.constant 10000 : i32
    %mul3A_87 = arith.muli %add3A_85, %mul3A_86 : i32
    %dma_wait3A_88 = tpu.memref_slice %arg2[%mul3A_87] : memref<1280000xf32, #tpu.memory_space<hbm>> -> memref<10000xf32, #tpu.memory_space<hbm>>
    %dma_wait3A_89 = tpu.memref_slice %arg2[%mul3A_87] : memref<1280000xf32, #tpu.memory_space<hbm>> -> memref<10000xf32, #tpu.memory_space<hbm>>
    tpu.wait_dma2 semaphore(%arg16 : memref<!tpu.dma_semaphore, #tpu.memory_space<semaphore_mem>>) src(%dma_wait3A_89 : memref<10000xf32, #tpu.memory_space<hbm>>) dst(%arg9 : memref<10000xf32, #tpu.memory_space<vmem>>)
    %add3A_90 = arith.constant 3 : i32
    %add3A_91 = arith.addi %mul3A_34, %add3A_90 : i32
    %mul3A_92 = arith.constant 10000 : i32
    %mul3A_93 = arith.muli %add3A_91, %mul3A_92 : i32
    %dma_wait3A_94 = tpu.memref_slice %arg2[%mul3A_93] : memref<1280000xf32, #tpu.memory_space<hbm>> -> memref<10000xf32, #tpu.memory_space<hbm>>
    %dma_wait3A_95 = tpu.memref_slice %arg2[%mul3A_93] : memref<1280000xf32, #tpu.memory_space<hbm>> -> memref<10000xf32, #tpu.memory_space<hbm>>
    tpu.wait_dma2 semaphore(%arg16 : memref<!tpu.dma_semaphore, #tpu.memory_space<semaphore_mem>>) src(%dma_wait3A_95 : memref<10000xf32, #tpu.memory_space<hbm>>) dst(%arg10 : memref<10000xf32, #tpu.memory_space<vmem>>)
    %add3A_96 = arith.constant 4 : i32
    %add3A_97 = arith.addi %mul3A_34, %add3A_96 : i32
    %mul3A_98 = arith.constant 10000 : i32
    %mul3A_99 = arith.muli %add3A_97, %mul3A_98 : i32
    %dma_start3A_100 = tpu.memref_slice %arg2[%mul3A_99] : memref<1280000xf32, #tpu.memory_space<hbm>> -> memref<10000xf32, #tpu.memory_space<hbm>>
    %dma_start3A_101 = tpu.memref_slice %arg2[%mul3A_99] : memref<1280000xf32, #tpu.memory_space<hbm>> -> memref<10000xf32, #tpu.memory_space<hbm>>
    tpu.enqueue_dma source(%dma_start3A_101 : memref<10000xf32, #tpu.memory_space<hbm>>) target(%arg7 : memref<10000xf32, #tpu.memory_space<vmem>>) target_semaphore(%arg15 : memref<!tpu.dma_semaphore, #tpu.memory_space<semaphore_mem>>)
    %add3A_102 = arith.constant 5 : i32
    %add3A_103 = arith.addi %mul3A_34, %add3A_102 : i32
    %mul3A_104 = arith.constant 10000 : i32
    %mul3A_105 = arith.muli %add3A_103, %mul3A_104 : i32
    %dma_start3A_106 = tpu.memref_slice %arg2[%mul3A_105] : memref<1280000xf32, #tpu.memory_space<hbm>> -> memref<10000xf32, #tpu.memory_space<hbm>>
    %dma_start3A_107 = tpu.memref_slice %arg2[%mul3A_105] : memref<1280000xf32, #tpu.memory_space<hbm>> -> memref<10000xf32, #tpu.memory_space<hbm>>
    tpu.enqueue_dma source(%dma_start3A_107 : memref<10000xf32, #tpu.memory_space<hbm>>) target(%arg8 : memref<10000xf32, #tpu.memory_space<vmem>>) target_semaphore(%arg15 : memref<!tpu.dma_semaphore, #tpu.memory_space<semaphore_mem>>)
    %parallel_loop3A_108 = arith.constant 0 : i32
    %parallel_loop3A_109 = arith.constant 625 : i32
    %parallel_loop3A_110 = arith.constant 1 : i32
    scf.for %parallel_loop3A_195 = %parallel_loop3A_108 to %parallel_loop3A_109 step %parallel_loop3A_110  : i32 {
      %parallel_loop3A_196 = arith.constant 16 : i32
      %parallel_loop3A_197 = arith.muli %parallel_loop3A_195, %parallel_loop3A_196 : i32
      %parallel_loop3A_198 = arith.constant 0 : i32
      %parallel_loop3A_199 = arith.addi %parallel_loop3A_198, %parallel_loop3A_197 : i32
      %parallel_loop3A_200 = arith.index_cast %parallel_loop3A_199 : i32 to index
      %parallel_loop3A_201 = tpu.vector_load %arg6[%parallel_loop3A_200] {strides = array<i32>} : memref<40000xi32, #tpu.memory_space<vmem>>, vector<16xi32>,
      %parallel_loop3A_202 = arith.constant 16 : i32
      %parallel_loop3A_203 = arith.muli %parallel_loop3A_195, %parallel_loop3A_202 : i32
      %parallel_loop3A_204 = tpu.vector_load_idx %arg9[%parallel_loop3A_201] : memref<10000xf32, #tpu.memory_space<vmem>>[vector<16xi32>], vector<16xf32>,
      %parallel_loop3A_205 = arith.index_cast %parallel_loop3A_203 : i32 to index
      %parallel_loop3A_206 = tpu.vector_load %arg11[%parallel_loop3A_205] {strides = array<i32>} : memref<10000xf32, #tpu.memory_space<vmem>>, vector<16xf32>,
      tpu.vector_store %arg11[%parallel_loop3A_205], %parallel_loop3A_204 {strides = array<i32>} : memref<10000xf32, #tpu.memory_space<vmem>>, vector<16xf32>,
      %parallel_loop3A_207 = tpu.vector_load_idx %arg10[%parallel_loop3A_201] : memref<10000xf32, #tpu.memory_space<vmem>>[vector<16xi32>], vector<16xf32>,
      %parallel_loop3A_208 = arith.index_cast %parallel_loop3A_203 : i32 to index
      %parallel_loop3A_209 = tpu.vector_load %arg12[%parallel_loop3A_208] {strides = array<i32>} : memref<10000xf32, #tpu.memory_space<vmem>>, vector<16xf32>,
      tpu.vector_store %arg12[%parallel_loop3A_208], %parallel_loop3A_207 {strides = array<i32>} : memref<10000xf32, #tpu.memory_space<vmem>>, vector<16xf32>,
    } {sc.loop_unroll_factor = 8 : i64, sc.parallel_access}
    %parallel_loop3A_111 = arith.constant 0 : i32
    %parallel_loop3A_112 = arith.constant 625 : i32
    %parallel_loop3A_113 = arith.constant 1 : i32
    scf.for %parallel_loop3A_195 = %parallel_loop3A_111 to %parallel_loop3A_112 step %parallel_loop3A_113  : i32 {
      %parallel_loop3A_196 = arith.constant 16 : i32
      %parallel_loop3A_197 = arith.muli %parallel_loop3A_195, %parallel_loop3A_196 : i32
      %parallel_loop3A_198 = arith.constant 10000 : i32
      %parallel_loop3A_199 = arith.addi %parallel_loop3A_198, %parallel_loop3A_197 : i32
      %parallel_loop3A_200 = arith.index_cast %parallel_loop3A_199 : i32 to index
      %parallel_loop3A_201 = tpu.vector_load %arg6[%parallel_loop3A_200] {strides = array<i32>} : memref<40000xi32, #tpu.memory_space<vmem>>, vector<16xi32>,
      %parallel_loop3A_202 = arith.constant 16 : i32
      %parallel_loop3A_203 = arith.muli %parallel_loop3A_195, %parallel_loop3A_202 : i32
      %parallel_loop3A_204 = tpu.vector_load_idx %arg9[%parallel_loop3A_201] : memref<10000xf32, #tpu.memory_space<vmem>>[vector<16xi32>], vector<16xf32>,
      %parallel_loop3A_205 = arith.index_cast %parallel_loop3A_203 : i32 to index
      %parallel_loop3A_206 = tpu.vector_load %arg13[%parallel_loop3A_205] {strides = array<i32>} : memref<10000xf32, #tpu.memory_space<vmem>>, vector<16xf32>,
      tpu.vector_store %arg13[%parallel_loop3A_205], %parallel_loop3A_204 {strides = array<i32>} : memref<10000xf32, #tpu.memory_space<vmem>>, vector<16xf32>,
      %parallel_loop3A_207 = tpu.vector_load_idx %arg10[%parallel_loop3A_201] : memref<10000xf32, #tpu.memory_space<vmem>>[vector<16xi32>], vector<16xf32>,
      %parallel_loop3A_208 = arith.index_cast %parallel_loop3A_203 : i32 to index
      %parallel_loop3A_209 = tpu.vector_load %arg14[%parallel_loop3A_208] {strides = array<i32>} : memref<10000xf32, #tpu.memory_space<vmem>>, vector<16xf32>,
      tpu.vector_store %arg14[%parallel_loop3A_208], %parallel_loop3A_207 {strides = array<i32>} : memref<10000xf32, #tpu.memory_space<vmem>>, vector<16xf32>,
    } {sc.loop_unroll_factor = 8 : i64, sc.parallel_access}
    %parallel_loop3A_114 = arith.constant 0 : i32
    %parallel_loop3A_115 = arith.constant 625 : i32
    %parallel_loop3A_116 = arith.constant 1 : i32
    scf.for %parallel_loop3A_195 = %parallel_loop3A_114 to %parallel_loop3A_115 step %parallel_loop3A_116  : i32 {
      %parallel_loop3A_196 = arith.constant 16 : i32
      %parallel_loop3A_197 = arith.muli %parallel_loop3A_195, %parallel_loop3A_196 : i32
      %parallel_loop3A_198 = arith.constant 20000 : i32
      %parallel_loop3A_199 = arith.addi %parallel_loop3A_198, %parallel_loop3A_197 : i32
      %parallel_loop3A_200 = arith.index_cast %parallel_loop3A_199 : i32 to index
      %parallel_loop3A_201 = tpu.vector_load %arg6[%parallel_loop3A_200] {strides = array<i32>} : memref<40000xi32, #tpu.memory_space<vmem>>, vector<16xi32>,
      %parallel_loop3A_202 = arith.constant 16 : i32
      %parallel_loop3A_203 = arith.muli %parallel_loop3A_195, %parallel_loop3A_202 : i32
      %parallel_loop3A_204 = tpu.vector_load_idx %arg9[%parallel_loop3A_201] : memref<10000xf32, #tpu.memory_space<vmem>>[vector<16xi32>], vector<16xf32>,
      %parallel_loop3A_205 = arith.index_cast %parallel_loop3A_203 : i32 to index
      %parallel_loop3A_206 = tpu.vector_load %arg11[%parallel_loop3A_205] {strides = array<i32>} : memref<10000xf32, #tpu.memory_space<vmem>>, vector<16xf32>,
      tpu.vector_store %arg11[%parallel_loop3A_205], %parallel_loop3A_204 {strides = array<i32>} : memref<10000xf32, #tpu.memory_space<vmem>>, vector<16xf32>,
      %parallel_loop3A_207 = tpu.vector_load_idx %arg10[%parallel_loop3A_201] : memref<10000xf32, #tpu.memory_space<vmem>>[vector<16xi32>], vector<16xf32>,
      %parallel_loop3A_208 = arith.index_cast %parallel_loop3A_203 : i32 to index
      %parallel_loop3A_209 = tpu.vector_load %arg12[%parallel_loop3A_208] {strides = array<i32>} : memref<10000xf32, #tpu.memory_space<vmem>>, vector<16xf32>,
      tpu.vector_store %arg12[%parallel_loop3A_208], %parallel_loop3A_207 {strides = array<i32>} : memref<10000xf32, #tpu.memory_space<vmem>>, vector<16xf32>,
    } {sc.loop_unroll_factor = 8 : i64, sc.parallel_access}
    %parallel_loop3A_117 = arith.constant 0 : i32
    %parallel_loop3A_118 = arith.constant 625 : i32
    %parallel_loop3A_119 = arith.constant 1 : i32
    scf.for %parallel_loop3A_195 = %parallel_loop3A_117 to %parallel_loop3A_118 step %parallel_loop3A_119  : i32 {
      %parallel_loop3A_196 = arith.constant 16 : i32
      %parallel_loop3A_197 = arith.muli %parallel_loop3A_195, %parallel_loop3A_196 : i32
      %parallel_loop3A_198 = arith.constant 30000 : i32
      %parallel_loop3A_199 = arith.addi %parallel_loop3A_198, %parallel_loop3A_197 : i32
      %parallel_loop3A_200 = arith.index_cast %parallel_loop3A_199 : i32 to index
      %parallel_loop3A_201 = tpu.vector_load %arg6[%parallel_loop3A_200] {strides = array<i32>} : memref<40000xi32, #tpu.memory_space<vmem>>, vector<16xi32>,
      %parallel_loop3A_202 = arith.constant 16 : i32
      %parallel_loop3A_203 = arith.muli %parallel_loop3A_195, %parallel_loop3A_202 : i32
      %parallel_loop3A_204 = tpu.vector_load_idx %arg9[%parallel_loop3A_201] : memref<10000xf32, #tpu.memory_space<vmem>>[vector<16xi32>], vector<16xf32>,
      %parallel_loop3A_205 = arith.index_cast %parallel_loop3A_203 : i32 to index
      %parallel_loop3A_206 = tpu.vector_load %arg13[%parallel_loop3A_205] {strides = array<i32>} : memref<10000xf32, #tpu.memory_space<vmem>>, vector<16xf32>,
      tpu.vector_store %arg13[%parallel_loop3A_205], %parallel_loop3A_204 {strides = array<i32>} : memref<10000xf32, #tpu.memory_space<vmem>>, vector<16xf32>,
      %parallel_loop3A_207 = tpu.vector_load_idx %arg10[%parallel_loop3A_201] : memref<10000xf32, #tpu.memory_space<vmem>>[vector<16xi32>], vector<16xf32>,
      %parallel_loop3A_208 = arith.index_cast %parallel_loop3A_203 : i32 to index
      %parallel_loop3A_209 = tpu.vector_load %arg14[%parallel_loop3A_208] {strides = array<i32>} : memref<10000xf32, #tpu.memory_space<vmem>>, vector<16xf32>,
      tpu.vector_store %arg14[%parallel_loop3A_208], %parallel_loop3A_207 {strides = array<i32>} : memref<10000xf32, #tpu.memory_space<vmem>>, vector<16xf32>,
    } {sc.loop_unroll_factor = 8 : i64, sc.parallel_access}
    %scan3A = arith.constant 0 : i32
    %scan3A_120 = arith.constant 1 : i32
    %scan3A_121 = arith.constant 3 : i32
    %scan3A_122 = arith.addi %scan3A_120, %scan3A_121 : i32
    %scan3A_123 = arith.constant 1 : i32
    %scan3A_124 = scf.for %scan3A_195 = %scan3A_120 to %scan3A_122 step %scan3A_123 iter_args(%scan3A_196 = %scan3A) -> (i32)  : i32 {
      %mul3A_197 = arith.constant 2 : i32
      %mul3A_198 = arith.muli %scan3A_195, %mul3A_197 : i32
      %add3A_199 = arith.constant 0 : i32
      %add3A_200 = arith.addi %mul3A_198, %add3A_199 : i32
      %mul3A_201 = arith.constant 2 : i32
      %mul3A_202 = arith.muli %add3A_200, %mul3A_201 : i32
      %add3A_203 = arith.constant 0 : i32
      %add3A_204 = arith.addi %mul3A_202, %add3A_203 : i32
      %add3A_205 = arith.addi %mul3A_34, %add3A_204 : i32
      %mul3A_206 = arith.constant 10000 : i32
      %mul3A_207 = arith.muli %add3A_205, %mul3A_206 : i32
      %dma_wait3A_208 = tpu.memref_slice %arg2[%mul3A_207] : memref<1280000xf32, #tpu.memory_space<hbm>> -> memref<10000xf32, #tpu.memory_space<hbm>>
      %dma_wait3A_209 = tpu.memref_slice %arg2[%mul3A_207] : memref<1280000xf32, #tpu.memory_space<hbm>> -> memref<10000xf32, #tpu.memory_space<hbm>>
      tpu.wait_dma2 semaphore(%arg15 : memref<!tpu.dma_semaphore, #tpu.memory_space<semaphore_mem>>) src(%dma_wait3A_209 : memref<10000xf32, #tpu.memory_space<hbm>>) dst(%arg7 : memref<10000xf32, #tpu.memory_space<vmem>>)
      %mul3A_210 = arith.constant 2 : i32
      %mul3A_211 = arith.muli %add3A_200, %mul3A_210 : i32
      %add3A_212 = arith.constant 1 : i32
      %add3A_213 = arith.addi %mul3A_211, %add3A_212 : i32
      %add3A_214 = arith.addi %mul3A_34, %add3A_213 : i32
      %mul3A_215 = arith.constant 10000 : i32
      %mul3A_216 = arith.muli %add3A_214, %mul3A_215 : i32
      %dma_wait3A_217 = tpu.memref_slice %arg2[%mul3A_216] : memref<1280000xf32, #tpu.memory_space<hbm>> -> memref<10000xf32, #tpu.memory_space<hbm>>
      %dma_wait3A_218 = tpu.memref_slice %arg2[%mul3A_216] : memref<1280000xf32, #tpu.memory_space<hbm>> -> memref<10000xf32, #tpu.memory_space<hbm>>
      tpu.wait_dma2 semaphore(%arg15 : memref<!tpu.dma_semaphore, #tpu.memory_space<semaphore_mem>>) src(%dma_wait3A_218 : memref<10000xf32, #tpu.memory_space<hbm>>) dst(%arg8 : memref<10000xf32, #tpu.memory_space<vmem>>)
      %add3A_219 = arith.constant 1 : i32
      %add3A_220 = arith.addi %add3A_200, %add3A_219 : i32
      %lt3A_221 = arith.constant 8 : i32
      %lt3A_222 = arith.cmpi slt, %add3A_220, %lt3A_221 : i32
      %convert_element_type3A = arith.extui %lt3A_222 : i1 to i32
      %cond3A = arith.constant 0 : i32
      %cond3A_223 = arith.cmpi ne, %convert_element_type3A, %cond3A : i32
      scf.if %cond3A_223 {
        %add3A_278 = arith.constant 1 : i32
        %add3A_279 = arith.addi %add3A_200, %add3A_278 : i32
        %mul3A_280 = arith.constant 2 : i32
        %mul3A_281 = arith.muli %add3A_279, %mul3A_280 : i32
        %add3A_282 = arith.constant 0 : i32
        %add3A_283 = arith.addi %mul3A_281, %add3A_282 : i32
        %add3A_284 = arith.addi %mul3A_34, %add3A_283 : i32
        %mul3A_285 = arith.constant 10000 : i32
        %mul3A_286 = arith.muli %add3A_284, %mul3A_285 : i32
        %dma_start3A_287 = tpu.memref_slice %arg2[%mul3A_286] : memref<1280000xf32, #tpu.memory_space<hbm>> -> memref<10000xf32, #tpu.memory_space<hbm>>
        %dma_start3A_288 = tpu.memref_slice %arg2[%mul3A_286] : memref<1280000xf32, #tpu.memory_space<hbm>> -> memref<10000xf32, #tpu.memory_space<hbm>>
        tpu.enqueue_dma source(%dma_start3A_288 : memref<10000xf32, #tpu.memory_space<hbm>>) target(%arg9 : memref<10000xf32, #tpu.memory_space<vmem>>) target_semaphore(%arg16 : memref<!tpu.dma_semaphore, #tpu.memory_space<semaphore_mem>>)
        %mul3A_289 = arith.constant 2 : i32
        %mul3A_290 = arith.muli %add3A_279, %mul3A_289 : i32
        %add3A_291 = arith.constant 1 : i32
        %add3A_292 = arith.addi %mul3A_290, %add3A_291 : i32
        %add3A_293 = arith.addi %mul3A_34, %add3A_292 : i32
        %mul3A_294 = arith.constant 10000 : i32
        %mul3A_295 = arith.muli %add3A_293, %mul3A_294 : i32
        %dma_start3A_296 = tpu.memref_slice %arg2[%mul3A_295] : memref<1280000xf32, #tpu.memory_space<hbm>> -> memref<10000xf32, #tpu.memory_space<hbm>>
        %dma_start3A_297 = tpu.memref_slice %arg2[%mul3A_295] : memref<1280000xf32, #tpu.memory_space<hbm>> -> memref<10000xf32, #tpu.memory_space<hbm>>
        tpu.enqueue_dma source(%dma_start3A_297 : memref<10000xf32, #tpu.memory_space<hbm>>) target(%arg10 : memref<10000xf32, #tpu.memory_space<vmem>>) target_semaphore(%arg16 : memref<!tpu.dma_semaphore, #tpu.memory_space<semaphore_mem>>)
      } else {
      }
      %parallel_loop3A_224 = arith.constant 0 : i32
      %parallel_loop3A_225 = arith.constant 625 : i32
      %parallel_loop3A_226 = arith.constant 1 : i32
      scf.for %parallel_loop3A_278 = %parallel_loop3A_224 to %parallel_loop3A_225 step %parallel_loop3A_226  : i32 {
        %parallel_loop3A_279 = arith.constant 16 : i32
        %parallel_loop3A_280 = arith.muli %parallel_loop3A_278, %parallel_loop3A_279 : i32
        %parallel_loop3A_281 = arith.constant 0 : i32
        %parallel_loop3A_282 = arith.addi %parallel_loop3A_281, %parallel_loop3A_280 : i32
        %parallel_loop3A_283 = arith.index_cast %parallel_loop3A_282 : i32 to index
        %parallel_loop3A_284 = tpu.vector_load %arg6[%parallel_loop3A_283] {strides = array<i32>} : memref<40000xi32, #tpu.memory_space<vmem>>, vector<16xi32>,
        %parallel_loop3A_285 = arith.constant 16 : i32
        %parallel_loop3A_286 = arith.muli %parallel_loop3A_278, %parallel_loop3A_285 : i32
        %parallel_loop3A_287 = tpu.vector_load_idx %arg7[%parallel_loop3A_284] : memref<10000xf32, #tpu.memory_space<vmem>>[vector<16xi32>], vector<16xf32>,
        %parallel_loop3A_288 = arith.index_cast %parallel_loop3A_286 : i32 to index
        %parallel_loop3A_289 = tpu.vector_load %arg11[%parallel_loop3A_288] {strides = array<i32>} : memref<10000xf32, #tpu.memory_space<vmem>>, vector<16xf32>,
        tpu.vector_store %arg11[%parallel_loop3A_288], %parallel_loop3A_287 {strides = array<i32>} : memref<10000xf32, #tpu.memory_space<vmem>>, vector<16xf32>,
        %parallel_loop3A_290 = tpu.vector_load_idx %arg8[%parallel_loop3A_284] : memref<10000xf32, #tpu.memory_space<vmem>>[vector<16xi32>], vector<16xf32>,
        %parallel_loop3A_291 = arith.index_cast %parallel_loop3A_286 : i32 to index
        %parallel_loop3A_292 = tpu.vector_load %arg12[%parallel_loop3A_291] {strides = array<i32>} : memref<10000xf32, #tpu.memory_space<vmem>>, vector<16xf32>,
        tpu.vector_store %arg12[%parallel_loop3A_291], %parallel_loop3A_290 {strides = array<i32>} : memref<10000xf32, #tpu.memory_space<vmem>>, vector<16xf32>,
      } {sc.loop_unroll_factor = 8 : i64, sc.parallel_access}
      %parallel_loop3A_227 = arith.constant 0 : i32
      %parallel_loop3A_228 = arith.constant 625 : i32
      %parallel_loop3A_229 = arith.constant 1 : i32
      scf.for %parallel_loop3A_278 = %parallel_loop3A_227 to %parallel_loop3A_228 step %parallel_loop3A_229  : i32 {
        %parallel_loop3A_279 = arith.constant 16 : i32
        %parallel_loop3A_280 = arith.muli %parallel_loop3A_278, %parallel_loop3A_279 : i32
        %parallel_loop3A_281 = arith.constant 10000 : i32
        %parallel_loop3A_282 = arith.addi %parallel_loop3A_281, %parallel_loop3A_280 : i32
        %parallel_loop3A_283 = arith.index_cast %parallel_loop3A_282 : i32 to index
        %parallel_loop3A_284 = tpu.vector_load %arg6[%parallel_loop3A_283] {strides = array<i32>} : memref<40000xi32, #tpu.memory_space<vmem>>, vector<16xi32>,
        %parallel_loop3A_285 = arith.constant 16 : i32
        %parallel_loop3A_286 = arith.muli %parallel_loop3A_278, %parallel_loop3A_285 : i32
        %parallel_loop3A_287 = tpu.vector_load_idx %arg7[%parallel_loop3A_284] : memref<10000xf32, #tpu.memory_space<vmem>>[vector<16xi32>], vector<16xf32>,
        %parallel_loop3A_288 = arith.index_cast %parallel_loop3A_286 : i32 to index
        %parallel_loop3A_289 = tpu.vector_load %arg13[%parallel_loop3A_288] {strides = array<i32>} : memref<10000xf32, #tpu.memory_space<vmem>>, vector<16xf32>,
        tpu.vector_store %arg13[%parallel_loop3A_288], %parallel_loop3A_287 {strides = array<i32>} : memref<10000xf32, #tpu.memory_space<vmem>>, vector<16xf32>,
        %parallel_loop3A_290 = tpu.vector_load_idx %arg8[%parallel_loop3A_284] : memref<10000xf32, #tpu.memory_space<vmem>>[vector<16xi32>], vector<16xf32>,
        %parallel_loop3A_291 = arith.index_cast %parallel_loop3A_286 : i32 to index
        %parallel_loop3A_292 = tpu.vector_load %arg14[%parallel_loop3A_291] {strides = array<i32>} : memref<10000xf32, #tpu.memory_space<vmem>>, vector<16xf32>,
        tpu.vector_store %arg14[%parallel_loop3A_291], %parallel_loop3A_290 {strides = array<i32>} : memref<10000xf32, #tpu.memory_space<vmem>>, vector<16xf32>,
      } {sc.loop_unroll_factor = 8 : i64, sc.parallel_access}
      %parallel_loop3A_230 = arith.constant 0 : i32
      %parallel_loop3A_231 = arith.constant 625 : i32
      %parallel_loop3A_232 = arith.constant 1 : i32
      scf.for %parallel_loop3A_278 = %parallel_loop3A_230 to %parallel_loop3A_231 step %parallel_loop3A_232  : i32 {
        %parallel_loop3A_279 = arith.constant 16 : i32
        %parallel_loop3A_280 = arith.muli %parallel_loop3A_278, %parallel_loop3A_279 : i32
        %parallel_loop3A_281 = arith.constant 20000 : i32
        %parallel_loop3A_282 = arith.addi %parallel_loop3A_281, %parallel_loop3A_280 : i32
        %parallel_loop3A_283 = arith.index_cast %parallel_loop3A_282 : i32 to index
        %parallel_loop3A_284 = tpu.vector_load %arg6[%parallel_loop3A_283] {strides = array<i32>} : memref<40000xi32, #tpu.memory_space<vmem>>, vector<16xi32>,
        %parallel_loop3A_285 = arith.constant 16 : i32
        %parallel_loop3A_286 = arith.muli %parallel_loop3A_278, %parallel_loop3A_285 : i32
        %parallel_loop3A_287 = tpu.vector_load_idx %arg7[%parallel_loop3A_284] : memref<10000xf32, #tpu.memory_space<vmem>>[vector<16xi32>], vector<16xf32>,
        %parallel_loop3A_288 = arith.index_cast %parallel_loop3A_286 : i32 to index
        %parallel_loop3A_289 = tpu.vector_load %arg11[%parallel_loop3A_288] {strides = array<i32>} : memref<10000xf32, #tpu.memory_space<vmem>>, vector<16xf32>,
        tpu.vector_store %arg11[%parallel_loop3A_288], %parallel_loop3A_287 {strides = array<i32>} : memref<10000xf32, #tpu.memory_space<vmem>>, vector<16xf32>,
        %parallel_loop3A_290 = tpu.vector_load_idx %arg8[%parallel_loop3A_284] : memref<10000xf32, #tpu.memory_space<vmem>>[vector<16xi32>], vector<16xf32>,
        %parallel_loop3A_291 = arith.index_cast %parallel_loop3A_286 : i32 to index
        %parallel_loop3A_292 = tpu.vector_load %arg12[%parallel_loop3A_291] {strides = array<i32>} : memref<10000xf32, #tpu.memory_space<vmem>>, vector<16xf32>,
        tpu.vector_store %arg12[%parallel_loop3A_291], %parallel_loop3A_290 {strides = array<i32>} : memref<10000xf32, #tpu.memory_space<vmem>>, vector<16xf32>,
      } {sc.loop_unroll_factor = 8 : i64, sc.parallel_access}
      %parallel_loop3A_233 = arith.constant 0 : i32
      %parallel_loop3A_234 = arith.constant 625 : i32
      %parallel_loop3A_235 = arith.constant 1 : i32
      scf.for %parallel_loop3A_278 = %parallel_loop3A_233 to %parallel_loop3A_234 step %parallel_loop3A_235  : i32 {
        %parallel_loop3A_279 = arith.constant 16 : i32
        %parallel_loop3A_280 = arith.muli %parallel_loop3A_278, %parallel_loop3A_279 : i32
        %parallel_loop3A_281 = arith.constant 30000 : i32
        %parallel_loop3A_282 = arith.addi %parallel_loop3A_281, %parallel_loop3A_280 : i32
        %parallel_loop3A_283 = arith.index_cast %parallel_loop3A_282 : i32 to index
        %parallel_loop3A_284 = tpu.vector_load %arg6[%parallel_loop3A_283] {strides = array<i32>} : memref<40000xi32, #tpu.memory_space<vmem>>, vector<16xi32>,
        %parallel_loop3A_285 = arith.constant 16 : i32
        %parallel_loop3A_286 = arith.muli %parallel_loop3A_278, %parallel_loop3A_285 : i32
        %parallel_loop3A_287 = tpu.vector_load_idx %arg7[%parallel_loop3A_284] : memref<10000xf32, #tpu.memory_space<vmem>>[vector<16xi32>], vector<16xf32>,
        %parallel_loop3A_288 = arith.index_cast %parallel_loop3A_286 : i32 to index
        %parallel_loop3A_289 = tpu.vector_load %arg13[%parallel_loop3A_288] {strides = array<i32>} : memref<10000xf32, #tpu.memory_space<vmem>>, vector<16xf32>,
        tpu.vector_store %arg13[%parallel_loop3A_288], %parallel_loop3A_287 {strides = array<i32>} : memref<10000xf32, #tpu.memory_space<vmem>>, vector<16xf32>,
        %parallel_loop3A_290 = tpu.vector_load_idx %arg8[%parallel_loop3A_284] : memref<10000xf32, #tpu.memory_space<vmem>>[vector<16xi32>], vector<16xf32>,
        %parallel_loop3A_291 = arith.index_cast %parallel_loop3A_286 : i32 to index
        %parallel_loop3A_292 = tpu.vector_load %arg14[%parallel_loop3A_291] {strides = array<i32>} : memref<10000xf32, #tpu.memory_space<vmem>>, vector<16xf32>,
        tpu.vector_store %arg14[%parallel_loop3A_291], %parallel_loop3A_290 {strides = array<i32>} : memref<10000xf32, #tpu.memory_space<vmem>>, vector<16xf32>,
      } {sc.loop_unroll_factor = 8 : i64, sc.parallel_access}
      %mul3A_236 = arith.constant 2 : i32
      %mul3A_237 = arith.muli %scan3A_195, %mul3A_236 : i32
      %add3A_238 = arith.constant 1 : i32
      %add3A_239 = arith.addi %mul3A_237, %add3A_238 : i32
      %mul3A_240 = arith.constant 2 : i32
      %mul3A_241 = arith.muli %add3A_239, %mul3A_240 : i32
      %add3A_242 = arith.constant 0 : i32
      %add3A_243 = arith.addi %mul3A_241, %add3A_242 : i32
      %add3A_244 = arith.addi %mul3A_34, %add3A_243 : i32
      %mul3A_245 = arith.constant 10000 : i32
      %mul3A_246 = arith.muli %add3A_244, %mul3A_245 : i32
      %dma_wait3A_247 = tpu.memref_slice %arg2[%mul3A_246] : memref<1280000xf32, #tpu.memory_space<hbm>> -> memref<10000xf32, #tpu.memory_space<hbm>>
      %dma_wait3A_248 = tpu.memref_slice %arg2[%mul3A_246] : memref<1280000xf32, #tpu.memory_space<hbm>> -> memref<10000xf32, #tpu.memory_space<hbm>>
      tpu.wait_dma2 semaphore(%arg16 : memref<!tpu.dma_semaphore, #tpu.memory_space<semaphore_mem>>) src(%dma_wait3A_248 : memref<10000xf32, #tpu.memory_space<hbm>>) dst(%arg9 : memref<10000xf32, #tpu.memory_space<vmem>>)
      %mul3A_249 = arith.constant 2 : i32
      %mul3A_250 = arith.muli %add3A_239, %mul3A_249 : i32
      %add3A_251 = arith.constant 1 : i32
      %add3A_252 = arith.addi %mul3A_250, %add3A_251 : i32
      %add3A_253 = arith.addi %mul3A_34, %add3A_252 : i32
      %mul3A_254 = arith.constant 10000 : i32
      %mul3A_255 = arith.muli %add3A_253, %mul3A_254 : i32
      %dma_wait3A_256 = tpu.memref_slice %arg2[%mul3A_255] : memref<1280000xf32, #tpu.memory_space<hbm>> -> memref<10000xf32, #tpu.memory_space<hbm>>
      %dma_wait3A_257 = tpu.memref_slice %arg2[%mul3A_255] : memref<1280000xf32, #tpu.memory_space<hbm>> -> memref<10000xf32, #tpu.memory_space<hbm>>
      tpu.wait_dma2 semaphore(%arg16 : memref<!tpu.dma_semaphore, #tpu.memory_space<semaphore_mem>>) src(%dma_wait3A_257 : memref<10000xf32, #tpu.memory_space<hbm>>) dst(%arg10 : memref<10000xf32, #tpu.memory_space<vmem>>)
      %add3A_258 = arith.constant 1 : i32
      %add3A_259 = arith.addi %add3A_239, %add3A_258 : i32
      %lt3A_260 = arith.constant 8 : i32
      %lt3A_261 = arith.cmpi slt, %add3A_259, %lt3A_260 : i32
      %convert_element_type3A_262 = arith.extui %lt3A_261 : i1 to i32
      %cond3A_263 = arith.constant 0 : i32
      %cond3A_264 = arith.cmpi ne, %convert_element_type3A_262, %cond3A_263 : i32
      scf.if %cond3A_264 {
        %add3A_278 = arith.constant 1 : i32
        %add3A_279 = arith.addi %add3A_239, %add3A_278 : i32
        %mul3A_280 = arith.constant 2 : i32
        %mul3A_281 = arith.muli %add3A_279, %mul3A_280 : i32
        %add3A_282 = arith.constant 0 : i32
        %add3A_283 = arith.addi %mul3A_281, %add3A_282 : i32
        %add3A_284 = arith.addi %mul3A_34, %add3A_283 : i32
        %mul3A_285 = arith.constant 10000 : i32
        %mul3A_286 = arith.muli %add3A_284, %mul3A_285 : i32
        %dma_start3A_287 = tpu.memref_slice %arg2[%mul3A_286] : memref<1280000xf32, #tpu.memory_space<hbm>> -> memref<10000xf32, #tpu.memory_space<hbm>>
        %dma_start3A_288 = tpu.memref_slice %arg2[%mul3A_286] : memref<1280000xf32, #tpu.memory_space<hbm>> -> memref<10000xf32, #tpu.memory_space<hbm>>
        tpu.enqueue_dma source(%dma_start3A_288 : memref<10000xf32, #tpu.memory_space<hbm>>) target(%arg7 : memref<10000xf32, #tpu.memory_space<vmem>>) target_semaphore(%arg15 : memref<!tpu.dma_semaphore, #tpu.memory_space<semaphore_mem>>)
        %mul3A_289 = arith.constant 2 : i32
        %mul3A_290 = arith.muli %add3A_279, %mul3A_289 : i32
        %add3A_291 = arith.constant 1 : i32
        %add3A_292 = arith.addi %mul3A_290, %add3A_291 : i32
        %add3A_293 = arith.addi %mul3A_34, %add3A_292 : i32
        %mul3A_294 = arith.constant 10000 : i32
        %mul3A_295 = arith.muli %add3A_293, %mul3A_294 : i32
        %dma_start3A_296 = tpu.memref_slice %arg2[%mul3A_295] : memref<1280000xf32, #tpu.memory_space<hbm>> -> memref<10000xf32, #tpu.memory_space<hbm>>
        %dma_start3A_297 = tpu.memref_slice %arg2[%mul3A_295] : memref<1280000xf32, #tpu.memory_space<hbm>> -> memref<10000xf32, #tpu.memory_space<hbm>>
        tpu.enqueue_dma source(%dma_start3A_297 : memref<10000xf32, #tpu.memory_space<hbm>>) target(%arg8 : memref<10000xf32, #tpu.memory_space<vmem>>) target_semaphore(%arg15 : memref<!tpu.dma_semaphore, #tpu.memory_space<semaphore_mem>>)
      } else {
      }
      %parallel_loop3A_265 = arith.constant 0 : i32
      %parallel_loop3A_266 = arith.constant 625 : i32
      %parallel_loop3A_267 = arith.constant 1 : i32
      scf.for %parallel_loop3A_278 = %parallel_loop3A_265 to %parallel_loop3A_266 step %parallel_loop3A_267  : i32 {
        %parallel_loop3A_279 = arith.constant 16 : i32
        %parallel_loop3A_280 = arith.muli %parallel_loop3A_278, %parallel_loop3A_279 : i32
        %parallel_loop3A_281 = arith.constant 0 : i32
        %parallel_loop3A_282 = arith.addi %parallel_loop3A_281, %parallel_loop3A_280 : i32
        %parallel_loop3A_283 = arith.index_cast %parallel_loop3A_282 : i32 to index
        %parallel_loop3A_284 = tpu.vector_load %arg6[%parallel_loop3A_283] {strides = array<i32>} : memref<40000xi32, #tpu.memory_space<vmem>>, vector<16xi32>,
        %parallel_loop3A_285 = arith.constant 16 : i32
        %parallel_loop3A_286 = arith.muli %parallel_loop3A_278, %parallel_loop3A_285 : i32
        %parallel_loop3A_287 = tpu.vector_load_idx %arg9[%parallel_loop3A_284] : memref<10000xf32, #tpu.memory_space<vmem>>[vector<16xi32>], vector<16xf32>,
        %parallel_loop3A_288 = arith.index_cast %parallel_loop3A_286 : i32 to index
        %parallel_loop3A_289 = tpu.vector_load %arg11[%parallel_loop3A_288] {strides = array<i32>} : memref<10000xf32, #tpu.memory_space<vmem>>, vector<16xf32>,
        tpu.vector_store %arg11[%parallel_loop3A_288], %parallel_loop3A_287 {strides = array<i32>} : memref<10000xf32, #tpu.memory_space<vmem>>, vector<16xf32>,
        %parallel_loop3A_290 = tpu.vector_load_idx %arg10[%parallel_loop3A_284] : memref<10000xf32, #tpu.memory_space<vmem>>[vector<16xi32>], vector<16xf32>,
        %parallel_loop3A_291 = arith.index_cast %parallel_loop3A_286 : i32 to index
        %parallel_loop3A_292 = tpu.vector_load %arg12[%parallel_loop3A_291] {strides = array<i32>} : memref<10000xf32, #tpu.memory_space<vmem>>, vector<16xf32>,
        tpu.vector_store %arg12[%parallel_loop3A_291], %parallel_loop3A_290 {strides = array<i32>} : memref<10000xf32, #tpu.memory_space<vmem>>, vector<16xf32>,
      } {sc.loop_unroll_factor = 8 : i64, sc.parallel_access}
      %parallel_loop3A_268 = arith.constant 0 : i32
      %parallel_loop3A_269 = arith.constant 625 : i32
      %parallel_loop3A_270 = arith.constant 1 : i32
      scf.for %parallel_loop3A_278 = %parallel_loop3A_268 to %parallel_loop3A_269 step %parallel_loop3A_270  : i32 {
        %parallel_loop3A_279 = arith.constant 16 : i32
        %parallel_loop3A_280 = arith.muli %parallel_loop3A_278, %parallel_loop3A_279 : i32
        %parallel_loop3A_281 = arith.constant 10000 : i32
        %parallel_loop3A_282 = arith.addi %parallel_loop3A_281, %parallel_loop3A_280 : i32
        %parallel_loop3A_283 = arith.index_cast %parallel_loop3A_282 : i32 to index
        %parallel_loop3A_284 = tpu.vector_load %arg6[%parallel_loop3A_283] {strides = array<i32>} : memref<40000xi32, #tpu.memory_space<vmem>>, vector<16xi32>,
        %parallel_loop3A_285 = arith.constant 16 : i32
        %parallel_loop3A_286 = arith.muli %parallel_loop3A_278, %parallel_loop3A_285 : i32
        %parallel_loop3A_287 = tpu.vector_load_idx %arg9[%parallel_loop3A_284] : memref<10000xf32, #tpu.memory_space<vmem>>[vector<16xi32>], vector<16xf32>,
        %parallel_loop3A_288 = arith.index_cast %parallel_loop3A_286 : i32 to index
        %parallel_loop3A_289 = tpu.vector_load %arg13[%parallel_loop3A_288] {strides = array<i32>} : memref<10000xf32, #tpu.memory_space<vmem>>, vector<16xf32>,
        tpu.vector_store %arg13[%parallel_loop3A_288], %parallel_loop3A_287 {strides = array<i32>} : memref<10000xf32, #tpu.memory_space<vmem>>, vector<16xf32>,
        %parallel_loop3A_290 = tpu.vector_load_idx %arg10[%parallel_loop3A_284] : memref<10000xf32, #tpu.memory_space<vmem>>[vector<16xi32>], vector<16xf32>,
        %parallel_loop3A_291 = arith.index_cast %parallel_loop3A_286 : i32 to index
        %parallel_loop3A_292 = tpu.vector_load %arg14[%parallel_loop3A_291] {strides = array<i32>} : memref<10000xf32, #tpu.memory_space<vmem>>, vector<16xf32>,
        tpu.vector_store %arg14[%parallel_loop3A_291], %parallel_loop3A_290 {strides = array<i32>} : memref<10000xf32, #tpu.memory_space<vmem>>, vector<16xf32>,
      } {sc.loop_unroll_factor = 8 : i64, sc.parallel_access}
      %parallel_loop3A_271 = arith.constant 0 : i32
      %parallel_loop3A_272 = arith.constant 625 : i32
      %parallel_loop3A_273 = arith.constant 1 : i32
      scf.for %parallel_loop3A_278 = %parallel_loop3A_271 to %parallel_loop3A_272 step %parallel_loop3A_273  : i32 {
        %parallel_loop3A_279 = arith.constant 16 : i32
        %parallel_loop3A_280 = arith.muli %parallel_loop3A_278, %parallel_loop3A_279 : i32
        %parallel_loop3A_281 = arith.constant 20000 : i32
        %parallel_loop3A_282 = arith.addi %parallel_loop3A_281, %parallel_loop3A_280 : i32
        %parallel_loop3A_283 = arith.index_cast %parallel_loop3A_282 : i32 to index
        %parallel_loop3A_284 = tpu.vector_load %arg6[%parallel_loop3A_283] {strides = array<i32>} : memref<40000xi32, #tpu.memory_space<vmem>>, vector<16xi32>,
        %parallel_loop3A_285 = arith.constant 16 : i32
        %parallel_loop3A_286 = arith.muli %parallel_loop3A_278, %parallel_loop3A_285 : i32
        %parallel_loop3A_287 = tpu.vector_load_idx %arg9[%parallel_loop3A_284] : memref<10000xf32, #tpu.memory_space<vmem>>[vector<16xi32>], vector<16xf32>,
        %parallel_loop3A_288 = arith.index_cast %parallel_loop3A_286 : i32 to index
        %parallel_loop3A_289 = tpu.vector_load %arg11[%parallel_loop3A_288] {strides = array<i32>} : memref<10000xf32, #tpu.memory_space<vmem>>, vector<16xf32>,
        tpu.vector_store %arg11[%parallel_loop3A_288], %parallel_loop3A_287 {strides = array<i32>} : memref<10000xf32, #tpu.memory_space<vmem>>, vector<16xf32>,
        %parallel_loop3A_290 = tpu.vector_load_idx %arg10[%parallel_loop3A_284] : memref<10000xf32, #tpu.memory_space<vmem>>[vector<16xi32>], vector<16xf32>,
        %parallel_loop3A_291 = arith.index_cast %parallel_loop3A_286 : i32 to index
        %parallel_loop3A_292 = tpu.vector_load %arg12[%parallel_loop3A_291] {strides = array<i32>} : memref<10000xf32, #tpu.memory_space<vmem>>, vector<16xf32>,
        tpu.vector_store %arg12[%parallel_loop3A_291], %parallel_loop3A_290 {strides = array<i32>} : memref<10000xf32, #tpu.memory_space<vmem>>, vector<16xf32>,
      } {sc.loop_unroll_factor = 8 : i64, sc.parallel_access}
      %parallel_loop3A_274 = arith.constant 0 : i32
      %parallel_loop3A_275 = arith.constant 625 : i32
      %parallel_loop3A_276 = arith.constant 1 : i32
      scf.for %parallel_loop3A_278 = %parallel_loop3A_274 to %parallel_loop3A_275 step %parallel_loop3A_276  : i32 {
        %parallel_loop3A_279 = arith.constant 16 : i32
        %parallel_loop3A_280 = arith.muli %parallel_loop3A_278, %parallel_loop3A_279 : i32
        %parallel_loop3A_281 = arith.constant 30000 : i32
        %parallel_loop3A_282 = arith.addi %parallel_loop3A_281, %parallel_loop3A_280 : i32
        %parallel_loop3A_283 = arith.index_cast %parallel_loop3A_282 : i32 to index
        %parallel_loop3A_284 = tpu.vector_load %arg6[%parallel_loop3A_283] {strides = array<i32>} : memref<40000xi32, #tpu.memory_space<vmem>>, vector<16xi32>,
        %parallel_loop3A_285 = arith.constant 16 : i32
        %parallel_loop3A_286 = arith.muli %parallel_loop3A_278, %parallel_loop3A_285 : i32
        %parallel_loop3A_287 = tpu.vector_load_idx %arg9[%parallel_loop3A_284] : memref<10000xf32, #tpu.memory_space<vmem>>[vector<16xi32>], vector<16xf32>,
        %parallel_loop3A_288 = arith.index_cast %parallel_loop3A_286 : i32 to index
        %parallel_loop3A_289 = tpu.vector_load %arg13[%parallel_loop3A_288] {strides = array<i32>} : memref<10000xf32, #tpu.memory_space<vmem>>, vector<16xf32>,
        tpu.vector_store %arg13[%parallel_loop3A_288], %parallel_loop3A_287 {strides = array<i32>} : memref<10000xf32, #tpu.memory_space<vmem>>, vector<16xf32>,
        %parallel_loop3A_290 = tpu.vector_load_idx %arg10[%parallel_loop3A_284] : memref<10000xf32, #tpu.memory_space<vmem>>[vector<16xi32>], vector<16xf32>,
        %parallel_loop3A_291 = arith.index_cast %parallel_loop3A_286 : i32 to index
        %parallel_loop3A_292 = tpu.vector_load %arg14[%parallel_loop3A_291] {strides = array<i32>} : memref<10000xf32, #tpu.memory_space<vmem>>, vector<16xf32>,
        tpu.vector_store %arg14[%parallel_loop3A_291], %parallel_loop3A_290 {strides = array<i32>} : memref<10000xf32, #tpu.memory_space<vmem>>, vector<16xf32>,
      } {sc.loop_unroll_factor = 8 : i64, sc.parallel_access}
      %scan3A_277 = arith.constant 0 : i32
      scf.yield %scan3A_277 : i32
    }
    %scan3A_125 = arith.constant 3 : i32
    %add3A_126 = arith.constant 0 : i32
    %add3A_127 = arith.addi %add3A_126, %mul3A_32 : i32
    %add3A_128 = arith.constant 40000 : i32
    %add3A_129 = arith.addi %add3A_127, %add3A_128 : i32
    "tpu.region"() ({
      %run_scoped3A = tpu.sem_alloc : memref<!tpu.dma_semaphore, #tpu.memory_space<semaphore_mem>>
      %dma_start3A_195 = tpu.memref_slice %arg4[%add3A_129] : memref<640000xi32, #tpu.memory_space<hbm>> -> memref<40000xi32, #tpu.memory_space<hbm>>
      %dma_start3A_196 = tpu.memref_slice %arg4[%add3A_129] : memref<640000xi32, #tpu.memory_space<hbm>> -> memref<40000xi32, #tpu.memory_space<hbm>>
      tpu.enqueue_dma source(%dma_start3A_196 : memref<40000xi32, #tpu.memory_space<hbm>>) target(%arg6 : memref<40000xi32, #tpu.memory_space<vmem>>) target_semaphore(%run_scoped3A : memref<!tpu.dma_semaphore, #tpu.memory_space<semaphore_mem>>)
      %dma_wait3A_197 = tpu.memref_slice %arg4[%add3A_129] : memref<640000xi32, #tpu.memory_space<hbm>> -> memref<40000xi32, #tpu.memory_space<hbm>>
      %dma_wait3A_198 = tpu.memref_slice %arg4[%add3A_129] : memref<640000xi32, #tpu.memory_space<hbm>> -> memref<40000xi32, #tpu.memory_space<hbm>>
      tpu.wait_dma2 semaphore(%run_scoped3A : memref<!tpu.dma_semaphore, #tpu.memory_space<semaphore_mem>>) src(%dma_wait3A_198 : memref<40000xi32, #tpu.memory_space<hbm>>) dst(%arg6 : memref<40000xi32, #tpu.memory_space<vmem>>)
      tpu.yield
    }) : () -> ()
    %add3A_130 = arith.constant 0 : i32
    %add3A_131 = arith.addi %mul3A_34, %add3A_130 : i32
    %mul3A_132 = arith.constant 10000 : i32
    %mul3A_133 = arith.muli %add3A_131, %mul3A_132 : i32
    %dma_start3A_134 = tpu.memref_slice %arg2[%mul3A_133] : memref<1280000xf32, #tpu.memory_space<hbm>> -> memref<10000xf32, #tpu.memory_space<hbm>>
    %dma_start3A_135 = tpu.memref_slice %arg2[%mul3A_133] : memref<1280000xf32, #tpu.memory_space<hbm>> -> memref<10000xf32, #tpu.memory_space<hbm>>
    tpu.enqueue_dma source(%dma_start3A_135 : memref<10000xf32, #tpu.memory_space<hbm>>) target(%arg7 : memref<10000xf32, #tpu.memory_space<vmem>>) target_semaphore(%arg15 : memref<!tpu.dma_semaphore, #tpu.memory_space<semaphore_mem>>)
    %add3A_136 = arith.constant 1 : i32
    %add3A_137 = arith.addi %mul3A_34, %add3A_136 : i32
    %mul3A_138 = arith.constant 10000 : i32
    %mul3A_139 = arith.muli %add3A_137, %mul3A_138 : i32
    %dma_start3A_140 = tpu.memref_slice %arg2[%mul3A_139] : memref<1280000xf32, #tpu.memory_space<hbm>> -> memref<10000xf32, #tpu.memory_space<hbm>>
    %dma_start3A_141 = tpu.memref_slice %arg2[%mul3A_139] : memref<1280000xf32, #tpu.memory_space<hbm>> -> memref<10000xf32, #tpu.memory_space<hbm>>
    tpu.enqueue_dma source(%dma_start3A_141 : memref<10000xf32, #tpu.memory_space<hbm>>) target(%arg8 : memref<10000xf32, #tpu.memory_space<vmem>>) target_semaphore(%arg15 : memref<!tpu.dma_semaphore, #tpu.memory_space<semaphore_mem>>)
    %scan3A_142 = arith.constant 0 : i32
    %scan3A_143 = arith.constant 0 : i32
    %scan3A_144 = arith.constant 4 : i32
    %scan3A_145 = arith.addi %scan3A_143, %scan3A_144 : i32
    %scan3A_146 = arith.constant 1 : i32
    %scan3A_147 = scf.for %scan3A_195 = %scan3A_143 to %scan3A_145 step %scan3A_146 iter_args(%scan3A_196 = %scan3A_142) -> (i32)  : i32 {
      %mul3A_197 = arith.constant 2 : i32
      %mul3A_198 = arith.muli %scan3A_195, %mul3A_197 : i32
      %add3A_199 = arith.constant 0 : i32
      %add3A_200 = arith.addi %mul3A_198, %add3A_199 : i32
      %mul3A_201 = arith.constant 2 : i32
      %mul3A_202 = arith.muli %add3A_200, %mul3A_201 : i32
      %add3A_203 = arith.constant 0 : i32
      %add3A_204 = arith.addi %mul3A_202, %add3A_203 : i32
      %add3A_205 = arith.addi %mul3A_34, %add3A_204 : i32
      %mul3A_206 = arith.constant 10000 : i32
      %mul3A_207 = arith.muli %add3A_205, %mul3A_206 : i32
      %dma_wait3A_208 = tpu.memref_slice %arg2[%mul3A_207] : memref<1280000xf32, #tpu.memory_space<hbm>> -> memref<10000xf32, #tpu.memory_space<hbm>>
      %dma_wait3A_209 = tpu.memref_slice %arg2[%mul3A_207] : memref<1280000xf32, #tpu.memory_space<hbm>> -> memref<10000xf32, #tpu.memory_space<hbm>>
      tpu.wait_dma2 semaphore(%arg15 : memref<!tpu.dma_semaphore, #tpu.memory_space<semaphore_mem>>) src(%dma_wait3A_209 : memref<10000xf32, #tpu.memory_space<hbm>>) dst(%arg7 : memref<10000xf32, #tpu.memory_space<vmem>>)
      %mul3A_210 = arith.constant 2 : i32
      %mul3A_211 = arith.muli %add3A_200, %mul3A_210 : i32
      %add3A_212 = arith.constant 1 : i32
      %add3A_213 = arith.addi %mul3A_211, %add3A_212 : i32
      %add3A_214 = arith.addi %mul3A_34, %add3A_213 : i32
      %mul3A_215 = arith.constant 10000 : i32
      %mul3A_216 = arith.muli %add3A_214, %mul3A_215 : i32
      %dma_wait3A_217 = tpu.memref_slice %arg2[%mul3A_216] : memref<1280000xf32, #tpu.memory_space<hbm>> -> memref<10000xf32, #tpu.memory_space<hbm>>
      %dma_wait3A_218 = tpu.memref_slice %arg2[%mul3A_216] : memref<1280000xf32, #tpu.memory_space<hbm>> -> memref<10000xf32, #tpu.memory_space<hbm>>
      tpu.wait_dma2 semaphore(%arg15 : memref<!tpu.dma_semaphore, #tpu.memory_space<semaphore_mem>>) src(%dma_wait3A_218 : memref<10000xf32, #tpu.memory_space<hbm>>) dst(%arg8 : memref<10000xf32, #tpu.memory_space<vmem>>)
      %add3A_219 = arith.constant 1 : i32
      %add3A_220 = arith.addi %add3A_200, %add3A_219 : i32
      %lt3A_221 = arith.constant 8 : i32
      %lt3A_222 = arith.cmpi slt, %add3A_220, %lt3A_221 : i32
      %convert_element_type3A = arith.extui %lt3A_222 : i1 to i32
      %cond3A = arith.constant 0 : i32
      %cond3A_223 = arith.cmpi ne, %convert_element_type3A, %cond3A : i32
      scf.if %cond3A_223 {
        %add3A_278 = arith.constant 1 : i32
        %add3A_279 = arith.addi %add3A_200, %add3A_278 : i32
        %mul3A_280 = arith.constant 2 : i32
        %mul3A_281 = arith.muli %add3A_279, %mul3A_280 : i32
        %add3A_282 = arith.constant 0 : i32
        %add3A_283 = arith.addi %mul3A_281, %add3A_282 : i32
        %add3A_284 = arith.addi %mul3A_34, %add3A_283 : i32
        %mul3A_285 = arith.constant 10000 : i32
        %mul3A_286 = arith.muli %add3A_284, %mul3A_285 : i32
        %dma_start3A_287 = tpu.memref_slice %arg2[%mul3A_286] : memref<1280000xf32, #tpu.memory_space<hbm>> -> memref<10000xf32, #tpu.memory_space<hbm>>
        %dma_start3A_288 = tpu.memref_slice %arg2[%mul3A_286] : memref<1280000xf32, #tpu.memory_space<hbm>> -> memref<10000xf32, #tpu.memory_space<hbm>>
        tpu.enqueue_dma source(%dma_start3A_288 : memref<10000xf32, #tpu.memory_space<hbm>>) target(%arg9 : memref<10000xf32, #tpu.memory_space<vmem>>) target_semaphore(%arg16 : memref<!tpu.dma_semaphore, #tpu.memory_space<semaphore_mem>>)
        %mul3A_289 = arith.constant 2 : i32
        %mul3A_290 = arith.muli %add3A_279, %mul3A_289 : i32
        %add3A_291 = arith.constant 1 : i32
        %add3A_292 = arith.addi %mul3A_290, %add3A_291 : i32
        %add3A_293 = arith.addi %mul3A_34, %add3A_292 : i32
        %mul3A_294 = arith.constant 10000 : i32
        %mul3A_295 = arith.muli %add3A_293, %mul3A_294 : i32
        %dma_start3A_296 = tpu.memref_slice %arg2[%mul3A_295] : memref<1280000xf32, #tpu.memory_space<hbm>> -> memref<10000xf32, #tpu.memory_space<hbm>>
        %dma_start3A_297 = tpu.memref_slice %arg2[%mul3A_295] : memref<1280000xf32, #tpu.memory_space<hbm>> -> memref<10000xf32, #tpu.memory_space<hbm>>
        tpu.enqueue_dma source(%dma_start3A_297 : memref<10000xf32, #tpu.memory_space<hbm>>) target(%arg10 : memref<10000xf32, #tpu.memory_space<vmem>>) target_semaphore(%arg16 : memref<!tpu.dma_semaphore, #tpu.memory_space<semaphore_mem>>)
      } else {
      }
      %parallel_loop3A_224 = arith.constant 0 : i32
      %parallel_loop3A_225 = arith.constant 625 : i32
      %parallel_loop3A_226 = arith.constant 1 : i32
      scf.for %parallel_loop3A_278 = %parallel_loop3A_224 to %parallel_loop3A_225 step %parallel_loop3A_226  : i32 {
        %parallel_loop3A_279 = arith.constant 16 : i32
        %parallel_loop3A_280 = arith.muli %parallel_loop3A_278, %parallel_loop3A_279 : i32
        %parallel_loop3A_281 = arith.constant 0 : i32
        %parallel_loop3A_282 = arith.addi %parallel_loop3A_281, %parallel_loop3A_280 : i32
        %parallel_loop3A_283 = arith.index_cast %parallel_loop3A_282 : i32 to index
        %parallel_loop3A_284 = tpu.vector_load %arg6[%parallel_loop3A_283] {strides = array<i32>} : memref<40000xi32, #tpu.memory_space<vmem>>, vector<16xi32>,
        %parallel_loop3A_285 = arith.constant 16 : i32
        %parallel_loop3A_286 = arith.muli %parallel_loop3A_278, %parallel_loop3A_285 : i32
        %parallel_loop3A_287 = tpu.vector_load_idx %arg7[%parallel_loop3A_284] : memref<10000xf32, #tpu.memory_space<vmem>>[vector<16xi32>], vector<16xf32>,
        %parallel_loop3A_288 = arith.index_cast %parallel_loop3A_286 : i32 to index
        %parallel_loop3A_289 = tpu.vector_load %arg11[%parallel_loop3A_288] {strides = array<i32>} : memref<10000xf32, #tpu.memory_space<vmem>>, vector<16xf32>,
        tpu.vector_store %arg11[%parallel_loop3A_288], %parallel_loop3A_287 {strides = array<i32>} : memref<10000xf32, #tpu.memory_space<vmem>>, vector<16xf32>,
        %parallel_loop3A_290 = tpu.vector_load_idx %arg8[%parallel_loop3A_284] : memref<10000xf32, #tpu.memory_space<vmem>>[vector<16xi32>], vector<16xf32>,
        %parallel_loop3A_291 = arith.index_cast %parallel_loop3A_286 : i32 to index
        %parallel_loop3A_292 = tpu.vector_load %arg12[%parallel_loop3A_291] {strides = array<i32>} : memref<10000xf32, #tpu.memory_space<vmem>>, vector<16xf32>,
        tpu.vector_store %arg12[%parallel_loop3A_291], %parallel_loop3A_290 {strides = array<i32>} : memref<10000xf32, #tpu.memory_space<vmem>>, vector<16xf32>,
      } {sc.loop_unroll_factor = 8 : i64, sc.parallel_access}
      %parallel_loop3A_227 = arith.constant 0 : i32
      %parallel_loop3A_228 = arith.constant 625 : i32
      %parallel_loop3A_229 = arith.constant 1 : i32
      scf.for %parallel_loop3A_278 = %parallel_loop3A_227 to %parallel_loop3A_228 step %parallel_loop3A_229  : i32 {
        %parallel_loop3A_279 = arith.constant 16 : i32
        %parallel_loop3A_280 = arith.muli %parallel_loop3A_278, %parallel_loop3A_279 : i32
        %parallel_loop3A_281 = arith.constant 10000 : i32
        %parallel_loop3A_282 = arith.addi %parallel_loop3A_281, %parallel_loop3A_280 : i32
        %parallel_loop3A_283 = arith.index_cast %parallel_loop3A_282 : i32 to index
        %parallel_loop3A_284 = tpu.vector_load %arg6[%parallel_loop3A_283] {strides = array<i32>} : memref<40000xi32, #tpu.memory_space<vmem>>, vector<16xi32>,
        %parallel_loop3A_285 = arith.constant 16 : i32
        %parallel_loop3A_286 = arith.muli %parallel_loop3A_278, %parallel_loop3A_285 : i32
        %parallel_loop3A_287 = tpu.vector_load_idx %arg7[%parallel_loop3A_284] : memref<10000xf32, #tpu.memory_space<vmem>>[vector<16xi32>], vector<16xf32>,
        %parallel_loop3A_288 = arith.index_cast %parallel_loop3A_286 : i32 to index
        %parallel_loop3A_289 = tpu.vector_load %arg13[%parallel_loop3A_288] {strides = array<i32>} : memref<10000xf32, #tpu.memory_space<vmem>>, vector<16xf32>,
        tpu.vector_store %arg13[%parallel_loop3A_288], %parallel_loop3A_287 {strides = array<i32>} : memref<10000xf32, #tpu.memory_space<vmem>>, vector<16xf32>,
        %parallel_loop3A_290 = tpu.vector_load_idx %arg8[%parallel_loop3A_284] : memref<10000xf32, #tpu.memory_space<vmem>>[vector<16xi32>], vector<16xf32>,
        %parallel_loop3A_291 = arith.index_cast %parallel_loop3A_286 : i32 to index
        %parallel_loop3A_292 = tpu.vector_load %arg14[%parallel_loop3A_291] {strides = array<i32>} : memref<10000xf32, #tpu.memory_space<vmem>>, vector<16xf32>,
        tpu.vector_store %arg14[%parallel_loop3A_291], %parallel_loop3A_290 {strides = array<i32>} : memref<10000xf32, #tpu.memory_space<vmem>>, vector<16xf32>,
      } {sc.loop_unroll_factor = 8 : i64, sc.parallel_access}
      %parallel_loop3A_230 = arith.constant 0 : i32
      %parallel_loop3A_231 = arith.constant 625 : i32
      %parallel_loop3A_232 = arith.constant 1 : i32
      scf.for %parallel_loop3A_278 = %parallel_loop3A_230 to %parallel_loop3A_231 step %parallel_loop3A_232  : i32 {
        %parallel_loop3A_279 = arith.constant 16 : i32
        %parallel_loop3A_280 = arith.muli %parallel_loop3A_278, %parallel_loop3A_279 : i32
        %parallel_loop3A_281 = arith.constant 20000 : i32
        %parallel_loop3A_282 = arith.addi %parallel_loop3A_281, %parallel_loop3A_280 : i32
        %parallel_loop3A_283 = arith.index_cast %parallel_loop3A_282 : i32 to index
        %parallel_loop3A_284 = tpu.vector_load %arg6[%parallel_loop3A_283] {strides = array<i32>} : memref<40000xi32, #tpu.memory_space<vmem>>, vector<16xi32>,
        %parallel_loop3A_285 = arith.constant 16 : i32
        %parallel_loop3A_286 = arith.muli %parallel_loop3A_278, %parallel_loop3A_285 : i32
        %parallel_loop3A_287 = tpu.vector_load_idx %arg7[%parallel_loop3A_284] : memref<10000xf32, #tpu.memory_space<vmem>>[vector<16xi32>], vector<16xf32>,
        %parallel_loop3A_288 = arith.index_cast %parallel_loop3A_286 : i32 to index
        %parallel_loop3A_289 = tpu.vector_load %arg11[%parallel_loop3A_288] {strides = array<i32>} : memref<10000xf32, #tpu.memory_space<vmem>>, vector<16xf32>,
        tpu.vector_store %arg11[%parallel_loop3A_288], %parallel_loop3A_287 {strides = array<i32>} : memref<10000xf32, #tpu.memory_space<vmem>>, vector<16xf32>,
        %parallel_loop3A_290 = tpu.vector_load_idx %arg8[%parallel_loop3A_284] : memref<10000xf32, #tpu.memory_space<vmem>>[vector<16xi32>], vector<16xf32>,
        %parallel_loop3A_291 = arith.index_cast %parallel_loop3A_286 : i32 to index
        %parallel_loop3A_292 = tpu.vector_load %arg12[%parallel_loop3A_291] {strides = array<i32>} : memref<10000xf32, #tpu.memory_space<vmem>>, vector<16xf32>,
        tpu.vector_store %arg12[%parallel_loop3A_291], %parallel_loop3A_290 {strides = array<i32>} : memref<10000xf32, #tpu.memory_space<vmem>>, vector<16xf32>,
      } {sc.loop_unroll_factor = 8 : i64, sc.parallel_access}
      %parallel_loop3A_233 = arith.constant 0 : i32
      %parallel_loop3A_234 = arith.constant 625 : i32
      %parallel_loop3A_235 = arith.constant 1 : i32
      scf.for %parallel_loop3A_278 = %parallel_loop3A_233 to %parallel_loop3A_234 step %parallel_loop3A_235  : i32 {
        %parallel_loop3A_279 = arith.constant 16 : i32
        %parallel_loop3A_280 = arith.muli %parallel_loop3A_278, %parallel_loop3A_279 : i32
        %parallel_loop3A_281 = arith.constant 30000 : i32
        %parallel_loop3A_282 = arith.addi %parallel_loop3A_281, %parallel_loop3A_280 : i32
        %parallel_loop3A_283 = arith.index_cast %parallel_loop3A_282 : i32 to index
        %parallel_loop3A_284 = tpu.vector_load %arg6[%parallel_loop3A_283] {strides = array<i32>} : memref<40000xi32, #tpu.memory_space<vmem>>, vector<16xi32>,
        %parallel_loop3A_285 = arith.constant 16 : i32
        %parallel_loop3A_286 = arith.muli %parallel_loop3A_278, %parallel_loop3A_285 : i32
        %parallel_loop3A_287 = tpu.vector_load_idx %arg7[%parallel_loop3A_284] : memref<10000xf32, #tpu.memory_space<vmem>>[vector<16xi32>], vector<16xf32>,
        %parallel_loop3A_288 = arith.index_cast %parallel_loop3A_286 : i32 to index
        %parallel_loop3A_289 = tpu.vector_load %arg13[%parallel_loop3A_288] {strides = array<i32>} : memref<10000xf32, #tpu.memory_space<vmem>>, vector<16xf32>,
        tpu.vector_store %arg13[%parallel_loop3A_288], %parallel_loop3A_287 {strides = array<i32>} : memref<10000xf32, #tpu.memory_space<vmem>>, vector<16xf32>,
        %parallel_loop3A_290 = tpu.vector_load_idx %arg8[%parallel_loop3A_284] : memref<10000xf32, #tpu.memory_space<vmem>>[vector<16xi32>], vector<16xf32>,
        %parallel_loop3A_291 = arith.index_cast %parallel_loop3A_286 : i32 to index
        %parallel_loop3A_292 = tpu.vector_load %arg14[%parallel_loop3A_291] {strides = array<i32>} : memref<10000xf32, #tpu.memory_space<vmem>>, vector<16xf32>,
        tpu.vector_store %arg14[%parallel_loop3A_291], %parallel_loop3A_290 {strides = array<i32>} : memref<10000xf32, #tpu.memory_space<vmem>>, vector<16xf32>,
      } {sc.loop_unroll_factor = 8 : i64, sc.parallel_access}
      %mul3A_236 = arith.constant 2 : i32
      %mul3A_237 = arith.muli %scan3A_195, %mul3A_236 : i32
      %add3A_238 = arith.constant 1 : i32
      %add3A_239 = arith.addi %mul3A_237, %add3A_238 : i32
      %mul3A_240 = arith.constant 2 : i32
      %mul3A_241 = arith.muli %add3A_239, %mul3A_240 : i32
      %add3A_242 = arith.constant 0 : i32
      %add3A_243 = arith.addi %mul3A_241, %add3A_242 : i32
      %add3A_244 = arith.addi %mul3A_34, %add3A_243 : i32
      %mul3A_245 = arith.constant 10000 : i32
      %mul3A_246 = arith.muli %add3A_244, %mul3A_245 : i32
      %dma_wait3A_247 = tpu.memref_slice %arg2[%mul3A_246] : memref<1280000xf32, #tpu.memory_space<hbm>> -> memref<10000xf32, #tpu.memory_space<hbm>>
      %dma_wait3A_248 = tpu.memref_slice %arg2[%mul3A_246] : memref<1280000xf32, #tpu.memory_space<hbm>> -> memref<10000xf32, #tpu.memory_space<hbm>>
      tpu.wait_dma2 semaphore(%arg16 : memref<!tpu.dma_semaphore, #tpu.memory_space<semaphore_mem>>) src(%dma_wait3A_248 : memref<10000xf32, #tpu.memory_space<hbm>>) dst(%arg9 : memref<10000xf32, #tpu.memory_space<vmem>>)
      %mul3A_249 = arith.constant 2 : i32
      %mul3A_250 = arith.muli %add3A_239, %mul3A_249 : i32
      %add3A_251 = arith.constant 1 : i32
      %add3A_252 = arith.addi %mul3A_250, %add3A_251 : i32
      %add3A_253 = arith.addi %mul3A_34, %add3A_252 : i32
      %mul3A_254 = arith.constant 10000 : i32
      %mul3A_255 = arith.muli %add3A_253, %mul3A_254 : i32
      %dma_wait3A_256 = tpu.memref_slice %arg2[%mul3A_255] : memref<1280000xf32, #tpu.memory_space<hbm>> -> memref<10000xf32, #tpu.memory_space<hbm>>
      %dma_wait3A_257 = tpu.memref_slice %arg2[%mul3A_255] : memref<1280000xf32, #tpu.memory_space<hbm>> -> memref<10000xf32, #tpu.memory_space<hbm>>
      tpu.wait_dma2 semaphore(%arg16 : memref<!tpu.dma_semaphore, #tpu.memory_space<semaphore_mem>>) src(%dma_wait3A_257 : memref<10000xf32, #tpu.memory_space<hbm>>) dst(%arg10 : memref<10000xf32, #tpu.memory_space<vmem>>)
      %add3A_258 = arith.constant 1 : i32
      %add3A_259 = arith.addi %add3A_239, %add3A_258 : i32
      %lt3A_260 = arith.constant 8 : i32
      %lt3A_261 = arith.cmpi slt, %add3A_259, %lt3A_260 : i32
      %convert_element_type3A_262 = arith.extui %lt3A_261 : i1 to i32
      %cond3A_263 = arith.constant 0 : i32
      %cond3A_264 = arith.cmpi ne, %convert_element_type3A_262, %cond3A_263 : i32
      scf.if %cond3A_264 {
        %add3A_278 = arith.constant 1 : i32
        %add3A_279 = arith.addi %add3A_239, %add3A_278 : i32
        %mul3A_280 = arith.constant 2 : i32
        %mul3A_281 = arith.muli %add3A_279, %mul3A_280 : i32
        %add3A_282 = arith.constant 0 : i32
        %add3A_283 = arith.addi %mul3A_281, %add3A_282 : i32
        %add3A_284 = arith.addi %mul3A_34, %add3A_283 : i32
        %mul3A_285 = arith.constant 10000 : i32
        %mul3A_286 = arith.muli %add3A_284, %mul3A_285 : i32
        %dma_start3A_287 = tpu.memref_slice %arg2[%mul3A_286] : memref<1280000xf32, #tpu.memory_space<hbm>> -> memref<10000xf32, #tpu.memory_space<hbm>>
        %dma_start3A_288 = tpu.memref_slice %arg2[%mul3A_286] : memref<1280000xf32, #tpu.memory_space<hbm>> -> memref<10000xf32, #tpu.memory_space<hbm>>
        tpu.enqueue_dma source(%dma_start3A_288 : memref<10000xf32, #tpu.memory_space<hbm>>) target(%arg7 : memref<10000xf32, #tpu.memory_space<vmem>>) target_semaphore(%arg15 : memref<!tpu.dma_semaphore, #tpu.memory_space<semaphore_mem>>)
        %mul3A_289 = arith.constant 2 : i32
        %mul3A_290 = arith.muli %add3A_279, %mul3A_289 : i32
        %add3A_291 = arith.constant 1 : i32
        %add3A_292 = arith.addi %mul3A_290, %add3A_291 : i32
        %add3A_293 = arith.addi %mul3A_34, %add3A_292 : i32
        %mul3A_294 = arith.constant 10000 : i32
        %mul3A_295 = arith.muli %add3A_293, %mul3A_294 : i32
        %dma_start3A_296 = tpu.memref_slice %arg2[%mul3A_295] : memref<1280000xf32, #tpu.memory_space<hbm>> -> memref<10000xf32, #tpu.memory_space<hbm>>
        %dma_start3A_297 = tpu.memref_slice %arg2[%mul3A_295] : memref<1280000xf32, #tpu.memory_space<hbm>> -> memref<10000xf32, #tpu.memory_space<hbm>>
        tpu.enqueue_dma source(%dma_start3A_297 : memref<10000xf32, #tpu.memory_space<hbm>>) target(%arg8 : memref<10000xf32, #tpu.memory_space<vmem>>) target_semaphore(%arg15 : memref<!tpu.dma_semaphore, #tpu.memory_space<semaphore_mem>>)
      } else {
      }
      %parallel_loop3A_265 = arith.constant 0 : i32
      %parallel_loop3A_266 = arith.constant 625 : i32
      %parallel_loop3A_267 = arith.constant 1 : i32
      scf.for %parallel_loop3A_278 = %parallel_loop3A_265 to %parallel_loop3A_266 step %parallel_loop3A_267  : i32 {
        %parallel_loop3A_279 = arith.constant 16 : i32
        %parallel_loop3A_280 = arith.muli %parallel_loop3A_278, %parallel_loop3A_279 : i32
        %parallel_loop3A_281 = arith.constant 0 : i32
        %parallel_loop3A_282 = arith.addi %parallel_loop3A_281, %parallel_loop3A_280 : i32
        %parallel_loop3A_283 = arith.index_cast %parallel_loop3A_282 : i32 to index
        %parallel_loop3A_284 = tpu.vector_load %arg6[%parallel_loop3A_283] {strides = array<i32>} : memref<40000xi32, #tpu.memory_space<vmem>>, vector<16xi32>,
        %parallel_loop3A_285 = arith.constant 16 : i32
        %parallel_loop3A_286 = arith.muli %parallel_loop3A_278, %parallel_loop3A_285 : i32
        %parallel_loop3A_287 = tpu.vector_load_idx %arg9[%parallel_loop3A_284] : memref<10000xf32, #tpu.memory_space<vmem>>[vector<16xi32>], vector<16xf32>,
        %parallel_loop3A_288 = arith.index_cast %parallel_loop3A_286 : i32 to index
        %parallel_loop3A_289 = tpu.vector_load %arg11[%parallel_loop3A_288] {strides = array<i32>} : memref<10000xf32, #tpu.memory_space<vmem>>, vector<16xf32>,
        tpu.vector_store %arg11[%parallel_loop3A_288], %parallel_loop3A_287 {strides = array<i32>} : memref<10000xf32, #tpu.memory_space<vmem>>, vector<16xf32>,
        %parallel_loop3A_290 = tpu.vector_load_idx %arg10[%parallel_loop3A_284] : memref<10000xf32, #tpu.memory_space<vmem>>[vector<16xi32>], vector<16xf32>,
        %parallel_loop3A_291 = arith.index_cast %parallel_loop3A_286 : i32 to index
        %parallel_loop3A_292 = tpu.vector_load %arg12[%parallel_loop3A_291] {strides = array<i32>} : memref<10000xf32, #tpu.memory_space<vmem>>, vector<16xf32>,
        tpu.vector_store %arg12[%parallel_loop3A_291], %parallel_loop3A_290 {strides = array<i32>} : memref<10000xf32, #tpu.memory_space<vmem>>, vector<16xf32>,
      } {sc.loop_unroll_factor = 8 : i64, sc.parallel_access}
      %parallel_loop3A_268 = arith.constant 0 : i32
      %parallel_loop3A_269 = arith.constant 625 : i32
      %parallel_loop3A_270 = arith.constant 1 : i32
      scf.for %parallel_loop3A_278 = %parallel_loop3A_268 to %parallel_loop3A_269 step %parallel_loop3A_270  : i32 {
        %parallel_loop3A_279 = arith.constant 16 : i32
        %parallel_loop3A_280 = arith.muli %parallel_loop3A_278, %parallel_loop3A_279 : i32
        %parallel_loop3A_281 = arith.constant 10000 : i32
        %parallel_loop3A_282 = arith.addi %parallel_loop3A_281, %parallel_loop3A_280 : i32
        %parallel_loop3A_283 = arith.index_cast %parallel_loop3A_282 : i32 to index
        %parallel_loop3A_284 = tpu.vector_load %arg6[%parallel_loop3A_283] {strides = array<i32>} : memref<40000xi32, #tpu.memory_space<vmem>>, vector<16xi32>,
        %parallel_loop3A_285 = arith.constant 16 : i32
        %parallel_loop3A_286 = arith.muli %parallel_loop3A_278, %parallel_loop3A_285 : i32
        %parallel_loop3A_287 = tpu.vector_load_idx %arg9[%parallel_loop3A_284] : memref<10000xf32, #tpu.memory_space<vmem>>[vector<16xi32>], vector<16xf32>,
        %parallel_loop3A_288 = arith.index_cast %parallel_loop3A_286 : i32 to index
        %parallel_loop3A_289 = tpu.vector_load %arg13[%parallel_loop3A_288] {strides = array<i32>} : memref<10000xf32, #tpu.memory_space<vmem>>, vector<16xf32>,
        tpu.vector_store %arg13[%parallel_loop3A_288], %parallel_loop3A_287 {strides = array<i32>} : memref<10000xf32, #tpu.memory_space<vmem>>, vector<16xf32>,
        %parallel_loop3A_290 = tpu.vector_load_idx %arg10[%parallel_loop3A_284] : memref<10000xf32, #tpu.memory_space<vmem>>[vector<16xi32>], vector<16xf32>,
        %parallel_loop3A_291 = arith.index_cast %parallel_loop3A_286 : i32 to index
        %parallel_loop3A_292 = tpu.vector_load %arg14[%parallel_loop3A_291] {strides = array<i32>} : memref<10000xf32, #tpu.memory_space<vmem>>, vector<16xf32>,
        tpu.vector_store %arg14[%parallel_loop3A_291], %parallel_loop3A_290 {strides = array<i32>} : memref<10000xf32, #tpu.memory_space<vmem>>, vector<16xf32>,
      } {sc.loop_unroll_factor = 8 : i64, sc.parallel_access}
      %parallel_loop3A_271 = arith.constant 0 : i32
      %parallel_loop3A_272 = arith.constant 625 : i32
      %parallel_loop3A_273 = arith.constant 1 : i32
      scf.for %parallel_loop3A_278 = %parallel_loop3A_271 to %parallel_loop3A_272 step %parallel_loop3A_273  : i32 {
        %parallel_loop3A_279 = arith.constant 16 : i32
        %parallel_loop3A_280 = arith.muli %parallel_loop3A_278, %parallel_loop3A_279 : i32
        %parallel_loop3A_281 = arith.constant 20000 : i32
        %parallel_loop3A_282 = arith.addi %parallel_loop3A_281, %parallel_loop3A_280 : i32
        %parallel_loop3A_283 = arith.index_cast %parallel_loop3A_282 : i32 to index
        %parallel_loop3A_284 = tpu.vector_load %arg6[%parallel_loop3A_283] {strides = array<i32>} : memref<40000xi32, #tpu.memory_space<vmem>>, vector<16xi32>,
        %parallel_loop3A_285 = arith.constant 16 : i32
        %parallel_loop3A_286 = arith.muli %parallel_loop3A_278, %parallel_loop3A_285 : i32
        %parallel_loop3A_287 = tpu.vector_load_idx %arg9[%parallel_loop3A_284] : memref<10000xf32, #tpu.memory_space<vmem>>[vector<16xi32>], vector<16xf32>,
        %parallel_loop3A_288 = arith.index_cast %parallel_loop3A_286 : i32 to index
        %parallel_loop3A_289 = tpu.vector_load %arg11[%parallel_loop3A_288] {strides = array<i32>} : memref<10000xf32, #tpu.memory_space<vmem>>, vector<16xf32>,
        tpu.vector_store %arg11[%parallel_loop3A_288], %parallel_loop3A_287 {strides = array<i32>} : memref<10000xf32, #tpu.memory_space<vmem>>, vector<16xf32>,
        %parallel_loop3A_290 = tpu.vector_load_idx %arg10[%parallel_loop3A_284] : memref<10000xf32, #tpu.memory_space<vmem>>[vector<16xi32>], vector<16xf32>,
        %parallel_loop3A_291 = arith.index_cast %parallel_loop3A_286 : i32 to index
        %parallel_loop3A_292 = tpu.vector_load %arg12[%parallel_loop3A_291] {strides = array<i32>} : memref<10000xf32, #tpu.memory_space<vmem>>, vector<16xf32>,
        tpu.vector_store %arg12[%parallel_loop3A_291], %parallel_loop3A_290 {strides = array<i32>} : memref<10000xf32, #tpu.memory_space<vmem>>, vector<16xf32>,
      } {sc.loop_unroll_factor = 8 : i64, sc.parallel_access}
      %parallel_loop3A_274 = arith.constant 0 : i32
      %parallel_loop3A_275 = arith.constant 625 : i32
      %parallel_loop3A_276 = arith.constant 1 : i32
      scf.for %parallel_loop3A_278 = %parallel_loop3A_274 to %parallel_loop3A_275 step %parallel_loop3A_276  : i32 {
        %parallel_loop3A_279 = arith.constant 16 : i32
        %parallel_loop3A_280 = arith.muli %parallel_loop3A_278, %parallel_loop3A_279 : i32
        %parallel_loop3A_281 = arith.constant 30000 : i32
        %parallel_loop3A_282 = arith.addi %parallel_loop3A_281, %parallel_loop3A_280 : i32
        %parallel_loop3A_283 = arith.index_cast %parallel_loop3A_282 : i32 to index
        %parallel_loop3A_284 = tpu.vector_load %arg6[%parallel_loop3A_283] {strides = array<i32>} : memref<40000xi32, #tpu.memory_space<vmem>>, vector<16xi32>,
        %parallel_loop3A_285 = arith.constant 16 : i32
        %parallel_loop3A_286 = arith.muli %parallel_loop3A_278, %parallel_loop3A_285 : i32
        %parallel_loop3A_287 = tpu.vector_load_idx %arg9[%parallel_loop3A_284] : memref<10000xf32, #tpu.memory_space<vmem>>[vector<16xi32>], vector<16xf32>,
        %parallel_loop3A_288 = arith.index_cast %parallel_loop3A_286 : i32 to index
        %parallel_loop3A_289 = tpu.vector_load %arg13[%parallel_loop3A_288] {strides = array<i32>} : memref<10000xf32, #tpu.memory_space<vmem>>, vector<16xf32>,
        tpu.vector_store %arg13[%parallel_loop3A_288], %parallel_loop3A_287 {strides = array<i32>} : memref<10000xf32, #tpu.memory_space<vmem>>, vector<16xf32>,
        %parallel_loop3A_290 = tpu.vector_load_idx %arg10[%parallel_loop3A_284] : memref<10000xf32, #tpu.memory_space<vmem>>[vector<16xi32>], vector<16xf32>,
        %parallel_loop3A_291 = arith.index_cast %parallel_loop3A_286 : i32 to index
        %parallel_loop3A_292 = tpu.vector_load %arg14[%parallel_loop3A_291] {strides = array<i32>} : memref<10000xf32, #tpu.memory_space<vmem>>, vector<16xf32>,
        tpu.vector_store %arg14[%parallel_loop3A_291], %parallel_loop3A_290 {strides = array<i32>} : memref<10000xf32, #tpu.memory_space<vmem>>, vector<16xf32>,
      } {sc.loop_unroll_factor = 8 : i64, sc.parallel_access}
      %scan3A_277 = arith.constant 0 : i32
      scf.yield %scan3A_277 : i32
    }
    %scan3A_148 = arith.constant 4 : i32
    %add3A_149 = arith.constant 320000 : i32
    %add3A_150 = arith.addi %add3A_149, %mul3A_32 : i32
    %add3A_151 = arith.constant 0 : i32
    %add3A_152 = arith.addi %add3A_150, %add3A_151 : i32
    "tpu.region"() ({
      %run_scoped3A = tpu.sem_alloc : memref<!tpu.dma_semaphore, #tpu.memory_space<semaphore_mem>>
      %dma_start3A_195 = tpu.memref_slice %arg4[%add3A_152] : memref<640000xi32, #tpu.memory_space<hbm>> -> memref<40000xi32, #tpu.memory_space<hbm>>
      %dma_start3A_196 = tpu.memref_slice %arg4[%add3A_152] : memref<640000xi32, #tpu.memory_space<hbm>> -> memref<40000xi32, #tpu.memory_space<hbm>>
      tpu.enqueue_dma source(%dma_start3A_196 : memref<40000xi32, #tpu.memory_space<hbm>>) target(%arg6 : memref<40000xi32, #tpu.memory_space<vmem>>) target_semaphore(%run_scoped3A : memref<!tpu.dma_semaphore, #tpu.memory_space<semaphore_mem>>)
      %dma_wait3A_197 = tpu.memref_slice %arg4[%add3A_152] : memref<640000xi32, #tpu.memory_space<hbm>> -> memref<40000xi32, #tpu.memory_space<hbm>>
      %dma_wait3A_198 = tpu.memref_slice %arg4[%add3A_152] : memref<640000xi32, #tpu.memory_space<hbm>> -> memref<40000xi32, #tpu.memory_space<hbm>>
      tpu.wait_dma2 semaphore(%run_scoped3A : memref<!tpu.dma_semaphore, #tpu.memory_space<semaphore_mem>>) src(%dma_wait3A_198 : memref<40000xi32, #tpu.memory_space<hbm>>) dst(%arg6 : memref<40000xi32, #tpu.memory_space<vmem>>)
      tpu.yield
    }) : () -> ()
    %add3A_153 = arith.constant 0 : i32
    %add3A_154 = arith.addi %mul3A_34, %add3A_153 : i32
    %mul3A_155 = arith.constant 10000 : i32
    %mul3A_156 = arith.muli %add3A_154, %mul3A_155 : i32
    %dma_start3A_157 = tpu.memref_slice %arg3[%mul3A_156] : memref<1280000xf32, #tpu.memory_space<hbm>> -> memref<10000xf32, #tpu.memory_space<hbm>>
    %dma_start3A_158 = tpu.memref_slice %arg3[%mul3A_156] : memref<1280000xf32, #tpu.memory_space<hbm>> -> memref<10000xf32, #tpu.memory_space<hbm>>
    tpu.enqueue_dma source(%dma_start3A_158 : memref<10000xf32, #tpu.memory_space<hbm>>) target(%arg7 : memref<10000xf32, #tpu.memory_space<vmem>>) target_semaphore(%arg15 : memref<!tpu.dma_semaphore, #tpu.memory_space<semaphore_mem>>)
    %add3A_159 = arith.constant 1 : i32
    %add3A_160 = arith.addi %mul3A_34, %add3A_159 : i32
    %mul3A_161 = arith.constant 10000 : i32
    %mul3A_162 = arith.muli %add3A_160, %mul3A_161 : i32
    %dma_start3A_163 = tpu.memref_slice %arg3[%mul3A_162] : memref<1280000xf32, #tpu.memory_space<hbm>> -> memref<10000xf32, #tpu.memory_space<hbm>>
    %dma_start3A_164 = tpu.memref_slice %arg3[%mul3A_162] : memref<1280000xf32, #tpu.memory_space<hbm>> -> memref<10000xf32, #tpu.memory_space<hbm>>
    tpu.enqueue_dma source(%dma_start3A_164 : memref<10000xf32, #tpu.memory_space<hbm>>) target(%arg8 : memref<10000xf32, #tpu.memory_space<vmem>>) target_semaphore(%arg15 : memref<!tpu.dma_semaphore, #tpu.memory_space<semaphore_mem>>)
    %scan3A_165 = arith.constant 0 : i32
    %scan3A_166 = arith.constant 0 : i32
    %scan3A_167 = arith.constant 4 : i32
    %scan3A_168 = arith.addi %scan3A_166, %scan3A_167 : i32
    %scan3A_169 = arith.constant 1 : i32
    %scan3A_170 = scf.for %scan3A_195 = %scan3A_166 to %scan3A_168 step %scan3A_169 iter_args(%scan3A_196 = %scan3A_165) -> (i32)  : i32 {
      %mul3A_197 = arith.constant 2 : i32
      %mul3A_198 = arith.muli %scan3A_195, %mul3A_197 : i32
      %add3A_199 = arith.constant 0 : i32
      %add3A_200 = arith.addi %mul3A_198, %add3A_199 : i32
      %mul3A_201 = arith.constant 2 : i32
      %mul3A_202 = arith.muli %add3A_200, %mul3A_201 : i32
      %add3A_203 = arith.constant 0 : i32
      %add3A_204 = arith.addi %mul3A_202, %add3A_203 : i32
      %add3A_205 = arith.addi %mul3A_34, %add3A_204 : i32
      %mul3A_206 = arith.constant 10000 : i32
      %mul3A_207 = arith.muli %add3A_205, %mul3A_206 : i32
      %dma_wait3A_208 = tpu.memref_slice %arg3[%mul3A_207] : memref<1280000xf32, #tpu.memory_space<hbm>> -> memref<10000xf32, #tpu.memory_space<hbm>>
      %dma_wait3A_209 = tpu.memref_slice %arg3[%mul3A_207] : memref<1280000xf32, #tpu.memory_space<hbm>> -> memref<10000xf32, #tpu.memory_space<hbm>>
      tpu.wait_dma2 semaphore(%arg15 : memref<!tpu.dma_semaphore, #tpu.memory_space<semaphore_mem>>) src(%dma_wait3A_209 : memref<10000xf32, #tpu.memory_space<hbm>>) dst(%arg7 : memref<10000xf32, #tpu.memory_space<vmem>>)
      %mul3A_210 = arith.constant 2 : i32
      %mul3A_211 = arith.muli %add3A_200, %mul3A_210 : i32
      %add3A_212 = arith.constant 1 : i32
      %add3A_213 = arith.addi %mul3A_211, %add3A_212 : i32
      %add3A_214 = arith.addi %mul3A_34, %add3A_213 : i32
      %mul3A_215 = arith.constant 10000 : i32
      %mul3A_216 = arith.muli %add3A_214, %mul3A_215 : i32
      %dma_wait3A_217 = tpu.memref_slice %arg3[%mul3A_216] : memref<1280000xf32, #tpu.memory_space<hbm>> -> memref<10000xf32, #tpu.memory_space<hbm>>
      %dma_wait3A_218 = tpu.memref_slice %arg3[%mul3A_216] : memref<1280000xf32, #tpu.memory_space<hbm>> -> memref<10000xf32, #tpu.memory_space<hbm>>
      tpu.wait_dma2 semaphore(%arg15 : memref<!tpu.dma_semaphore, #tpu.memory_space<semaphore_mem>>) src(%dma_wait3A_218 : memref<10000xf32, #tpu.memory_space<hbm>>) dst(%arg8 : memref<10000xf32, #tpu.memory_space<vmem>>)
      %add3A_219 = arith.constant 1 : i32
      %add3A_220 = arith.addi %add3A_200, %add3A_219 : i32
      %lt3A_221 = arith.constant 8 : i32
      %lt3A_222 = arith.cmpi slt, %add3A_220, %lt3A_221 : i32
      %convert_element_type3A = arith.extui %lt3A_222 : i1 to i32
      %cond3A = arith.constant 0 : i32
      %cond3A_223 = arith.cmpi ne, %convert_element_type3A, %cond3A : i32
      scf.if %cond3A_223 {
        %add3A_278 = arith.constant 1 : i32
        %add3A_279 = arith.addi %add3A_200, %add3A_278 : i32
        %mul3A_280 = arith.constant 2 : i32
        %mul3A_281 = arith.muli %add3A_279, %mul3A_280 : i32
        %add3A_282 = arith.constant 0 : i32
        %add3A_283 = arith.addi %mul3A_281, %add3A_282 : i32
        %add3A_284 = arith.addi %mul3A_34, %add3A_283 : i32
        %mul3A_285 = arith.constant 10000 : i32
        %mul3A_286 = arith.muli %add3A_284, %mul3A_285 : i32
        %dma_start3A_287 = tpu.memref_slice %arg3[%mul3A_286] : memref<1280000xf32, #tpu.memory_space<hbm>> -> memref<10000xf32, #tpu.memory_space<hbm>>
        %dma_start3A_288 = tpu.memref_slice %arg3[%mul3A_286] : memref<1280000xf32, #tpu.memory_space<hbm>> -> memref<10000xf32, #tpu.memory_space<hbm>>
        tpu.enqueue_dma source(%dma_start3A_288 : memref<10000xf32, #tpu.memory_space<hbm>>) target(%arg9 : memref<10000xf32, #tpu.memory_space<vmem>>) target_semaphore(%arg16 : memref<!tpu.dma_semaphore, #tpu.memory_space<semaphore_mem>>)
        %mul3A_289 = arith.constant 2 : i32
        %mul3A_290 = arith.muli %add3A_279, %mul3A_289 : i32
        %add3A_291 = arith.constant 1 : i32
        %add3A_292 = arith.addi %mul3A_290, %add3A_291 : i32
        %add3A_293 = arith.addi %mul3A_34, %add3A_292 : i32
        %mul3A_294 = arith.constant 10000 : i32
        %mul3A_295 = arith.muli %add3A_293, %mul3A_294 : i32
        %dma_start3A_296 = tpu.memref_slice %arg3[%mul3A_295] : memref<1280000xf32, #tpu.memory_space<hbm>> -> memref<10000xf32, #tpu.memory_space<hbm>>
        %dma_start3A_297 = tpu.memref_slice %arg3[%mul3A_295] : memref<1280000xf32, #tpu.memory_space<hbm>> -> memref<10000xf32, #tpu.memory_space<hbm>>
        tpu.enqueue_dma source(%dma_start3A_297 : memref<10000xf32, #tpu.memory_space<hbm>>) target(%arg10 : memref<10000xf32, #tpu.memory_space<vmem>>) target_semaphore(%arg16 : memref<!tpu.dma_semaphore, #tpu.memory_space<semaphore_mem>>)
      } else {
      }
      %parallel_loop3A_224 = arith.constant 0 : i32
      %parallel_loop3A_225 = arith.constant 625 : i32
      %parallel_loop3A_226 = arith.constant 1 : i32
      scf.for %parallel_loop3A_278 = %parallel_loop3A_224 to %parallel_loop3A_225 step %parallel_loop3A_226  : i32 {
        %parallel_loop3A_279 = arith.constant 16 : i32
        %parallel_loop3A_280 = arith.muli %parallel_loop3A_278, %parallel_loop3A_279 : i32
        %parallel_loop3A_281 = arith.constant 0 : i32
        %parallel_loop3A_282 = arith.addi %parallel_loop3A_281, %parallel_loop3A_280 : i32
        %parallel_loop3A_283 = arith.index_cast %parallel_loop3A_282 : i32 to index
        %parallel_loop3A_284 = tpu.vector_load %arg6[%parallel_loop3A_283] {strides = array<i32>} : memref<40000xi32, #tpu.memory_space<vmem>>, vector<16xi32>,
        %parallel_loop3A_285 = arith.constant 16 : i32
        %parallel_loop3A_286 = arith.muli %parallel_loop3A_278, %parallel_loop3A_285 : i32
        %parallel_loop3A_287 = tpu.vector_load_idx %arg7[%parallel_loop3A_284] : memref<10000xf32, #tpu.memory_space<vmem>>[vector<16xi32>], vector<16xf32>,
        %parallel_loop3A_288 = arith.index_cast %parallel_loop3A_286 : i32 to index
        %parallel_loop3A_289 = tpu.vector_load %arg11[%parallel_loop3A_288] {strides = array<i32>} : memref<10000xf32, #tpu.memory_space<vmem>>, vector<16xf32>,
        tpu.vector_store %arg11[%parallel_loop3A_288], %parallel_loop3A_287 {strides = array<i32>} : memref<10000xf32, #tpu.memory_space<vmem>>, vector<16xf32>,
        %parallel_loop3A_290 = tpu.vector_load_idx %arg8[%parallel_loop3A_284] : memref<10000xf32, #tpu.memory_space<vmem>>[vector<16xi32>], vector<16xf32>,
        %parallel_loop3A_291 = arith.index_cast %parallel_loop3A_286 : i32 to index
        %parallel_loop3A_292 = tpu.vector_load %arg12[%parallel_loop3A_291] {strides = array<i32>} : memref<10000xf32, #tpu.memory_space<vmem>>, vector<16xf32>,
        tpu.vector_store %arg12[%parallel_loop3A_291], %parallel_loop3A_290 {strides = array<i32>} : memref<10000xf32, #tpu.memory_space<vmem>>, vector<16xf32>,
      } {sc.loop_unroll_factor = 8 : i64, sc.parallel_access}
      %parallel_loop3A_227 = arith.constant 0 : i32
      %parallel_loop3A_228 = arith.constant 625 : i32
      %parallel_loop3A_229 = arith.constant 1 : i32
      scf.for %parallel_loop3A_278 = %parallel_loop3A_227 to %parallel_loop3A_228 step %parallel_loop3A_229  : i32 {
        %parallel_loop3A_279 = arith.constant 16 : i32
        %parallel_loop3A_280 = arith.muli %parallel_loop3A_278, %parallel_loop3A_279 : i32
        %parallel_loop3A_281 = arith.constant 10000 : i32
        %parallel_loop3A_282 = arith.addi %parallel_loop3A_281, %parallel_loop3A_280 : i32
        %parallel_loop3A_283 = arith.index_cast %parallel_loop3A_282 : i32 to index
        %parallel_loop3A_284 = tpu.vector_load %arg6[%parallel_loop3A_283] {strides = array<i32>} : memref<40000xi32, #tpu.memory_space<vmem>>, vector<16xi32>,
        %parallel_loop3A_285 = arith.constant 16 : i32
        %parallel_loop3A_286 = arith.muli %parallel_loop3A_278, %parallel_loop3A_285 : i32
        %parallel_loop3A_287 = tpu.vector_load_idx %arg7[%parallel_loop3A_284] : memref<10000xf32, #tpu.memory_space<vmem>>[vector<16xi32>], vector<16xf32>,
        %parallel_loop3A_288 = arith.index_cast %parallel_loop3A_286 : i32 to index
        %parallel_loop3A_289 = tpu.vector_load %arg13[%parallel_loop3A_288] {strides = array<i32>} : memref<10000xf32, #tpu.memory_space<vmem>>, vector<16xf32>,
        tpu.vector_store %arg13[%parallel_loop3A_288], %parallel_loop3A_287 {strides = array<i32>} : memref<10000xf32, #tpu.memory_space<vmem>>, vector<16xf32>,
        %parallel_loop3A_290 = tpu.vector_load_idx %arg8[%parallel_loop3A_284] : memref<10000xf32, #tpu.memory_space<vmem>>[vector<16xi32>], vector<16xf32>,
        %parallel_loop3A_291 = arith.index_cast %parallel_loop3A_286 : i32 to index
        %parallel_loop3A_292 = tpu.vector_load %arg14[%parallel_loop3A_291] {strides = array<i32>} : memref<10000xf32, #tpu.memory_space<vmem>>, vector<16xf32>,
        tpu.vector_store %arg14[%parallel_loop3A_291], %parallel_loop3A_290 {strides = array<i32>} : memref<10000xf32, #tpu.memory_space<vmem>>, vector<16xf32>,
      } {sc.loop_unroll_factor = 8 : i64, sc.parallel_access}
      %parallel_loop3A_230 = arith.constant 0 : i32
      %parallel_loop3A_231 = arith.constant 625 : i32
      %parallel_loop3A_232 = arith.constant 1 : i32
      scf.for %parallel_loop3A_278 = %parallel_loop3A_230 to %parallel_loop3A_231 step %parallel_loop3A_232  : i32 {
        %parallel_loop3A_279 = arith.constant 16 : i32
        %parallel_loop3A_280 = arith.muli %parallel_loop3A_278, %parallel_loop3A_279 : i32
        %parallel_loop3A_281 = arith.constant 20000 : i32
        %parallel_loop3A_282 = arith.addi %parallel_loop3A_281, %parallel_loop3A_280 : i32
        %parallel_loop3A_283 = arith.index_cast %parallel_loop3A_282 : i32 to index
        %parallel_loop3A_284 = tpu.vector_load %arg6[%parallel_loop3A_283] {strides = array<i32>} : memref<40000xi32, #tpu.memory_space<vmem>>, vector<16xi32>,
        %parallel_loop3A_285 = arith.constant 16 : i32
        %parallel_loop3A_286 = arith.muli %parallel_loop3A_278, %parallel_loop3A_285 : i32
        %parallel_loop3A_287 = tpu.vector_load_idx %arg7[%parallel_loop3A_284] : memref<10000xf32, #tpu.memory_space<vmem>>[vector<16xi32>], vector<16xf32>,
        %parallel_loop3A_288 = arith.index_cast %parallel_loop3A_286 : i32 to index
        %parallel_loop3A_289 = tpu.vector_load %arg11[%parallel_loop3A_288] {strides = array<i32>} : memref<10000xf32, #tpu.memory_space<vmem>>, vector<16xf32>,
        tpu.vector_store %arg11[%parallel_loop3A_288], %parallel_loop3A_287 {strides = array<i32>} : memref<10000xf32, #tpu.memory_space<vmem>>, vector<16xf32>,
        %parallel_loop3A_290 = tpu.vector_load_idx %arg8[%parallel_loop3A_284] : memref<10000xf32, #tpu.memory_space<vmem>>[vector<16xi32>], vector<16xf32>,
        %parallel_loop3A_291 = arith.index_cast %parallel_loop3A_286 : i32 to index
        %parallel_loop3A_292 = tpu.vector_load %arg12[%parallel_loop3A_291] {strides = array<i32>} : memref<10000xf32, #tpu.memory_space<vmem>>, vector<16xf32>,
        tpu.vector_store %arg12[%parallel_loop3A_291], %parallel_loop3A_290 {strides = array<i32>} : memref<10000xf32, #tpu.memory_space<vmem>>, vector<16xf32>,
      } {sc.loop_unroll_factor = 8 : i64, sc.parallel_access}
      %parallel_loop3A_233 = arith.constant 0 : i32
      %parallel_loop3A_234 = arith.constant 625 : i32
      %parallel_loop3A_235 = arith.constant 1 : i32
      scf.for %parallel_loop3A_278 = %parallel_loop3A_233 to %parallel_loop3A_234 step %parallel_loop3A_235  : i32 {
        %parallel_loop3A_279 = arith.constant 16 : i32
        %parallel_loop3A_280 = arith.muli %parallel_loop3A_278, %parallel_loop3A_279 : i32
        %parallel_loop3A_281 = arith.constant 30000 : i32
        %parallel_loop3A_282 = arith.addi %parallel_loop3A_281, %parallel_loop3A_280 : i32
        %parallel_loop3A_283 = arith.index_cast %parallel_loop3A_282 : i32 to index
        %parallel_loop3A_284 = tpu.vector_load %arg6[%parallel_loop3A_283] {strides = array<i32>} : memref<40000xi32, #tpu.memory_space<vmem>>, vector<16xi32>,
        %parallel_loop3A_285 = arith.constant 16 : i32
        %parallel_loop3A_286 = arith.muli %parallel_loop3A_278, %parallel_loop3A_285 : i32
        %parallel_loop3A_287 = tpu.vector_load_idx %arg7[%parallel_loop3A_284] : memref<10000xf32, #tpu.memory_space<vmem>>[vector<16xi32>], vector<16xf32>,
        %parallel_loop3A_288 = arith.index_cast %parallel_loop3A_286 : i32 to index
        %parallel_loop3A_289 = tpu.vector_load %arg13[%parallel_loop3A_288] {strides = array<i32>} : memref<10000xf32, #tpu.memory_space<vmem>>, vector<16xf32>,
        tpu.vector_store %arg13[%parallel_loop3A_288], %parallel_loop3A_287 {strides = array<i32>} : memref<10000xf32, #tpu.memory_space<vmem>>, vector<16xf32>,
        %parallel_loop3A_290 = tpu.vector_load_idx %arg8[%parallel_loop3A_284] : memref<10000xf32, #tpu.memory_space<vmem>>[vector<16xi32>], vector<16xf32>,
        %parallel_loop3A_291 = arith.index_cast %parallel_loop3A_286 : i32 to index
        %parallel_loop3A_292 = tpu.vector_load %arg14[%parallel_loop3A_291] {strides = array<i32>} : memref<10000xf32, #tpu.memory_space<vmem>>, vector<16xf32>,
        tpu.vector_store %arg14[%parallel_loop3A_291], %parallel_loop3A_290 {strides = array<i32>} : memref<10000xf32, #tpu.memory_space<vmem>>, vector<16xf32>,
      } {sc.loop_unroll_factor = 8 : i64, sc.parallel_access}
      %mul3A_236 = arith.constant 2 : i32
      %mul3A_237 = arith.muli %scan3A_195, %mul3A_236 : i32
      %add3A_238 = arith.constant 1 : i32
      %add3A_239 = arith.addi %mul3A_237, %add3A_238 : i32
      %mul3A_240 = arith.constant 2 : i32
      %mul3A_241 = arith.muli %add3A_239, %mul3A_240 : i32
      %add3A_242 = arith.constant 0 : i32
      %add3A_243 = arith.addi %mul3A_241, %add3A_242 : i32
      %add3A_244 = arith.addi %mul3A_34, %add3A_243 : i32
      %mul3A_245 = arith.constant 10000 : i32
      %mul3A_246 = arith.muli %add3A_244, %mul3A_245 : i32
      %dma_wait3A_247 = tpu.memref_slice %arg3[%mul3A_246] : memref<1280000xf32, #tpu.memory_space<hbm>> -> memref<10000xf32, #tpu.memory_space<hbm>>
      %dma_wait3A_248 = tpu.memref_slice %arg3[%mul3A_246] : memref<1280000xf32, #tpu.memory_space<hbm>> -> memref<10000xf32, #tpu.memory_space<hbm>>
      tpu.wait_dma2 semaphore(%arg16 : memref<!tpu.dma_semaphore, #tpu.memory_space<semaphore_mem>>) src(%dma_wait3A_248 : memref<10000xf32, #tpu.memory_space<hbm>>) dst(%arg9 : memref<10000xf32, #tpu.memory_space<vmem>>)
      %mul3A_249 = arith.constant 2 : i32
      %mul3A_250 = arith.muli %add3A_239, %mul3A_249 : i32
      %add3A_251 = arith.constant 1 : i32
      %add3A_252 = arith.addi %mul3A_250, %add3A_251 : i32
      %add3A_253 = arith.addi %mul3A_34, %add3A_252 : i32
      %mul3A_254 = arith.constant 10000 : i32
      %mul3A_255 = arith.muli %add3A_253, %mul3A_254 : i32
      %dma_wait3A_256 = tpu.memref_slice %arg3[%mul3A_255] : memref<1280000xf32, #tpu.memory_space<hbm>> -> memref<10000xf32, #tpu.memory_space<hbm>>
      %dma_wait3A_257 = tpu.memref_slice %arg3[%mul3A_255] : memref<1280000xf32, #tpu.memory_space<hbm>> -> memref<10000xf32, #tpu.memory_space<hbm>>
      tpu.wait_dma2 semaphore(%arg16 : memref<!tpu.dma_semaphore, #tpu.memory_space<semaphore_mem>>) src(%dma_wait3A_257 : memref<10000xf32, #tpu.memory_space<hbm>>) dst(%arg10 : memref<10000xf32, #tpu.memory_space<vmem>>)
      %add3A_258 = arith.constant 1 : i32
      %add3A_259 = arith.addi %add3A_239, %add3A_258 : i32
      %lt3A_260 = arith.constant 8 : i32
      %lt3A_261 = arith.cmpi slt, %add3A_259, %lt3A_260 : i32
      %convert_element_type3A_262 = arith.extui %lt3A_261 : i1 to i32
      %cond3A_263 = arith.constant 0 : i32
      %cond3A_264 = arith.cmpi ne, %convert_element_type3A_262, %cond3A_263 : i32
      scf.if %cond3A_264 {
        %add3A_278 = arith.constant 1 : i32
        %add3A_279 = arith.addi %add3A_239, %add3A_278 : i32
        %mul3A_280 = arith.constant 2 : i32
        %mul3A_281 = arith.muli %add3A_279, %mul3A_280 : i32
        %add3A_282 = arith.constant 0 : i32
        %add3A_283 = arith.addi %mul3A_281, %add3A_282 : i32
        %add3A_284 = arith.addi %mul3A_34, %add3A_283 : i32
        %mul3A_285 = arith.constant 10000 : i32
        %mul3A_286 = arith.muli %add3A_284, %mul3A_285 : i32
        %dma_start3A_287 = tpu.memref_slice %arg3[%mul3A_286] : memref<1280000xf32, #tpu.memory_space<hbm>> -> memref<10000xf32, #tpu.memory_space<hbm>>
        %dma_start3A_288 = tpu.memref_slice %arg3[%mul3A_286] : memref<1280000xf32, #tpu.memory_space<hbm>> -> memref<10000xf32, #tpu.memory_space<hbm>>
        tpu.enqueue_dma source(%dma_start3A_288 : memref<10000xf32, #tpu.memory_space<hbm>>) target(%arg7 : memref<10000xf32, #tpu.memory_space<vmem>>) target_semaphore(%arg15 : memref<!tpu.dma_semaphore, #tpu.memory_space<semaphore_mem>>)
        %mul3A_289 = arith.constant 2 : i32
        %mul3A_290 = arith.muli %add3A_279, %mul3A_289 : i32
        %add3A_291 = arith.constant 1 : i32
        %add3A_292 = arith.addi %mul3A_290, %add3A_291 : i32
        %add3A_293 = arith.addi %mul3A_34, %add3A_292 : i32
        %mul3A_294 = arith.constant 10000 : i32
        %mul3A_295 = arith.muli %add3A_293, %mul3A_294 : i32
        %dma_start3A_296 = tpu.memref_slice %arg3[%mul3A_295] : memref<1280000xf32, #tpu.memory_space<hbm>> -> memref<10000xf32, #tpu.memory_space<hbm>>
        %dma_start3A_297 = tpu.memref_slice %arg3[%mul3A_295] : memref<1280000xf32, #tpu.memory_space<hbm>> -> memref<10000xf32, #tpu.memory_space<hbm>>
        tpu.enqueue_dma source(%dma_start3A_297 : memref<10000xf32, #tpu.memory_space<hbm>>) target(%arg8 : memref<10000xf32, #tpu.memory_space<vmem>>) target_semaphore(%arg15 : memref<!tpu.dma_semaphore, #tpu.memory_space<semaphore_mem>>)
      } else {
      }
      %parallel_loop3A_265 = arith.constant 0 : i32
      %parallel_loop3A_266 = arith.constant 625 : i32
      %parallel_loop3A_267 = arith.constant 1 : i32
      scf.for %parallel_loop3A_278 = %parallel_loop3A_265 to %parallel_loop3A_266 step %parallel_loop3A_267  : i32 {
        %parallel_loop3A_279 = arith.constant 16 : i32
        %parallel_loop3A_280 = arith.muli %parallel_loop3A_278, %parallel_loop3A_279 : i32
        %parallel_loop3A_281 = arith.constant 0 : i32
        %parallel_loop3A_282 = arith.addi %parallel_loop3A_281, %parallel_loop3A_280 : i32
        %parallel_loop3A_283 = arith.index_cast %parallel_loop3A_282 : i32 to index
        %parallel_loop3A_284 = tpu.vector_load %arg6[%parallel_loop3A_283] {strides = array<i32>} : memref<40000xi32, #tpu.memory_space<vmem>>, vector<16xi32>,
        %parallel_loop3A_285 = arith.constant 16 : i32
        %parallel_loop3A_286 = arith.muli %parallel_loop3A_278, %parallel_loop3A_285 : i32
        %parallel_loop3A_287 = tpu.vector_load_idx %arg9[%parallel_loop3A_284] : memref<10000xf32, #tpu.memory_space<vmem>>[vector<16xi32>], vector<16xf32>,
        %parallel_loop3A_288 = arith.index_cast %parallel_loop3A_286 : i32 to index
        %parallel_loop3A_289 = tpu.vector_load %arg11[%parallel_loop3A_288] {strides = array<i32>} : memref<10000xf32, #tpu.memory_space<vmem>>, vector<16xf32>,
        tpu.vector_store %arg11[%parallel_loop3A_288], %parallel_loop3A_287 {strides = array<i32>} : memref<10000xf32, #tpu.memory_space<vmem>>, vector<16xf32>,
        %parallel_loop3A_290 = tpu.vector_load_idx %arg10[%parallel_loop3A_284] : memref<10000xf32, #tpu.memory_space<vmem>>[vector<16xi32>], vector<16xf32>,
        %parallel_loop3A_291 = arith.index_cast %parallel_loop3A_286 : i32 to index
        %parallel_loop3A_292 = tpu.vector_load %arg12[%parallel_loop3A_291] {strides = array<i32>} : memref<10000xf32, #tpu.memory_space<vmem>>, vector<16xf32>,
        tpu.vector_store %arg12[%parallel_loop3A_291], %parallel_loop3A_290 {strides = array<i32>} : memref<10000xf32, #tpu.memory_space<vmem>>, vector<16xf32>,
      } {sc.loop_unroll_factor = 8 : i64, sc.parallel_access}
      %parallel_loop3A_268 = arith.constant 0 : i32
      %parallel_loop3A_269 = arith.constant 625 : i32
      %parallel_loop3A_270 = arith.constant 1 : i32
      scf.for %parallel_loop3A_278 = %parallel_loop3A_268 to %parallel_loop3A_269 step %parallel_loop3A_270  : i32 {
        %parallel_loop3A_279 = arith.constant 16 : i32
        %parallel_loop3A_280 = arith.muli %parallel_loop3A_278, %parallel_loop3A_279 : i32
        %parallel_loop3A_281 = arith.constant 10000 : i32
        %parallel_loop3A_282 = arith.addi %parallel_loop3A_281, %parallel_loop3A_280 : i32
        %parallel_loop3A_283 = arith.index_cast %parallel_loop3A_282 : i32 to index
        %parallel_loop3A_284 = tpu.vector_load %arg6[%parallel_loop3A_283] {strides = array<i32>} : memref<40000xi32, #tpu.memory_space<vmem>>, vector<16xi32>,
        %parallel_loop3A_285 = arith.constant 16 : i32
        %parallel_loop3A_286 = arith.muli %parallel_loop3A_278, %parallel_loop3A_285 : i32
        %parallel_loop3A_287 = tpu.vector_load_idx %arg9[%parallel_loop3A_284] : memref<10000xf32, #tpu.memory_space<vmem>>[vector<16xi32>], vector<16xf32>,
        %parallel_loop3A_288 = arith.index_cast %parallel_loop3A_286 : i32 to index
        %parallel_loop3A_289 = tpu.vector_load %arg13[%parallel_loop3A_288] {strides = array<i32>} : memref<10000xf32, #tpu.memory_space<vmem>>, vector<16xf32>,
        tpu.vector_store %arg13[%parallel_loop3A_288], %parallel_loop3A_287 {strides = array<i32>} : memref<10000xf32, #tpu.memory_space<vmem>>, vector<16xf32>,
        %parallel_loop3A_290 = tpu.vector_load_idx %arg10[%parallel_loop3A_284] : memref<10000xf32, #tpu.memory_space<vmem>>[vector<16xi32>], vector<16xf32>,
        %parallel_loop3A_291 = arith.index_cast %parallel_loop3A_286 : i32 to index
        %parallel_loop3A_292 = tpu.vector_load %arg14[%parallel_loop3A_291] {strides = array<i32>} : memref<10000xf32, #tpu.memory_space<vmem>>, vector<16xf32>,
        tpu.vector_store %arg14[%parallel_loop3A_291], %parallel_loop3A_290 {strides = array<i32>} : memref<10000xf32, #tpu.memory_space<vmem>>, vector<16xf32>,
      } {sc.loop_unroll_factor = 8 : i64, sc.parallel_access}
      %parallel_loop3A_271 = arith.constant 0 : i32
      %parallel_loop3A_272 = arith.constant 625 : i32
      %parallel_loop3A_273 = arith.constant 1 : i32
      scf.for %parallel_loop3A_278 = %parallel_loop3A_271 to %parallel_loop3A_272 step %parallel_loop3A_273  : i32 {
        %parallel_loop3A_279 = arith.constant 16 : i32
        %parallel_loop3A_280 = arith.muli %parallel_loop3A_278, %parallel_loop3A_279 : i32
        %parallel_loop3A_281 = arith.constant 20000 : i32
        %parallel_loop3A_282 = arith.addi %parallel_loop3A_281, %parallel_loop3A_280 : i32
        %parallel_loop3A_283 = arith.index_cast %parallel_loop3A_282 : i32 to index
        %parallel_loop3A_284 = tpu.vector_load %arg6[%parallel_loop3A_283] {strides = array<i32>} : memref<40000xi32, #tpu.memory_space<vmem>>, vector<16xi32>,
        %parallel_loop3A_285 = arith.constant 16 : i32
        %parallel_loop3A_286 = arith.muli %parallel_loop3A_278, %parallel_loop3A_285 : i32
        %parallel_loop3A_287 = tpu.vector_load_idx %arg9[%parallel_loop3A_284] : memref<10000xf32, #tpu.memory_space<vmem>>[vector<16xi32>], vector<16xf32>,
        %parallel_loop3A_288 = arith.index_cast %parallel_loop3A_286 : i32 to index
        %parallel_loop3A_289 = tpu.vector_load %arg11[%parallel_loop3A_288] {strides = array<i32>} : memref<10000xf32, #tpu.memory_space<vmem>>, vector<16xf32>,
        tpu.vector_store %arg11[%parallel_loop3A_288], %parallel_loop3A_287 {strides = array<i32>} : memref<10000xf32, #tpu.memory_space<vmem>>, vector<16xf32>,
        %parallel_loop3A_290 = tpu.vector_load_idx %arg10[%parallel_loop3A_284] : memref<10000xf32, #tpu.memory_space<vmem>>[vector<16xi32>], vector<16xf32>,
        %parallel_loop3A_291 = arith.index_cast %parallel_loop3A_286 : i32 to index
        %parallel_loop3A_292 = tpu.vector_load %arg12[%parallel_loop3A_291] {strides = array<i32>} : memref<10000xf32, #tpu.memory_space<vmem>>, vector<16xf32>,
        tpu.vector_store %arg12[%parallel_loop3A_291], %parallel_loop3A_290 {strides = array<i32>} : memref<10000xf32, #tpu.memory_space<vmem>>, vector<16xf32>,
      } {sc.loop_unroll_factor = 8 : i64, sc.parallel_access}
      %parallel_loop3A_274 = arith.constant 0 : i32
      %parallel_loop3A_275 = arith.constant 625 : i32
      %parallel_loop3A_276 = arith.constant 1 : i32
      scf.for %parallel_loop3A_278 = %parallel_loop3A_274 to %parallel_loop3A_275 step %parallel_loop3A_276  : i32 {
        %parallel_loop3A_279 = arith.constant 16 : i32
        %parallel_loop3A_280 = arith.muli %parallel_loop3A_278, %parallel_loop3A_279 : i32
        %parallel_loop3A_281 = arith.constant 30000 : i32
        %parallel_loop3A_282 = arith.addi %parallel_loop3A_281, %parallel_loop3A_280 : i32
        %parallel_loop3A_283 = arith.index_cast %parallel_loop3A_282 : i32 to index
        %parallel_loop3A_284 = tpu.vector_load %arg6[%parallel_loop3A_283] {strides = array<i32>} : memref<40000xi32, #tpu.memory_space<vmem>>, vector<16xi32>,
        %parallel_loop3A_285 = arith.constant 16 : i32
        %parallel_loop3A_286 = arith.muli %parallel_loop3A_278, %parallel_loop3A_285 : i32
        %parallel_loop3A_287 = tpu.vector_load_idx %arg9[%parallel_loop3A_284] : memref<10000xf32, #tpu.memory_space<vmem>>[vector<16xi32>], vector<16xf32>,
        %parallel_loop3A_288 = arith.index_cast %parallel_loop3A_286 : i32 to index
        %parallel_loop3A_289 = tpu.vector_load %arg13[%parallel_loop3A_288] {strides = array<i32>} : memref<10000xf32, #tpu.memory_space<vmem>>, vector<16xf32>,
        tpu.vector_store %arg13[%parallel_loop3A_288], %parallel_loop3A_287 {strides = array<i32>} : memref<10000xf32, #tpu.memory_space<vmem>>, vector<16xf32>,
        %parallel_loop3A_290 = tpu.vector_load_idx %arg10[%parallel_loop3A_284] : memref<10000xf32, #tpu.memory_space<vmem>>[vector<16xi32>], vector<16xf32>,
        %parallel_loop3A_291 = arith.index_cast %parallel_loop3A_286 : i32 to index
        %parallel_loop3A_292 = tpu.vector_load %arg14[%parallel_loop3A_291] {strides = array<i32>} : memref<10000xf32, #tpu.memory_space<vmem>>, vector<16xf32>,
        tpu.vector_store %arg14[%parallel_loop3A_291], %parallel_loop3A_290 {strides = array<i32>} : memref<10000xf32, #tpu.memory_space<vmem>>, vector<16xf32>,
      } {sc.loop_unroll_factor = 8 : i64, sc.parallel_access}
      %scan3A_277 = arith.constant 0 : i32
      scf.yield %scan3A_277 : i32
    }
    %scan3A_171 = arith.constant 4 : i32
    %add3A_172 = arith.constant 320000 : i32
    %add3A_173 = arith.addi %add3A_172, %mul3A_32 : i32
    %add3A_174 = arith.constant 40000 : i32
    %add3A_175 = arith.addi %add3A_173, %add3A_174 : i32
    "tpu.region"() ({
      %run_scoped3A = tpu.sem_alloc : memref<!tpu.dma_semaphore, #tpu.memory_space<semaphore_mem>>
      %dma_start3A_195 = tpu.memref_slice %arg4[%add3A_175] : memref<640000xi32, #tpu.memory_space<hbm>> -> memref<40000xi32, #tpu.memory_space<hbm>>
      %dma_start3A_196 = tpu.memref_slice %arg4[%add3A_175] : memref<640000xi32, #tpu.memory_space<hbm>> -> memref<40000xi32, #tpu.memory_space<hbm>>
      tpu.enqueue_dma source(%dma_start3A_196 : memref<40000xi32, #tpu.memory_space<hbm>>) target(%arg6 : memref<40000xi32, #tpu.memory_space<vmem>>) target_semaphore(%run_scoped3A : memref<!tpu.dma_semaphore, #tpu.memory_space<semaphore_mem>>)
      %dma_wait3A_197 = tpu.memref_slice %arg4[%add3A_175] : memref<640000xi32, #tpu.memory_space<hbm>> -> memref<40000xi32, #tpu.memory_space<hbm>>
      %dma_wait3A_198 = tpu.memref_slice %arg4[%add3A_175] : memref<640000xi32, #tpu.memory_space<hbm>> -> memref<40000xi32, #tpu.memory_space<hbm>>
      tpu.wait_dma2 semaphore(%run_scoped3A : memref<!tpu.dma_semaphore, #tpu.memory_space<semaphore_mem>>) src(%dma_wait3A_198 : memref<40000xi32, #tpu.memory_space<hbm>>) dst(%arg6 : memref<40000xi32, #tpu.memory_space<vmem>>)
      tpu.yield
    }) : () -> ()
    %add3A_176 = arith.constant 0 : i32
    %add3A_177 = arith.addi %mul3A_34, %add3A_176 : i32
    %mul3A_178 = arith.constant 10000 : i32
    %mul3A_179 = arith.muli %add3A_177, %mul3A_178 : i32
    %dma_start3A_180 = tpu.memref_slice %arg3[%mul3A_179] : memref<1280000xf32, #tpu.memory_space<hbm>> -> memref<10000xf32, #tpu.memory_space<hbm>>
    %dma_start3A_181 = tpu.memref_slice %arg3[%mul3A_179] : memref<1280000xf32, #tpu.memory_space<hbm>> -> memref<10000xf32, #tpu.memory_space<hbm>>
    tpu.enqueue_dma source(%dma_start3A_181 : memref<10000xf32, #tpu.memory_space<hbm>>) target(%arg7 : memref<10000xf32, #tpu.memory_space<vmem>>) target_semaphore(%arg15 : memref<!tpu.dma_semaphore, #tpu.memory_space<semaphore_mem>>)
    %add3A_182 = arith.constant 1 : i32
    %add3A_183 = arith.addi %mul3A_34, %add3A_182 : i32
    %mul3A_184 = arith.constant 10000 : i32
    %mul3A_185 = arith.muli %add3A_183, %mul3A_184 : i32
    %dma_start3A_186 = tpu.memref_slice %arg3[%mul3A_185] : memref<1280000xf32, #tpu.memory_space<hbm>> -> memref<10000xf32, #tpu.memory_space<hbm>>
    %dma_start3A_187 = tpu.memref_slice %arg3[%mul3A_185] : memref<1280000xf32, #tpu.memory_space<hbm>> -> memref<10000xf32, #tpu.memory_space<hbm>>
    tpu.enqueue_dma source(%dma_start3A_187 : memref<10000xf32, #tpu.memory_space<hbm>>) target(%arg8 : memref<10000xf32, #tpu.memory_space<vmem>>) target_semaphore(%arg15 : memref<!tpu.dma_semaphore, #tpu.memory_space<semaphore_mem>>)
    %scan3A_188 = arith.constant 0 : i32
    %scan3A_189 = arith.constant 0 : i32
    %scan3A_190 = arith.constant 4 : i32
    %scan3A_191 = arith.addi %scan3A_189, %scan3A_190 : i32
    %scan3A_192 = arith.constant 1 : i32
    %scan3A_193 = scf.for %scan3A_195 = %scan3A_189 to %scan3A_191 step %scan3A_192 iter_args(%scan3A_196 = %scan3A_188) -> (i32)  : i32 {
      %mul3A_197 = arith.constant 2 : i32
      %mul3A_198 = arith.muli %scan3A_195, %mul3A_197 : i32
      %add3A_199 = arith.constant 0 : i32
      %add3A_200 = arith.addi %mul3A_198, %add3A_199 : i32
      %mul3A_201 = arith.constant 2 : i32
      %mul3A_202 = arith.muli %add3A_200, %mul3A_201 : i32
      %add3A_203 = arith.constant 0 : i32
      %add3A_204 = arith.addi %mul3A_202, %add3A_203 : i32
      %add3A_205 = arith.addi %mul3A_34, %add3A_204 : i32
      %mul3A_206 = arith.constant 10000 : i32
      %mul3A_207 = arith.muli %add3A_205, %mul3A_206 : i32
      %dma_wait3A_208 = tpu.memref_slice %arg3[%mul3A_207] : memref<1280000xf32, #tpu.memory_space<hbm>> -> memref<10000xf32, #tpu.memory_space<hbm>>
      %dma_wait3A_209 = tpu.memref_slice %arg3[%mul3A_207] : memref<1280000xf32, #tpu.memory_space<hbm>> -> memref<10000xf32, #tpu.memory_space<hbm>>
      tpu.wait_dma2 semaphore(%arg15 : memref<!tpu.dma_semaphore, #tpu.memory_space<semaphore_mem>>) src(%dma_wait3A_209 : memref<10000xf32, #tpu.memory_space<hbm>>) dst(%arg7 : memref<10000xf32, #tpu.memory_space<vmem>>)
      %mul3A_210 = arith.constant 2 : i32
      %mul3A_211 = arith.muli %add3A_200, %mul3A_210 : i32
      %add3A_212 = arith.constant 1 : i32
      %add3A_213 = arith.addi %mul3A_211, %add3A_212 : i32
      %add3A_214 = arith.addi %mul3A_34, %add3A_213 : i32
      %mul3A_215 = arith.constant 10000 : i32
      %mul3A_216 = arith.muli %add3A_214, %mul3A_215 : i32
      %dma_wait3A_217 = tpu.memref_slice %arg3[%mul3A_216] : memref<1280000xf32, #tpu.memory_space<hbm>> -> memref<10000xf32, #tpu.memory_space<hbm>>
      %dma_wait3A_218 = tpu.memref_slice %arg3[%mul3A_216] : memref<1280000xf32, #tpu.memory_space<hbm>> -> memref<10000xf32, #tpu.memory_space<hbm>>
      tpu.wait_dma2 semaphore(%arg15 : memref<!tpu.dma_semaphore, #tpu.memory_space<semaphore_mem>>) src(%dma_wait3A_218 : memref<10000xf32, #tpu.memory_space<hbm>>) dst(%arg8 : memref<10000xf32, #tpu.memory_space<vmem>>)
      %add3A_219 = arith.constant 1 : i32
      %add3A_220 = arith.addi %add3A_200, %add3A_219 : i32
      %lt3A_221 = arith.constant 8 : i32
      %lt3A_222 = arith.cmpi slt, %add3A_220, %lt3A_221 : i32
      %convert_element_type3A = arith.extui %lt3A_222 : i1 to i32
      %cond3A = arith.constant 0 : i32
      %cond3A_223 = arith.cmpi ne, %convert_element_type3A, %cond3A : i32
      scf.if %cond3A_223 {
        %add3A_278 = arith.constant 1 : i32
        %add3A_279 = arith.addi %add3A_200, %add3A_278 : i32
        %mul3A_280 = arith.constant 2 : i32
        %mul3A_281 = arith.muli %add3A_279, %mul3A_280 : i32
        %add3A_282 = arith.constant 0 : i32
        %add3A_283 = arith.addi %mul3A_281, %add3A_282 : i32
        %add3A_284 = arith.addi %mul3A_34, %add3A_283 : i32
        %mul3A_285 = arith.constant 10000 : i32
        %mul3A_286 = arith.muli %add3A_284, %mul3A_285 : i32
        %dma_start3A_287 = tpu.memref_slice %arg3[%mul3A_286] : memref<1280000xf32, #tpu.memory_space<hbm>> -> memref<10000xf32, #tpu.memory_space<hbm>>
        %dma_start3A_288 = tpu.memref_slice %arg3[%mul3A_286] : memref<1280000xf32, #tpu.memory_space<hbm>> -> memref<10000xf32, #tpu.memory_space<hbm>>
        tpu.enqueue_dma source(%dma_start3A_288 : memref<10000xf32, #tpu.memory_space<hbm>>) target(%arg9 : memref<10000xf32, #tpu.memory_space<vmem>>) target_semaphore(%arg16 : memref<!tpu.dma_semaphore, #tpu.memory_space<semaphore_mem>>)
        %mul3A_289 = arith.constant 2 : i32
        %mul3A_290 = arith.muli %add3A_279, %mul3A_289 : i32
        %add3A_291 = arith.constant 1 : i32
        %add3A_292 = arith.addi %mul3A_290, %add3A_291 : i32
        %add3A_293 = arith.addi %mul3A_34, %add3A_292 : i32
        %mul3A_294 = arith.constant 10000 : i32
        %mul3A_295 = arith.muli %add3A_293, %mul3A_294 : i32
        %dma_start3A_296 = tpu.memref_slice %arg3[%mul3A_295] : memref<1280000xf32, #tpu.memory_space<hbm>> -> memref<10000xf32, #tpu.memory_space<hbm>>
        %dma_start3A_297 = tpu.memref_slice %arg3[%mul3A_295] : memref<1280000xf32, #tpu.memory_space<hbm>> -> memref<10000xf32, #tpu.memory_space<hbm>>
        tpu.enqueue_dma source(%dma_start3A_297 : memref<10000xf32, #tpu.memory_space<hbm>>) target(%arg10 : memref<10000xf32, #tpu.memory_space<vmem>>) target_semaphore(%arg16 : memref<!tpu.dma_semaphore, #tpu.memory_space<semaphore_mem>>)
      } else {
      }
      %parallel_loop3A_224 = arith.constant 0 : i32
      %parallel_loop3A_225 = arith.constant 625 : i32
      %parallel_loop3A_226 = arith.constant 1 : i32
      scf.for %parallel_loop3A_278 = %parallel_loop3A_224 to %parallel_loop3A_225 step %parallel_loop3A_226  : i32 {
        %parallel_loop3A_279 = arith.constant 16 : i32
        %parallel_loop3A_280 = arith.muli %parallel_loop3A_278, %parallel_loop3A_279 : i32
        %parallel_loop3A_281 = arith.constant 0 : i32
        %parallel_loop3A_282 = arith.addi %parallel_loop3A_281, %parallel_loop3A_280 : i32
        %parallel_loop3A_283 = arith.index_cast %parallel_loop3A_282 : i32 to index
        %parallel_loop3A_284 = tpu.vector_load %arg6[%parallel_loop3A_283] {strides = array<i32>} : memref<40000xi32, #tpu.memory_space<vmem>>, vector<16xi32>,
        %parallel_loop3A_285 = arith.constant 16 : i32
        %parallel_loop3A_286 = arith.muli %parallel_loop3A_278, %parallel_loop3A_285 : i32
        %parallel_loop3A_287 = tpu.vector_load_idx %arg7[%parallel_loop3A_284] : memref<10000xf32, #tpu.memory_space<vmem>>[vector<16xi32>], vector<16xf32>,
        %parallel_loop3A_288 = arith.index_cast %parallel_loop3A_286 : i32 to index
        %parallel_loop3A_289 = tpu.vector_load %arg11[%parallel_loop3A_288] {strides = array<i32>} : memref<10000xf32, #tpu.memory_space<vmem>>, vector<16xf32>,
        tpu.vector_store %arg11[%parallel_loop3A_288], %parallel_loop3A_287 {strides = array<i32>} : memref<10000xf32, #tpu.memory_space<vmem>>, vector<16xf32>,
        %parallel_loop3A_290 = tpu.vector_load_idx %arg8[%parallel_loop3A_284] : memref<10000xf32, #tpu.memory_space<vmem>>[vector<16xi32>], vector<16xf32>,
        %parallel_loop3A_291 = arith.index_cast %parallel_loop3A_286 : i32 to index
        %parallel_loop3A_292 = tpu.vector_load %arg12[%parallel_loop3A_291] {strides = array<i32>} : memref<10000xf32, #tpu.memory_space<vmem>>, vector<16xf32>,
        tpu.vector_store %arg12[%parallel_loop3A_291], %parallel_loop3A_290 {strides = array<i32>} : memref<10000xf32, #tpu.memory_space<vmem>>, vector<16xf32>,
      } {sc.loop_unroll_factor = 8 : i64, sc.parallel_access}
      %parallel_loop3A_227 = arith.constant 0 : i32
      %parallel_loop3A_228 = arith.constant 625 : i32
      %parallel_loop3A_229 = arith.constant 1 : i32
      scf.for %parallel_loop3A_278 = %parallel_loop3A_227 to %parallel_loop3A_228 step %parallel_loop3A_229  : i32 {
        %parallel_loop3A_279 = arith.constant 16 : i32
        %parallel_loop3A_280 = arith.muli %parallel_loop3A_278, %parallel_loop3A_279 : i32
        %parallel_loop3A_281 = arith.constant 10000 : i32
        %parallel_loop3A_282 = arith.addi %parallel_loop3A_281, %parallel_loop3A_280 : i32
        %parallel_loop3A_283 = arith.index_cast %parallel_loop3A_282 : i32 to index
        %parallel_loop3A_284 = tpu.vector_load %arg6[%parallel_loop3A_283] {strides = array<i32>} : memref<40000xi32, #tpu.memory_space<vmem>>, vector<16xi32>,
        %parallel_loop3A_285 = arith.constant 16 : i32
        %parallel_loop3A_286 = arith.muli %parallel_loop3A_278, %parallel_loop3A_285 : i32
        %parallel_loop3A_287 = tpu.vector_load_idx %arg7[%parallel_loop3A_284] : memref<10000xf32, #tpu.memory_space<vmem>>[vector<16xi32>], vector<16xf32>,
        %parallel_loop3A_288 = arith.index_cast %parallel_loop3A_286 : i32 to index
        %parallel_loop3A_289 = tpu.vector_load %arg13[%parallel_loop3A_288] {strides = array<i32>} : memref<10000xf32, #tpu.memory_space<vmem>>, vector<16xf32>,
        tpu.vector_store %arg13[%parallel_loop3A_288], %parallel_loop3A_287 {strides = array<i32>} : memref<10000xf32, #tpu.memory_space<vmem>>, vector<16xf32>,
        %parallel_loop3A_290 = tpu.vector_load_idx %arg8[%parallel_loop3A_284] : memref<10000xf32, #tpu.memory_space<vmem>>[vector<16xi32>], vector<16xf32>,
        %parallel_loop3A_291 = arith.index_cast %parallel_loop3A_286 : i32 to index
        %parallel_loop3A_292 = tpu.vector_load %arg14[%parallel_loop3A_291] {strides = array<i32>} : memref<10000xf32, #tpu.memory_space<vmem>>, vector<16xf32>,
        tpu.vector_store %arg14[%parallel_loop3A_291], %parallel_loop3A_290 {strides = array<i32>} : memref<10000xf32, #tpu.memory_space<vmem>>, vector<16xf32>,
      } {sc.loop_unroll_factor = 8 : i64, sc.parallel_access}
      %parallel_loop3A_230 = arith.constant 0 : i32
      %parallel_loop3A_231 = arith.constant 625 : i32
      %parallel_loop3A_232 = arith.constant 1 : i32
      scf.for %parallel_loop3A_278 = %parallel_loop3A_230 to %parallel_loop3A_231 step %parallel_loop3A_232  : i32 {
        %parallel_loop3A_279 = arith.constant 16 : i32
        %parallel_loop3A_280 = arith.muli %parallel_loop3A_278, %parallel_loop3A_279 : i32
        %parallel_loop3A_281 = arith.constant 20000 : i32
        %parallel_loop3A_282 = arith.addi %parallel_loop3A_281, %parallel_loop3A_280 : i32
        %parallel_loop3A_283 = arith.index_cast %parallel_loop3A_282 : i32 to index
        %parallel_loop3A_284 = tpu.vector_load %arg6[%parallel_loop3A_283] {strides = array<i32>} : memref<40000xi32, #tpu.memory_space<vmem>>, vector<16xi32>,
        %parallel_loop3A_285 = arith.constant 16 : i32
        %parallel_loop3A_286 = arith.muli %parallel_loop3A_278, %parallel_loop3A_285 : i32
        %parallel_loop3A_287 = tpu.vector_load_idx %arg7[%parallel_loop3A_284] : memref<10000xf32, #tpu.memory_space<vmem>>[vector<16xi32>], vector<16xf32>,
        %parallel_loop3A_288 = arith.index_cast %parallel_loop3A_286 : i32 to index
        %parallel_loop3A_289 = tpu.vector_load %arg11[%parallel_loop3A_288] {strides = array<i32>} : memref<10000xf32, #tpu.memory_space<vmem>>, vector<16xf32>,
        tpu.vector_store %arg11[%parallel_loop3A_288], %parallel_loop3A_287 {strides = array<i32>} : memref<10000xf32, #tpu.memory_space<vmem>>, vector<16xf32>,
        %parallel_loop3A_290 = tpu.vector_load_idx %arg8[%parallel_loop3A_284] : memref<10000xf32, #tpu.memory_space<vmem>>[vector<16xi32>], vector<16xf32>,
        %parallel_loop3A_291 = arith.index_cast %parallel_loop3A_286 : i32 to index
        %parallel_loop3A_292 = tpu.vector_load %arg12[%parallel_loop3A_291] {strides = array<i32>} : memref<10000xf32, #tpu.memory_space<vmem>>, vector<16xf32>,
        tpu.vector_store %arg12[%parallel_loop3A_291], %parallel_loop3A_290 {strides = array<i32>} : memref<10000xf32, #tpu.memory_space<vmem>>, vector<16xf32>,
      } {sc.loop_unroll_factor = 8 : i64, sc.parallel_access}
      %parallel_loop3A_233 = arith.constant 0 : i32
      %parallel_loop3A_234 = arith.constant 625 : i32
      %parallel_loop3A_235 = arith.constant 1 : i32
      scf.for %parallel_loop3A_278 = %parallel_loop3A_233 to %parallel_loop3A_234 step %parallel_loop3A_235  : i32 {
        %parallel_loop3A_279 = arith.constant 16 : i32
        %parallel_loop3A_280 = arith.muli %parallel_loop3A_278, %parallel_loop3A_279 : i32
        %parallel_loop3A_281 = arith.constant 30000 : i32
        %parallel_loop3A_282 = arith.addi %parallel_loop3A_281, %parallel_loop3A_280 : i32
        %parallel_loop3A_283 = arith.index_cast %parallel_loop3A_282 : i32 to index
        %parallel_loop3A_284 = tpu.vector_load %arg6[%parallel_loop3A_283] {strides = array<i32>} : memref<40000xi32, #tpu.memory_space<vmem>>, vector<16xi32>,
        %parallel_loop3A_285 = arith.constant 16 : i32
        %parallel_loop3A_286 = arith.muli %parallel_loop3A_278, %parallel_loop3A_285 : i32
        %parallel_loop3A_287 = tpu.vector_load_idx %arg7[%parallel_loop3A_284] : memref<10000xf32, #tpu.memory_space<vmem>>[vector<16xi32>], vector<16xf32>,
        %parallel_loop3A_288 = arith.index_cast %parallel_loop3A_286 : i32 to index
        %parallel_loop3A_289 = tpu.vector_load %arg13[%parallel_loop3A_288] {strides = array<i32>} : memref<10000xf32, #tpu.memory_space<vmem>>, vector<16xf32>,
        tpu.vector_store %arg13[%parallel_loop3A_288], %parallel_loop3A_287 {strides = array<i32>} : memref<10000xf32, #tpu.memory_space<vmem>>, vector<16xf32>,
        %parallel_loop3A_290 = tpu.vector_load_idx %arg8[%parallel_loop3A_284] : memref<10000xf32, #tpu.memory_space<vmem>>[vector<16xi32>], vector<16xf32>,
        %parallel_loop3A_291 = arith.index_cast %parallel_loop3A_286 : i32 to index
        %parallel_loop3A_292 = tpu.vector_load %arg14[%parallel_loop3A_291] {strides = array<i32>} : memref<10000xf32, #tpu.memory_space<vmem>>, vector<16xf32>,
        tpu.vector_store %arg14[%parallel_loop3A_291], %parallel_loop3A_290 {strides = array<i32>} : memref<10000xf32, #tpu.memory_space<vmem>>, vector<16xf32>,
      } {sc.loop_unroll_factor = 8 : i64, sc.parallel_access}
      %mul3A_236 = arith.constant 2 : i32
      %mul3A_237 = arith.muli %scan3A_195, %mul3A_236 : i32
      %add3A_238 = arith.constant 1 : i32
      %add3A_239 = arith.addi %mul3A_237, %add3A_238 : i32
      %mul3A_240 = arith.constant 2 : i32
      %mul3A_241 = arith.muli %add3A_239, %mul3A_240 : i32
      %add3A_242 = arith.constant 0 : i32
      %add3A_243 = arith.addi %mul3A_241, %add3A_242 : i32
      %add3A_244 = arith.addi %mul3A_34, %add3A_243 : i32
      %mul3A_245 = arith.constant 10000 : i32
      %mul3A_246 = arith.muli %add3A_244, %mul3A_245 : i32
      %dma_wait3A_247 = tpu.memref_slice %arg3[%mul3A_246] : memref<1280000xf32, #tpu.memory_space<hbm>> -> memref<10000xf32, #tpu.memory_space<hbm>>
      %dma_wait3A_248 = tpu.memref_slice %arg3[%mul3A_246] : memref<1280000xf32, #tpu.memory_space<hbm>> -> memref<10000xf32, #tpu.memory_space<hbm>>
      tpu.wait_dma2 semaphore(%arg16 : memref<!tpu.dma_semaphore, #tpu.memory_space<semaphore_mem>>) src(%dma_wait3A_248 : memref<10000xf32, #tpu.memory_space<hbm>>) dst(%arg9 : memref<10000xf32, #tpu.memory_space<vmem>>)
      %mul3A_249 = arith.constant 2 : i32
      %mul3A_250 = arith.muli %add3A_239, %mul3A_249 : i32
      %add3A_251 = arith.constant 1 : i32
      %add3A_252 = arith.addi %mul3A_250, %add3A_251 : i32
      %add3A_253 = arith.addi %mul3A_34, %add3A_252 : i32
      %mul3A_254 = arith.constant 10000 : i32
      %mul3A_255 = arith.muli %add3A_253, %mul3A_254 : i32
      %dma_wait3A_256 = tpu.memref_slice %arg3[%mul3A_255] : memref<1280000xf32, #tpu.memory_space<hbm>> -> memref<10000xf32, #tpu.memory_space<hbm>>
      %dma_wait3A_257 = tpu.memref_slice %arg3[%mul3A_255] : memref<1280000xf32, #tpu.memory_space<hbm>> -> memref<10000xf32, #tpu.memory_space<hbm>>
      tpu.wait_dma2 semaphore(%arg16 : memref<!tpu.dma_semaphore, #tpu.memory_space<semaphore_mem>>) src(%dma_wait3A_257 : memref<10000xf32, #tpu.memory_space<hbm>>) dst(%arg10 : memref<10000xf32, #tpu.memory_space<vmem>>)
      %add3A_258 = arith.constant 1 : i32
      %add3A_259 = arith.addi %add3A_239, %add3A_258 : i32
      %lt3A_260 = arith.constant 8 : i32
      %lt3A_261 = arith.cmpi slt, %add3A_259, %lt3A_260 : i32
      %convert_element_type3A_262 = arith.extui %lt3A_261 : i1 to i32
      %cond3A_263 = arith.constant 0 : i32
      %cond3A_264 = arith.cmpi ne, %convert_element_type3A_262, %cond3A_263 : i32
      scf.if %cond3A_264 {
        %add3A_278 = arith.constant 1 : i32
        %add3A_279 = arith.addi %add3A_239, %add3A_278 : i32
        %mul3A_280 = arith.constant 2 : i32
        %mul3A_281 = arith.muli %add3A_279, %mul3A_280 : i32
        %add3A_282 = arith.constant 0 : i32
        %add3A_283 = arith.addi %mul3A_281, %add3A_282 : i32
        %add3A_284 = arith.addi %mul3A_34, %add3A_283 : i32
        %mul3A_285 = arith.constant 10000 : i32
        %mul3A_286 = arith.muli %add3A_284, %mul3A_285 : i32
        %dma_start3A_287 = tpu.memref_slice %arg3[%mul3A_286] : memref<1280000xf32, #tpu.memory_space<hbm>> -> memref<10000xf32, #tpu.memory_space<hbm>>
        %dma_start3A_288 = tpu.memref_slice %arg3[%mul3A_286] : memref<1280000xf32, #tpu.memory_space<hbm>> -> memref<10000xf32, #tpu.memory_space<hbm>>
        tpu.enqueue_dma source(%dma_start3A_288 : memref<10000xf32, #tpu.memory_space<hbm>>) target(%arg7 : memref<10000xf32, #tpu.memory_space<vmem>>) target_semaphore(%arg15 : memref<!tpu.dma_semaphore, #tpu.memory_space<semaphore_mem>>)
        %mul3A_289 = arith.constant 2 : i32
        %mul3A_290 = arith.muli %add3A_279, %mul3A_289 : i32
        %add3A_291 = arith.constant 1 : i32
        %add3A_292 = arith.addi %mul3A_290, %add3A_291 : i32
        %add3A_293 = arith.addi %mul3A_34, %add3A_292 : i32
        %mul3A_294 = arith.constant 10000 : i32
        %mul3A_295 = arith.muli %add3A_293, %mul3A_294 : i32
        %dma_start3A_296 = tpu.memref_slice %arg3[%mul3A_295] : memref<1280000xf32, #tpu.memory_space<hbm>> -> memref<10000xf32, #tpu.memory_space<hbm>>
        %dma_start3A_297 = tpu.memref_slice %arg3[%mul3A_295] : memref<1280000xf32, #tpu.memory_space<hbm>> -> memref<10000xf32, #tpu.memory_space<hbm>>
        tpu.enqueue_dma source(%dma_start3A_297 : memref<10000xf32, #tpu.memory_space<hbm>>) target(%arg8 : memref<10000xf32, #tpu.memory_space<vmem>>) target_semaphore(%arg15 : memref<!tpu.dma_semaphore, #tpu.memory_space<semaphore_mem>>)
      } else {
      }
      %parallel_loop3A_265 = arith.constant 0 : i32
      %parallel_loop3A_266 = arith.constant 625 : i32
      %parallel_loop3A_267 = arith.constant 1 : i32
      scf.for %parallel_loop3A_278 = %parallel_loop3A_265 to %parallel_loop3A_266 step %parallel_loop3A_267  : i32 {
        %parallel_loop3A_279 = arith.constant 16 : i32
        %parallel_loop3A_280 = arith.muli %parallel_loop3A_278, %parallel_loop3A_279 : i32
        %parallel_loop3A_281 = arith.constant 0 : i32
        %parallel_loop3A_282 = arith.addi %parallel_loop3A_281, %parallel_loop3A_280 : i32
        %parallel_loop3A_283 = arith.index_cast %parallel_loop3A_282 : i32 to index
        %parallel_loop3A_284 = tpu.vector_load %arg6[%parallel_loop3A_283] {strides = array<i32>} : memref<40000xi32, #tpu.memory_space<vmem>>, vector<16xi32>,
        %parallel_loop3A_285 = arith.constant 16 : i32
        %parallel_loop3A_286 = arith.muli %parallel_loop3A_278, %parallel_loop3A_285 : i32
        %parallel_loop3A_287 = tpu.vector_load_idx %arg9[%parallel_loop3A_284] : memref<10000xf32, #tpu.memory_space<vmem>>[vector<16xi32>], vector<16xf32>,
        %parallel_loop3A_288 = arith.index_cast %parallel_loop3A_286 : i32 to index
        %parallel_loop3A_289 = tpu.vector_load %arg11[%parallel_loop3A_288] {strides = array<i32>} : memref<10000xf32, #tpu.memory_space<vmem>>, vector<16xf32>,
        tpu.vector_store %arg11[%parallel_loop3A_288], %parallel_loop3A_287 {strides = array<i32>} : memref<10000xf32, #tpu.memory_space<vmem>>, vector<16xf32>,
        %parallel_loop3A_290 = tpu.vector_load_idx %arg10[%parallel_loop3A_284] : memref<10000xf32, #tpu.memory_space<vmem>>[vector<16xi32>], vector<16xf32>,
        %parallel_loop3A_291 = arith.index_cast %parallel_loop3A_286 : i32 to index
        %parallel_loop3A_292 = tpu.vector_load %arg12[%parallel_loop3A_291] {strides = array<i32>} : memref<10000xf32, #tpu.memory_space<vmem>>, vector<16xf32>,
        tpu.vector_store %arg12[%parallel_loop3A_291], %parallel_loop3A_290 {strides = array<i32>} : memref<10000xf32, #tpu.memory_space<vmem>>, vector<16xf32>,
      } {sc.loop_unroll_factor = 8 : i64, sc.parallel_access}
      %parallel_loop3A_268 = arith.constant 0 : i32
      %parallel_loop3A_269 = arith.constant 625 : i32
      %parallel_loop3A_270 = arith.constant 1 : i32
      scf.for %parallel_loop3A_278 = %parallel_loop3A_268 to %parallel_loop3A_269 step %parallel_loop3A_270  : i32 {
        %parallel_loop3A_279 = arith.constant 16 : i32
        %parallel_loop3A_280 = arith.muli %parallel_loop3A_278, %parallel_loop3A_279 : i32
        %parallel_loop3A_281 = arith.constant 10000 : i32
        %parallel_loop3A_282 = arith.addi %parallel_loop3A_281, %parallel_loop3A_280 : i32
        %parallel_loop3A_283 = arith.index_cast %parallel_loop3A_282 : i32 to index
        %parallel_loop3A_284 = tpu.vector_load %arg6[%parallel_loop3A_283] {strides = array<i32>} : memref<40000xi32, #tpu.memory_space<vmem>>, vector<16xi32>,
        %parallel_loop3A_285 = arith.constant 16 : i32
        %parallel_loop3A_286 = arith.muli %parallel_loop3A_278, %parallel_loop3A_285 : i32
        %parallel_loop3A_287 = tpu.vector_load_idx %arg9[%parallel_loop3A_284] : memref<10000xf32, #tpu.memory_space<vmem>>[vector<16xi32>], vector<16xf32>,
        %parallel_loop3A_288 = arith.index_cast %parallel_loop3A_286 : i32 to index
        %parallel_loop3A_289 = tpu.vector_load %arg13[%parallel_loop3A_288] {strides = array<i32>} : memref<10000xf32, #tpu.memory_space<vmem>>, vector<16xf32>,
        tpu.vector_store %arg13[%parallel_loop3A_288], %parallel_loop3A_287 {strides = array<i32>} : memref<10000xf32, #tpu.memory_space<vmem>>, vector<16xf32>,
        %parallel_loop3A_290 = tpu.vector_load_idx %arg10[%parallel_loop3A_284] : memref<10000xf32, #tpu.memory_space<vmem>>[vector<16xi32>], vector<16xf32>,
        %parallel_loop3A_291 = arith.index_cast %parallel_loop3A_286 : i32 to index
        %parallel_loop3A_292 = tpu.vector_load %arg14[%parallel_loop3A_291] {strides = array<i32>} : memref<10000xf32, #tpu.memory_space<vmem>>, vector<16xf32>,
        tpu.vector_store %arg14[%parallel_loop3A_291], %parallel_loop3A_290 {strides = array<i32>} : memref<10000xf32, #tpu.memory_space<vmem>>, vector<16xf32>,
      } {sc.loop_unroll_factor = 8 : i64, sc.parallel_access}
      %parallel_loop3A_271 = arith.constant 0 : i32
      %parallel_loop3A_272 = arith.constant 625 : i32
      %parallel_loop3A_273 = arith.constant 1 : i32
      scf.for %parallel_loop3A_278 = %parallel_loop3A_271 to %parallel_loop3A_272 step %parallel_loop3A_273  : i32 {
        %parallel_loop3A_279 = arith.constant 16 : i32
        %parallel_loop3A_280 = arith.muli %parallel_loop3A_278, %parallel_loop3A_279 : i32
        %parallel_loop3A_281 = arith.constant 20000 : i32
        %parallel_loop3A_282 = arith.addi %parallel_loop3A_281, %parallel_loop3A_280 : i32
        %parallel_loop3A_283 = arith.index_cast %parallel_loop3A_282 : i32 to index
        %parallel_loop3A_284 = tpu.vector_load %arg6[%parallel_loop3A_283] {strides = array<i32>} : memref<40000xi32, #tpu.memory_space<vmem>>, vector<16xi32>,
        %parallel_loop3A_285 = arith.constant 16 : i32
        %parallel_loop3A_286 = arith.muli %parallel_loop3A_278, %parallel_loop3A_285 : i32
        %parallel_loop3A_287 = tpu.vector_load_idx %arg9[%parallel_loop3A_284] : memref<10000xf32, #tpu.memory_space<vmem>>[vector<16xi32>], vector<16xf32>,
        %parallel_loop3A_288 = arith.index_cast %parallel_loop3A_286 : i32 to index
        %parallel_loop3A_289 = tpu.vector_load %arg11[%parallel_loop3A_288] {strides = array<i32>} : memref<10000xf32, #tpu.memory_space<vmem>>, vector<16xf32>,
        tpu.vector_store %arg11[%parallel_loop3A_288], %parallel_loop3A_287 {strides = array<i32>} : memref<10000xf32, #tpu.memory_space<vmem>>, vector<16xf32>,
        %parallel_loop3A_290 = tpu.vector_load_idx %arg10[%parallel_loop3A_284] : memref<10000xf32, #tpu.memory_space<vmem>>[vector<16xi32>], vector<16xf32>,
        %parallel_loop3A_291 = arith.index_cast %parallel_loop3A_286 : i32 to index
        %parallel_loop3A_292 = tpu.vector_load %arg12[%parallel_loop3A_291] {strides = array<i32>} : memref<10000xf32, #tpu.memory_space<vmem>>, vector<16xf32>,
        tpu.vector_store %arg12[%parallel_loop3A_291], %parallel_loop3A_290 {strides = array<i32>} : memref<10000xf32, #tpu.memory_space<vmem>>, vector<16xf32>,
      } {sc.loop_unroll_factor = 8 : i64, sc.parallel_access}
      %parallel_loop3A_274 = arith.constant 0 : i32
      %parallel_loop3A_275 = arith.constant 625 : i32
      %parallel_loop3A_276 = arith.constant 1 : i32
      scf.for %parallel_loop3A_278 = %parallel_loop3A_274 to %parallel_loop3A_275 step %parallel_loop3A_276  : i32 {
        %parallel_loop3A_279 = arith.constant 16 : i32
        %parallel_loop3A_280 = arith.muli %parallel_loop3A_278, %parallel_loop3A_279 : i32
        %parallel_loop3A_281 = arith.constant 30000 : i32
        %parallel_loop3A_282 = arith.addi %parallel_loop3A_281, %parallel_loop3A_280 : i32
        %parallel_loop3A_283 = arith.index_cast %parallel_loop3A_282 : i32 to index
        %parallel_loop3A_284 = tpu.vector_load %arg6[%parallel_loop3A_283] {strides = array<i32>} : memref<40000xi32, #tpu.memory_space<vmem>>, vector<16xi32>,
        %parallel_loop3A_285 = arith.constant 16 : i32
        %parallel_loop3A_286 = arith.muli %parallel_loop3A_278, %parallel_loop3A_285 : i32
        %parallel_loop3A_287 = tpu.vector_load_idx %arg9[%parallel_loop3A_284] : memref<10000xf32, #tpu.memory_space<vmem>>[vector<16xi32>], vector<16xf32>,
        %parallel_loop3A_288 = arith.index_cast %parallel_loop3A_286 : i32 to index
        %parallel_loop3A_289 = tpu.vector_load %arg13[%parallel_loop3A_288] {strides = array<i32>} : memref<10000xf32, #tpu.memory_space<vmem>>, vector<16xf32>,
        tpu.vector_store %arg13[%parallel_loop3A_288], %parallel_loop3A_287 {strides = array<i32>} : memref<10000xf32, #tpu.memory_space<vmem>>, vector<16xf32>,
        %parallel_loop3A_290 = tpu.vector_load_idx %arg10[%parallel_loop3A_284] : memref<10000xf32, #tpu.memory_space<vmem>>[vector<16xi32>], vector<16xf32>,
        %parallel_loop3A_291 = arith.index_cast %parallel_loop3A_286 : i32 to index
        %parallel_loop3A_292 = tpu.vector_load %arg14[%parallel_loop3A_291] {strides = array<i32>} : memref<10000xf32, #tpu.memory_space<vmem>>, vector<16xf32>,
        tpu.vector_store %arg14[%parallel_loop3A_291], %parallel_loop3A_290 {strides = array<i32>} : memref<10000xf32, #tpu.memory_space<vmem>>, vector<16xf32>,
      } {sc.loop_unroll_factor = 8 : i64, sc.parallel_access}
      %scan3A_277 = arith.constant 0 : i32
      scf.yield %scan3A_277 : i32
    }
    %scan3A_194 = arith.constant 4 : i32
    return
  }
}

</mosaic_0001>

<sc_bundles>
// kernel: kernel.3.cloned.1.call-start
scs
__scs_entry_jumppad:
0x0: {  	(pc) =	sbr.rel $0x88, $3  }
0x1: {  	(tag) =	ssettag $0x0;
	lr =	simm.s32 $0x1  }
0x2: {  	[smem:$0x3F9E] =	sst lr;
	_ =	strace $0xD0000000  }
0x3: {  	_ = 	snop  }
0x4: {  	_ = 	snop  }
0x5: {  	_ = 	snop  }
0x6: {  	_ = 	snop  }
0x7: {  	_ = 	snop  }
__scs_overlays_trampoline_lowered:
0x8: {  	[smem:$0x3FAD] =	sst s0  }
0x9: {  	[smem:$0x3FAE] =	sst s1  }
0xa: {  	[smem:$0x3FAF] =	sst s2  }
0xb: {  	[smem:$0x3FB0] =	sst s3  }
0xc: {  	[smem:$0x3FB1] =	sst s4  }
0xd: {  	[smem:$0x3FB2] =	sst s5  }
0xe: {  	[smem:$0x3FB3] =	sst s6  }
0xf: {  	[smem:$0x3FB4] =	sst s7  }
0x10: {  	[smem:$0x3FB5] =	sst s8  }
0x11: {  	[smem:$0x3FB6] =	sst s9;
	s0 =	simm.s32 @!p0 $0x0  }
0x12: {  	s1 =	sld [smem:$0x3F9C];
	s0 =	simm.s32 @p0 $0x1  }
0x13: {  	[smem:$0x3FB7] =	sst s0;
	s0 =	simm.s32 @!p1 $0x0  }
0x14: {  	s2 =	sld [smem:$0x3F9B];
	s0 =	simm.s32 @p1 $0x1  }
0x15: {  	[smem:$0x3FB8] =	sst s0;
	s0 =	simm.s32 @!p2 $0x0  }
0x16: {  	s3 =	sld [smem:$0x3FDB];
	s0 =	simm.s32 @p2 $0x1  }
0x17: {  	s4 =	simm.s32 $0x1BF5;
	[smem:$0x3FBA] =	sst s0  }
0x18: {  	s0 =	sld [smem:$0x3F9D];
	_ =	swait.ge [sflag:s4], $0x0  }
0x19: {  	s7 =	sld [smem:$0x3F9E]  }
0x1a: {  	s8 =	sadd.s32 $0xFFFFE003, lr  }
0x1b: {  	s9 =	sadd.s32 $0xFFFFFEF7, lr;
	s5 =	simm.s32 $0xFFFFFFFF;
	p2 =	slt.u32 s8, $0xFFFFF086  }
0x1c: {  	p1 =	slt.u32 s9, $0xF7A;
	s5 =	simm.s32 @!p2 $0x0  }
0x1d: {  	s5 =	simm.s32 @p1 $0x1;
	p0 =	seq.s32 s7, s2  }
0x1e: {  	s7 =	smul.u32 @!p0 $0xF7A, s2;
	p2 =	seq.s32 @!p0 s5, $0x0  }
0x1f: {  	s9 =	smul.u32 $0xF7A, s1;
	s8 =	simm.s32 @!p0 $0x1BF5;
	p2 =	por !p2, p0  }
0x20: {  	[sflag:s8] =	ssyncset.s32 @!p0 $0xFFFFF086;
	s6 =	sadd.s32 @!p0 s3, s7;
	s7 =	simm.s32 @!p0 $0x108  }
0x21: {  	s3 =	sadd.s32 s3, s9;
	s6 =	sadd.s32 @!p0 $0x88, s6;
	s7 =	simm.s32 @p2 $0x1082  }
0x22: {  	[simem:s7], [sflag:s8] =	dma.local @!p0 [hbm:s6], $0xF7A  }
0x23: {  	s9 =	sor.u32 $0xD0000000, s2;
	s6 =	simm.s32 $0x108;
	_ =	swait.ge @!p0 [sflag:s8], $0x0  }
0x24: {  	s3 =	sadd.s32 $0x88, s3;
	s6 =	simm.s32 @!p1 $0x1082;
	[sflag:s4] =	ssyncset.s32 $0xFFFFF086  }
0x25: {  	[simem:s6], [sflag:s4] =	dma.local [hbm:s3], $0xF7A  }
0x26: {  	[smem:$0x3F9E] =	sst s1;
	(tag) =	ssettag s2;
	_ =	strace s9  }
0x27: {  	s1 =	sld [smem:$0x3FAE]  }
0x28: {  	s2 =	sld [smem:$0x3FAF]  }
0x29: {  	s4 =	sld [smem:$0x3FB1]  }
0x2a: {  	p0 =	seq.s32 s5, $0x0;
	s5 =	sld [smem:$0x3FB2]  }
0x2b: {  	s6 =	sld [smem:$0x3FB3]  }
0x2c: {  	s7 =	sld [smem:$0x3FB4]  }
0x2d: {  	s3 =	simm.s32 $0x108;
	s8 =	sld [smem:$0x3FB5]  }
0x2e: {  	s3 =	simm.s32 @!p0 $0x1082;
	s9 =	sld [smem:$0x3FB6]  }
0x2f: {  	lr =	sadd.s32 s0, s3;
	s0 =	sld [smem:$0x3FAD]  }
0x30: {  	s3 =	sld [smem:$0x3FB0]  }
0x31: {  	[smem:$0x3FB9] =	sst s10  }
0x32: {  	s10 =	sld [smem:$0x3FB7];
	_ =	sdelay $0x3  }
0x33: {  	p0 =	seq.s32 s10, $0x1;
	s10 =	sld [smem:$0x3FB9];
	_ =	sdelay $0x3  }
0x34: {  	[smem:$0x3FB9] =	sst s10  }
0x35: {  	s10 =	sld [smem:$0x3FB8];
	_ =	sdelay $0x3  }
0x36: {  	p1 =	seq.s32 s10, $0x1;
	s10 =	sld [smem:$0x3FB9];
	_ =	sdelay $0x3  }
0x37: {  	[smem:$0x3FB9] =	sst s10  }
0x38: {  	s10 =	sld [smem:$0x3FBA]  }
0x39: {  	_ = 	snop;
	(pc) =	sbr.ind lr, $3  }
0x3a: {  	_ = 	snop  }
0x3b: {  	_ = 	snop  }
0x3c: {  	p2 =	seq.s32 s10, $0x1;
	s10 =	sld [smem:$0x3FB9]  }
0x3d: {  	_ =	shalt  }
0x3e: {  	_ =	shalt  }
0x3f: {  	_ =	shalt  }
0x40: {  	_ =	shalt  }
0x41: {  	_ =	shalt  }
0x42: {  	_ =	shalt  }
0x43: {  	_ =	shalt  }
0x44: {  	_ =	shalt  }
0x45: {  	_ =	shalt  }
0x46: {  	_ =	shalt  }
0x47: {  	_ =	shalt  }
0x48: {  	_ =	shalt  }
0x49: {  	_ =	shalt  }
0x4a: {  	_ =	shalt  }
0x4b: {  	_ =	shalt  }
0x4c: {  	_ =	shalt  }
0x4d: {  	_ =	shalt  }
0x4e: {  	_ =	shalt  }
0x4f: {  	_ =	shalt  }
0x50: {  	_ =	shalt  }
0x51: {  	_ =	shalt  }
0x52: {  	_ =	shalt  }
0x53: {  	_ =	shalt  }
0x54: {  	_ =	shalt  }
0x55: {  	_ =	shalt  }
0x56: {  	_ =	shalt  }
0x57: {  	_ =	shalt  }
0x58: {  	_ =	shalt  }
0x59: {  	_ =	shalt  }
0x5a: {  	_ =	shalt  }
0x5b: {  	_ =	shalt  }
0x5c: {  	_ =	shalt  }
0x5d: {  	_ =	shalt  }
0x5e: {  	_ =	shalt  }
0x5f: {  	_ =	shalt  }
0x60: {  	_ =	shalt  }
0x61: {  	_ =	shalt  }
0x62: {  	_ =	shalt  }
0x63: {  	_ =	shalt  }
0x64: {  	_ =	shalt  }
0x65: {  	_ =	shalt  }
0x66: {  	_ =	shalt  }
0x67: {  	_ =	shalt  }
0x68: {  	_ =	shalt  }
0x69: {  	_ =	shalt  }
0x6a: {  	_ =	shalt  }
0x6b: {  	_ =	shalt  }
0x6c: {  	_ =	shalt  }
0x6d: {  	_ =	shalt  }
0x6e: {  	_ =	shalt  }
0x6f: {  	_ =	shalt  }
0x70: {  	_ =	shalt  }
0x71: {  	_ =	shalt  }
0x72: {  	_ =	shalt  }
0x73: {  	_ =	shalt  }
0x74: {  	_ =	shalt  }
0x75: {  	_ =	shalt  }
0x76: {  	_ =	shalt  }
0x77: {  	_ =	shalt  }
0x78: {  	_ =	shalt  }
0x79: {  	_ =	shalt  }
0x7a: {  	_ =	shalt  }
0x7b: {  	_ =	shalt  }
0x7c: {  	_ =	shalt  }
0x7d: {  	_ =	shalt  }
0x7e: {  	_ =	shalt  }
0x7f: {  	_ =	shalt  }
0x80: {  	_ =	shalt  }
0x81: {  	_ =	shalt  }
0x82: {  	_ =	shalt  }
0x83: {  	_ =	shalt  }
0x84: {  	_ =	shalt  }
0x85: {  	_ =	shalt  }
0x86: {  	_ =	shalt  }
0x87: {  	_ =	shalt  }
.Lfunc_end0:
.L_simem_size_0:
called_computation_lowered:
.L_overlay_start_0:
0x88: {  	s2 =	sld [smem:$0x3FD9]  }
0x89: {  	s3 =	sld [smem:$0x3FFE];
	_ =	sdelay $0x1  }
0x8a: {  	s1 =	srdreg.scid  }
0x8b: {  	s0 =	sand.u32 $0x1, s1  }
0x8c: {  	s17 =	sshll.u32 s0, $0xA;
	s2 =	sadd.s32 s3, s2  }
0x8d: {  	s2 =	sadd.s32 s2, s17  }
0x8e: {  	[smem:$0x3FC5] =	sst s2  }
0x8f: {  	_ = 	snop  }
0x90: {  	s2 =	sld [smem:$0x3FD0];
	(tm) =	ssettm $0x1  }
0x91: {  	s18 =	sld [smem:$0x3FFB];
	_ =	sdelay $0x3  }
0x92: {  	_ =	strace s18  }
0x93: {  	s3 =	sld [smem:$0x3FFC];
	_ =	sdelay $0x3  }
0x94: {  	_ =	strace s3  }
0x95: {  	s3 =	sld [smem:$0x3FFD];
	_ =	sdelay $0x3  }
0x96: {  	_ =	strace s3  }
0x97: {  	_ =	strace $0x8FFFFFFF  }
0x98: {  	s19 =	sld [smem:$0x3FDB];
	_ =	sdelay $0x1  }
0x99: {  	s4 =	simm.s32 $_scs_section_size  }
0x9a: {  	s5 =	simm.s32 $_size__tile_overlayer_lowered;
	s6 =	simm.s32 $_tile_overlayer_lowered  }
0x9b: {  	s22 =	simm.s32 $0x1BFF;
	s21 =	sshll.u32 s6, $0x1;
	s3 =	sadd.s32 s4, s19  }
0x9c: {  	s7 =	simm.s32 $0x0;
	s20 =	sshll.u32 s5, $0x1;
	s5 =	sadd.s32 s21, s3  }
0x9d: {  	[timem:s7], [sflag:s22] =	dma.local [hbm:s5], s20  }
0x9e: {  	_ =	swait.ge [sflag:s22], s20  }
0x9f: {  	s4 =	ssub.s32 $0x0, s20;
	[sflag:s22] =	ssyncset.done $0x0  }
0xa0: {  	[sflag:s22] =	ssyncadd.s32 s4;
	_ =	sdelay $0x1  }
0xa1: {  	s23 =	simm.s32 $0x1B8B  }
0xa2: {  	_ =	swait.ge [sflag:s23], $0x1  }
0xa3: {  	[sflag:s23] =	ssyncset.done $0x0  }
0xa4: {  	s25 =	simm.s32 $0x1B8E;
	s24 =	sld [smem:$0x3FFE];
	[sflag:s23] =	ssyncadd.s32 $0xFFFFFFFF  }
0xa5: {  	s26 =	simm.s32 $execute0_lowered;
	[smem:$0x3FD2] =	sst s25  }
0xa6: {  	s5 =	sshll.u32 s26, $0x1;
	_ =	strace $0x80000046;
	[dreg:$0x1] =	wrdreg $0xFFFFFFFF  }
0xa7: {  	s28 =	simm.s32 $_size_execute0_lowered;
	s3 =	sadd.s32 s3, s5;
	[dreg:$0x0] =	wrdreg $0x0  }
0xa8: {  	s5 =	sshll.u32 s28, $0x1;
	[dreg:$0x2] =	wrdreg s3  }
0xa9: {  	[dreg:$0x3] =	wrdreg s5  }
0xaa: {  	[dreg:$0x4] =	wrdreg $0xC0  }
0xab: {  	_ =	task [dreg:s7], $0x5FFFF  }
0xac: {  	[dreg:$0x1] =	wrdreg $0xFFFFFFFF  }
0xad: {  	[dreg:$0x0] =	wrdreg $0x60  }
0xae: {  	[dreg:$0x2] =	wrdreg s2  }
0xaf: {  	[dreg:$0x3] =	wrdreg s24  }
0xb0: {  	[dreg:$0x4] =	wrdreg $0x9  }
0xb1: {  	_ =	task.clear_ibuf [dreg:s7], $0x5FFFF;
	_ =	strace $0x90000046  }
0xb2: {  	s29 =	simm.s32 $0x9;
	_ =	strace $0x80000048  }
0xb3: {  	_ =	swait.ge [sflag:s29], $0x1  }
0xb4: {  	[sflag:s29] =	ssyncadd.s32 $0xFFFFFFFF  }
0xb5: {  	_ =	strace $0x90000048  }
0xb6: {  	_ =	sfence  }
0xb7: {  	s30 =	sld [smem:$0x0];
	_ =	sdelay $0x2  }
0xb8: {  	s31 =	sshll.u32 s1, $0xD;
	s1 =	sshrl.u32 s1, $0x2  }
0xb9: {  	s3 =	sand.u32 $0x4000, s31;
	s1 =	sadd.s32 s1, s30  }
0xba: {  	s0 =	sor.u32 s3, s0;
	s1 =	sshll.u32 s1, $0x11  }
0xbb: {  	s0 =	sor.u32 s1, s0  }
0xbc: {  	s0 =	sadd.s32 $0x8F2B, s0  }
0xbd: {  	[sflag:s0] =	ssyncadd.remote.s32 $0x1  }
0xbe: {  	_ =	sfence.sel $0xFFFF  }
0xbf: {  	[dreg:$0x0] =	wrdreg $0xFFFFFFFF;
	(pc) =	sbr.abs _section_cstart, $3  }
0xc0: {  	[dreg:$0x1] =	wrdreg $0xFFFFFFFF  }
0xc1: {  	_ =	task.clear_ibuf [dreg:s7], $0x2FFFF;
	_ =	strace $0x9FFFFFFF  }
0xc2: {  	(tm) =	ssettm $0x7FFFFFFF  }
0xc3: {  	_ =	shalt  }
tec
execute0_lowered:
.L_overlay_start_1:
0x0: {  	(tag) =	ssettag $0x1  }
0x1: {  	s1 =	rddreg [dreg:$0x0]  }
0x2: {  	s0 =	rddreg [dreg:$0x1];
	s3 =	simm.s32 $0x0  }
0x3: {  	s5 =	stileid.u32;
	s4 =	srdreg.scid;
	s20 =	simm.s32 $0x3  }
0x4: {  	s21 =	simm.s32 $0x9C80;
	s22 =	simm.s32 $0xC400;
	s23 =	simm.s32 $0x1  }
0x5: {  	s24 =	simm.s32 $0xEB80;
	s28 =	simm.s32 $0x0;
	[smem:$0x7FF] =	sst s3  }
0x6: {  	s2 =	sshrl.u32 s5, $0x2;
	s5 =	sshll.u32 s5, $0x1;
	s4 =	sand.u32 $0x1, s4  }
0x7: {  	s2 =	smul.u32 $0x13880, s2;
	s5 =	sand.u32 $0x6, s5;
	s6 =	ssub.s32 $0x2, s4  }
0x8: {  	_ =	strace $0x80000047;
	s7 =	sor.u32 s4, s5;
	s25 =	sshrl.u32 s6, $0x1  }
0x9: {  	s4 =	sadd.s32 $0x14800, s0;
	s2 =	sshrl.u32 s2, $0x3;
	s8 =	smul.u32 $0x27100, s7  }
0xa: {  	s26 =	ssub.s32 s6, s25;
	s5 =	sshll.u32 s7, $0x4;
	s29 =	smul.u32 $0x4E20, s7  }
0xb: {  	s25 =	simm.s32 $0x11300;
	s0 =	sadd.s32 s2, s0;
	s13 =	sor.u32 $0x1, s5  }
0xc: {  	s19 =	smax.u32 s26, $0x1;
	s26 =	simm.s32 $0x2;
	s30 =	sshrl.u32 s8, $0x3  }
0xd: {  	s31 =	sadd.s32 $0xE00, s0;
	s7 =	sadd.s32 s1, s29;
	s14 =	sadd.s32 $0x2188, s0  }
0xe: {  	s15 =	sadd.s32 $0xAA40, s0;
	s16 =	sadd.s32 s4, s29;
	s18 =	sadd.s32 $0xBDC8, s0  }
0xf: {  	[dreg:$0x3] =	wrdreg s31;
	s17 =	sadd.s32 $0x4E2, s30;
	s12 =	sadd.s32 s1, s30  }
0x10: {  	s8 =	sadd.s32 s1, s17;
	s9 =	sadd.s32 $0x9C4, s12;
	s10 =	sadd.s32 $0xEA6, s12  }
0x11: {  	s11 =	sadd.s32 $0x1388, s12;
	s12 =	sadd.s32 $0x186A, s12;
	s17 =	sadd.s32 s4, s17  }
.LBB2_1:
0x12: {  	s0 =	rddreg [dreg:$0x3]  }
0x13: {  	[tilespmem:s3], [sflag:$0x3] =	stream.linear.gather [hbm4b:s0+s3], $0x9C40, $0x38;
	[tilespmem:$0x1D880] =	vst v63  }
0x14: {  	_ =	swait.ge [sflag:s20], $0x9C40  }
0x15: {  	[sflag:s20] =	ssyncset.done $0x0  }
0x16: {  	[sflag:s20] =	ssyncadd.s32 $0xFFFF63C0  }
0x17: {  	[tilespmem:s21], [sflag:$0x1] =	stream.linear.gather [hbm4b:s7+s3], $0x2710, $0x38;
	[tilespmem:$0x1D880] =	vst v63  }
0x18: {  	_ = 	snop  }
0x19: {  	[tilespmem:s22], [sflag:$0x1] =	stream.linear.gather [hbm4b:s8+s3], $0x2710, $0x38;
	[tilespmem:$0x1D880] =	vst v63  }
0x1a: {  	_ =	swait.ge [sflag:s23], $0x2710  }
0x1b: {  	[sflag:s23] =	ssyncset.done $0x0  }
0x1c: {  	[sflag:s23] =	ssyncadd.s32 $0xFFFFD8F0  }
0x1d: {  	_ =	swait.ge [sflag:s23], $0x2710  }
0x1e: {  	[sflag:s23] =	ssyncset.done $0x0  }
0x1f: {  	[sflag:s23] =	ssyncadd.s32 $0xFFFFD8F0  }
0x20: {  	[tilespmem:s24], [sflag:$0x2] =	stream.linear.gather [hbm4b:s9+s3], $0x2710, $0x38;
	[tilespmem:$0x1D880] =	vst v63  }
0x21: {  	s31 =	simm.s32 $0x40  }
0x22: {  	[tilespmem:s25], [sflag:$0x2] =	stream.linear.gather [hbm4b:s10+s3], $0x2710, $0x38;
	[tilespmem:$0x1D880] =	vst v63  }
0x23: {  	v0 =	vld [tilespmem:s31+$0x30]  }
0x24: {  	v1 =	vld [tilespmem:s31+$0xFFFFFFD0]  }
0x25: {  	v2 =	vld [tilespmem:s31+$0xFFFFFFE0]  }
0x26: {  	v3 =	vld [tilespmem:s31+$0xFFFFFFF0]  }
0x27: {  	v4 =	vld [tilespmem:s31+$0x0]  }
0x28: {  	v5 =	vld [tilespmem:s31+$0x10]  }
0x29: {  	v6 =	vld [tilespmem:s31+$0x20]  }
0x2a: {  	v7 =	vld [tilespmem:s31+$0xFFFFFFC0]  }
0x2b: {  	v8 =	vld.idx.msk [tilespmem:v0+s21+$0x0], $0xffff  }
0x2c: {  	v9 =	vld.idx.msk [tilespmem:v1+s21+$0x0], $0xffff  }
0x2d: {  	v10 =	vld.idx.msk [tilespmem:v2+s21+$0x0], $0xffff  }
0x2e: {  	v11 =	vld.idx.msk [tilespmem:v3+s21+$0x0], $0xffff  }
0x2f: {  	v12 =	vld.idx.msk [tilespmem:v4+s21+$0x0], $0xffff  }
0x30: {  	s29 =	simm.s32 $0x13AC0;
	v13 =	vld.idx.msk [tilespmem:v5+s21+$0x0], $0xffff  }
0x31: {  	v14 =	vld.idx.msk [tilespmem:v6+s21+$0x0], $0xffff;
	[tilespmem:s29+$0x30] =	vst v8  }
0x32: {  	v62 =	vld.idx.msk [tilespmem:v7+s21+$0x0], $0xffff;
	[tilespmem:s29+$0xFFFFFFD0] =	vst v9  }
0x33: {  	[tilespmem:s29+$0xFFFFFFE0] =	vst v10;
	v8 =	vld.idx.msk [tilespmem:v0+s22+$0x0], $0xffff  }
0x34: {  	[tilespmem:s29+$0xFFFFFFF0] =	vst v11;
	v63 =	vld.idx.msk [tilespmem:v1+s22+$0x0], $0xffff  }
0x35: {  	[tilespmem:s29+$0x0] =	vst v12;
	v0 =	vld.idx.msk [tilespmem:v2+s22+$0x0], $0xffff  }
0x36: {  	[tilespmem:s29+$0x10] =	vst v13;
	v1 =	vld.idx.msk [tilespmem:v3+s22+$0x0], $0xffff  }
0x37: {  	[tilespmem:s29+$0x20] =	vst v14;
	v2 =	vld.idx.msk [tilespmem:v4+s22+$0x0], $0xffff  }
0x38: {  	s30 =	simm.s32 $0x16240;
	[tilespmem:s29+$0xFFFFFFC0] =	vst v62;
	v3 =	vld.idx.msk [tilespmem:v5+s22+$0x0], $0xffff  }
0x39: {  	v4 =	vld.idx.msk [tilespmem:v6+s22+$0x0], $0xffff;
	[tilespmem:s30+$0x30] =	vst v8  }
0x3a: {  	s2 =	simm.s32 $0xC0;
	s0 =	simm.s32 $0x0;
	v5 =	vld.idx.msk [tilespmem:v7+s22+$0x0], $0xffff;
	[tilespmem:s30+$0xFFFFFFD0] =	vst v63  }
.LBB2_2:
0x3b: {  	v6 =	vld [tilespmem:s2+$0x30];
	s0 =	sadd.s32 $0x8, s0;
	[tilespmem:s30+$0xFFFFFFE0] =	vst v0  }
0x3c: {  	v0 =	vld [tilespmem:s2+$0xFFFFFFD0];
	p0 =	slt.u32 s0, $0x268;
	[tilespmem:s30+$0xFFFFFFF0] =	vst v1  }
0x3d: {  	v1 =	vld [tilespmem:s2+$0xFFFFFFE0];
	[tilespmem:s30+$0x0] =	vst v2  }
0x3e: {  	v2 =	vld [tilespmem:s2+$0xFFFFFFF0];
	[tilespmem:s30+$0x10] =	vst v3  }
0x3f: {  	v3 =	vld [tilespmem:s2+$0x0];
	[tilespmem:s30+$0x20] =	vst v4  }
0x40: {  	v4 =	vld [tilespmem:s2+$0x10];
	[tilespmem:s30+$0xFFFFFFC0] =	vst v5  }
0x41: {  	v5 =	vld [tilespmem:s2+$0x20]  }
0x42: {  	v7 =	vld [tilespmem:s2+$0xFFFFFFC0]  }
0x43: {  	v8 =	vld.idx.msk [tilespmem:v6+s21+$0x0], $0xffff  }
0x44: {  	v9 =	vld.idx.msk [tilespmem:v0+s21+$0x0], $0xffff  }
0x45: {  	v10 =	vld.idx.msk [tilespmem:v1+s21+$0x0], $0xffff  }
0x46: {  	v11 =	vld.idx.msk [tilespmem:v2+s21+$0x0], $0xffff  }
0x47: {  	v12 =	vld.idx.msk [tilespmem:v3+s21+$0x0], $0xffff  }
0x48: {  	s29 =	sadd.s32 $0x80, s29;
	v13 =	vld.idx.msk [tilespmem:v4+s21+$0x0], $0xffff  }
0x49: {  	v14 =	vld.idx.msk [tilespmem:v5+s21+$0x0], $0xffff;
	[tilespmem:s29+$0x30] =	vst v8  }
0x4a: {  	[tilespmem:s29+$0xFFFFFFD0] =	vst v9;
	v6 =	vld.idx.msk [tilespmem:v6+s22+$0x0], $0xffff  }
0x4b: {  	v8 =	vld.idx.msk [tilespmem:v7+s21+$0x0], $0xffff;
	[tilespmem:s29+$0xFFFFFFE0] =	vst v10  }
0x4c: {  	v9 =	vld.idx.msk [tilespmem:v0+s22+$0x0], $0xffff;
	[tilespmem:s29+$0xFFFFFFF0] =	vst v11  }
0x4d: {  	v0 =	vld.idx.msk [tilespmem:v1+s22+$0x0], $0xffff;
	[tilespmem:s29+$0x0] =	vst v12  }
.Ltmp0:
0x4e: {  	v1 =	vld.idx.msk [tilespmem:v2+s22+$0x0], $0xffff;
	[tilespmem:s29+$0x10] =	vst v13;
	(pc) =	sbr.rel @p0 .LBB2_2-.Ltmp0, $4  }
0x4f: {  	s30 =	sadd.s32 $0x80, s30;
	v2 =	vld.idx.msk [tilespmem:v3+s22+$0x0], $0xffff;
	[tilespmem:s29+$0x20] =	vst v14  }
0x50: {  	v3 =	vld.idx.msk [tilespmem:v4+s22+$0x0], $0xffff;
	[tilespmem:s30+$0x30] =	vst v6  }
0x51: {  	[tilespmem:s29+$0xFFFFFFC0] =	vst v8;
	v4 =	vld.idx.msk [tilespmem:v5+s22+$0x0], $0xffff  }
0x52: {  	s2 =	sadd.s32 $0x80, s2;
	v5 =	vld.idx.msk [tilespmem:v7+s22+$0x0], $0xffff;
	[tilespmem:s30+$0xFFFFFFD0] =	vst v9  }
0x53: {  	[tilespmem:s30+$0xFFFFFFE0] =	vst v0  }
0x54: {  	[tilespmem:s30+$0xFFFFFFF0] =	vst v1  }
0x55: {  	[tilespmem:s30+$0x0] =	vst v2  }
0x56: {  	[tilespmem:s30+$0x10] =	vst v3  }
0x57: {  	[tilespmem:s30+$0x20] =	vst v4  }
0x58: {  	[tilespmem:s30+$0xFFFFFFC0] =	vst v5  }
0x59: {  	v0 =	vld [tilespmem:$0x2700];
	_ =	sdelay $0x7  }
0x5a: {  	v1 =	vld.idx.msk [tilespmem:v0+s21+$0x0], $0xffff;
	_ =	sdelay $0x4  }
0x5b: {  	[tilespmem:$0x16180] =	vst v1  }
0x5c: {  	v0 =	vld.idx.msk [tilespmem:v0+s22+$0x0], $0xffff;
	_ =	sdelay $0x4  }
0x5d: {  	s0 =	simm.s32 $0x2780;
	[tilespmem:$0x18900] =	vst v0  }
0x5e: {  	v0 =	vld [tilespmem:s0+$0x0]  }
0x5f: {  	v1 =	vld [tilespmem:s0+$0xFFFFFFA0]  }
0x60: {  	v2 =	vld [tilespmem:s0+$0xFFFFFFB0]  }
0x61: {  	v3 =	vld [tilespmem:s0+$0xFFFFFFC0]  }
0x62: {  	v4 =	vld [tilespmem:s0+$0xFFFFFFD0]  }
0x63: {  	v5 =	vld [tilespmem:s0+$0xFFFFFFE0]  }
0x64: {  	v6 =	vld [tilespmem:s0+$0xFFFFFFF0]  }
0x65: {  	v7 =	vld [tilespmem:s0+$0xFFFFFF90]  }
0x66: {  	v8 =	vld.idx.msk [tilespmem:v0+s21+$0x0], $0xffff  }
0x67: {  	v9 =	vld.idx.msk [tilespmem:v1+s21+$0x0], $0xffff  }
0x68: {  	v10 =	vld.idx.msk [tilespmem:v2+s21+$0x0], $0xffff  }
0x69: {  	v11 =	vld.idx.msk [tilespmem:v3+s21+$0x0], $0xffff  }
0x6a: {  	v12 =	vld.idx.msk [tilespmem:v4+s21+$0x0], $0xffff  }
0x6b: {  	s29 =	simm.s32 $0x189C0;
	v13 =	vld.idx.msk [tilespmem:v5+s21+$0x0], $0xffff  }
0x6c: {  	v14 =	vld.idx.msk [tilespmem:v6+s21+$0x0], $0xffff;
	[tilespmem:s29+$0x30] =	vst v8  }
0x6d: {  	v62 =	vld.idx.msk [tilespmem:v7+s21+$0x0], $0xffff;
	[tilespmem:s29+$0xFFFFFFD0] =	vst v9  }
0x6e: {  	[tilespmem:s29+$0xFFFFFFE0] =	vst v10;
	v8 =	vld.idx.msk [tilespmem:v0+s22+$0x0], $0xffff  }
0x6f: {  	[tilespmem:s29+$0xFFFFFFF0] =	vst v11;
	v63 =	vld.idx.msk [tilespmem:v1+s22+$0x0], $0xffff  }
0x70: {  	[tilespmem:s29+$0x0] =	vst v12;
	v0 =	vld.idx.msk [tilespmem:v2+s22+$0x0], $0xffff  }
0x71: {  	[tilespmem:s29+$0x10] =	vst v13;
	v1 =	vld.idx.msk [tilespmem:v3+s22+$0x0], $0xffff  }
0x72: {  	[tilespmem:s29+$0x20] =	vst v14;
	v2 =	vld.idx.msk [tilespmem:v4+s22+$0x0], $0xffff  }
0x73: {  	s30 =	simm.s32 $0x1B140;
	[tilespmem:s29+$0xFFFFFFC0] =	vst v62;
	v3 =	vld.idx.msk [tilespmem:v5+s22+$0x0], $0xffff  }
0x74: {  	v4 =	vld.idx.msk [tilespmem:v6+s22+$0x0], $0xffff;
	[tilespmem:s30+$0x30] =	vst v8  }
0x75: {  	s2 =	simm.s32 $0x2800;
	s0 =	simm.s32 $0x0;
	v5 =	vld.idx.msk [tilespmem:v7+s22+$0x0], $0xffff;
	[tilespmem:s30+$0xFFFFFFD0] =	vst v63  }
.LBB2_4:
0x76: {  	v6 =	vld [tilespmem:s2+$0x0];
	s0 =	sadd.s32 $0x8, s0;
	[tilespmem:s30+$0xFFFFFFE0] =	vst v0  }
0x77: {  	v0 =	vld [tilespmem:s2+$0xFFFFFFA0];
	p0 =	slt.u32 s0, $0x268;
	[tilespmem:s30+$0xFFFFFFF0] =	vst v1  }
0x78: {  	v1 =	vld [tilespmem:s2+$0xFFFFFFB0];
	[tilespmem:s30+$0x0] =	vst v2  }
0x79: {  	v2 =	vld [tilespmem:s2+$0xFFFFFFC0];
	[tilespmem:s30+$0x10] =	vst v3  }
0x7a: {  	v3 =	vld [tilespmem:s2+$0xFFFFFFD0];
	[tilespmem:s30+$0x20] =	vst v4  }
0x7b: {  	v4 =	vld [tilespmem:s2+$0xFFFFFFE0];
	[tilespmem:s30+$0xFFFFFFC0] =	vst v5  }
0x7c: {  	v5 =	vld [tilespmem:s2+$0xFFFFFFF0]  }
0x7d: {  	v7 =	vld [tilespmem:s2+$0xFFFFFF90]  }
0x7e: {  	v8 =	vld.idx.msk [tilespmem:v6+s21+$0x0], $0xffff  }
0x7f: {  	v9 =	vld.idx.msk [tilespmem:v0+s21+$0x0], $0xffff  }
0x80: {  	v10 =	vld.idx.msk [tilespmem:v1+s21+$0x0], $0xffff  }
0x81: {  	v11 =	vld.idx.msk [tilespmem:v2+s21+$0x0], $0xffff  }
0x82: {  	v12 =	vld.idx.msk [tilespmem:v3+s21+$0x0], $0xffff  }
0x83: {  	s29 =	sadd.s32 $0x80, s29;
	v13 =	vld.idx.msk [tilespmem:v4+s21+$0x0], $0xffff  }
0x84: {  	v14 =	vld.idx.msk [tilespmem:v5+s21+$0x0], $0xffff;
	[tilespmem:s29+$0x30] =	vst v8  }
0x85: {  	[tilespmem:s29+$0xFFFFFFD0] =	vst v9;
	v6 =	vld.idx.msk [tilespmem:v6+s22+$0x0], $0xffff  }
0x86: {  	v8 =	vld.idx.msk [tilespmem:v7+s21+$0x0], $0xffff;
	[tilespmem:s29+$0xFFFFFFE0] =	vst v10  }
0x87: {  	v9 =	vld.idx.msk [tilespmem:v0+s22+$0x0], $0xffff;
	[tilespmem:s29+$0xFFFFFFF0] =	vst v11  }
0x88: {  	v0 =	vld.idx.msk [tilespmem:v1+s22+$0x0], $0xffff;
	[tilespmem:s29+$0x0] =	vst v12  }
.Ltmp1:
0x89: {  	v1 =	vld.idx.msk [tilespmem:v2+s22+$0x0], $0xffff;
	[tilespmem:s29+$0x10] =	vst v13;
	(pc) =	sbr.rel @p0 .LBB2_4-.Ltmp1, $4  }
0x8a: {  	s30 =	sadd.s32 $0x80, s30;
	v2 =	vld.idx.msk [tilespmem:v3+s22+$0x0], $0xffff;
	[tilespmem:s29+$0x20] =	vst v14  }
0x8b: {  	v3 =	vld.idx.msk [tilespmem:v4+s22+$0x0], $0xffff;
	[tilespmem:s30+$0x30] =	vst v6  }
0x8c: {  	[tilespmem:s29+$0xFFFFFFC0] =	vst v8;
	v4 =	vld.idx.msk [tilespmem:v5+s22+$0x0], $0xffff  }
0x8d: {  	s2 =	sadd.s32 $0x80, s2;
	v5 =	vld.idx.msk [tilespmem:v7+s22+$0x0], $0xffff;
	[tilespmem:s30+$0xFFFFFFD0] =	vst v9  }
0x8e: {  	[tilespmem:s30+$0xFFFFFFE0] =	vst v0  }
0x8f: {  	[tilespmem:s30+$0xFFFFFFF0] =	vst v1  }
0x90: {  	[tilespmem:s30+$0x0] =	vst v2  }
0x91: {  	[tilespmem:s30+$0x10] =	vst v3  }
0x92: {  	[tilespmem:s30+$0x20] =	vst v4  }
0x93: {  	[tilespmem:s30+$0xFFFFFFC0] =	vst v5  }
0x94: {  	v0 =	vld [tilespmem:$0x4E10];
	_ =	sdelay $0x7  }
0x95: {  	v1 =	vld.idx.msk [tilespmem:v0+s21+$0x0], $0xffff;
	_ =	sdelay $0x4  }
0x96: {  	[tilespmem:$0x1B080] =	vst v1  }
0x97: {  	v0 =	vld.idx.msk [tilespmem:v0+s22+$0x0], $0xffff;
	_ =	sdelay $0x4  }
0x98: {  	s29 =	simm.s32 $0x0;
	[tilespmem:$0x1D800] =	vst v0  }
0x99: {  	v1 =	vld [tilespmem:s29+$0x4E90]  }
0x9a: {  	v2 =	vld [tilespmem:s29+$0x4E20]  }
0x9b: {  	v4 =	vld [tilespmem:s29+$0x4E30]  }
0x9c: {  	v5 =	vld [tilespmem:s29+$0x4E40]  }
0x9d: {  	v6 =	vld [tilespmem:s29+$0x4E50]  }
0x9e: {  	v7 =	vld [tilespmem:s29+$0x4E60]  }
0x9f: {  	v8 =	vld [tilespmem:s29+$0x4E70]  }
0xa0: {  	v0 =	vld [tilespmem:s29+$0x4E80]  }
0xa1: {  	v3 =	vld.idx.msk [tilespmem:v1+s21+$0x0], $0xffff  }
0xa2: {  	v9 =	vld.idx.msk [tilespmem:v2+s21+$0x0], $0xffff  }
0xa3: {  	v10 =	vld.idx.msk [tilespmem:v4+s21+$0x0], $0xffff  }
0xa4: {  	v11 =	vld.idx.msk [tilespmem:v5+s21+$0x0], $0xffff  }
0xa5: {  	v12 =	vld.idx.msk [tilespmem:v6+s21+$0x0], $0xffff  }
0xa6: {  	v13 =	vld.idx.msk [tilespmem:v7+s21+$0x0], $0xffff  }
0xa7: {  	v14 =	vld.idx.msk [tilespmem:v8+s21+$0x0], $0xffff;
	[tilespmem:s29+$0x13AF0] =	vst v3  }
0xa8: {  	v63 =	vld.idx.msk [tilespmem:v0+s21+$0x0], $0xffff;
	[tilespmem:s29+$0x13A80] =	vst v9  }
0xa9: {  	[tilespmem:s29+$0x13A90] =	vst v10;
	v62 =	vld.idx.msk [tilespmem:v1+s22+$0x0], $0xffff  }
0xaa: {  	[tilespmem:s29+$0x13AA0] =	vst v11;
	v3 =	vld.idx.msk [tilespmem:v2+s22+$0x0], $0xffff  }
0xab: {  	[tilespmem:s29+$0x13AB0] =	vst v12;
	v1 =	vld.idx.msk [tilespmem:v4+s22+$0x0], $0xffff  }
0xac: {  	[tilespmem:s29+$0x13AC0] =	vst v13;
	v2 =	vld.idx.msk [tilespmem:v5+s22+$0x0], $0xffff  }
0xad: {  	[tilespmem:s29+$0x13AD0] =	vst v14;
	v4 =	vld.idx.msk [tilespmem:v6+s22+$0x0], $0xffff  }
0xae: {  	[tilespmem:s29+$0x13AE0] =	vst v63;
	v5 =	vld.idx.msk [tilespmem:v7+s22+$0x0], $0xffff  }
0xaf: {  	s0 =	simm.s32 $0x0;
	s2 =	simm.s32 $0x200;
	v6 =	vld.idx.msk [tilespmem:v8+s22+$0x0], $0xffff;
	[tilespmem:s29+$0x16270] =	vst v62  }
.LBB2_6:
0xb0: {  	s6 =	sshra.s32 s2, $0x2;
	s0 =	sadd.s32 $0x8, s0;
	[tilespmem:s29+$0x16200] =	vst v3;
	v0 =	vld.idx.msk [tilespmem:v0+s22+$0x0], $0xffff  }
0xb1: {  	v3 =	vld [tilespmem:s6+$0x4E90];
	p0 =	slt.u32 s0, $0x268;
	[tilespmem:s29+$0x16210] =	vst v1  }
0xb2: {  	v1 =	vld [tilespmem:s6+$0x4E20];
	[tilespmem:s29+$0x16220] =	vst v2  }
0xb3: {  	v2 =	vld [tilespmem:s6+$0x4E30];
	[tilespmem:s29+$0x16230] =	vst v4  }
0xb4: {  	v4 =	vld [tilespmem:s6+$0x4E40];
	[tilespmem:s29+$0x16240] =	vst v5  }
0xb5: {  	v5 =	vld [tilespmem:s6+$0x4E50];
	[tilespmem:s29+$0x16250] =	vst v6  }
0xb6: {  	v6 =	vld [tilespmem:s6+$0x4E60];
	[tilespmem:s29+$0x16260] =	vst v0;
	s29 =	smov.u32 s6  }
0xb7: {  	v7 =	vld [tilespmem:s29+$0x4E70]  }
0xb8: {  	v0 =	vld [tilespmem:s29+$0x4E80]  }
0xb9: {  	v8 =	vld.idx.msk [tilespmem:v3+s21+$0x0], $0xffff  }
0xba: {  	v9 =	vld.idx.msk [tilespmem:v1+s21+$0x0], $0xffff  }
0xbb: {  	v10 =	vld.idx.msk [tilespmem:v2+s21+$0x0], $0xffff  }
0xbc: {  	v11 =	vld.idx.msk [tilespmem:v4+s21+$0x0], $0xffff  }
0xbd: {  	v12 =	vld.idx.msk [tilespmem:v5+s21+$0x0], $0xffff  }
0xbe: {  	v13 =	vld.idx.msk [tilespmem:v6+s21+$0x0], $0xffff  }
0xbf: {  	v14 =	vld.idx.msk [tilespmem:v7+s21+$0x0], $0xffff;
	[tilespmem:s29+$0x13AF0] =	vst v8  }
0xc0: {  	[tilespmem:s29+$0x13A80] =	vst v9;
	v8 =	vld.idx.msk [tilespmem:v3+s22+$0x0], $0xffff  }
0xc1: {  	[tilespmem:s29+$0x13A90] =	vst v10;
	v9 =	vld.idx.msk [tilespmem:v0+s21+$0x0], $0xffff  }
0xc2: {  	v3 =	vld.idx.msk [tilespmem:v1+s22+$0x0], $0xffff;
	[tilespmem:s29+$0x13AA0] =	vst v11  }
.Ltmp2:
0xc3: {  	v1 =	vld.idx.msk [tilespmem:v2+s22+$0x0], $0xffff;
	[tilespmem:s29+$0x13AB0] =	vst v12;
	(pc) =	sbr.rel @p0 .LBB2_6-.Ltmp2, $4  }
0xc4: {  	v2 =	vld.idx.msk [tilespmem:v4+s22+$0x0], $0xffff;
	[tilespmem:s29+$0x13AC0] =	vst v13  }
0xc5: {  	v4 =	vld.idx.msk [tilespmem:v5+s22+$0x0], $0xffff;
	[tilespmem:s29+$0x13AD0] =	vst v14  }
0xc6: {  	v5 =	vld.idx.msk [tilespmem:v6+s22+$0x0], $0xffff;
	[tilespmem:s29+$0x16270] =	vst v8  }
0xc7: {  	s2 =	sadd.s32 $0x200, s2;
	v6 =	vld.idx.msk [tilespmem:v7+s22+$0x0], $0xffff;
	[tilespmem:s29+$0x13AE0] =	vst v9  }
0xc8: {  	_ =	sdelay $0x2  }
0xc9: {  	[tilespmem:s29+$0x16200] =	vst v3  }
0xca: {  	v0 =	vld.idx.msk [tilespmem:v0+s22+$0x0], $0xffff;
	[tilespmem:s29+$0x16210] =	vst v1  }
0xcb: {  	[tilespmem:s29+$0x16220] =	vst v2  }
0xcc: {  	[tilespmem:s29+$0x16230] =	vst v4  }
0xcd: {  	[tilespmem:s29+$0x16240] =	vst v5  }
0xce: {  	[tilespmem:s29+$0x16250] =	vst v6  }
0xcf: {  	[tilespmem:s29+$0x16260] =	vst v0  }
0xd0: {  	v0 =	vld [tilespmem:$0x7520];
	_ =	sdelay $0x7  }
0xd1: {  	v1 =	vld.idx.msk [tilespmem:v0+s21+$0x0], $0xffff;
	_ =	sdelay $0x4  }
0xd2: {  	[tilespmem:$0x16180] =	vst v1  }
0xd3: {  	v0 =	vld.idx.msk [tilespmem:v0+s22+$0x0], $0xffff;
	_ =	sdelay $0x4  }
0xd4: {  	s29 =	simm.s32 $0x0;
	[tilespmem:$0x18900] =	vst v0  }
0xd5: {  	v1 =	vld [tilespmem:s29+$0x75A0]  }
0xd6: {  	v2 =	vld [tilespmem:s29+$0x7530]  }
0xd7: {  	v4 =	vld [tilespmem:s29+$0x7540]  }
0xd8: {  	v5 =	vld [tilespmem:s29+$0x7550]  }
0xd9: {  	v6 =	vld [tilespmem:s29+$0x7560]  }
0xda: {  	v7 =	vld [tilespmem:s29+$0x7570]  }
0xdb: {  	v8 =	vld [tilespmem:s29+$0x7580]  }
0xdc: {  	v0 =	vld [tilespmem:s29+$0x7590]  }
0xdd: {  	v3 =	vld.idx.msk [tilespmem:v1+s21+$0x0], $0xffff  }
0xde: {  	v9 =	vld.idx.msk [tilespmem:v2+s21+$0x0], $0xffff  }
0xdf: {  	v10 =	vld.idx.msk [tilespmem:v4+s21+$0x0], $0xffff  }
0xe0: {  	v11 =	vld.idx.msk [tilespmem:v5+s21+$0x0], $0xffff  }
0xe1: {  	v12 =	vld.idx.msk [tilespmem:v6+s21+$0x0], $0xffff  }
0xe2: {  	v13 =	vld.idx.msk [tilespmem:v7+s21+$0x0], $0xffff  }
0xe3: {  	v14 =	vld.idx.msk [tilespmem:v8+s21+$0x0], $0xffff;
	[tilespmem:s29+$0x189F0] =	vst v3  }
0xe4: {  	v63 =	vld.idx.msk [tilespmem:v0+s21+$0x0], $0xffff;
	[tilespmem:s29+$0x18980] =	vst v9  }
0xe5: {  	[tilespmem:s29+$0x18990] =	vst v10;
	v62 =	vld.idx.msk [tilespmem:v1+s22+$0x0], $0xffff  }
0xe6: {  	[tilespmem:s29+$0x189A0] =	vst v11;
	v3 =	vld.idx.msk [tilespmem:v2+s22+$0x0], $0xffff  }
0xe7: {  	[tilespmem:s29+$0x189B0] =	vst v12;
	v1 =	vld.idx.msk [tilespmem:v4+s22+$0x0], $0xffff  }
0xe8: {  	[tilespmem:s29+$0x189C0] =	vst v13;
	v2 =	vld.idx.msk [tilespmem:v5+s22+$0x0], $0xffff  }
0xe9: {  	[tilespmem:s29+$0x189D0] =	vst v14;
	v4 =	vld.idx.msk [tilespmem:v6+s22+$0x0], $0xffff  }
0xea: {  	[tilespmem:s29+$0x189E0] =	vst v63;
	v5 =	vld.idx.msk [tilespmem:v7+s22+$0x0], $0xffff  }
0xeb: {  	s0 =	simm.s32 $0x0;
	s2 =	simm.s32 $0x200;
	v6 =	vld.idx.msk [tilespmem:v8+s22+$0x0], $0xffff;
	[tilespmem:s29+$0x1B170] =	vst v62  }
.LBB2_8:
0xec: {  	s6 =	sshra.s32 s2, $0x2;
	s0 =	sadd.s32 $0x8, s0;
	[tilespmem:s29+$0x1B100] =	vst v3;
	v0 =	vld.idx.msk [tilespmem:v0+s22+$0x0], $0xffff  }
0xed: {  	v3 =	vld [tilespmem:s6+$0x75A0];
	p0 =	slt.u32 s0, $0x268;
	[tilespmem:s29+$0x1B110] =	vst v1  }
0xee: {  	v1 =	vld [tilespmem:s6+$0x7530];
	[tilespmem:s29+$0x1B120] =	vst v2  }
0xef: {  	v2 =	vld [tilespmem:s6+$0x7540];
	[tilespmem:s29+$0x1B130] =	vst v4  }
0xf0: {  	v4 =	vld [tilespmem:s6+$0x7550];
	[tilespmem:s29+$0x1B140] =	vst v5  }
0xf1: {  	v5 =	vld [tilespmem:s6+$0x7560];
	[tilespmem:s29+$0x1B150] =	vst v6  }
0xf2: {  	v6 =	vld [tilespmem:s6+$0x7570];
	[tilespmem:s29+$0x1B160] =	vst v0;
	s29 =	smov.u32 s6  }
0xf3: {  	v7 =	vld [tilespmem:s29+$0x7580]  }
0xf4: {  	v0 =	vld [tilespmem:s29+$0x7590]  }
0xf5: {  	v8 =	vld.idx.msk [tilespmem:v3+s21+$0x0], $0xffff  }
0xf6: {  	v9 =	vld.idx.msk [tilespmem:v1+s21+$0x0], $0xffff  }
0xf7: {  	v10 =	vld.idx.msk [tilespmem:v2+s21+$0x0], $0xffff  }
0xf8: {  	v11 =	vld.idx.msk [tilespmem:v4+s21+$0x0], $0xffff  }
0xf9: {  	v12 =	vld.idx.msk [tilespmem:v5+s21+$0x0], $0xffff  }
0xfa: {  	v13 =	vld.idx.msk [tilespmem:v6+s21+$0x0], $0xffff  }
0xfb: {  	v14 =	vld.idx.msk [tilespmem:v7+s21+$0x0], $0xffff;
	[tilespmem:s29+$0x189F0] =	vst v8  }
0xfc: {  	[tilespmem:s29+$0x18980] =	vst v9;
	v8 =	vld.idx.msk [tilespmem:v3+s22+$0x0], $0xffff  }
0xfd: {  	[tilespmem:s29+$0x18990] =	vst v10;
	v9 =	vld.idx.msk [tilespmem:v0+s21+$0x0], $0xffff  }
0xfe: {  	v3 =	vld.idx.msk [tilespmem:v1+s22+$0x0], $0xffff;
	[tilespmem:s29+$0x189A0] =	vst v11  }
.Ltmp3:
0xff: {  	v1 =	vld.idx.msk [tilespmem:v2+s22+$0x0], $0xffff;
	[tilespmem:s29+$0x189B0] =	vst v12;
	(pc) =	sbr.rel @p0 .LBB2_8-.Ltmp3, $4  }
0x100: {  	v2 =	vld.idx.msk [tilespmem:v4+s22+$0x0], $0xffff;
	[tilespmem:s29+$0x189C0] =	vst v13  }
0x101: {  	v4 =	vld.idx.msk [tilespmem:v5+s22+$0x0], $0xffff;
	[tilespmem:s29+$0x189D0] =	vst v14  }
0x102: {  	v5 =	vld.idx.msk [tilespmem:v6+s22+$0x0], $0xffff;
	[tilespmem:s29+$0x1B170] =	vst v8  }
0x103: {  	s2 =	sadd.s32 $0x200, s2;
	v6 =	vld.idx.msk [tilespmem:v7+s22+$0x0], $0xffff;
	[tilespmem:s29+$0x189E0] =	vst v9  }
0x104: {  	_ =	sdelay $0x2  }
0x105: {  	[tilespmem:s29+$0x1B100] =	vst v3  }
0x106: {  	v0 =	vld.idx.msk [tilespmem:v0+s22+$0x0], $0xffff;
	[tilespmem:s29+$0x1B110] =	vst v1  }
0x107: {  	[tilespmem:s29+$0x1B120] =	vst v2  }
0x108: {  	[tilespmem:s29+$0x1B130] =	vst v4  }
0x109: {  	[tilespmem:s29+$0x1B140] =	vst v5  }
0x10a: {  	[tilespmem:s29+$0x1B150] =	vst v6  }
0x10b: {  	[tilespmem:s29+$0x1B160] =	vst v0  }
0x10c: {  	v0 =	vld [tilespmem:$0x9C30];
	_ =	sdelay $0x7  }
0x10d: {  	v1 =	vld.idx.msk [tilespmem:v0+s21+$0x0], $0xffff;
	_ =	sdelay $0x4  }
0x10e: {  	[tilespmem:$0x1B080] =	vst v1  }
0x10f: {  	v0 =	vld.idx.msk [tilespmem:v0+s22+$0x0], $0xffff;
	_ =	sdelay $0x4  }
0x110: {  	[tilespmem:$0x1D800] =	vst v0  }
0x111: {  	_ =	swait.ge [sflag:s26], $0x2710  }
0x112: {  	[sflag:s26] =	ssyncset.done $0x0  }
0x113: {  	[sflag:s26] =	ssyncadd.s32 $0xFFFFD8F0  }
0x114: {  	_ =	swait.ge [sflag:s26], $0x2710  }
0x115: {  	[sflag:s26] =	ssyncset.done $0x0  }
0x116: {  	[sflag:s26] =	ssyncadd.s32 $0xFFFFD8F0  }
0x117: {  	[tilespmem:s21], [sflag:$0x1] =	stream.linear.gather [hbm4b:s11+s3], $0x2710, $0x38;
	[tilespmem:$0x1D880] =	vst v63  }
0x118: {  	s0 =	simm.s32 $0x40  }
0x119: {  	[tilespmem:s22], [sflag:$0x1] =	stream.linear.gather [hbm4b:s12+s3], $0x2710, $0x38;
	[tilespmem:$0x1D880] =	vst v63  }
0x11a: {  	v0 =	vld [tilespmem:s0+$0x30]  }
0x11b: {  	v1 =	vld [tilespmem:s0+$0xFFFFFFD0]  }
0x11c: {  	v2 =	vld [tilespmem:s0+$0xFFFFFFE0]  }
0x11d: {  	v3 =	vld [tilespmem:s0+$0xFFFFFFF0]  }
0x11e: {  	v4 =	vld [tilespmem:s0+$0x0]  }
0x11f: {  	v5 =	vld [tilespmem:s0+$0x10]  }
0x120: {  	v6 =	vld [tilespmem:s0+$0x20]  }
0x121: {  	v7 =	vld [tilespmem:s0+$0xFFFFFFC0]  }
0x122: {  	v8 =	vld.idx.msk [tilespmem:v0+s24+$0x0], $0xffff  }
0x123: {  	v9 =	vld.idx.msk [tilespmem:v1+s24+$0x0], $0xffff  }
0x124: {  	v10 =	vld.idx.msk [tilespmem:v2+s24+$0x0], $0xffff  }
0x125: {  	v11 =	vld.idx.msk [tilespmem:v3+s24+$0x0], $0xffff  }
0x126: {  	v12 =	vld.idx.msk [tilespmem:v4+s24+$0x0], $0xffff  }
0x127: {  	s29 =	simm.s32 $0x13AC0;
	v13 =	vld.idx.msk [tilespmem:v5+s24+$0x0], $0xffff  }
0x128: {  	v14 =	vld.idx.msk [tilespmem:v6+s24+$0x0], $0xffff;
	[tilespmem:s29+$0x30] =	vst v8  }
0x129: {  	v62 =	vld.idx.msk [tilespmem:v7+s24+$0x0], $0xffff;
	[tilespmem:s29+$0xFFFFFFD0] =	vst v9  }
0x12a: {  	[tilespmem:s29+$0xFFFFFFE0] =	vst v10;
	v8 =	vld.idx.msk [tilespmem:v0+s25+$0x0], $0xffff  }
0x12b: {  	[tilespmem:s29+$0xFFFFFFF0] =	vst v11;
	v63 =	vld.idx.msk [tilespmem:v1+s25+$0x0], $0xffff  }
0x12c: {  	[tilespmem:s29+$0x0] =	vst v12;
	v0 =	vld.idx.msk [tilespmem:v2+s25+$0x0], $0xffff  }
0x12d: {  	[tilespmem:s29+$0x10] =	vst v13;
	v1 =	vld.idx.msk [tilespmem:v3+s25+$0x0], $0xffff  }
0x12e: {  	[tilespmem:s29+$0x20] =	vst v14;
	v2 =	vld.idx.msk [tilespmem:v4+s25+$0x0], $0xffff  }
0x12f: {  	s30 =	simm.s32 $0x16240;
	[tilespmem:s29+$0xFFFFFFC0] =	vst v62;
	v3 =	vld.idx.msk [tilespmem:v5+s25+$0x0], $0xffff  }
0x130: {  	v4 =	vld.idx.msk [tilespmem:v6+s25+$0x0], $0xffff;
	[tilespmem:s30+$0x30] =	vst v8  }
0x131: {  	s2 =	simm.s32 $0xC0;
	s0 =	simm.s32 $0x0;
	v5 =	vld.idx.msk [tilespmem:v7+s25+$0x0], $0xffff;
	[tilespmem:s30+$0xFFFFFFD0] =	vst v63  }
.LBB2_10:
0x132: {  	v6 =	vld [tilespmem:s2+$0x30];
	s0 =	sadd.s32 $0x8, s0;
	[tilespmem:s30+$0xFFFFFFE0] =	vst v0  }
0x133: {  	v0 =	vld [tilespmem:s2+$0xFFFFFFD0];
	p0 =	slt.u32 s0, $0x268;
	[tilespmem:s30+$0xFFFFFFF0] =	vst v1  }
0x134: {  	v1 =	vld [tilespmem:s2+$0xFFFFFFE0];
	[tilespmem:s30+$0x0] =	vst v2  }
0x135: {  	v2 =	vld [tilespmem:s2+$0xFFFFFFF0];
	[tilespmem:s30+$0x10] =	vst v3  }
0x136: {  	v3 =	vld [tilespmem:s2+$0x0];
	[tilespmem:s30+$0x20] =	vst v4  }
0x137: {  	v4 =	vld [tilespmem:s2+$0x10];
	[tilespmem:s30+$0xFFFFFFC0] =	vst v5  }
0x138: {  	v5 =	vld [tilespmem:s2+$0x20]  }
0x139: {  	v7 =	vld [tilespmem:s2+$0xFFFFFFC0]  }
0x13a: {  	v8 =	vld.idx.msk [tilespmem:v6+s24+$0x0], $0xffff  }
0x13b: {  	v9 =	vld.idx.msk [tilespmem:v0+s24+$0x0], $0xffff  }
0x13c: {  	v10 =	vld.idx.msk [tilespmem:v1+s24+$0x0], $0xffff  }
0x13d: {  	v11 =	vld.idx.msk [tilespmem:v2+s24+$0x0], $0xffff  }
0x13e: {  	v12 =	vld.idx.msk [tilespmem:v3+s24+$0x0], $0xffff  }
0x13f: {  	s29 =	sadd.s32 $0x80, s29;
	v13 =	vld.idx.msk [tilespmem:v4+s24+$0x0], $0xffff  }
0x140: {  	v14 =	vld.idx.msk [tilespmem:v5+s24+$0x0], $0xffff;
	[tilespmem:s29+$0x30] =	vst v8  }
0x141: {  	[tilespmem:s29+$0xFFFFFFD0] =	vst v9;
	v6 =	vld.idx.msk [tilespmem:v6+s25+$0x0], $0xffff  }
0x142: {  	v8 =	vld.idx.msk [tilespmem:v7+s24+$0x0], $0xffff;
	[tilespmem:s29+$0xFFFFFFE0] =	vst v10  }
0x143: {  	v9 =	vld.idx.msk [tilespmem:v0+s25+$0x0], $0xffff;
	[tilespmem:s29+$0xFFFFFFF0] =	vst v11  }
0x144: {  	v0 =	vld.idx.msk [tilespmem:v1+s25+$0x0], $0xffff;
	[tilespmem:s29+$0x0] =	vst v12  }
.Ltmp4:
0x145: {  	v1 =	vld.idx.msk [tilespmem:v2+s25+$0x0], $0xffff;
	[tilespmem:s29+$0x10] =	vst v13;
	(pc) =	sbr.rel @p0 .LBB2_10-.Ltmp4, $4  }
0x146: {  	s30 =	sadd.s32 $0x80, s30;
	v2 =	vld.idx.msk [tilespmem:v3+s25+$0x0], $0xffff;
	[tilespmem:s29+$0x20] =	vst v14  }
0x147: {  	v3 =	vld.idx.msk [tilespmem:v4+s25+$0x0], $0xffff;
	[tilespmem:s30+$0x30] =	vst v6  }
0x148: {  	[tilespmem:s29+$0xFFFFFFC0] =	vst v8;
	v4 =	vld.idx.msk [tilespmem:v5+s25+$0x0], $0xffff  }
0x149: {  	s2 =	sadd.s32 $0x80, s2;
	v5 =	vld.idx.msk [tilespmem:v7+s25+$0x0], $0xffff;
	[tilespmem:s30+$0xFFFFFFD0] =	vst v9  }
0x14a: {  	[tilespmem:s30+$0xFFFFFFE0] =	vst v0  }
0x14b: {  	[tilespmem:s30+$0xFFFFFFF0] =	vst v1  }
0x14c: {  	[tilespmem:s30+$0x0] =	vst v2  }
0x14d: {  	[tilespmem:s30+$0x10] =	vst v3  }
0x14e: {  	[tilespmem:s30+$0x20] =	vst v4  }
0x14f: {  	[tilespmem:s30+$0xFFFFFFC0] =	vst v5  }
0x150: {  	v0 =	vld [tilespmem:$0x2700];
	_ =	sdelay $0x7  }
0x151: {  	v1 =	vld.idx.msk [tilespmem:v0+s24+$0x0], $0xffff;
	_ =	sdelay $0x4  }
0x152: {  	[tilespmem:$0x16180] =	vst v1  }
0x153: {  	v0 =	vld.idx.msk [tilespmem:v0+s25+$0x0], $0xffff;
	_ =	sdelay $0x4  }
0x154: {  	s0 =	simm.s32 $0x2780;
	[tilespmem:$0x18900] =	vst v0  }
0x155: {  	v0 =	vld [tilespmem:s0+$0x0]  }
0x156: {  	v1 =	vld [tilespmem:s0+$0xFFFFFFA0]  }
0x157: {  	v2 =	vld [tilespmem:s0+$0xFFFFFFB0]  }
0x158: {  	v3 =	vld [tilespmem:s0+$0xFFFFFFC0]  }
0x159: {  	v4 =	vld [tilespmem:s0+$0xFFFFFFD0]  }
0x15a: {  	v5 =	vld [tilespmem:s0+$0xFFFFFFE0]  }
0x15b: {  	v6 =	vld [tilespmem:s0+$0xFFFFFFF0]  }
0x15c: {  	v7 =	vld [tilespmem:s0+$0xFFFFFF90]  }
0x15d: {  	v8 =	vld.idx.msk [tilespmem:v0+s24+$0x0], $0xffff  }
0x15e: {  	v9 =	vld.idx.msk [tilespmem:v1+s24+$0x0], $0xffff  }
0x15f: {  	v10 =	vld.idx.msk [tilespmem:v2+s24+$0x0], $0xffff  }
0x160: {  	v11 =	vld.idx.msk [tilespmem:v3+s24+$0x0], $0xffff  }
0x161: {  	v12 =	vld.idx.msk [tilespmem:v4+s24+$0x0], $0xffff  }
0x162: {  	s29 =	simm.s32 $0x189C0;
	v13 =	vld.idx.msk [tilespmem:v5+s24+$0x0], $0xffff  }
0x163: {  	v14 =	vld.idx.msk [tilespmem:v6+s24+$0x0], $0xffff;
	[tilespmem:s29+$0x30] =	vst v8  }
0x164: {  	v62 =	vld.idx.msk [tilespmem:v7+s24+$0x0], $0xffff;
	[tilespmem:s29+$0xFFFFFFD0] =	vst v9  }
0x165: {  	[tilespmem:s29+$0xFFFFFFE0] =	vst v10;
	v8 =	vld.idx.msk [tilespmem:v0+s25+$0x0], $0xffff  }
0x166: {  	[tilespmem:s29+$0xFFFFFFF0] =	vst v11;
	v63 =	vld.idx.msk [tilespmem:v1+s25+$0x0], $0xffff  }
0x167: {  	[tilespmem:s29+$0x0] =	vst v12;
	v0 =	vld.idx.msk [tilespmem:v2+s25+$0x0], $0xffff  }
0x168: {  	[tilespmem:s29+$0x10] =	vst v13;
	v1 =	vld.idx.msk [tilespmem:v3+s25+$0x0], $0xffff  }
0x169: {  	[tilespmem:s29+$0x20] =	vst v14;
	v2 =	vld.idx.msk [tilespmem:v4+s25+$0x0], $0xffff  }
0x16a: {  	s30 =	simm.s32 $0x1B140;
	[tilespmem:s29+$0xFFFFFFC0] =	vst v62;
	v3 =	vld.idx.msk [tilespmem:v5+s25+$0x0], $0xffff  }
0x16b: {  	v4 =	vld.idx.msk [tilespmem:v6+s25+$0x0], $0xffff;
	[tilespmem:s30+$0x30] =	vst v8  }
0x16c: {  	s2 =	simm.s32 $0x2800;
	s0 =	simm.s32 $0x0;
	v5 =	vld.idx.msk [tilespmem:v7+s25+$0x0], $0xffff;
	[tilespmem:s30+$0xFFFFFFD0] =	vst v63  }
.LBB2_12:
0x16d: {  	v6 =	vld [tilespmem:s2+$0x0];
	s0 =	sadd.s32 $0x8, s0;
	[tilespmem:s30+$0xFFFFFFE0] =	vst v0  }
0x16e: {  	v0 =	vld [tilespmem:s2+$0xFFFFFFA0];
	p0 =	slt.u32 s0, $0x268;
	[tilespmem:s30+$0xFFFFFFF0] =	vst v1  }
0x16f: {  	v1 =	vld [tilespmem:s2+$0xFFFFFFB0];
	[tilespmem:s30+$0x0] =	vst v2  }
0x170: {  	v2 =	vld [tilespmem:s2+$0xFFFFFFC0];
	[tilespmem:s30+$0x10] =	vst v3  }
0x171: {  	v3 =	vld [tilespmem:s2+$0xFFFFFFD0];
	[tilespmem:s30+$0x20] =	vst v4  }
0x172: {  	v4 =	vld [tilespmem:s2+$0xFFFFFFE0];
	[tilespmem:s30+$0xFFFFFFC0] =	vst v5  }
0x173: {  	v5 =	vld [tilespmem:s2+$0xFFFFFFF0]  }
0x174: {  	v7 =	vld [tilespmem:s2+$0xFFFFFF90]  }
0x175: {  	v8 =	vld.idx.msk [tilespmem:v6+s24+$0x0], $0xffff  }
0x176: {  	v9 =	vld.idx.msk [tilespmem:v0+s24+$0x0], $0xffff  }
0x177: {  	v10 =	vld.idx.msk [tilespmem:v1+s24+$0x0], $0xffff  }
0x178: {  	v11 =	vld.idx.msk [tilespmem:v2+s24+$0x0], $0xffff  }
0x179: {  	v12 =	vld.idx.msk [tilespmem:v3+s24+$0x0], $0xffff  }
0x17a: {  	s29 =	sadd.s32 $0x80, s29;
	v13 =	vld.idx.msk [tilespmem:v4+s24+$0x0], $0xffff  }
0x17b: {  	v14 =	vld.idx.msk [tilespmem:v5+s24+$0x0], $0xffff;
	[tilespmem:s29+$0x30] =	vst v8  }
0x17c: {  	[tilespmem:s29+$0xFFFFFFD0] =	vst v9;
	v6 =	vld.idx.msk [tilespmem:v6+s25+$0x0], $0xffff  }
0x17d: {  	v8 =	vld.idx.msk [tilespmem:v7+s24+$0x0], $0xffff;
	[tilespmem:s29+$0xFFFFFFE0] =	vst v10  }
0x17e: {  	v9 =	vld.idx.msk [tilespmem:v0+s25+$0x0], $0xffff;
	[tilespmem:s29+$0xFFFFFFF0] =	vst v11  }
0x17f: {  	v0 =	vld.idx.msk [tilespmem:v1+s25+$0x0], $0xffff;
	[tilespmem:s29+$0x0] =	vst v12  }
.Ltmp5:
0x180: {  	v1 =	vld.idx.msk [tilespmem:v2+s25+$0x0], $0xffff;
	[tilespmem:s29+$0x10] =	vst v13;
	(pc) =	sbr.rel @p0 .LBB2_12-.Ltmp5, $4  }
0x181: {  	s30 =	sadd.s32 $0x80, s30;
	v2 =	vld.idx.msk [tilespmem:v3+s25+$0x0], $0xffff;
	[tilespmem:s29+$0x20] =	vst v14  }
0x182: {  	v3 =	vld.idx.msk [tilespmem:v4+s25+$0x0], $0xffff;
	[tilespmem:s30+$0x30] =	vst v6  }
0x183: {  	[tilespmem:s29+$0xFFFFFFC0] =	vst v8;
	v4 =	vld.idx.msk [tilespmem:v5+s25+$0x0], $0xffff  }
0x184: {  	s2 =	sadd.s32 $0x80, s2;
	v5 =	vld.idx.msk [tilespmem:v7+s25+$0x0], $0xffff;
	[tilespmem:s30+$0xFFFFFFD0] =	vst v9  }
0x185: {  	[tilespmem:s30+$0xFFFFFFE0] =	vst v0  }
0x186: {  	[tilespmem:s30+$0xFFFFFFF0] =	vst v1  }
0x187: {  	[tilespmem:s30+$0x0] =	vst v2  }
0x188: {  	[tilespmem:s30+$0x10] =	vst v3  }
0x189: {  	[tilespmem:s30+$0x20] =	vst v4  }
0x18a: {  	[tilespmem:s30+$0xFFFFFFC0] =	vst v5  }
0x18b: {  	v0 =	vld [tilespmem:$0x4E10];
	_ =	sdelay $0x7  }
0x18c: {  	v1 =	vld.idx.msk [tilespmem:v0+s24+$0x0], $0xffff;
	_ =	sdelay $0x4  }
0x18d: {  	[tilespmem:$0x1B080] =	vst v1  }
0x18e: {  	v0 =	vld.idx.msk [tilespmem:v0+s25+$0x0], $0xffff;
	_ =	sdelay $0x4  }
0x18f: {  	s29 =	simm.s32 $0x0;
	[tilespmem:$0x1D800] =	vst v0  }
0x190: {  	v1 =	vld [tilespmem:s29+$0x4E90]  }
0x191: {  	v2 =	vld [tilespmem:s29+$0x4E20]  }
0x192: {  	v4 =	vld [tilespmem:s29+$0x4E30]  }
0x193: {  	v5 =	vld [tilespmem:s29+$0x4E40]  }
0x194: {  	v6 =	vld [tilespmem:s29+$0x4E50]  }
0x195: {  	v7 =	vld [tilespmem:s29+$0x4E60]  }
0x196: {  	v8 =	vld [tilespmem:s29+$0x4E70]  }
0x197: {  	v0 =	vld [tilespmem:s29+$0x4E80]  }
0x198: {  	v3 =	vld.idx.msk [tilespmem:v1+s24+$0x0], $0xffff  }
0x199: {  	v9 =	vld.idx.msk [tilespmem:v2+s24+$0x0], $0xffff  }
0x19a: {  	v10 =	vld.idx.msk [tilespmem:v4+s24+$0x0], $0xffff  }
0x19b: {  	v11 =	vld.idx.msk [tilespmem:v5+s24+$0x0], $0xffff  }
0x19c: {  	v12 =	vld.idx.msk [tilespmem:v6+s24+$0x0], $0xffff  }
0x19d: {  	v13 =	vld.idx.msk [tilespmem:v7+s24+$0x0], $0xffff  }
0x19e: {  	v14 =	vld.idx.msk [tilespmem:v8+s24+$0x0], $0xffff;
	[tilespmem:s29+$0x13AF0] =	vst v3  }
0x19f: {  	v63 =	vld.idx.msk [tilespmem:v0+s24+$0x0], $0xffff;
	[tilespmem:s29+$0x13A80] =	vst v9  }
0x1a0: {  	[tilespmem:s29+$0x13A90] =	vst v10;
	v62 =	vld.idx.msk [tilespmem:v1+s25+$0x0], $0xffff  }
0x1a1: {  	[tilespmem:s29+$0x13AA0] =	vst v11;
	v3 =	vld.idx.msk [tilespmem:v2+s25+$0x0], $0xffff  }
0x1a2: {  	[tilespmem:s29+$0x13AB0] =	vst v12;
	v1 =	vld.idx.msk [tilespmem:v4+s25+$0x0], $0xffff  }
0x1a3: {  	[tilespmem:s29+$0x13AC0] =	vst v13;
	v2 =	vld.idx.msk [tilespmem:v5+s25+$0x0], $0xffff  }
0x1a4: {  	[tilespmem:s29+$0x13AD0] =	vst v14;
	v4 =	vld.idx.msk [tilespmem:v6+s25+$0x0], $0xffff  }
0x1a5: {  	[tilespmem:s29+$0x13AE0] =	vst v63;
	v5 =	vld.idx.msk [tilespmem:v7+s25+$0x0], $0xffff  }
0x1a6: {  	s0 =	simm.s32 $0x0;
	s2 =	simm.s32 $0x200;
	v6 =	vld.idx.msk [tilespmem:v8+s25+$0x0], $0xffff;
	[tilespmem:s29+$0x16270] =	vst v62  }
.LBB2_14:
0x1a7: {  	s6 =	sshra.s32 s2, $0x2;
	s0 =	sadd.s32 $0x8, s0;
	[tilespmem:s29+$0x16200] =	vst v3;
	v0 =	vld.idx.msk [tilespmem:v0+s25+$0x0], $0xffff  }
0x1a8: {  	v3 =	vld [tilespmem:s6+$0x4E90];
	p0 =	slt.u32 s0, $0x268;
	[tilespmem:s29+$0x16210] =	vst v1  }
0x1a9: {  	v1 =	vld [tilespmem:s6+$0x4E20];
	[tilespmem:s29+$0x16220] =	vst v2  }
0x1aa: {  	v2 =	vld [tilespmem:s6+$0x4E30];
	[tilespmem:s29+$0x16230] =	vst v4  }
0x1ab: {  	v4 =	vld [tilespmem:s6+$0x4E40];
	[tilespmem:s29+$0x16240] =	vst v5  }
0x1ac: {  	v5 =	vld [tilespmem:s6+$0x4E50];
	[tilespmem:s29+$0x16250] =	vst v6  }
0x1ad: {  	v6 =	vld [tilespmem:s6+$0x4E60];
	[tilespmem:s29+$0x16260] =	vst v0;
	s29 =	smov.u32 s6  }
0x1ae: {  	v7 =	vld [tilespmem:s29+$0x4E70]  }
0x1af: {  	v0 =	vld [tilespmem:s29+$0x4E80]  }
0x1b0: {  	v8 =	vld.idx.msk [tilespmem:v3+s24+$0x0], $0xffff  }
0x1b1: {  	v9 =	vld.idx.msk [tilespmem:v1+s24+$0x0], $0xffff  }
0x1b2: {  	v10 =	vld.idx.msk [tilespmem:v2+s24+$0x0], $0xffff  }
0x1b3: {  	v11 =	vld.idx.msk [tilespmem:v4+s24+$0x0], $0xffff  }
0x1b4: {  	v12 =	vld.idx.msk [tilespmem:v5+s24+$0x0], $0xffff  }
0x1b5: {  	v13 =	vld.idx.msk [tilespmem:v6+s24+$0x0], $0xffff  }
0x1b6: {  	v14 =	vld.idx.msk [tilespmem:v7+s24+$0x0], $0xffff;
	[tilespmem:s29+$0x13AF0] =	vst v8  }
0x1b7: {  	[tilespmem:s29+$0x13A80] =	vst v9;
	v8 =	vld.idx.msk [tilespmem:v3+s25+$0x0], $0xffff  }
0x1b8: {  	[tilespmem:s29+$0x13A90] =	vst v10;
	v9 =	vld.idx.msk [tilespmem:v0+s24+$0x0], $0xffff  }
0x1b9: {  	v3 =	vld.idx.msk [tilespmem:v1+s25+$0x0], $0xffff;
	[tilespmem:s29+$0x13AA0] =	vst v11  }
.Ltmp6:
0x1ba: {  	v1 =	vld.idx.msk [tilespmem:v2+s25+$0x0], $0xffff;
	[tilespmem:s29+$0x13AB0] =	vst v12;
	(pc) =	sbr.rel @p0 .LBB2_14-.Ltmp6, $4  }
0x1bb: {  	v2 =	vld.idx.msk [tilespmem:v4+s25+$0x0], $0xffff;
	[tilespmem:s29+$0x13AC0] =	vst v13  }
0x1bc: {  	v4 =	vld.idx.msk [tilespmem:v5+s25+$0x0], $0xffff;
	[tilespmem:s29+$0x13AD0] =	vst v14  }
0x1bd: {  	v5 =	vld.idx.msk [tilespmem:v6+s25+$0x0], $0xffff;
	[tilespmem:s29+$0x16270] =	vst v8  }
0x1be: {  	s2 =	sadd.s32 $0x200, s2;
	v6 =	vld.idx.msk [tilespmem:v7+s25+$0x0], $0xffff;
	[tilespmem:s29+$0x13AE0] =	vst v9  }
0x1bf: {  	_ =	sdelay $0x2  }
0x1c0: {  	[tilespmem:s29+$0x16200] =	vst v3  }
0x1c1: {  	v0 =	vld.idx.msk [tilespmem:v0+s25+$0x0], $0xffff;
	[tilespmem:s29+$0x16210] =	vst v1  }
0x1c2: {  	[tilespmem:s29+$0x16220] =	vst v2  }
0x1c3: {  	[tilespmem:s29+$0x16230] =	vst v4  }
0x1c4: {  	[tilespmem:s29+$0x16240] =	vst v5  }
0x1c5: {  	[tilespmem:s29+$0x16250] =	vst v6  }
0x1c6: {  	[tilespmem:s29+$0x16260] =	vst v0  }
0x1c7: {  	v0 =	vld [tilespmem:$0x7520];
	_ =	sdelay $0x7  }
0x1c8: {  	v1 =	vld.idx.msk [tilespmem:v0+s24+$0x0], $0xffff;
	_ =	sdelay $0x4  }
0x1c9: {  	[tilespmem:$0x16180] =	vst v1  }
0x1ca: {  	v0 =	vld.idx.msk [tilespmem:v0+s25+$0x0], $0xffff;
	_ =	sdelay $0x4  }
0x1cb: {  	s29 =	simm.s32 $0x0;
	[tilespmem:$0x18900] =	vst v0  }
0x1cc: {  	v1 =	vld [tilespmem:s29+$0x75A0]  }
0x1cd: {  	v2 =	vld [tilespmem:s29+$0x7530]  }
0x1ce: {  	v4 =	vld [tilespmem:s29+$0x7540]  }
0x1cf: {  	v5 =	vld [tilespmem:s29+$0x7550]  }
0x1d0: {  	v6 =	vld [tilespmem:s29+$0x7560]  }
0x1d1: {  	v7 =	vld [tilespmem:s29+$0x7570]  }
0x1d2: {  	v8 =	vld [tilespmem:s29+$0x7580]  }
0x1d3: {  	v0 =	vld [tilespmem:s29+$0x7590]  }
0x1d4: {  	v3 =	vld.idx.msk [tilespmem:v1+s24+$0x0], $0xffff  }
0x1d5: {  	v9 =	vld.idx.msk [tilespmem:v2+s24+$0x0], $0xffff  }
0x1d6: {  	v10 =	vld.idx.msk [tilespmem:v4+s24+$0x0], $0xffff  }
0x1d7: {  	v11 =	vld.idx.msk [tilespmem:v5+s24+$0x0], $0xffff  }
0x1d8: {  	v12 =	vld.idx.msk [tilespmem:v6+s24+$0x0], $0xffff  }
0x1d9: {  	v13 =	vld.idx.msk [tilespmem:v7+s24+$0x0], $0xffff  }
0x1da: {  	v14 =	vld.idx.msk [tilespmem:v8+s24+$0x0], $0xffff;
	[tilespmem:s29+$0x189F0] =	vst v3  }
0x1db: {  	v63 =	vld.idx.msk [tilespmem:v0+s24+$0x0], $0xffff;
	[tilespmem:s29+$0x18980] =	vst v9  }
0x1dc: {  	[tilespmem:s29+$0x18990] =	vst v10;
	v62 =	vld.idx.msk [tilespmem:v1+s25+$0x0], $0xffff  }
0x1dd: {  	[tilespmem:s29+$0x189A0] =	vst v11;
	v3 =	vld.idx.msk [tilespmem:v2+s25+$0x0], $0xffff  }
0x1de: {  	[tilespmem:s29+$0x189B0] =	vst v12;
	v1 =	vld.idx.msk [tilespmem:v4+s25+$0x0], $0xffff  }
0x1df: {  	[tilespmem:s29+$0x189C0] =	vst v13;
	v2 =	vld.idx.msk [tilespmem:v5+s25+$0x0], $0xffff  }
0x1e0: {  	[tilespmem:s29+$0x189D0] =	vst v14;
	v4 =	vld.idx.msk [tilespmem:v6+s25+$0x0], $0xffff  }
0x1e1: {  	[tilespmem:s29+$0x189E0] =	vst v63;
	v5 =	vld.idx.msk [tilespmem:v7+s25+$0x0], $0xffff  }
0x1e2: {  	s0 =	simm.s32 $0x0;
	s2 =	simm.s32 $0x200;
	v6 =	vld.idx.msk [tilespmem:v8+s25+$0x0], $0xffff;
	[tilespmem:s29+$0x1B170] =	vst v62  }
.LBB2_16:
0x1e3: {  	s6 =	sshra.s32 s2, $0x2;
	s0 =	sadd.s32 $0x8, s0;
	[tilespmem:s29+$0x1B100] =	vst v3;
	v0 =	vld.idx.msk [tilespmem:v0+s25+$0x0], $0xffff  }
0x1e4: {  	v3 =	vld [tilespmem:s6+$0x75A0];
	p0 =	slt.u32 s0, $0x268;
	[tilespmem:s29+$0x1B110] =	vst v1  }
0x1e5: {  	v1 =	vld [tilespmem:s6+$0x7530];
	[tilespmem:s29+$0x1B120] =	vst v2  }
0x1e6: {  	v2 =	vld [tilespmem:s6+$0x7540];
	[tilespmem:s29+$0x1B130] =	vst v4  }
0x1e7: {  	v4 =	vld [tilespmem:s6+$0x7550];
	[tilespmem:s29+$0x1B140] =	vst v5  }
0x1e8: {  	v5 =	vld [tilespmem:s6+$0x7560];
	[tilespmem:s29+$0x1B150] =	vst v6  }
0x1e9: {  	v6 =	vld [tilespmem:s6+$0x7570];
	[tilespmem:s29+$0x1B160] =	vst v0;
	s29 =	smov.u32 s6  }
0x1ea: {  	v7 =	vld [tilespmem:s29+$0x7580]  }
0x1eb: {  	v0 =	vld [tilespmem:s29+$0x7590]  }
0x1ec: {  	v8 =	vld.idx.msk [tilespmem:v3+s24+$0x0], $0xffff  }
0x1ed: {  	v9 =	vld.idx.msk [tilespmem:v1+s24+$0x0], $0xffff  }
0x1ee: {  	v10 =	vld.idx.msk [tilespmem:v2+s24+$0x0], $0xffff  }
0x1ef: {  	v11 =	vld.idx.msk [tilespmem:v4+s24+$0x0], $0xffff  }
0x1f0: {  	v12 =	vld.idx.msk [tilespmem:v5+s24+$0x0], $0xffff  }
0x1f1: {  	v13 =	vld.idx.msk [tilespmem:v6+s24+$0x0], $0xffff  }
0x1f2: {  	v14 =	vld.idx.msk [tilespmem:v7+s24+$0x0], $0xffff;
	[tilespmem:s29+$0x189F0] =	vst v8  }
0x1f3: {  	[tilespmem:s29+$0x18980] =	vst v9;
	v8 =	vld.idx.msk [tilespmem:v3+s25+$0x0], $0xffff  }
0x1f4: {  	[tilespmem:s29+$0x18990] =	vst v10;
	v9 =	vld.idx.msk [tilespmem:v0+s24+$0x0], $0xffff  }
0x1f5: {  	v3 =	vld.idx.msk [tilespmem:v1+s25+$0x0], $0xffff;
	[tilespmem:s29+$0x189A0] =	vst v11  }
.Ltmp7:
0x1f6: {  	v1 =	vld.idx.msk [tilespmem:v2+s25+$0x0], $0xffff;
	[tilespmem:s29+$0x189B0] =	vst v12;
	(pc) =	sbr.rel @p0 .LBB2_16-.Ltmp7, $4  }
0x1f7: {  	v2 =	vld.idx.msk [tilespmem:v4+s25+$0x0], $0xffff;
	[tilespmem:s29+$0x189C0] =	vst v13  }
0x1f8: {  	v4 =	vld.idx.msk [tilespmem:v5+s25+$0x0], $0xffff;
	[tilespmem:s29+$0x189D0] =	vst v14  }
0x1f9: {  	v5 =	vld.idx.msk [tilespmem:v6+s25+$0x0], $0xffff;
	[tilespmem:s29+$0x1B170] =	vst v8  }
0x1fa: {  	s2 =	sadd.s32 $0x200, s2;
	v6 =	vld.idx.msk [tilespmem:v7+s25+$0x0], $0xffff;
	[tilespmem:s29+$0x189E0] =	vst v9  }
0x1fb: {  	_ =	sdelay $0x2  }
0x1fc: {  	[tilespmem:s29+$0x1B100] =	vst v3  }
0x1fd: {  	v0 =	vld.idx.msk [tilespmem:v0+s25+$0x0], $0xffff;
	[tilespmem:s29+$0x1B110] =	vst v1  }
0x1fe: {  	[tilespmem:s29+$0x1B120] =	vst v2  }
0x1ff: {  	[tilespmem:s29+$0x1B130] =	vst v4  }
0x200: {  	[tilespmem:s29+$0x1B140] =	vst v5  }
0x201: {  	[tilespmem:s29+$0x1B150] =	vst v6  }
0x202: {  	[tilespmem:s29+$0x1B160] =	vst v0  }
0x203: {  	v0 =	vld [tilespmem:$0x9C30];
	_ =	sdelay $0x7  }
0x204: {  	v1 =	vld.idx.msk [tilespmem:v0+s24+$0x0], $0xffff;
	_ =	sdelay $0x4  }
0x205: {  	[tilespmem:$0x1B080] =	vst v1  }
0x206: {  	v0 =	vld.idx.msk [tilespmem:v0+s25+$0x0], $0xffff;
	_ =	sdelay $0x4  }
0x207: {  	s29 =	simm.s32 $0x1;
	[tilespmem:$0x1D800] =	vst v0  }
.LBB2_18:
0x208: {  	s30 =	sshll.u32 s29, $0x2;
	_ =	swait.ge [sflag:s23], $0x2710  }
0x209: {  	[sflag:s23] =	ssyncset.done $0x0;
	s0 =	sadd.s32 s30, s5  }
0x20a: {  	[sflag:s23] =	ssyncadd.s32 $0xFFFFD8F0;
	s0 =	smul.u32 $0x4E2, s0  }
0x20b: {  	_ =	swait.ge [sflag:s23], $0x2710  }
0x20c: {  	[sflag:s23] =	ssyncset.done $0x0;
	s0 =	sadd.s32 s1, s0  }
0x20d: {  	[sflag:s23] =	ssyncadd.s32 $0xFFFFD8F0;
	s2 =	sadd.s32 $0x9C4, s0  }
0x20e: {  	[tilespmem:s24], [sflag:$0x2] =	stream.linear.gather [hbm4b:s2+s3], $0x2710, $0x38;
	[tilespmem:$0x1D880] =	vst v63  }
0x20f: {  	s6 =	simm.s32 $0x40;
	s0 =	sadd.s32 $0xEA6, s0  }
0x210: {  	[tilespmem:s25], [sflag:$0x2] =	stream.linear.gather [hbm4b:s0+s3], $0x2710, $0x38;
	[tilespmem:$0x1D880] =	vst v63  }
0x211: {  	v0 =	vld [tilespmem:s6+$0x30]  }
0x212: {  	v1 =	vld [tilespmem:s6+$0xFFFFFFD0]  }
0x213: {  	v2 =	vld [tilespmem:s6+$0xFFFFFFE0]  }
0x214: {  	v3 =	vld [tilespmem:s6+$0xFFFFFFF0]  }
0x215: {  	v4 =	vld [tilespmem:s6+$0x0]  }
0x216: {  	v5 =	vld [tilespmem:s6+$0x10]  }
0x217: {  	v6 =	vld [tilespmem:s6+$0x20]  }
0x218: {  	v7 =	vld [tilespmem:s6+$0xFFFFFFC0]  }
0x219: {  	v8 =	vld.idx.msk [tilespmem:v0+s21+$0x0], $0xffff  }
0x21a: {  	v9 =	vld.idx.msk [tilespmem:v1+s21+$0x0], $0xffff  }
0x21b: {  	v10 =	vld.idx.msk [tilespmem:v2+s21+$0x0], $0xffff  }
0x21c: {  	v11 =	vld.idx.msk [tilespmem:v3+s21+$0x0], $0xffff  }
0x21d: {  	v12 =	vld.idx.msk [tilespmem:v4+s21+$0x0], $0xffff  }
0x21e: {  	s31 =	simm.s32 $0x13AC0;
	v13 =	vld.idx.msk [tilespmem:v5+s21+$0x0], $0xffff  }
0x21f: {  	v14 =	vld.idx.msk [tilespmem:v6+s21+$0x0], $0xffff;
	[tilespmem:s31+$0x30] =	vst v8  }
0x220: {  	v62 =	vld.idx.msk [tilespmem:v7+s21+$0x0], $0xffff;
	[tilespmem:s31+$0xFFFFFFD0] =	vst v9  }
0x221: {  	[tilespmem:s31+$0xFFFFFFE0] =	vst v10;
	v8 =	vld.idx.msk [tilespmem:v0+s22+$0x0], $0xffff  }
0x222: {  	[tilespmem:s31+$0xFFFFFFF0] =	vst v11;
	v63 =	vld.idx.msk [tilespmem:v1+s22+$0x0], $0xffff  }
0x223: {  	[tilespmem:s31+$0x0] =	vst v12;
	v0 =	vld.idx.msk [tilespmem:v2+s22+$0x0], $0xffff  }
0x224: {  	[tilespmem:s31+$0x10] =	vst v13;
	v1 =	vld.idx.msk [tilespmem:v3+s22+$0x0], $0xffff  }
0x225: {  	[tilespmem:s31+$0x20] =	vst v14;
	v2 =	vld.idx.msk [tilespmem:v4+s22+$0x0], $0xffff  }
0x226: {  	s0 =	simm.s32 $0x16240;
	[tilespmem:s31+$0xFFFFFFC0] =	vst v62;
	v3 =	vld.idx.msk [tilespmem:v5+s22+$0x0], $0xffff  }
0x227: {  	v4 =	vld.idx.msk [tilespmem:v6+s22+$0x0], $0xffff;
	[tilespmem:s0+$0x30] =	vst v8  }
0x228: {  	s2 =	simm.s32 $0x0;
	s6 =	simm.s32 $0xC0;
	v5 =	vld.idx.msk [tilespmem:v7+s22+$0x0], $0xffff;
	[tilespmem:s0+$0xFFFFFFD0] =	vst v63  }
.LBB2_19:
0x229: {  	v6 =	vld [tilespmem:s6+$0x30];
	s2 =	sadd.s32 $0x8, s2;
	[tilespmem:s0+$0xFFFFFFE0] =	vst v0  }
0x22a: {  	v0 =	vld [tilespmem:s6+$0xFFFFFFD0];
	p0 =	slt.u32 s2, $0x268;
	[tilespmem:s0+$0xFFFFFFF0] =	vst v1  }
0x22b: {  	v1 =	vld [tilespmem:s6+$0xFFFFFFE0];
	[tilespmem:s0+$0x0] =	vst v2  }
0x22c: {  	v2 =	vld [tilespmem:s6+$0xFFFFFFF0];
	[tilespmem:s0+$0x10] =	vst v3  }
0x22d: {  	v3 =	vld [tilespmem:s6+$0x0];
	[tilespmem:s0+$0x20] =	vst v4  }
0x22e: {  	v4 =	vld [tilespmem:s6+$0x10];
	[tilespmem:s0+$0xFFFFFFC0] =	vst v5  }
0x22f: {  	v5 =	vld [tilespmem:s6+$0x20]  }
0x230: {  	v7 =	vld [tilespmem:s6+$0xFFFFFFC0]  }
0x231: {  	v8 =	vld.idx.msk [tilespmem:v6+s21+$0x0], $0xffff  }
0x232: {  	v9 =	vld.idx.msk [tilespmem:v0+s21+$0x0], $0xffff  }
0x233: {  	v10 =	vld.idx.msk [tilespmem:v1+s21+$0x0], $0xffff  }
0x234: {  	v11 =	vld.idx.msk [tilespmem:v2+s21+$0x0], $0xffff  }
0x235: {  	v12 =	vld.idx.msk [tilespmem:v3+s21+$0x0], $0xffff  }
0x236: {  	s31 =	sadd.s32 $0x80, s31;
	v13 =	vld.idx.msk [tilespmem:v4+s21+$0x0], $0xffff  }
0x237: {  	v14 =	vld.idx.msk [tilespmem:v5+s21+$0x0], $0xffff;
	[tilespmem:s31+$0x30] =	vst v8  }
0x238: {  	[tilespmem:s31+$0xFFFFFFD0] =	vst v9;
	v6 =	vld.idx.msk [tilespmem:v6+s22+$0x0], $0xffff  }
0x239: {  	v8 =	vld.idx.msk [tilespmem:v7+s21+$0x0], $0xffff;
	[tilespmem:s31+$0xFFFFFFE0] =	vst v10  }
0x23a: {  	v9 =	vld.idx.msk [tilespmem:v0+s22+$0x0], $0xffff;
	[tilespmem:s31+$0xFFFFFFF0] =	vst v11  }
0x23b: {  	v0 =	vld.idx.msk [tilespmem:v1+s22+$0x0], $0xffff;
	[tilespmem:s31+$0x0] =	vst v12  }
.Ltmp8:
0x23c: {  	v1 =	vld.idx.msk [tilespmem:v2+s22+$0x0], $0xffff;
	[tilespmem:s31+$0x10] =	vst v13;
	(pc) =	sbr.rel @p0 .LBB2_19-.Ltmp8, $4  }
0x23d: {  	s0 =	sadd.s32 $0x80, s0;
	v2 =	vld.idx.msk [tilespmem:v3+s22+$0x0], $0xffff;
	[tilespmem:s31+$0x20] =	vst v14  }
0x23e: {  	v3 =	vld.idx.msk [tilespmem:v4+s22+$0x0], $0xffff;
	[tilespmem:s0+$0x30] =	vst v6  }
0x23f: {  	[tilespmem:s31+$0xFFFFFFC0] =	vst v8;
	v4 =	vld.idx.msk [tilespmem:v5+s22+$0x0], $0xffff  }
0x240: {  	s6 =	sadd.s32 $0x80, s6;
	v5 =	vld.idx.msk [tilespmem:v7+s22+$0x0], $0xffff;
	[tilespmem:s0+$0xFFFFFFD0] =	vst v9  }
0x241: {  	[tilespmem:s0+$0xFFFFFFE0] =	vst v0  }
0x242: {  	[tilespmem:s0+$0xFFFFFFF0] =	vst v1  }
0x243: {  	[tilespmem:s0+$0x0] =	vst v2  }
0x244: {  	[tilespmem:s0+$0x10] =	vst v3  }
0x245: {  	[tilespmem:s0+$0x20] =	vst v4  }
0x246: {  	[tilespmem:s0+$0xFFFFFFC0] =	vst v5  }
0x247: {  	v0 =	vld [tilespmem:$0x2700];
	_ =	sdelay $0x7  }
0x248: {  	v1 =	vld.idx.msk [tilespmem:v0+s21+$0x0], $0xffff;
	_ =	sdelay $0x4  }
0x249: {  	[tilespmem:$0x16180] =	vst v1  }
0x24a: {  	v0 =	vld.idx.msk [tilespmem:v0+s22+$0x0], $0xffff;
	_ =	sdelay $0x4  }
0x24b: {  	s6 =	simm.s32 $0x2780;
	[tilespmem:$0x18900] =	vst v0  }
0x24c: {  	v0 =	vld [tilespmem:s6+$0x0]  }
0x24d: {  	v1 =	vld [tilespmem:s6+$0xFFFFFFA0]  }
0x24e: {  	v2 =	vld [tilespmem:s6+$0xFFFFFFB0]  }
0x24f: {  	v3 =	vld [tilespmem:s6+$0xFFFFFFC0]  }
0x250: {  	v4 =	vld [tilespmem:s6+$0xFFFFFFD0]  }
0x251: {  	v5 =	vld [tilespmem:s6+$0xFFFFFFE0]  }
0x252: {  	v6 =	vld [tilespmem:s6+$0xFFFFFFF0]  }
0x253: {  	v7 =	vld [tilespmem:s6+$0xFFFFFF90]  }
0x254: {  	v8 =	vld.idx.msk [tilespmem:v0+s21+$0x0], $0xffff  }
0x255: {  	v9 =	vld.idx.msk [tilespmem:v1+s21+$0x0], $0xffff  }
0x256: {  	v10 =	vld.idx.msk [tilespmem:v2+s21+$0x0], $0xffff  }
0x257: {  	v11 =	vld.idx.msk [tilespmem:v3+s21+$0x0], $0xffff  }
0x258: {  	v12 =	vld.idx.msk [tilespmem:v4+s21+$0x0], $0xffff  }
0x259: {  	s31 =	simm.s32 $0x189C0;
	v13 =	vld.idx.msk [tilespmem:v5+s21+$0x0], $0xffff  }
0x25a: {  	v14 =	vld.idx.msk [tilespmem:v6+s21+$0x0], $0xffff;
	[tilespmem:s31+$0x30] =	vst v8  }
0x25b: {  	v62 =	vld.idx.msk [tilespmem:v7+s21+$0x0], $0xffff;
	[tilespmem:s31+$0xFFFFFFD0] =	vst v9  }
0x25c: {  	[tilespmem:s31+$0xFFFFFFE0] =	vst v10;
	v8 =	vld.idx.msk [tilespmem:v0+s22+$0x0], $0xffff  }
0x25d: {  	[tilespmem:s31+$0xFFFFFFF0] =	vst v11;
	v63 =	vld.idx.msk [tilespmem:v1+s22+$0x0], $0xffff  }
0x25e: {  	[tilespmem:s31+$0x0] =	vst v12;
	v0 =	vld.idx.msk [tilespmem:v2+s22+$0x0], $0xffff  }
0x25f: {  	[tilespmem:s31+$0x10] =	vst v13;
	v1 =	vld.idx.msk [tilespmem:v3+s22+$0x0], $0xffff  }
0x260: {  	[tilespmem:s31+$0x20] =	vst v14;
	v2 =	vld.idx.msk [tilespmem:v4+s22+$0x0], $0xffff  }
0x261: {  	s0 =	simm.s32 $0x1B140;
	[tilespmem:s31+$0xFFFFFFC0] =	vst v62;
	v3 =	vld.idx.msk [tilespmem:v5+s22+$0x0], $0xffff  }
0x262: {  	v4 =	vld.idx.msk [tilespmem:v6+s22+$0x0], $0xffff;
	[tilespmem:s0+$0x30] =	vst v8  }
0x263: {  	s2 =	simm.s32 $0x0;
	s6 =	simm.s32 $0x2800;
	v5 =	vld.idx.msk [tilespmem:v7+s22+$0x0], $0xffff;
	[tilespmem:s0+$0xFFFFFFD0] =	vst v63  }
.LBB2_21:
0x264: {  	v6 =	vld [tilespmem:s6+$0x0];
	s2 =	sadd.s32 $0x8, s2;
	[tilespmem:s0+$0xFFFFFFE0] =	vst v0  }
0x265: {  	v0 =	vld [tilespmem:s6+$0xFFFFFFA0];
	p0 =	slt.u32 s2, $0x268;
	[tilespmem:s0+$0xFFFFFFF0] =	vst v1  }
0x266: {  	v1 =	vld [tilespmem:s6+$0xFFFFFFB0];
	[tilespmem:s0+$0x0] =	vst v2  }
0x267: {  	v2 =	vld [tilespmem:s6+$0xFFFFFFC0];
	[tilespmem:s0+$0x10] =	vst v3  }
0x268: {  	v3 =	vld [tilespmem:s6+$0xFFFFFFD0];
	[tilespmem:s0+$0x20] =	vst v4  }
0x269: {  	v4 =	vld [tilespmem:s6+$0xFFFFFFE0];
	[tilespmem:s0+$0xFFFFFFC0] =	vst v5  }
0x26a: {  	v5 =	vld [tilespmem:s6+$0xFFFFFFF0]  }
0x26b: {  	v7 =	vld [tilespmem:s6+$0xFFFFFF90]  }
0x26c: {  	v8 =	vld.idx.msk [tilespmem:v6+s21+$0x0], $0xffff  }
0x26d: {  	v9 =	vld.idx.msk [tilespmem:v0+s21+$0x0], $0xffff  }
0x26e: {  	v10 =	vld.idx.msk [tilespmem:v1+s21+$0x0], $0xffff  }
0x26f: {  	v11 =	vld.idx.msk [tilespmem:v2+s21+$0x0], $0xffff  }
0x270: {  	v12 =	vld.idx.msk [tilespmem:v3+s21+$0x0], $0xffff  }
0x271: {  	s31 =	sadd.s32 $0x80, s31;
	v13 =	vld.idx.msk [tilespmem:v4+s21+$0x0], $0xffff  }
0x272: {  	v14 =	vld.idx.msk [tilespmem:v5+s21+$0x0], $0xffff;
	[tilespmem:s31+$0x30] =	vst v8  }
0x273: {  	[tilespmem:s31+$0xFFFFFFD0] =	vst v9;
	v6 =	vld.idx.msk [tilespmem:v6+s22+$0x0], $0xffff  }
0x274: {  	v8 =	vld.idx.msk [tilespmem:v7+s21+$0x0], $0xffff;
	[tilespmem:s31+$0xFFFFFFE0] =	vst v10  }
0x275: {  	v9 =	vld.idx.msk [tilespmem:v0+s22+$0x0], $0xffff;
	[tilespmem:s31+$0xFFFFFFF0] =	vst v11  }
0x276: {  	v0 =	vld.idx.msk [tilespmem:v1+s22+$0x0], $0xffff;
	[tilespmem:s31+$0x0] =	vst v12  }
.Ltmp9:
0x277: {  	v1 =	vld.idx.msk [tilespmem:v2+s22+$0x0], $0xffff;
	[tilespmem:s31+$0x10] =	vst v13;
	(pc) =	sbr.rel @p0 .LBB2_21-.Ltmp9, $4  }
0x278: {  	s0 =	sadd.s32 $0x80, s0;
	v2 =	vld.idx.msk [tilespmem:v3+s22+$0x0], $0xffff;
	[tilespmem:s31+$0x20] =	vst v14  }
0x279: {  	v3 =	vld.idx.msk [tilespmem:v4+s22+$0x0], $0xffff;
	[tilespmem:s0+$0x30] =	vst v6  }
0x27a: {  	[tilespmem:s31+$0xFFFFFFC0] =	vst v8;
	v4 =	vld.idx.msk [tilespmem:v5+s22+$0x0], $0xffff  }
0x27b: {  	s6 =	sadd.s32 $0x80, s6;
	v5 =	vld.idx.msk [tilespmem:v7+s22+$0x0], $0xffff;
	[tilespmem:s0+$0xFFFFFFD0] =	vst v9  }
0x27c: {  	[tilespmem:s0+$0xFFFFFFE0] =	vst v0  }
0x27d: {  	[tilespmem:s0+$0xFFFFFFF0] =	vst v1  }
0x27e: {  	[tilespmem:s0+$0x0] =	vst v2  }
0x27f: {  	[tilespmem:s0+$0x10] =	vst v3  }
0x280: {  	[tilespmem:s0+$0x20] =	vst v4  }
0x281: {  	[tilespmem:s0+$0xFFFFFFC0] =	vst v5  }
0x282: {  	v0 =	vld [tilespmem:$0x4E10];
	_ =	sdelay $0x7  }
0x283: {  	v1 =	vld.idx.msk [tilespmem:v0+s21+$0x0], $0xffff;
	_ =	sdelay $0x4  }
0x284: {  	[tilespmem:$0x1B080] =	vst v1  }
0x285: {  	v0 =	vld.idx.msk [tilespmem:v0+s22+$0x0], $0xffff;
	_ =	sdelay $0x4  }
0x286: {  	s31 =	simm.s32 $0x0;
	[tilespmem:$0x1D800] =	vst v0  }
0x287: {  	v1 =	vld [tilespmem:s31+$0x4E90]  }
0x288: {  	v2 =	vld [tilespmem:s31+$0x4E20]  }
0x289: {  	v4 =	vld [tilespmem:s31+$0x4E30]  }
0x28a: {  	v5 =	vld [tilespmem:s31+$0x4E40]  }
0x28b: {  	v6 =	vld [tilespmem:s31+$0x4E50]  }
0x28c: {  	v7 =	vld [tilespmem:s31+$0x4E60]  }
0x28d: {  	v8 =	vld [tilespmem:s31+$0x4E70]  }
0x28e: {  	v0 =	vld [tilespmem:s31+$0x4E80]  }
0x28f: {  	v3 =	vld.idx.msk [tilespmem:v1+s21+$0x0], $0xffff  }
0x290: {  	v9 =	vld.idx.msk [tilespmem:v2+s21+$0x0], $0xffff  }
0x291: {  	v10 =	vld.idx.msk [tilespmem:v4+s21+$0x0], $0xffff  }
0x292: {  	v11 =	vld.idx.msk [tilespmem:v5+s21+$0x0], $0xffff  }
0x293: {  	v12 =	vld.idx.msk [tilespmem:v6+s21+$0x0], $0xffff  }
0x294: {  	v13 =	vld.idx.msk [tilespmem:v7+s21+$0x0], $0xffff  }
0x295: {  	v14 =	vld.idx.msk [tilespmem:v8+s21+$0x0], $0xffff;
	[tilespmem:s31+$0x13AF0] =	vst v3  }
0x296: {  	v63 =	vld.idx.msk [tilespmem:v0+s21+$0x0], $0xffff;
	[tilespmem:s31+$0x13A80] =	vst v9  }
0x297: {  	[tilespmem:s31+$0x13A90] =	vst v10;
	v62 =	vld.idx.msk [tilespmem:v1+s22+$0x0], $0xffff  }
0x298: {  	[tilespmem:s31+$0x13AA0] =	vst v11;
	v3 =	vld.idx.msk [tilespmem:v2+s22+$0x0], $0xffff  }
0x299: {  	[tilespmem:s31+$0x13AB0] =	vst v12;
	v1 =	vld.idx.msk [tilespmem:v4+s22+$0x0], $0xffff  }
0x29a: {  	[tilespmem:s31+$0x13AC0] =	vst v13;
	v2 =	vld.idx.msk [tilespmem:v5+s22+$0x0], $0xffff  }
0x29b: {  	[tilespmem:s31+$0x13AD0] =	vst v14;
	v4 =	vld.idx.msk [tilespmem:v6+s22+$0x0], $0xffff  }
0x29c: {  	[tilespmem:s31+$0x13AE0] =	vst v63;
	v5 =	vld.idx.msk [tilespmem:v7+s22+$0x0], $0xffff  }
0x29d: {  	s2 =	simm.s32 $0x200;
	s0 =	simm.s32 $0x0;
	v6 =	vld.idx.msk [tilespmem:v8+s22+$0x0], $0xffff;
	[tilespmem:s31+$0x16270] =	vst v62  }
.LBB2_23:
0x29e: {  	s6 =	sshra.s32 s2, $0x2;
	s0 =	sadd.s32 $0x8, s0;
	[tilespmem:s31+$0x16200] =	vst v3;
	v0 =	vld.idx.msk [tilespmem:v0+s22+$0x0], $0xffff  }
0x29f: {  	v3 =	vld [tilespmem:s6+$0x4E90];
	p0 =	slt.u32 s0, $0x268;
	[tilespmem:s31+$0x16210] =	vst v1  }
0x2a0: {  	v1 =	vld [tilespmem:s6+$0x4E20];
	[tilespmem:s31+$0x16220] =	vst v2  }
0x2a1: {  	v2 =	vld [tilespmem:s6+$0x4E30];
	[tilespmem:s31+$0x16230] =	vst v4  }
0x2a2: {  	v4 =	vld [tilespmem:s6+$0x4E40];
	[tilespmem:s31+$0x16240] =	vst v5  }
0x2a3: {  	v5 =	vld [tilespmem:s6+$0x4E50];
	[tilespmem:s31+$0x16250] =	vst v6  }
0x2a4: {  	v6 =	vld [tilespmem:s6+$0x4E60];
	[tilespmem:s31+$0x16260] =	vst v0;
	s31 =	smov.u32 s6  }
0x2a5: {  	v7 =	vld [tilespmem:s31+$0x4E70]  }
0x2a6: {  	v0 =	vld [tilespmem:s31+$0x4E80]  }
0x2a7: {  	v8 =	vld.idx.msk [tilespmem:v3+s21+$0x0], $0xffff  }
0x2a8: {  	v9 =	vld.idx.msk [tilespmem:v1+s21+$0x0], $0xffff  }
0x2a9: {  	v10 =	vld.idx.msk [tilespmem:v2+s21+$0x0], $0xffff  }
0x2aa: {  	v11 =	vld.idx.msk [tilespmem:v4+s21+$0x0], $0xffff  }
0x2ab: {  	v12 =	vld.idx.msk [tilespmem:v5+s21+$0x0], $0xffff  }
0x2ac: {  	v13 =	vld.idx.msk [tilespmem:v6+s21+$0x0], $0xffff  }
0x2ad: {  	v14 =	vld.idx.msk [tilespmem:v7+s21+$0x0], $0xffff;
	[tilespmem:s31+$0x13AF0] =	vst v8  }
0x2ae: {  	[tilespmem:s31+$0x13A80] =	vst v9;
	v8 =	vld.idx.msk [tilespmem:v3+s22+$0x0], $0xffff  }
0x2af: {  	[tilespmem:s31+$0x13A90] =	vst v10;
	v9 =	vld.idx.msk [tilespmem:v0+s21+$0x0], $0xffff  }
0x2b0: {  	v3 =	vld.idx.msk [tilespmem:v1+s22+$0x0], $0xffff;
	[tilespmem:s31+$0x13AA0] =	vst v11  }
.Ltmp10:
0x2b1: {  	v1 =	vld.idx.msk [tilespmem:v2+s22+$0x0], $0xffff;
	[tilespmem:s31+$0x13AB0] =	vst v12;
	(pc) =	sbr.rel @p0 .LBB2_23-.Ltmp10, $4  }
0x2b2: {  	v2 =	vld.idx.msk [tilespmem:v4+s22+$0x0], $0xffff;
	[tilespmem:s31+$0x13AC0] =	vst v13  }
0x2b3: {  	v4 =	vld.idx.msk [tilespmem:v5+s22+$0x0], $0xffff;
	[tilespmem:s31+$0x13AD0] =	vst v14  }
0x2b4: {  	v5 =	vld.idx.msk [tilespmem:v6+s22+$0x0], $0xffff;
	[tilespmem:s31+$0x16270] =	vst v8  }
0x2b5: {  	s2 =	sadd.s32 $0x200, s2;
	v6 =	vld.idx.msk [tilespmem:v7+s22+$0x0], $0xffff;
	[tilespmem:s31+$0x13AE0] =	vst v9  }
0x2b6: {  	_ =	sdelay $0x2  }
0x2b7: {  	[tilespmem:s31+$0x16200] =	vst v3  }
0x2b8: {  	v0 =	vld.idx.msk [tilespmem:v0+s22+$0x0], $0xffff;
	[tilespmem:s31+$0x16210] =	vst v1  }
0x2b9: {  	[tilespmem:s31+$0x16220] =	vst v2  }
0x2ba: {  	[tilespmem:s31+$0x16230] =	vst v4  }
0x2bb: {  	[tilespmem:s31+$0x16240] =	vst v5  }
0x2bc: {  	[tilespmem:s31+$0x16250] =	vst v6  }
0x2bd: {  	[tilespmem:s31+$0x16260] =	vst v0  }
0x2be: {  	v0 =	vld [tilespmem:$0x7520];
	_ =	sdelay $0x7  }
0x2bf: {  	v1 =	vld.idx.msk [tilespmem:v0+s21+$0x0], $0xffff;
	_ =	sdelay $0x4  }
0x2c0: {  	[tilespmem:$0x16180] =	vst v1  }
0x2c1: {  	v0 =	vld.idx.msk [tilespmem:v0+s22+$0x0], $0xffff;
	_ =	sdelay $0x4  }
0x2c2: {  	s31 =	simm.s32 $0x0;
	[tilespmem:$0x18900] =	vst v0  }
0x2c3: {  	v1 =	vld [tilespmem:s31+$0x75A0]  }
0x2c4: {  	v2 =	vld [tilespmem:s31+$0x7530]  }
0x2c5: {  	v4 =	vld [tilespmem:s31+$0x7540]  }
0x2c6: {  	v5 =	vld [tilespmem:s31+$0x7550]  }
0x2c7: {  	v6 =	vld [tilespmem:s31+$0x7560]  }
0x2c8: {  	v7 =	vld [tilespmem:s31+$0x7570]  }
0x2c9: {  	v8 =	vld [tilespmem:s31+$0x7580]  }
0x2ca: {  	v0 =	vld [tilespmem:s31+$0x7590]  }
0x2cb: {  	v3 =	vld.idx.msk [tilespmem:v1+s21+$0x0], $0xffff  }
0x2cc: {  	v9 =	vld.idx.msk [tilespmem:v2+s21+$0x0], $0xffff  }
0x2cd: {  	v10 =	vld.idx.msk [tilespmem:v4+s21+$0x0], $0xffff  }
0x2ce: {  	v11 =	vld.idx.msk [tilespmem:v5+s21+$0x0], $0xffff  }
0x2cf: {  	v12 =	vld.idx.msk [tilespmem:v6+s21+$0x0], $0xffff  }
0x2d0: {  	v13 =	vld.idx.msk [tilespmem:v7+s21+$0x0], $0xffff  }
0x2d1: {  	v14 =	vld.idx.msk [tilespmem:v8+s21+$0x0], $0xffff;
	[tilespmem:s31+$0x189F0] =	vst v3  }
0x2d2: {  	v63 =	vld.idx.msk [tilespmem:v0+s21+$0x0], $0xffff;
	[tilespmem:s31+$0x18980] =	vst v9  }
0x2d3: {  	[tilespmem:s31+$0x18990] =	vst v10;
	v62 =	vld.idx.msk [tilespmem:v1+s22+$0x0], $0xffff  }
0x2d4: {  	[tilespmem:s31+$0x189A0] =	vst v11;
	v3 =	vld.idx.msk [tilespmem:v2+s22+$0x0], $0xffff  }
0x2d5: {  	[tilespmem:s31+$0x189B0] =	vst v12;
	v1 =	vld.idx.msk [tilespmem:v4+s22+$0x0], $0xffff  }
0x2d6: {  	[tilespmem:s31+$0x189C0] =	vst v13;
	v2 =	vld.idx.msk [tilespmem:v5+s22+$0x0], $0xffff  }
0x2d7: {  	[tilespmem:s31+$0x189D0] =	vst v14;
	v4 =	vld.idx.msk [tilespmem:v6+s22+$0x0], $0xffff  }
0x2d8: {  	[tilespmem:s31+$0x189E0] =	vst v63;
	v5 =	vld.idx.msk [tilespmem:v7+s22+$0x0], $0xffff  }
0x2d9: {  	s0 =	simm.s32 $0x0;
	s2 =	simm.s32 $0x200;
	v6 =	vld.idx.msk [tilespmem:v8+s22+$0x0], $0xffff;
	[tilespmem:s31+$0x1B170] =	vst v62  }
.LBB2_25:
0x2da: {  	s6 =	sshra.s32 s2, $0x2;
	s0 =	sadd.s32 $0x8, s0;
	[tilespmem:s31+$0x1B100] =	vst v3;
	v0 =	vld.idx.msk [tilespmem:v0+s22+$0x0], $0xffff  }
0x2db: {  	v3 =	vld [tilespmem:s6+$0x75A0];
	p0 =	slt.u32 s0, $0x268;
	[tilespmem:s31+$0x1B110] =	vst v1  }
0x2dc: {  	v1 =	vld [tilespmem:s6+$0x7530];
	[tilespmem:s31+$0x1B120] =	vst v2  }
0x2dd: {  	v2 =	vld [tilespmem:s6+$0x7540];
	[tilespmem:s31+$0x1B130] =	vst v4  }
0x2de: {  	v4 =	vld [tilespmem:s6+$0x7550];
	[tilespmem:s31+$0x1B140] =	vst v5  }
0x2df: {  	v5 =	vld [tilespmem:s6+$0x7560];
	[tilespmem:s31+$0x1B150] =	vst v6  }
0x2e0: {  	v6 =	vld [tilespmem:s6+$0x7570];
	[tilespmem:s31+$0x1B160] =	vst v0;
	s31 =	smov.u32 s6  }
0x2e1: {  	v7 =	vld [tilespmem:s31+$0x7580]  }
0x2e2: {  	v0 =	vld [tilespmem:s31+$0x7590]  }
0x2e3: {  	v8 =	vld.idx.msk [tilespmem:v3+s21+$0x0], $0xffff  }
0x2e4: {  	v9 =	vld.idx.msk [tilespmem:v1+s21+$0x0], $0xffff  }
0x2e5: {  	v10 =	vld.idx.msk [tilespmem:v2+s21+$0x0], $0xffff  }
0x2e6: {  	v11 =	vld.idx.msk [tilespmem:v4+s21+$0x0], $0xffff  }
0x2e7: {  	v12 =	vld.idx.msk [tilespmem:v5+s21+$0x0], $0xffff  }
0x2e8: {  	v13 =	vld.idx.msk [tilespmem:v6+s21+$0x0], $0xffff  }
0x2e9: {  	v14 =	vld.idx.msk [tilespmem:v7+s21+$0x0], $0xffff;
	[tilespmem:s31+$0x189F0] =	vst v8  }
0x2ea: {  	[tilespmem:s31+$0x18980] =	vst v9;
	v8 =	vld.idx.msk [tilespmem:v3+s22+$0x0], $0xffff  }
0x2eb: {  	[tilespmem:s31+$0x18990] =	vst v10;
	v9 =	vld.idx.msk [tilespmem:v0+s21+$0x0], $0xffff  }
0x2ec: {  	v3 =	vld.idx.msk [tilespmem:v1+s22+$0x0], $0xffff;
	[tilespmem:s31+$0x189A0] =	vst v11  }
.Ltmp11:
0x2ed: {  	v1 =	vld.idx.msk [tilespmem:v2+s22+$0x0], $0xffff;
	[tilespmem:s31+$0x189B0] =	vst v12;
	(pc) =	sbr.rel @p0 .LBB2_25-.Ltmp11, $4  }
0x2ee: {  	v2 =	vld.idx.msk [tilespmem:v4+s22+$0x0], $0xffff;
	[tilespmem:s31+$0x189C0] =	vst v13  }
0x2ef: {  	v4 =	vld.idx.msk [tilespmem:v5+s22+$0x0], $0xffff;
	[tilespmem:s31+$0x189D0] =	vst v14  }
0x2f0: {  	v5 =	vld.idx.msk [tilespmem:v6+s22+$0x0], $0xffff;
	[tilespmem:s31+$0x1B170] =	vst v8  }
0x2f1: {  	s2 =	sadd.s32 $0x200, s2;
	v6 =	vld.idx.msk [tilespmem:v7+s22+$0x0], $0xffff;
	[tilespmem:s31+$0x189E0] =	vst v9  }
0x2f2: {  	_ =	sdelay $0x2  }
0x2f3: {  	[tilespmem:s31+$0x1B100] =	vst v3  }
0x2f4: {  	v0 =	vld.idx.msk [tilespmem:v0+s22+$0x0], $0xffff;
	[tilespmem:s31+$0x1B110] =	vst v1  }
0x2f5: {  	[tilespmem:s31+$0x1B120] =	vst v2  }
0x2f6: {  	[tilespmem:s31+$0x1B130] =	vst v4  }
0x2f7: {  	[tilespmem:s31+$0x1B140] =	vst v5  }
0x2f8: {  	[tilespmem:s31+$0x1B150] =	vst v6  }
0x2f9: {  	[tilespmem:s31+$0x1B160] =	vst v0  }
0x2fa: {  	v0 =	vld [tilespmem:$0x9C30];
	_ =	sdelay $0x7  }
0x2fb: {  	v1 =	vld.idx.msk [tilespmem:v0+s21+$0x0], $0xffff;
	_ =	sdelay $0x4  }
0x2fc: {  	[tilespmem:$0x1B080] =	vst v1  }
0x2fd: {  	v0 =	vld.idx.msk [tilespmem:v0+s22+$0x0], $0xffff;
	_ =	sdelay $0x4  }
0x2fe: {  	[tilespmem:$0x1D800] =	vst v0  }
0x2ff: {  	p0 =	seq.s32 s29, $0x3;
	_ =	swait.ge [sflag:s26], $0x2710  }
0x300: {  	s0 =	sadd.s32 @!p0 $0x4, s30;
	[sflag:s26] =	ssyncset.done $0x0  }
0x301: {  	s2 =	sadd.s32 @!p0 s5, s0;
	[sflag:s26] =	ssyncadd.s32 $0xFFFFD8F0  }
0x302: {  	s6 =	simm.s32 @!p0 $0x0;
	s2 =	smul.u32 @!p0 $0x4E2, s2;
	_ =	swait.ge [sflag:s26], $0x2710  }
0x303: {  	s30 =	simm.s32 @!p0 $0x9C80;
	s0 =	sadd.s32 @!p0 s0, s13;
	[sflag:s26] =	ssyncset.done $0x0  }
0x304: {  	s0 =	smul.u32 @!p0 $0x4E2, s0;
	s2 =	sadd.s32 @!p0 s1, s2;
	[sflag:s26] =	ssyncadd.s32 $0xFFFFD8F0  }
0x305: {  	[tilespmem:s30], [sflag:$0x1] =	stream.linear.gather @!p0 [hbm4b:s2+s6], $0x2710, $0x38;
	[tilespmem:$0x1D880] =	vst v63  }
0x306: {  	s0 =	sadd.s32 @!p0 s1, s0;
	s31 =	simm.s32 $0x40;
	s2 =	simm.s32 @!p0 $0xC400  }
0x307: {  	[tilespmem:s2], [sflag:$0x1] =	stream.linear.gather @!p0 [hbm4b:s0+s6], $0x2710, $0x38;
	[tilespmem:$0x1D880] =	vst v63  }
0x308: {  	v0 =	vld [tilespmem:s31+$0x30]  }
0x309: {  	v1 =	vld [tilespmem:s31+$0xFFFFFFD0]  }
0x30a: {  	v2 =	vld [tilespmem:s31+$0xFFFFFFE0]  }
0x30b: {  	v3 =	vld [tilespmem:s31+$0xFFFFFFF0]  }
0x30c: {  	v4 =	vld [tilespmem:s31+$0x0]  }
0x30d: {  	v5 =	vld [tilespmem:s31+$0x10]  }
0x30e: {  	v6 =	vld [tilespmem:s31+$0x20]  }
0x30f: {  	v7 =	vld [tilespmem:s31+$0xFFFFFFC0]  }
0x310: {  	v8 =	vld.idx.msk [tilespmem:v0+s24+$0x0], $0xffff  }
0x311: {  	v9 =	vld.idx.msk [tilespmem:v1+s24+$0x0], $0xffff  }
0x312: {  	v10 =	vld.idx.msk [tilespmem:v2+s24+$0x0], $0xffff  }
0x313: {  	v11 =	vld.idx.msk [tilespmem:v3+s24+$0x0], $0xffff  }
0x314: {  	v12 =	vld.idx.msk [tilespmem:v4+s24+$0x0], $0xffff  }
0x315: {  	s30 =	simm.s32 $0x13AC0;
	v13 =	vld.idx.msk [tilespmem:v5+s24+$0x0], $0xffff  }
0x316: {  	v14 =	vld.idx.msk [tilespmem:v6+s24+$0x0], $0xffff;
	[tilespmem:s30+$0x30] =	vst v8  }
0x317: {  	v62 =	vld.idx.msk [tilespmem:v7+s24+$0x0], $0xffff;
	[tilespmem:s30+$0xFFFFFFD0] =	vst v9  }
0x318: {  	[tilespmem:s30+$0xFFFFFFE0] =	vst v10;
	v8 =	vld.idx.msk [tilespmem:v0+s25+$0x0], $0xffff  }
0x319: {  	[tilespmem:s30+$0xFFFFFFF0] =	vst v11;
	v63 =	vld.idx.msk [tilespmem:v1+s25+$0x0], $0xffff  }
0x31a: {  	[tilespmem:s30+$0x0] =	vst v12;
	v0 =	vld.idx.msk [tilespmem:v2+s25+$0x0], $0xffff  }
0x31b: {  	[tilespmem:s30+$0x10] =	vst v13;
	v1 =	vld.idx.msk [tilespmem:v3+s25+$0x0], $0xffff  }
0x31c: {  	[tilespmem:s30+$0x20] =	vst v14;
	v2 =	vld.idx.msk [tilespmem:v4+s25+$0x0], $0xffff  }
0x31d: {  	s0 =	simm.s32 $0x16240;
	[tilespmem:s30+$0xFFFFFFC0] =	vst v62;
	v3 =	vld.idx.msk [tilespmem:v5+s25+$0x0], $0xffff  }
0x31e: {  	v4 =	vld.idx.msk [tilespmem:v6+s25+$0x0], $0xffff;
	[tilespmem:s0+$0x30] =	vst v8  }
0x31f: {  	s2 =	simm.s32 $0x0;
	s6 =	simm.s32 $0xC0;
	v5 =	vld.idx.msk [tilespmem:v7+s25+$0x0], $0xffff;
	[tilespmem:s0+$0xFFFFFFD0] =	vst v63  }
.LBB2_27:
0x320: {  	v6 =	vld [tilespmem:s6+$0x30];
	s2 =	sadd.s32 $0x8, s2;
	[tilespmem:s0+$0xFFFFFFE0] =	vst v0  }
0x321: {  	v0 =	vld [tilespmem:s6+$0xFFFFFFD0];
	p0 =	slt.u32 s2, $0x268;
	[tilespmem:s0+$0xFFFFFFF0] =	vst v1  }
0x322: {  	v1 =	vld [tilespmem:s6+$0xFFFFFFE0];
	[tilespmem:s0+$0x0] =	vst v2  }
0x323: {  	v2 =	vld [tilespmem:s6+$0xFFFFFFF0];
	[tilespmem:s0+$0x10] =	vst v3  }
0x324: {  	v3 =	vld [tilespmem:s6+$0x0];
	[tilespmem:s0+$0x20] =	vst v4  }
0x325: {  	v4 =	vld [tilespmem:s6+$0x10];
	[tilespmem:s0+$0xFFFFFFC0] =	vst v5  }
0x326: {  	v5 =	vld [tilespmem:s6+$0x20]  }
0x327: {  	v7 =	vld [tilespmem:s6+$0xFFFFFFC0]  }
0x328: {  	v8 =	vld.idx.msk [tilespmem:v6+s24+$0x0], $0xffff  }
0x329: {  	v9 =	vld.idx.msk [tilespmem:v0+s24+$0x0], $0xffff  }
0x32a: {  	v10 =	vld.idx.msk [tilespmem:v1+s24+$0x0], $0xffff  }
0x32b: {  	v11 =	vld.idx.msk [tilespmem:v2+s24+$0x0], $0xffff  }
0x32c: {  	v12 =	vld.idx.msk [tilespmem:v3+s24+$0x0], $0xffff  }
0x32d: {  	s30 =	sadd.s32 $0x80, s30;
	v13 =	vld.idx.msk [tilespmem:v4+s24+$0x0], $0xffff  }
0x32e: {  	v14 =	vld.idx.msk [tilespmem:v5+s24+$0x0], $0xffff;
	[tilespmem:s30+$0x30] =	vst v8  }
0x32f: {  	[tilespmem:s30+$0xFFFFFFD0] =	vst v9;
	v6 =	vld.idx.msk [tilespmem:v6+s25+$0x0], $0xffff  }
0x330: {  	v8 =	vld.idx.msk [tilespmem:v7+s24+$0x0], $0xffff;
	[tilespmem:s30+$0xFFFFFFE0] =	vst v10  }
0x331: {  	v9 =	vld.idx.msk [tilespmem:v0+s25+$0x0], $0xffff;
	[tilespmem:s30+$0xFFFFFFF0] =	vst v11  }
0x332: {  	v0 =	vld.idx.msk [tilespmem:v1+s25+$0x0], $0xffff;
	[tilespmem:s30+$0x0] =	vst v12  }
.Ltmp12:
0x333: {  	v1 =	vld.idx.msk [tilespmem:v2+s25+$0x0], $0xffff;
	[tilespmem:s30+$0x10] =	vst v13;
	(pc) =	sbr.rel @p0 .LBB2_27-.Ltmp12, $4  }
0x334: {  	s0 =	sadd.s32 $0x80, s0;
	v2 =	vld.idx.msk [tilespmem:v3+s25+$0x0], $0xffff;
	[tilespmem:s30+$0x20] =	vst v14  }
0x335: {  	v3 =	vld.idx.msk [tilespmem:v4+s25+$0x0], $0xffff;
	[tilespmem:s0+$0x30] =	vst v6  }
0x336: {  	[tilespmem:s30+$0xFFFFFFC0] =	vst v8;
	v4 =	vld.idx.msk [tilespmem:v5+s25+$0x0], $0xffff  }
0x337: {  	s6 =	sadd.s32 $0x80, s6;
	v5 =	vld.idx.msk [tilespmem:v7+s25+$0x0], $0xffff;
	[tilespmem:s0+$0xFFFFFFD0] =	vst v9  }
0x338: {  	[tilespmem:s0+$0xFFFFFFE0] =	vst v0  }
0x339: {  	[tilespmem:s0+$0xFFFFFFF0] =	vst v1  }
0x33a: {  	[tilespmem:s0+$0x0] =	vst v2  }
0x33b: {  	[tilespmem:s0+$0x10] =	vst v3  }
0x33c: {  	[tilespmem:s0+$0x20] =	vst v4  }
0x33d: {  	[tilespmem:s0+$0xFFFFFFC0] =	vst v5  }
0x33e: {  	v0 =	vld [tilespmem:$0x2700];
	_ =	sdelay $0x7  }
0x33f: {  	v1 =	vld.idx.msk [tilespmem:v0+s24+$0x0], $0xffff;
	_ =	sdelay $0x4  }
0x340: {  	[tilespmem:$0x16180] =	vst v1  }
0x341: {  	v0 =	vld.idx.msk [tilespmem:v0+s25+$0x0], $0xffff;
	_ =	sdelay $0x4  }
0x342: {  	s31 =	simm.s32 $0x2780;
	[tilespmem:$0x18900] =	vst v0  }
0x343: {  	v0 =	vld [tilespmem:s31+$0x0]  }
0x344: {  	v1 =	vld [tilespmem:s31+$0xFFFFFFA0]  }
0x345: {  	v2 =	vld [tilespmem:s31+$0xFFFFFFB0]  }
0x346: {  	v3 =	vld [tilespmem:s31+$0xFFFFFFC0]  }
0x347: {  	v4 =	vld [tilespmem:s31+$0xFFFFFFD0]  }
0x348: {  	v5 =	vld [tilespmem:s31+$0xFFFFFFE0]  }
0x349: {  	v6 =	vld [tilespmem:s31+$0xFFFFFFF0]  }
0x34a: {  	v7 =	vld [tilespmem:s31+$0xFFFFFF90]  }
0x34b: {  	v8 =	vld.idx.msk [tilespmem:v0+s24+$0x0], $0xffff  }
0x34c: {  	v9 =	vld.idx.msk [tilespmem:v1+s24+$0x0], $0xffff  }
0x34d: {  	v10 =	vld.idx.msk [tilespmem:v2+s24+$0x0], $0xffff  }
0x34e: {  	v11 =	vld.idx.msk [tilespmem:v3+s24+$0x0], $0xffff  }
0x34f: {  	v12 =	vld.idx.msk [tilespmem:v4+s24+$0x0], $0xffff  }
0x350: {  	s30 =	simm.s32 $0x189C0;
	v13 =	vld.idx.msk [tilespmem:v5+s24+$0x0], $0xffff  }
0x351: {  	v14 =	vld.idx.msk [tilespmem:v6+s24+$0x0], $0xffff;
	[tilespmem:s30+$0x30] =	vst v8  }
0x352: {  	v62 =	vld.idx.msk [tilespmem:v7+s24+$0x0], $0xffff;
	[tilespmem:s30+$0xFFFFFFD0] =	vst v9  }
0x353: {  	[tilespmem:s30+$0xFFFFFFE0] =	vst v10;
	v8 =	vld.idx.msk [tilespmem:v0+s25+$0x0], $0xffff  }
0x354: {  	[tilespmem:s30+$0xFFFFFFF0] =	vst v11;
	v63 =	vld.idx.msk [tilespmem:v1+s25+$0x0], $0xffff  }
0x355: {  	[tilespmem:s30+$0x0] =	vst v12;
	v0 =	vld.idx.msk [tilespmem:v2+s25+$0x0], $0xffff  }
0x356: {  	[tilespmem:s30+$0x10] =	vst v13;
	v1 =	vld.idx.msk [tilespmem:v3+s25+$0x0], $0xffff  }
0x357: {  	[tilespmem:s30+$0x20] =	vst v14;
	v2 =	vld.idx.msk [tilespmem:v4+s25+$0x0], $0xffff  }
0x358: {  	s0 =	simm.s32 $0x1B140;
	[tilespmem:s30+$0xFFFFFFC0] =	vst v62;
	v3 =	vld.idx.msk [tilespmem:v5+s25+$0x0], $0xffff  }
0x359: {  	v4 =	vld.idx.msk [tilespmem:v6+s25+$0x0], $0xffff;
	[tilespmem:s0+$0x30] =	vst v8  }
0x35a: {  	s2 =	simm.s32 $0x0;
	s6 =	simm.s32 $0x2800;
	v5 =	vld.idx.msk [tilespmem:v7+s25+$0x0], $0xffff;
	[tilespmem:s0+$0xFFFFFFD0] =	vst v63  }
.LBB2_29:
0x35b: {  	v6 =	vld [tilespmem:s6+$0x0];
	s2 =	sadd.s32 $0x8, s2;
	[tilespmem:s0+$0xFFFFFFE0] =	vst v0  }
0x35c: {  	v0 =	vld [tilespmem:s6+$0xFFFFFFA0];
	p0 =	slt.u32 s2, $0x268;
	[tilespmem:s0+$0xFFFFFFF0] =	vst v1  }
0x35d: {  	v1 =	vld [tilespmem:s6+$0xFFFFFFB0];
	[tilespmem:s0+$0x0] =	vst v2  }
0x35e: {  	v2 =	vld [tilespmem:s6+$0xFFFFFFC0];
	[tilespmem:s0+$0x10] =	vst v3  }
0x35f: {  	v3 =	vld [tilespmem:s6+$0xFFFFFFD0];
	[tilespmem:s0+$0x20] =	vst v4  }
0x360: {  	v4 =	vld [tilespmem:s6+$0xFFFFFFE0];
	[tilespmem:s0+$0xFFFFFFC0] =	vst v5  }
0x361: {  	v5 =	vld [tilespmem:s6+$0xFFFFFFF0]  }
0x362: {  	v7 =	vld [tilespmem:s6+$0xFFFFFF90]  }
0x363: {  	v8 =	vld.idx.msk [tilespmem:v6+s24+$0x0], $0xffff  }
0x364: {  	v9 =	vld.idx.msk [tilespmem:v0+s24+$0x0], $0xffff  }
0x365: {  	v10 =	vld.idx.msk [tilespmem:v1+s24+$0x0], $0xffff  }
0x366: {  	v11 =	vld.idx.msk [tilespmem:v2+s24+$0x0], $0xffff  }
0x367: {  	v12 =	vld.idx.msk [tilespmem:v3+s24+$0x0], $0xffff  }
0x368: {  	s30 =	sadd.s32 $0x80, s30;
	v13 =	vld.idx.msk [tilespmem:v4+s24+$0x0], $0xffff  }
0x369: {  	v14 =	vld.idx.msk [tilespmem:v5+s24+$0x0], $0xffff;
	[tilespmem:s30+$0x30] =	vst v8  }
0x36a: {  	[tilespmem:s30+$0xFFFFFFD0] =	vst v9;
	v6 =	vld.idx.msk [tilespmem:v6+s25+$0x0], $0xffff  }
0x36b: {  	v8 =	vld.idx.msk [tilespmem:v7+s24+$0x0], $0xffff;
	[tilespmem:s30+$0xFFFFFFE0] =	vst v10  }
0x36c: {  	v9 =	vld.idx.msk [tilespmem:v0+s25+$0x0], $0xffff;
	[tilespmem:s30+$0xFFFFFFF0] =	vst v11  }
0x36d: {  	v0 =	vld.idx.msk [tilespmem:v1+s25+$0x0], $0xffff;
	[tilespmem:s30+$0x0] =	vst v12  }
.Ltmp13:
0x36e: {  	v1 =	vld.idx.msk [tilespmem:v2+s25+$0x0], $0xffff;
	[tilespmem:s30+$0x10] =	vst v13;
	(pc) =	sbr.rel @p0 .LBB2_29-.Ltmp13, $4  }
0x36f: {  	s0 =	sadd.s32 $0x80, s0;
	v2 =	vld.idx.msk [tilespmem:v3+s25+$0x0], $0xffff;
	[tilespmem:s30+$0x20] =	vst v14  }
0x370: {  	v3 =	vld.idx.msk [tilespmem:v4+s25+$0x0], $0xffff;
	[tilespmem:s0+$0x30] =	vst v6  }
0x371: {  	[tilespmem:s30+$0xFFFFFFC0] =	vst v8;
	v4 =	vld.idx.msk [tilespmem:v5+s25+$0x0], $0xffff  }
0x372: {  	s6 =	sadd.s32 $0x80, s6;
	v5 =	vld.idx.msk [tilespmem:v7+s25+$0x0], $0xffff;
	[tilespmem:s0+$0xFFFFFFD0] =	vst v9  }
0x373: {  	[tilespmem:s0+$0xFFFFFFE0] =	vst v0  }
0x374: {  	[tilespmem:s0+$0xFFFFFFF0] =	vst v1  }
0x375: {  	[tilespmem:s0+$0x0] =	vst v2  }
0x376: {  	[tilespmem:s0+$0x10] =	vst v3  }
0x377: {  	[tilespmem:s0+$0x20] =	vst v4  }
0x378: {  	[tilespmem:s0+$0xFFFFFFC0] =	vst v5  }
0x379: {  	v0 =	vld [tilespmem:$0x4E10];
	_ =	sdelay $0x7  }
0x37a: {  	v1 =	vld.idx.msk [tilespmem:v0+s24+$0x0], $0xffff;
	_ =	sdelay $0x4  }
0x37b: {  	[tilespmem:$0x1B080] =	vst v1  }
0x37c: {  	v0 =	vld.idx.msk [tilespmem:v0+s25+$0x0], $0xffff;
	_ =	sdelay $0x4  }
0x37d: {  	s30 =	simm.s32 $0x0;
	[tilespmem:$0x1D800] =	vst v0  }
0x37e: {  	v1 =	vld [tilespmem:s30+$0x4E90]  }
0x37f: {  	v2 =	vld [tilespmem:s30+$0x4E20]  }
0x380: {  	v4 =	vld [tilespmem:s30+$0x4E30]  }
0x381: {  	v5 =	vld [tilespmem:s30+$0x4E40]  }
0x382: {  	v6 =	vld [tilespmem:s30+$0x4E50]  }
0x383: {  	v7 =	vld [tilespmem:s30+$0x4E60]  }
0x384: {  	v8 =	vld [tilespmem:s30+$0x4E70]  }
0x385: {  	v0 =	vld [tilespmem:s30+$0x4E80]  }
0x386: {  	v3 =	vld.idx.msk [tilespmem:v1+s24+$0x0], $0xffff  }
0x387: {  	v9 =	vld.idx.msk [tilespmem:v2+s24+$0x0], $0xffff  }
0x388: {  	v10 =	vld.idx.msk [tilespmem:v4+s24+$0x0], $0xffff  }
0x389: {  	v11 =	vld.idx.msk [tilespmem:v5+s24+$0x0], $0xffff  }
0x38a: {  	v12 =	vld.idx.msk [tilespmem:v6+s24+$0x0], $0xffff  }
0x38b: {  	v13 =	vld.idx.msk [tilespmem:v7+s24+$0x0], $0xffff  }
0x38c: {  	v14 =	vld.idx.msk [tilespmem:v8+s24+$0x0], $0xffff;
	[tilespmem:s30+$0x13AF0] =	vst v3  }
0x38d: {  	v63 =	vld.idx.msk [tilespmem:v0+s24+$0x0], $0xffff;
	[tilespmem:s30+$0x13A80] =	vst v9  }
0x38e: {  	[tilespmem:s30+$0x13A90] =	vst v10;
	v62 =	vld.idx.msk [tilespmem:v1+s25+$0x0], $0xffff  }
0x38f: {  	[tilespmem:s30+$0x13AA0] =	vst v11;
	v3 =	vld.idx.msk [tilespmem:v2+s25+$0x0], $0xffff  }
0x390: {  	[tilespmem:s30+$0x13AB0] =	vst v12;
	v1 =	vld.idx.msk [tilespmem:v4+s25+$0x0], $0xffff  }
0x391: {  	[tilespmem:s30+$0x13AC0] =	vst v13;
	v2 =	vld.idx.msk [tilespmem:v5+s25+$0x0], $0xffff  }
0x392: {  	[tilespmem:s30+$0x13AD0] =	vst v14;
	v4 =	vld.idx.msk [tilespmem:v6+s25+$0x0], $0xffff  }
0x393: {  	[tilespmem:s30+$0x13AE0] =	vst v63;
	v5 =	vld.idx.msk [tilespmem:v7+s25+$0x0], $0xffff  }
0x394: {  	s2 =	simm.s32 $0x200;
	s0 =	simm.s32 $0x0;
	v6 =	vld.idx.msk [tilespmem:v8+s25+$0x0], $0xffff;
	[tilespmem:s30+$0x16270] =	vst v62  }
.LBB2_31:
0x395: {  	s6 =	sshra.s32 s2, $0x2;
	s0 =	sadd.s32 $0x8, s0;
	[tilespmem:s30+$0x16200] =	vst v3;
	v0 =	vld.idx.msk [tilespmem:v0+s25+$0x0], $0xffff  }
0x396: {  	v3 =	vld [tilespmem:s6+$0x4E90];
	p0 =	slt.u32 s0, $0x268;
	[tilespmem:s30+$0x16210] =	vst v1  }
0x397: {  	v1 =	vld [tilespmem:s6+$0x4E20];
	[tilespmem:s30+$0x16220] =	vst v2  }
0x398: {  	v2 =	vld [tilespmem:s6+$0x4E30];
	[tilespmem:s30+$0x16230] =	vst v4  }
0x399: {  	v4 =	vld [tilespmem:s6+$0x4E40];
	[tilespmem:s30+$0x16240] =	vst v5  }
0x39a: {  	v5 =	vld [tilespmem:s6+$0x4E50];
	[tilespmem:s30+$0x16250] =	vst v6  }
0x39b: {  	v6 =	vld [tilespmem:s6+$0x4E60];
	[tilespmem:s30+$0x16260] =	vst v0;
	s30 =	smov.u32 s6  }
0x39c: {  	v7 =	vld [tilespmem:s30+$0x4E70]  }
0x39d: {  	v0 =	vld [tilespmem:s30+$0x4E80]  }
0x39e: {  	v8 =	vld.idx.msk [tilespmem:v3+s24+$0x0], $0xffff  }
0x39f: {  	v9 =	vld.idx.msk [tilespmem:v1+s24+$0x0], $0xffff  }
0x3a0: {  	v10 =	vld.idx.msk [tilespmem:v2+s24+$0x0], $0xffff  }
0x3a1: {  	v11 =	vld.idx.msk [tilespmem:v4+s24+$0x0], $0xffff  }
0x3a2: {  	v12 =	vld.idx.msk [tilespmem:v5+s24+$0x0], $0xffff  }
0x3a3: {  	v13 =	vld.idx.msk [tilespmem:v6+s24+$0x0], $0xffff  }
0x3a4: {  	v14 =	vld.idx.msk [tilespmem:v7+s24+$0x0], $0xffff;
	[tilespmem:s30+$0x13AF0] =	vst v8  }
0x3a5: {  	[tilespmem:s30+$0x13A80] =	vst v9;
	v8 =	vld.idx.msk [tilespmem:v3+s25+$0x0], $0xffff  }
0x3a6: {  	[tilespmem:s30+$0x13A90] =	vst v10;
	v9 =	vld.idx.msk [tilespmem:v0+s24+$0x0], $0xffff  }
0x3a7: {  	v3 =	vld.idx.msk [tilespmem:v1+s25+$0x0], $0xffff;
	[tilespmem:s30+$0x13AA0] =	vst v11  }
.Ltmp14:
0x3a8: {  	v1 =	vld.idx.msk [tilespmem:v2+s25+$0x0], $0xffff;
	[tilespmem:s30+$0x13AB0] =	vst v12;
	(pc) =	sbr.rel @p0 .LBB2_31-.Ltmp14, $4  }
0x3a9: {  	v2 =	vld.idx.msk [tilespmem:v4+s25+$0x0], $0xffff;
	[tilespmem:s30+$0x13AC0] =	vst v13  }
0x3aa: {  	v4 =	vld.idx.msk [tilespmem:v5+s25+$0x0], $0xffff;
	[tilespmem:s30+$0x13AD0] =	vst v14  }
0x3ab: {  	v5 =	vld.idx.msk [tilespmem:v6+s25+$0x0], $0xffff;
	[tilespmem:s30+$0x16270] =	vst v8  }
0x3ac: {  	s2 =	sadd.s32 $0x200, s2;
	v6 =	vld.idx.msk [tilespmem:v7+s25+$0x0], $0xffff;
	[tilespmem:s30+$0x13AE0] =	vst v9  }
0x3ad: {  	_ =	sdelay $0x2  }
0x3ae: {  	[tilespmem:s30+$0x16200] =	vst v3  }
0x3af: {  	v0 =	vld.idx.msk [tilespmem:v0+s25+$0x0], $0xffff;
	[tilespmem:s30+$0x16210] =	vst v1  }
0x3b0: {  	[tilespmem:s30+$0x16220] =	vst v2  }
0x3b1: {  	[tilespmem:s30+$0x16230] =	vst v4  }
0x3b2: {  	[tilespmem:s30+$0x16240] =	vst v5  }
0x3b3: {  	[tilespmem:s30+$0x16250] =	vst v6  }
0x3b4: {  	[tilespmem:s30+$0x16260] =	vst v0  }
0x3b5: {  	v0 =	vld [tilespmem:$0x7520];
	_ =	sdelay $0x7  }
0x3b6: {  	v1 =	vld.idx.msk [tilespmem:v0+s24+$0x0], $0xffff;
	_ =	sdelay $0x4  }
0x3b7: {  	[tilespmem:$0x16180] =	vst v1  }
0x3b8: {  	v0 =	vld.idx.msk [tilespmem:v0+s25+$0x0], $0xffff;
	_ =	sdelay $0x4  }
0x3b9: {  	s30 =	simm.s32 $0x0;
	[tilespmem:$0x18900] =	vst v0  }
0x3ba: {  	v1 =	vld [tilespmem:s30+$0x75A0]  }
0x3bb: {  	v2 =	vld [tilespmem:s30+$0x7530]  }
0x3bc: {  	v4 =	vld [tilespmem:s30+$0x7540]  }
0x3bd: {  	v5 =	vld [tilespmem:s30+$0x7550]  }
0x3be: {  	v6 =	vld [tilespmem:s30+$0x7560]  }
0x3bf: {  	v7 =	vld [tilespmem:s30+$0x7570]  }
0x3c0: {  	v8 =	vld [tilespmem:s30+$0x7580]  }
0x3c1: {  	v0 =	vld [tilespmem:s30+$0x7590]  }
0x3c2: {  	v3 =	vld.idx.msk [tilespmem:v1+s24+$0x0], $0xffff  }
0x3c3: {  	v9 =	vld.idx.msk [tilespmem:v2+s24+$0x0], $0xffff  }
0x3c4: {  	v10 =	vld.idx.msk [tilespmem:v4+s24+$0x0], $0xffff  }
0x3c5: {  	v11 =	vld.idx.msk [tilespmem:v5+s24+$0x0], $0xffff  }
0x3c6: {  	v12 =	vld.idx.msk [tilespmem:v6+s24+$0x0], $0xffff  }
0x3c7: {  	v13 =	vld.idx.msk [tilespmem:v7+s24+$0x0], $0xffff  }
0x3c8: {  	v14 =	vld.idx.msk [tilespmem:v8+s24+$0x0], $0xffff;
	[tilespmem:s30+$0x189F0] =	vst v3  }
0x3c9: {  	v63 =	vld.idx.msk [tilespmem:v0+s24+$0x0], $0xffff;
	[tilespmem:s30+$0x18980] =	vst v9  }
0x3ca: {  	[tilespmem:s30+$0x18990] =	vst v10;
	v62 =	vld.idx.msk [tilespmem:v1+s25+$0x0], $0xffff  }
0x3cb: {  	[tilespmem:s30+$0x189A0] =	vst v11;
	v3 =	vld.idx.msk [tilespmem:v2+s25+$0x0], $0xffff  }
0x3cc: {  	[tilespmem:s30+$0x189B0] =	vst v12;
	v1 =	vld.idx.msk [tilespmem:v4+s25+$0x0], $0xffff  }
0x3cd: {  	[tilespmem:s30+$0x189C0] =	vst v13;
	v2 =	vld.idx.msk [tilespmem:v5+s25+$0x0], $0xffff  }
0x3ce: {  	[tilespmem:s30+$0x189D0] =	vst v14;
	v4 =	vld.idx.msk [tilespmem:v6+s25+$0x0], $0xffff  }
0x3cf: {  	[tilespmem:s30+$0x189E0] =	vst v63;
	v5 =	vld.idx.msk [tilespmem:v7+s25+$0x0], $0xffff  }
0x3d0: {  	s0 =	simm.s32 $0x0;
	s2 =	simm.s32 $0x200;
	v6 =	vld.idx.msk [tilespmem:v8+s25+$0x0], $0xffff;
	[tilespmem:s30+$0x1B170] =	vst v62  }
.LBB2_33:
0x3d1: {  	s6 =	sshra.s32 s2, $0x2;
	s0 =	sadd.s32 $0x8, s0;
	[tilespmem:s30+$0x1B100] =	vst v3;
	v0 =	vld.idx.msk [tilespmem:v0+s25+$0x0], $0xffff  }
0x3d2: {  	v3 =	vld [tilespmem:s6+$0x75A0];
	p0 =	slt.u32 s0, $0x268;
	[tilespmem:s30+$0x1B110] =	vst v1  }
0x3d3: {  	v1 =	vld [tilespmem:s6+$0x7530];
	[tilespmem:s30+$0x1B120] =	vst v2  }
0x3d4: {  	v2 =	vld [tilespmem:s6+$0x7540];
	[tilespmem:s30+$0x1B130] =	vst v4  }
0x3d5: {  	v4 =	vld [tilespmem:s6+$0x7550];
	[tilespmem:s30+$0x1B140] =	vst v5  }
0x3d6: {  	v5 =	vld [tilespmem:s6+$0x7560];
	[tilespmem:s30+$0x1B150] =	vst v6  }
0x3d7: {  	v6 =	vld [tilespmem:s6+$0x7570];
	[tilespmem:s30+$0x1B160] =	vst v0;
	s30 =	smov.u32 s6  }
0x3d8: {  	v7 =	vld [tilespmem:s30+$0x7580]  }
0x3d9: {  	v0 =	vld [tilespmem:s30+$0x7590]  }
0x3da: {  	v8 =	vld.idx.msk [tilespmem:v3+s24+$0x0], $0xffff  }
0x3db: {  	v9 =	vld.idx.msk [tilespmem:v1+s24+$0x0], $0xffff  }
0x3dc: {  	v10 =	vld.idx.msk [tilespmem:v2+s24+$0x0], $0xffff  }
0x3dd: {  	v11 =	vld.idx.msk [tilespmem:v4+s24+$0x0], $0xffff  }
0x3de: {  	v12 =	vld.idx.msk [tilespmem:v5+s24+$0x0], $0xffff  }
0x3df: {  	v13 =	vld.idx.msk [tilespmem:v6+s24+$0x0], $0xffff  }
0x3e0: {  	v14 =	vld.idx.msk [tilespmem:v7+s24+$0x0], $0xffff;
	[tilespmem:s30+$0x189F0] =	vst v8  }
0x3e1: {  	[tilespmem:s30+$0x18980] =	vst v9;
	v8 =	vld.idx.msk [tilespmem:v3+s25+$0x0], $0xffff  }
0x3e2: {  	[tilespmem:s30+$0x18990] =	vst v10;
	v9 =	vld.idx.msk [tilespmem:v0+s24+$0x0], $0xffff  }
0x3e3: {  	v3 =	vld.idx.msk [tilespmem:v1+s25+$0x0], $0xffff;
	[tilespmem:s30+$0x189A0] =	vst v11  }
.Ltmp15:
0x3e4: {  	v1 =	vld.idx.msk [tilespmem:v2+s25+$0x0], $0xffff;
	[tilespmem:s30+$0x189B0] =	vst v12;
	(pc) =	sbr.rel @p0 .LBB2_33-.Ltmp15, $4  }
0x3e5: {  	v2 =	vld.idx.msk [tilespmem:v4+s25+$0x0], $0xffff;
	[tilespmem:s30+$0x189C0] =	vst v13  }
0x3e6: {  	v4 =	vld.idx.msk [tilespmem:v5+s25+$0x0], $0xffff;
	[tilespmem:s30+$0x189D0] =	vst v14  }
0x3e7: {  	v5 =	vld.idx.msk [tilespmem:v6+s25+$0x0], $0xffff;
	[tilespmem:s30+$0x1B170] =	vst v8  }
0x3e8: {  	s2 =	sadd.s32 $0x200, s2;
	v6 =	vld.idx.msk [tilespmem:v7+s25+$0x0], $0xffff;
	[tilespmem:s30+$0x189E0] =	vst v9  }
0x3e9: {  	_ =	sdelay $0x2  }
0x3ea: {  	[tilespmem:s30+$0x1B100] =	vst v3  }
0x3eb: {  	v0 =	vld.idx.msk [tilespmem:v0+s25+$0x0], $0xffff;
	[tilespmem:s30+$0x1B110] =	vst v1  }
0x3ec: {  	[tilespmem:s30+$0x1B120] =	vst v2  }
0x3ed: {  	[tilespmem:s30+$0x1B130] =	vst v4  }
0x3ee: {  	[tilespmem:s30+$0x1B140] =	vst v5  }
0x3ef: {  	[tilespmem:s30+$0x1B150] =	vst v6  }
0x3f0: {  	[tilespmem:s30+$0x1B160] =	vst v0  }
0x3f1: {  	v0 =	vld [tilespmem:$0x9C30];
	_ =	sdelay $0x7  }
0x3f2: {  	v1 =	vld.idx.msk [tilespmem:v0+s24+$0x0], $0xffff;
	_ =	sdelay $0x4  }
0x3f3: {  	s29 =	sadd.s32 $0x1, s29;
	[tilespmem:$0x1B080] =	vst v1  }
0x3f4: {  	p0 =	sne.s32 s29, $0x4;
	v0 =	vld.idx.msk [tilespmem:v0+s25+$0x0], $0xffff  }
.Ltmp16:
0x3f5: {  	_ = 	snop;
	(pc) =	sbr.rel @p0 .LBB2_18-.Ltmp16, $2  }
0x3f6: {  	_ =	sdelay $0x2  }
0x3f7: {  	[tilespmem:$0x1D800] =	vst v0  }
0x3f8: {  	s29 =	simm.s32 $0x0  }
0x3f9: {  	[tilespmem:s29], [sflag:$0x3] =	stream.linear.gather [hbm4b:s14+s29], $0x9C40, $0x38;
	[tilespmem:$0x1D880] =	vst v63  }
0x3fa: {  	_ =	swait.ge [sflag:s20], $0x9C40  }
0x3fb: {  	[sflag:s20] =	ssyncset.done $0x0  }
0x3fc: {  	[sflag:s20] =	ssyncadd.s32 $0xFFFF63C0  }
0x3fd: {  	[tilespmem:s21], [sflag:$0x1] =	stream.linear.gather [hbm4b:s7+s29], $0x2710, $0x38;
	[tilespmem:$0x1D880] =	vst v63  }
0x3fe: {  	_ = 	snop  }
0x3ff: {  	[tilespmem:s22], [sflag:$0x1] =	stream.linear.gather [hbm4b:s8+s29], $0x2710, $0x38;
	[tilespmem:$0x1D880] =	vst v63  }
.LBB2_36:
0x400: {  	s30 =	sshll.u32 s29, $0x2;
	_ =	swait.ge [sflag:s23], $0x2710  }
0x401: {  	[sflag:s23] =	ssyncset.done $0x0;
	s0 =	sadd.s32 s30, s5  }
0x402: {  	[sflag:s23] =	ssyncadd.s32 $0xFFFFD8F0;
	s0 =	smul.u32 $0x4E2, s0  }
0x403: {  	_ =	swait.ge [sflag:s23], $0x2710  }
0x404: {  	[sflag:s23] =	ssyncset.done $0x0;
	s0 =	sadd.s32 s1, s0  }
0x405: {  	[sflag:s23] =	ssyncadd.s32 $0xFFFFD8F0;
	s2 =	sadd.s32 $0x9C4, s0  }
0x406: {  	[tilespmem:s24], [sflag:$0x2] =	stream.linear.gather [hbm4b:s2+s3], $0x2710, $0x38;
	[tilespmem:$0x1D880] =	vst v63  }
0x407: {  	s6 =	simm.s32 $0x40;
	s0 =	sadd.s32 $0xEA6, s0  }
0x408: {  	[tilespmem:s25], [sflag:$0x2] =	stream.linear.gather [hbm4b:s0+s3], $0x2710, $0x38;
	[tilespmem:$0x1D880] =	vst v63  }
0x409: {  	v0 =	vld [tilespmem:s6+$0x30]  }
0x40a: {  	v1 =	vld [tilespmem:s6+$0xFFFFFFD0]  }
0x40b: {  	v2 =	vld [tilespmem:s6+$0xFFFFFFE0]  }
0x40c: {  	v3 =	vld [tilespmem:s6+$0xFFFFFFF0]  }
0x40d: {  	v4 =	vld [tilespmem:s6+$0x0]  }
0x40e: {  	v5 =	vld [tilespmem:s6+$0x10]  }
0x40f: {  	v6 =	vld [tilespmem:s6+$0x20]  }
0x410: {  	v7 =	vld [tilespmem:s6+$0xFFFFFFC0]  }
0x411: {  	v8 =	vld.idx.msk [tilespmem:v0+s21+$0x0], $0xffff  }
0x412: {  	v9 =	vld.idx.msk [tilespmem:v1+s21+$0x0], $0xffff  }
0x413: {  	v10 =	vld.idx.msk [tilespmem:v2+s21+$0x0], $0xffff  }
0x414: {  	v11 =	vld.idx.msk [tilespmem:v3+s21+$0x0], $0xffff  }
0x415: {  	v12 =	vld.idx.msk [tilespmem:v4+s21+$0x0], $0xffff  }
0x416: {  	s31 =	simm.s32 $0x13AC0;
	v13 =	vld.idx.msk [tilespmem:v5+s21+$0x0], $0xffff  }
0x417: {  	v14 =	vld.idx.msk [tilespmem:v6+s21+$0x0], $0xffff;
	[tilespmem:s31+$0x30] =	vst v8  }
0x418: {  	v62 =	vld.idx.msk [tilespmem:v7+s21+$0x0], $0xffff;
	[tilespmem:s31+$0xFFFFFFD0] =	vst v9  }
0x419: {  	[tilespmem:s31+$0xFFFFFFE0] =	vst v10;
	v8 =	vld.idx.msk [tilespmem:v0+s22+$0x0], $0xffff  }
0x41a: {  	[tilespmem:s31+$0xFFFFFFF0] =	vst v11;
	v63 =	vld.idx.msk [tilespmem:v1+s22+$0x0], $0xffff  }
0x41b: {  	[tilespmem:s31+$0x0] =	vst v12;
	v0 =	vld.idx.msk [tilespmem:v2+s22+$0x0], $0xffff  }
0x41c: {  	[tilespmem:s31+$0x10] =	vst v13;
	v1 =	vld.idx.msk [tilespmem:v3+s22+$0x0], $0xffff  }
0x41d: {  	[tilespmem:s31+$0x20] =	vst v14;
	v2 =	vld.idx.msk [tilespmem:v4+s22+$0x0], $0xffff  }
0x41e: {  	s0 =	simm.s32 $0x16240;
	[tilespmem:s31+$0xFFFFFFC0] =	vst v62;
	v3 =	vld.idx.msk [tilespmem:v5+s22+$0x0], $0xffff  }
0x41f: {  	v4 =	vld.idx.msk [tilespmem:v6+s22+$0x0], $0xffff;
	[tilespmem:s0+$0x30] =	vst v8  }
0x420: {  	s2 =	simm.s32 $0x0;
	s6 =	simm.s32 $0xC0;
	v5 =	vld.idx.msk [tilespmem:v7+s22+$0x0], $0xffff;
	[tilespmem:s0+$0xFFFFFFD0] =	vst v63  }
.LBB2_37:
0x421: {  	v6 =	vld [tilespmem:s6+$0x30];
	s2 =	sadd.s32 $0x8, s2;
	[tilespmem:s0+$0xFFFFFFE0] =	vst v0  }
0x422: {  	v0 =	vld [tilespmem:s6+$0xFFFFFFD0];
	p0 =	slt.u32 s2, $0x268;
	[tilespmem:s0+$0xFFFFFFF0] =	vst v1  }
0x423: {  	v1 =	vld [tilespmem:s6+$0xFFFFFFE0];
	[tilespmem:s0+$0x0] =	vst v2  }
0x424: {  	v2 =	vld [tilespmem:s6+$0xFFFFFFF0];
	[tilespmem:s0+$0x10] =	vst v3  }
0x425: {  	v3 =	vld [tilespmem:s6+$0x0];
	[tilespmem:s0+$0x20] =	vst v4  }
0x426: {  	v4 =	vld [tilespmem:s6+$0x10];
	[tilespmem:s0+$0xFFFFFFC0] =	vst v5  }
0x427: {  	v5 =	vld [tilespmem:s6+$0x20]  }
0x428: {  	v7 =	vld [tilespmem:s6+$0xFFFFFFC0]  }
0x429: {  	v8 =	vld.idx.msk [tilespmem:v6+s21+$0x0], $0xffff  }
0x42a: {  	v9 =	vld.idx.msk [tilespmem:v0+s21+$0x0], $0xffff  }
0x42b: {  	v10 =	vld.idx.msk [tilespmem:v1+s21+$0x0], $0xffff  }
0x42c: {  	v11 =	vld.idx.msk [tilespmem:v2+s21+$0x0], $0xffff  }
0x42d: {  	v12 =	vld.idx.msk [tilespmem:v3+s21+$0x0], $0xffff  }
0x42e: {  	s31 =	sadd.s32 $0x80, s31;
	v13 =	vld.idx.msk [tilespmem:v4+s21+$0x0], $0xffff  }
0x42f: {  	v14 =	vld.idx.msk [tilespmem:v5+s21+$0x0], $0xffff;
	[tilespmem:s31+$0x30] =	vst v8  }
0x430: {  	[tilespmem:s31+$0xFFFFFFD0] =	vst v9;
	v6 =	vld.idx.msk [tilespmem:v6+s22+$0x0], $0xffff  }
0x431: {  	v8 =	vld.idx.msk [tilespmem:v7+s21+$0x0], $0xffff;
	[tilespmem:s31+$0xFFFFFFE0] =	vst v10  }
0x432: {  	v9 =	vld.idx.msk [tilespmem:v0+s22+$0x0], $0xffff;
	[tilespmem:s31+$0xFFFFFFF0] =	vst v11  }
0x433: {  	v0 =	vld.idx.msk [tilespmem:v1+s22+$0x0], $0xffff;
	[tilespmem:s31+$0x0] =	vst v12  }
.Ltmp17:
0x434: {  	v1 =	vld.idx.msk [tilespmem:v2+s22+$0x0], $0xffff;
	[tilespmem:s31+$0x10] =	vst v13;
	(pc) =	sbr.rel @p0 .LBB2_37-.Ltmp17, $4  }
0x435: {  	s0 =	sadd.s32 $0x80, s0;
	v2 =	vld.idx.msk [tilespmem:v3+s22+$0x0], $0xffff;
	[tilespmem:s31+$0x20] =	vst v14  }
0x436: {  	v3 =	vld.idx.msk [tilespmem:v4+s22+$0x0], $0xffff;
	[tilespmem:s0+$0x30] =	vst v6  }
0x437: {  	[tilespmem:s31+$0xFFFFFFC0] =	vst v8;
	v4 =	vld.idx.msk [tilespmem:v5+s22+$0x0], $0xffff  }
0x438: {  	s6 =	sadd.s32 $0x80, s6;
	v5 =	vld.idx.msk [tilespmem:v7+s22+$0x0], $0xffff;
	[tilespmem:s0+$0xFFFFFFD0] =	vst v9  }
0x439: {  	[tilespmem:s0+$0xFFFFFFE0] =	vst v0  }
0x43a: {  	[tilespmem:s0+$0xFFFFFFF0] =	vst v1  }
0x43b: {  	[tilespmem:s0+$0x0] =	vst v2  }
0x43c: {  	[tilespmem:s0+$0x10] =	vst v3  }
0x43d: {  	[tilespmem:s0+$0x20] =	vst v4  }
0x43e: {  	[tilespmem:s0+$0xFFFFFFC0] =	vst v5  }
0x43f: {  	v0 =	vld [tilespmem:$0x2700];
	_ =	sdelay $0x7  }
0x440: {  	v1 =	vld.idx.msk [tilespmem:v0+s21+$0x0], $0xffff;
	_ =	sdelay $0x4  }
0x441: {  	[tilespmem:$0x16180] =	vst v1  }
0x442: {  	v0 =	vld.idx.msk [tilespmem:v0+s22+$0x0], $0xffff;
	_ =	sdelay $0x4  }
0x443: {  	s6 =	simm.s32 $0x2780;
	[tilespmem:$0x18900] =	vst v0  }
0x444: {  	v0 =	vld [tilespmem:s6+$0x0]  }
0x445: {  	v1 =	vld [tilespmem:s6+$0xFFFFFFA0]  }
0x446: {  	v2 =	vld [tilespmem:s6+$0xFFFFFFB0]  }
0x447: {  	v3 =	vld [tilespmem:s6+$0xFFFFFFC0]  }
0x448: {  	v4 =	vld [tilespmem:s6+$0xFFFFFFD0]  }
0x449: {  	v5 =	vld [tilespmem:s6+$0xFFFFFFE0]  }
0x44a: {  	v6 =	vld [tilespmem:s6+$0xFFFFFFF0]  }
0x44b: {  	v7 =	vld [tilespmem:s6+$0xFFFFFF90]  }
0x44c: {  	v8 =	vld.idx.msk [tilespmem:v0+s21+$0x0], $0xffff  }
0x44d: {  	v9 =	vld.idx.msk [tilespmem:v1+s21+$0x0], $0xffff  }
0x44e: {  	v10 =	vld.idx.msk [tilespmem:v2+s21+$0x0], $0xffff  }
0x44f: {  	v11 =	vld.idx.msk [tilespmem:v3+s21+$0x0], $0xffff  }
0x450: {  	v12 =	vld.idx.msk [tilespmem:v4+s21+$0x0], $0xffff  }
0x451: {  	s31 =	simm.s32 $0x189C0;
	v13 =	vld.idx.msk [tilespmem:v5+s21+$0x0], $0xffff  }
0x452: {  	v14 =	vld.idx.msk [tilespmem:v6+s21+$0x0], $0xffff;
	[tilespmem:s31+$0x30] =	vst v8  }
0x453: {  	v62 =	vld.idx.msk [tilespmem:v7+s21+$0x0], $0xffff;
	[tilespmem:s31+$0xFFFFFFD0] =	vst v9  }
0x454: {  	[tilespmem:s31+$0xFFFFFFE0] =	vst v10;
	v8 =	vld.idx.msk [tilespmem:v0+s22+$0x0], $0xffff  }
0x455: {  	[tilespmem:s31+$0xFFFFFFF0] =	vst v11;
	v63 =	vld.idx.msk [tilespmem:v1+s22+$0x0], $0xffff  }
0x456: {  	[tilespmem:s31+$0x0] =	vst v12;
	v0 =	vld.idx.msk [tilespmem:v2+s22+$0x0], $0xffff  }
0x457: {  	[tilespmem:s31+$0x10] =	vst v13;
	v1 =	vld.idx.msk [tilespmem:v3+s22+$0x0], $0xffff  }
0x458: {  	[tilespmem:s31+$0x20] =	vst v14;
	v2 =	vld.idx.msk [tilespmem:v4+s22+$0x0], $0xffff  }
0x459: {  	s0 =	simm.s32 $0x1B140;
	[tilespmem:s31+$0xFFFFFFC0] =	vst v62;
	v3 =	vld.idx.msk [tilespmem:v5+s22+$0x0], $0xffff  }
0x45a: {  	v4 =	vld.idx.msk [tilespmem:v6+s22+$0x0], $0xffff;
	[tilespmem:s0+$0x30] =	vst v8  }
0x45b: {  	s2 =	simm.s32 $0x0;
	s6 =	simm.s32 $0x2800;
	v5 =	vld.idx.msk [tilespmem:v7+s22+$0x0], $0xffff;
	[tilespmem:s0+$0xFFFFFFD0] =	vst v63  }
.LBB2_39:
0x45c: {  	v6 =	vld [tilespmem:s6+$0x0];
	s2 =	sadd.s32 $0x8, s2;
	[tilespmem:s0+$0xFFFFFFE0] =	vst v0  }
0x45d: {  	v0 =	vld [tilespmem:s6+$0xFFFFFFA0];
	p0 =	slt.u32 s2, $0x268;
	[tilespmem:s0+$0xFFFFFFF0] =	vst v1  }
0x45e: {  	v1 =	vld [tilespmem:s6+$0xFFFFFFB0];
	[tilespmem:s0+$0x0] =	vst v2  }
0x45f: {  	v2 =	vld [tilespmem:s6+$0xFFFFFFC0];
	[tilespmem:s0+$0x10] =	vst v3  }
0x460: {  	v3 =	vld [tilespmem:s6+$0xFFFFFFD0];
	[tilespmem:s0+$0x20] =	vst v4  }
0x461: {  	v4 =	vld [tilespmem:s6+$0xFFFFFFE0];
	[tilespmem:s0+$0xFFFFFFC0] =	vst v5  }
0x462: {  	v5 =	vld [tilespmem:s6+$0xFFFFFFF0]  }
0x463: {  	v7 =	vld [tilespmem:s6+$0xFFFFFF90]  }
0x464: {  	v8 =	vld.idx.msk [tilespmem:v6+s21+$0x0], $0xffff  }
0x465: {  	v9 =	vld.idx.msk [tilespmem:v0+s21+$0x0], $0xffff  }
0x466: {  	v10 =	vld.idx.msk [tilespmem:v1+s21+$0x0], $0xffff  }
0x467: {  	v11 =	vld.idx.msk [tilespmem:v2+s21+$0x0], $0xffff  }
0x468: {  	v12 =	vld.idx.msk [tilespmem:v3+s21+$0x0], $0xffff  }
0x469: {  	s31 =	sadd.s32 $0x80, s31;
	v13 =	vld.idx.msk [tilespmem:v4+s21+$0x0], $0xffff  }
0x46a: {  	v14 =	vld.idx.msk [tilespmem:v5+s21+$0x0], $0xffff;
	[tilespmem:s31+$0x30] =	vst v8  }
0x46b: {  	[tilespmem:s31+$0xFFFFFFD0] =	vst v9;
	v6 =	vld.idx.msk [tilespmem:v6+s22+$0x0], $0xffff  }
0x46c: {  	v8 =	vld.idx.msk [tilespmem:v7+s21+$0x0], $0xffff;
	[tilespmem:s31+$0xFFFFFFE0] =	vst v10  }
0x46d: {  	v9 =	vld.idx.msk [tilespmem:v0+s22+$0x0], $0xffff;
	[tilespmem:s31+$0xFFFFFFF0] =	vst v11  }
0x46e: {  	v0 =	vld.idx.msk [tilespmem:v1+s22+$0x0], $0xffff;
	[tilespmem:s31+$0x0] =	vst v12  }
.Ltmp18:
0x46f: {  	v1 =	vld.idx.msk [tilespmem:v2+s22+$0x0], $0xffff;
	[tilespmem:s31+$0x10] =	vst v13;
	(pc) =	sbr.rel @p0 .LBB2_39-.Ltmp18, $4  }
0x470: {  	s0 =	sadd.s32 $0x80, s0;
	v2 =	vld.idx.msk [tilespmem:v3+s22+$0x0], $0xffff;
	[tilespmem:s31+$0x20] =	vst v14  }
0x471: {  	v3 =	vld.idx.msk [tilespmem:v4+s22+$0x0], $0xffff;
	[tilespmem:s0+$0x30] =	vst v6  }
0x472: {  	[tilespmem:s31+$0xFFFFFFC0] =	vst v8;
	v4 =	vld.idx.msk [tilespmem:v5+s22+$0x0], $0xffff  }
0x473: {  	s6 =	sadd.s32 $0x80, s6;
	v5 =	vld.idx.msk [tilespmem:v7+s22+$0x0], $0xffff;
	[tilespmem:s0+$0xFFFFFFD0] =	vst v9  }
0x474: {  	[tilespmem:s0+$0xFFFFFFE0] =	vst v0  }
0x475: {  	[tilespmem:s0+$0xFFFFFFF0] =	vst v1  }
0x476: {  	[tilespmem:s0+$0x0] =	vst v2  }
0x477: {  	[tilespmem:s0+$0x10] =	vst v3  }
0x478: {  	[tilespmem:s0+$0x20] =	vst v4  }
0x479: {  	[tilespmem:s0+$0xFFFFFFC0] =	vst v5  }
0x47a: {  	v0 =	vld [tilespmem:$0x4E10];
	_ =	sdelay $0x7  }
0x47b: {  	v1 =	vld.idx.msk [tilespmem:v0+s21+$0x0], $0xffff;
	_ =	sdelay $0x4  }
0x47c: {  	[tilespmem:$0x1B080] =	vst v1  }
0x47d: {  	v0 =	vld.idx.msk [tilespmem:v0+s22+$0x0], $0xffff;
	_ =	sdelay $0x4  }
0x47e: {  	s31 =	simm.s32 $0x0;
	[tilespmem:$0x1D800] =	vst v0  }
0x47f: {  	v1 =	vld [tilespmem:s31+$0x4E90]  }
0x480: {  	v2 =	vld [tilespmem:s31+$0x4E20]  }
0x481: {  	v4 =	vld [tilespmem:s31+$0x4E30]  }
0x482: {  	v5 =	vld [tilespmem:s31+$0x4E40]  }
0x483: {  	v6 =	vld [tilespmem:s31+$0x4E50]  }
0x484: {  	v7 =	vld [tilespmem:s31+$0x4E60]  }
0x485: {  	v8 =	vld [tilespmem:s31+$0x4E70]  }
0x486: {  	v0 =	vld [tilespmem:s31+$0x4E80]  }
0x487: {  	v3 =	vld.idx.msk [tilespmem:v1+s21+$0x0], $0xffff  }
0x488: {  	v9 =	vld.idx.msk [tilespmem:v2+s21+$0x0], $0xffff  }
0x489: {  	v10 =	vld.idx.msk [tilespmem:v4+s21+$0x0], $0xffff  }
0x48a: {  	v11 =	vld.idx.msk [tilespmem:v5+s21+$0x0], $0xffff  }
0x48b: {  	v12 =	vld.idx.msk [tilespmem:v6+s21+$0x0], $0xffff  }
0x48c: {  	v13 =	vld.idx.msk [tilespmem:v7+s21+$0x0], $0xffff  }
0x48d: {  	v14 =	vld.idx.msk [tilespmem:v8+s21+$0x0], $0xffff;
	[tilespmem:s31+$0x13AF0] =	vst v3  }
0x48e: {  	v63 =	vld.idx.msk [tilespmem:v0+s21+$0x0], $0xffff;
	[tilespmem:s31+$0x13A80] =	vst v9  }
0x48f: {  	[tilespmem:s31+$0x13A90] =	vst v10;
	v62 =	vld.idx.msk [tilespmem:v1+s22+$0x0], $0xffff  }
0x490: {  	[tilespmem:s31+$0x13AA0] =	vst v11;
	v3 =	vld.idx.msk [tilespmem:v2+s22+$0x0], $0xffff  }
0x491: {  	[tilespmem:s31+$0x13AB0] =	vst v12;
	v1 =	vld.idx.msk [tilespmem:v4+s22+$0x0], $0xffff  }
0x492: {  	[tilespmem:s31+$0x13AC0] =	vst v13;
	v2 =	vld.idx.msk [tilespmem:v5+s22+$0x0], $0xffff  }
0x493: {  	[tilespmem:s31+$0x13AD0] =	vst v14;
	v4 =	vld.idx.msk [tilespmem:v6+s22+$0x0], $0xffff  }
0x494: {  	[tilespmem:s31+$0x13AE0] =	vst v63;
	v5 =	vld.idx.msk [tilespmem:v7+s22+$0x0], $0xffff  }
0x495: {  	s2 =	simm.s32 $0x200;
	s0 =	simm.s32 $0x0;
	v6 =	vld.idx.msk [tilespmem:v8+s22+$0x0], $0xffff;
	[tilespmem:s31+$0x16270] =	vst v62  }
.LBB2_41:
0x496: {  	s6 =	sshra.s32 s2, $0x2;
	s0 =	sadd.s32 $0x8, s0;
	[tilespmem:s31+$0x16200] =	vst v3;
	v0 =	vld.idx.msk [tilespmem:v0+s22+$0x0], $0xffff  }
0x497: {  	v3 =	vld [tilespmem:s6+$0x4E90];
	p0 =	slt.u32 s0, $0x268;
	[tilespmem:s31+$0x16210] =	vst v1  }
0x498: {  	v1 =	vld [tilespmem:s6+$0x4E20];
	[tilespmem:s31+$0x16220] =	vst v2  }
0x499: {  	v2 =	vld [tilespmem:s6+$0x4E30];
	[tilespmem:s31+$0x16230] =	vst v4  }
0x49a: {  	v4 =	vld [tilespmem:s6+$0x4E40];
	[tilespmem:s31+$0x16240] =	vst v5  }
0x49b: {  	v5 =	vld [tilespmem:s6+$0x4E50];
	[tilespmem:s31+$0x16250] =	vst v6  }
0x49c: {  	v6 =	vld [tilespmem:s6+$0x4E60];
	[tilespmem:s31+$0x16260] =	vst v0;
	s31 =	smov.u32 s6  }
0x49d: {  	v7 =	vld [tilespmem:s31+$0x4E70]  }
0x49e: {  	v0 =	vld [tilespmem:s31+$0x4E80]  }
0x49f: {  	v8 =	vld.idx.msk [tilespmem:v3+s21+$0x0], $0xffff  }
0x4a0: {  	v9 =	vld.idx.msk [tilespmem:v1+s21+$0x0], $0xffff  }
0x4a1: {  	v10 =	vld.idx.msk [tilespmem:v2+s21+$0x0], $0xffff  }
0x4a2: {  	v11 =	vld.idx.msk [tilespmem:v4+s21+$0x0], $0xffff  }
0x4a3: {  	v12 =	vld.idx.msk [tilespmem:v5+s21+$0x0], $0xffff  }
0x4a4: {  	v13 =	vld.idx.msk [tilespmem:v6+s21+$0x0], $0xffff  }
0x4a5: {  	v14 =	vld.idx.msk [tilespmem:v7+s21+$0x0], $0xffff;
	[tilespmem:s31+$0x13AF0] =	vst v8  }
0x4a6: {  	[tilespmem:s31+$0x13A80] =	vst v9;
	v8 =	vld.idx.msk [tilespmem:v3+s22+$0x0], $0xffff  }
0x4a7: {  	[tilespmem:s31+$0x13A90] =	vst v10;
	v9 =	vld.idx.msk [tilespmem:v0+s21+$0x0], $0xffff  }
0x4a8: {  	v3 =	vld.idx.msk [tilespmem:v1+s22+$0x0], $0xffff;
	[tilespmem:s31+$0x13AA0] =	vst v11  }
.Ltmp19:
0x4a9: {  	v1 =	vld.idx.msk [tilespmem:v2+s22+$0x0], $0xffff;
	[tilespmem:s31+$0x13AB0] =	vst v12;
	(pc) =	sbr.rel @p0 .LBB2_41-.Ltmp19, $4  }
0x4aa: {  	v2 =	vld.idx.msk [tilespmem:v4+s22+$0x0], $0xffff;
	[tilespmem:s31+$0x13AC0] =	vst v13  }
0x4ab: {  	v4 =	vld.idx.msk [tilespmem:v5+s22+$0x0], $0xffff;
	[tilespmem:s31+$0x13AD0] =	vst v14  }
0x4ac: {  	v5 =	vld.idx.msk [tilespmem:v6+s22+$0x0], $0xffff;
	[tilespmem:s31+$0x16270] =	vst v8  }
0x4ad: {  	s2 =	sadd.s32 $0x200, s2;
	v6 =	vld.idx.msk [tilespmem:v7+s22+$0x0], $0xffff;
	[tilespmem:s31+$0x13AE0] =	vst v9  }
0x4ae: {  	_ =	sdelay $0x2  }
0x4af: {  	[tilespmem:s31+$0x16200] =	vst v3  }
0x4b0: {  	v0 =	vld.idx.msk [tilespmem:v0+s22+$0x0], $0xffff;
	[tilespmem:s31+$0x16210] =	vst v1  }
0x4b1: {  	[tilespmem:s31+$0x16220] =	vst v2  }
0x4b2: {  	[tilespmem:s31+$0x16230] =	vst v4  }
0x4b3: {  	[tilespmem:s31+$0x16240] =	vst v5  }
0x4b4: {  	[tilespmem:s31+$0x16250] =	vst v6  }
0x4b5: {  	[tilespmem:s31+$0x16260] =	vst v0  }
0x4b6: {  	v0 =	vld [tilespmem:$0x7520];
	_ =	sdelay $0x7  }
0x4b7: {  	v1 =	vld.idx.msk [tilespmem:v0+s21+$0x0], $0xffff;
	_ =	sdelay $0x4  }
0x4b8: {  	[tilespmem:$0x16180] =	vst v1  }
0x4b9: {  	v0 =	vld.idx.msk [tilespmem:v0+s22+$0x0], $0xffff;
	_ =	sdelay $0x4  }
0x4ba: {  	s31 =	simm.s32 $0x0;
	[tilespmem:$0x18900] =	vst v0  }
0x4bb: {  	v1 =	vld [tilespmem:s31+$0x75A0]  }
0x4bc: {  	v2 =	vld [tilespmem:s31+$0x7530]  }
0x4bd: {  	v4 =	vld [tilespmem:s31+$0x7540]  }
0x4be: {  	v5 =	vld [tilespmem:s31+$0x7550]  }
0x4bf: {  	v6 =	vld [tilespmem:s31+$0x7560]  }
0x4c0: {  	v7 =	vld [tilespmem:s31+$0x7570]  }
0x4c1: {  	v8 =	vld [tilespmem:s31+$0x7580]  }
0x4c2: {  	v0 =	vld [tilespmem:s31+$0x7590]  }
0x4c3: {  	v3 =	vld.idx.msk [tilespmem:v1+s21+$0x0], $0xffff  }
0x4c4: {  	v9 =	vld.idx.msk [tilespmem:v2+s21+$0x0], $0xffff  }
0x4c5: {  	v10 =	vld.idx.msk [tilespmem:v4+s21+$0x0], $0xffff  }
0x4c6: {  	v11 =	vld.idx.msk [tilespmem:v5+s21+$0x0], $0xffff  }
0x4c7: {  	v12 =	vld.idx.msk [tilespmem:v6+s21+$0x0], $0xffff  }
0x4c8: {  	v13 =	vld.idx.msk [tilespmem:v7+s21+$0x0], $0xffff  }
0x4c9: {  	v14 =	vld.idx.msk [tilespmem:v8+s21+$0x0], $0xffff;
	[tilespmem:s31+$0x189F0] =	vst v3  }
0x4ca: {  	v63 =	vld.idx.msk [tilespmem:v0+s21+$0x0], $0xffff;
	[tilespmem:s31+$0x18980] =	vst v9  }
0x4cb: {  	[tilespmem:s31+$0x18990] =	vst v10;
	v62 =	vld.idx.msk [tilespmem:v1+s22+$0x0], $0xffff  }
0x4cc: {  	[tilespmem:s31+$0x189A0] =	vst v11;
	v3 =	vld.idx.msk [tilespmem:v2+s22+$0x0], $0xffff  }
0x4cd: {  	[tilespmem:s31+$0x189B0] =	vst v12;
	v1 =	vld.idx.msk [tilespmem:v4+s22+$0x0], $0xffff  }
0x4ce: {  	[tilespmem:s31+$0x189C0] =	vst v13;
	v2 =	vld.idx.msk [tilespmem:v5+s22+$0x0], $0xffff  }
0x4cf: {  	[tilespmem:s31+$0x189D0] =	vst v14;
	v4 =	vld.idx.msk [tilespmem:v6+s22+$0x0], $0xffff  }
0x4d0: {  	[tilespmem:s31+$0x189E0] =	vst v63;
	v5 =	vld.idx.msk [tilespmem:v7+s22+$0x0], $0xffff  }
0x4d1: {  	s0 =	simm.s32 $0x0;
	s2 =	simm.s32 $0x200;
	v6 =	vld.idx.msk [tilespmem:v8+s22+$0x0], $0xffff;
	[tilespmem:s31+$0x1B170] =	vst v62  }
.LBB2_43:
0x4d2: {  	s6 =	sshra.s32 s2, $0x2;
	s0 =	sadd.s32 $0x8, s0;
	[tilespmem:s31+$0x1B100] =	vst v3;
	v0 =	vld.idx.msk [tilespmem:v0+s22+$0x0], $0xffff  }
0x4d3: {  	v3 =	vld [tilespmem:s6+$0x75A0];
	p0 =	slt.u32 s0, $0x268;
	[tilespmem:s31+$0x1B110] =	vst v1  }
0x4d4: {  	v1 =	vld [tilespmem:s6+$0x7530];
	[tilespmem:s31+$0x1B120] =	vst v2  }
0x4d5: {  	v2 =	vld [tilespmem:s6+$0x7540];
	[tilespmem:s31+$0x1B130] =	vst v4  }
0x4d6: {  	v4 =	vld [tilespmem:s6+$0x7550];
	[tilespmem:s31+$0x1B140] =	vst v5  }
0x4d7: {  	v5 =	vld [tilespmem:s6+$0x7560];
	[tilespmem:s31+$0x1B150] =	vst v6  }
0x4d8: {  	v6 =	vld [tilespmem:s6+$0x7570];
	[tilespmem:s31+$0x1B160] =	vst v0;
	s31 =	smov.u32 s6  }
0x4d9: {  	v7 =	vld [tilespmem:s31+$0x7580]  }
0x4da: {  	v0 =	vld [tilespmem:s31+$0x7590]  }
0x4db: {  	v8 =	vld.idx.msk [tilespmem:v3+s21+$0x0], $0xffff  }
0x4dc: {  	v9 =	vld.idx.msk [tilespmem:v1+s21+$0x0], $0xffff  }
0x4dd: {  	v10 =	vld.idx.msk [tilespmem:v2+s21+$0x0], $0xffff  }
0x4de: {  	v11 =	vld.idx.msk [tilespmem:v4+s21+$0x0], $0xffff  }
0x4df: {  	v12 =	vld.idx.msk [tilespmem:v5+s21+$0x0], $0xffff  }
0x4e0: {  	v13 =	vld.idx.msk [tilespmem:v6+s21+$0x0], $0xffff  }
0x4e1: {  	v14 =	vld.idx.msk [tilespmem:v7+s21+$0x0], $0xffff;
	[tilespmem:s31+$0x189F0] =	vst v8  }
0x4e2: {  	[tilespmem:s31+$0x18980] =	vst v9;
	v8 =	vld.idx.msk [tilespmem:v3+s22+$0x0], $0xffff  }
0x4e3: {  	[tilespmem:s31+$0x18990] =	vst v10;
	v9 =	vld.idx.msk [tilespmem:v0+s21+$0x0], $0xffff  }
0x4e4: {  	v3 =	vld.idx.msk [tilespmem:v1+s22+$0x0], $0xffff;
	[tilespmem:s31+$0x189A0] =	vst v11  }
.Ltmp20:
0x4e5: {  	v1 =	vld.idx.msk [tilespmem:v2+s22+$0x0], $0xffff;
	[tilespmem:s31+$0x189B0] =	vst v12;
	(pc) =	sbr.rel @p0 .LBB2_43-.Ltmp20, $4  }
0x4e6: {  	v2 =	vld.idx.msk [tilespmem:v4+s22+$0x0], $0xffff;
	[tilespmem:s31+$0x189C0] =	vst v13  }
0x4e7: {  	v4 =	vld.idx.msk [tilespmem:v5+s22+$0x0], $0xffff;
	[tilespmem:s31+$0x189D0] =	vst v14  }
0x4e8: {  	v5 =	vld.idx.msk [tilespmem:v6+s22+$0x0], $0xffff;
	[tilespmem:s31+$0x1B170] =	vst v8  }
0x4e9: {  	s2 =	sadd.s32 $0x200, s2;
	v6 =	vld.idx.msk [tilespmem:v7+s22+$0x0], $0xffff;
	[tilespmem:s31+$0x189E0] =	vst v9  }
0x4ea: {  	_ =	sdelay $0x2  }
0x4eb: {  	[tilespmem:s31+$0x1B100] =	vst v3  }
0x4ec: {  	v0 =	vld.idx.msk [tilespmem:v0+s22+$0x0], $0xffff;
	[tilespmem:s31+$0x1B110] =	vst v1  }
0x4ed: {  	[tilespmem:s31+$0x1B120] =	vst v2  }
0x4ee: {  	[tilespmem:s31+$0x1B130] =	vst v4  }
0x4ef: {  	[tilespmem:s31+$0x1B140] =	vst v5  }
0x4f0: {  	[tilespmem:s31+$0x1B150] =	vst v6  }
0x4f1: {  	[tilespmem:s31+$0x1B160] =	vst v0  }
0x4f2: {  	v0 =	vld [tilespmem:$0x9C30];
	_ =	sdelay $0x7  }
0x4f3: {  	v1 =	vld.idx.msk [tilespmem:v0+s21+$0x0], $0xffff;
	_ =	sdelay $0x4  }
0x4f4: {  	[tilespmem:$0x1B080] =	vst v1  }
0x4f5: {  	v0 =	vld.idx.msk [tilespmem:v0+s22+$0x0], $0xffff;
	_ =	sdelay $0x4  }
0x4f6: {  	[tilespmem:$0x1D800] =	vst v0  }
0x4f7: {  	p0 =	seq.s32 s29, $0x3;
	_ =	swait.ge [sflag:s26], $0x2710  }
0x4f8: {  	s0 =	sadd.s32 @!p0 $0x4, s30;
	[sflag:s26] =	ssyncset.done $0x0  }
0x4f9: {  	s2 =	sadd.s32 @!p0 s5, s0;
	[sflag:s26] =	ssyncadd.s32 $0xFFFFD8F0  }
0x4fa: {  	s6 =	simm.s32 @!p0 $0x0;
	s2 =	smul.u32 @!p0 $0x4E2, s2;
	_ =	swait.ge [sflag:s26], $0x2710  }
0x4fb: {  	s30 =	simm.s32 @!p0 $0x9C80;
	s0 =	sadd.s32 @!p0 s0, s13;
	[sflag:s26] =	ssyncset.done $0x0  }
0x4fc: {  	s0 =	smul.u32 @!p0 $0x4E2, s0;
	s2 =	sadd.s32 @!p0 s1, s2;
	[sflag:s26] =	ssyncadd.s32 $0xFFFFD8F0  }
0x4fd: {  	[tilespmem:s30], [sflag:$0x1] =	stream.linear.gather @!p0 [hbm4b:s2+s6], $0x2710, $0x38;
	[tilespmem:$0x1D880] =	vst v63  }
0x4fe: {  	s0 =	sadd.s32 @!p0 s1, s0;
	s31 =	simm.s32 $0x40;
	s2 =	simm.s32 @!p0 $0xC400  }
0x4ff: {  	[tilespmem:s2], [sflag:$0x1] =	stream.linear.gather @!p0 [hbm4b:s0+s6], $0x2710, $0x38;
	[tilespmem:$0x1D880] =	vst v63  }
0x500: {  	v0 =	vld [tilespmem:s31+$0x30]  }
0x501: {  	v1 =	vld [tilespmem:s31+$0xFFFFFFD0]  }
0x502: {  	v2 =	vld [tilespmem:s31+$0xFFFFFFE0]  }
0x503: {  	v3 =	vld [tilespmem:s31+$0xFFFFFFF0]  }
0x504: {  	v4 =	vld [tilespmem:s31+$0x0]  }
0x505: {  	v5 =	vld [tilespmem:s31+$0x10]  }
0x506: {  	v6 =	vld [tilespmem:s31+$0x20]  }
0x507: {  	v7 =	vld [tilespmem:s31+$0xFFFFFFC0]  }
0x508: {  	v8 =	vld.idx.msk [tilespmem:v0+s24+$0x0], $0xffff  }
0x509: {  	v9 =	vld.idx.msk [tilespmem:v1+s24+$0x0], $0xffff  }
0x50a: {  	v10 =	vld.idx.msk [tilespmem:v2+s24+$0x0], $0xffff  }
0x50b: {  	v11 =	vld.idx.msk [tilespmem:v3+s24+$0x0], $0xffff  }
0x50c: {  	v12 =	vld.idx.msk [tilespmem:v4+s24+$0x0], $0xffff  }
0x50d: {  	s30 =	simm.s32 $0x13AC0;
	v13 =	vld.idx.msk [tilespmem:v5+s24+$0x0], $0xffff  }
0x50e: {  	v14 =	vld.idx.msk [tilespmem:v6+s24+$0x0], $0xffff;
	[tilespmem:s30+$0x30] =	vst v8  }
0x50f: {  	v62 =	vld.idx.msk [tilespmem:v7+s24+$0x0], $0xffff;
	[tilespmem:s30+$0xFFFFFFD0] =	vst v9  }
0x510: {  	[tilespmem:s30+$0xFFFFFFE0] =	vst v10;
	v8 =	vld.idx.msk [tilespmem:v0+s25+$0x0], $0xffff  }
0x511: {  	[tilespmem:s30+$0xFFFFFFF0] =	vst v11;
	v63 =	vld.idx.msk [tilespmem:v1+s25+$0x0], $0xffff  }
0x512: {  	[tilespmem:s30+$0x0] =	vst v12;
	v0 =	vld.idx.msk [tilespmem:v2+s25+$0x0], $0xffff  }
0x513: {  	[tilespmem:s30+$0x10] =	vst v13;
	v1 =	vld.idx.msk [tilespmem:v3+s25+$0x0], $0xffff  }
0x514: {  	[tilespmem:s30+$0x20] =	vst v14;
	v2 =	vld.idx.msk [tilespmem:v4+s25+$0x0], $0xffff  }
0x515: {  	s0 =	simm.s32 $0x16240;
	[tilespmem:s30+$0xFFFFFFC0] =	vst v62;
	v3 =	vld.idx.msk [tilespmem:v5+s25+$0x0], $0xffff  }
0x516: {  	v4 =	vld.idx.msk [tilespmem:v6+s25+$0x0], $0xffff;
	[tilespmem:s0+$0x30] =	vst v8  }
0x517: {  	s2 =	simm.s32 $0x0;
	s6 =	simm.s32 $0xC0;
	v5 =	vld.idx.msk [tilespmem:v7+s25+$0x0], $0xffff;
	[tilespmem:s0+$0xFFFFFFD0] =	vst v63  }
.LBB2_45:
0x518: {  	v6 =	vld [tilespmem:s6+$0x30];
	s2 =	sadd.s32 $0x8, s2;
	[tilespmem:s0+$0xFFFFFFE0] =	vst v0  }
0x519: {  	v0 =	vld [tilespmem:s6+$0xFFFFFFD0];
	p0 =	slt.u32 s2, $0x268;
	[tilespmem:s0+$0xFFFFFFF0] =	vst v1  }
0x51a: {  	v1 =	vld [tilespmem:s6+$0xFFFFFFE0];
	[tilespmem:s0+$0x0] =	vst v2  }
0x51b: {  	v2 =	vld [tilespmem:s6+$0xFFFFFFF0];
	[tilespmem:s0+$0x10] =	vst v3  }
0x51c: {  	v3 =	vld [tilespmem:s6+$0x0];
	[tilespmem:s0+$0x20] =	vst v4  }
0x51d: {  	v4 =	vld [tilespmem:s6+$0x10];
	[tilespmem:s0+$0xFFFFFFC0] =	vst v5  }
0x51e: {  	v5 =	vld [tilespmem:s6+$0x20]  }
0x51f: {  	v7 =	vld [tilespmem:s6+$0xFFFFFFC0]  }
0x520: {  	v8 =	vld.idx.msk [tilespmem:v6+s24+$0x0], $0xffff  }
0x521: {  	v9 =	vld.idx.msk [tilespmem:v0+s24+$0x0], $0xffff  }
0x522: {  	v10 =	vld.idx.msk [tilespmem:v1+s24+$0x0], $0xffff  }
0x523: {  	v11 =	vld.idx.msk [tilespmem:v2+s24+$0x0], $0xffff  }
0x524: {  	v12 =	vld.idx.msk [tilespmem:v3+s24+$0x0], $0xffff  }
0x525: {  	s30 =	sadd.s32 $0x80, s30;
	v13 =	vld.idx.msk [tilespmem:v4+s24+$0x0], $0xffff  }
0x526: {  	v14 =	vld.idx.msk [tilespmem:v5+s24+$0x0], $0xffff;
	[tilespmem:s30+$0x30] =	vst v8  }
0x527: {  	[tilespmem:s30+$0xFFFFFFD0] =	vst v9;
	v6 =	vld.idx.msk [tilespmem:v6+s25+$0x0], $0xffff  }
0x528: {  	v8 =	vld.idx.msk [tilespmem:v7+s24+$0x0], $0xffff;
	[tilespmem:s30+$0xFFFFFFE0] =	vst v10  }
0x529: {  	v9 =	vld.idx.msk [tilespmem:v0+s25+$0x0], $0xffff;
	[tilespmem:s30+$0xFFFFFFF0] =	vst v11  }
0x52a: {  	v0 =	vld.idx.msk [tilespmem:v1+s25+$0x0], $0xffff;
	[tilespmem:s30+$0x0] =	vst v12  }
.Ltmp21:
0x52b: {  	v1 =	vld.idx.msk [tilespmem:v2+s25+$0x0], $0xffff;
	[tilespmem:s30+$0x10] =	vst v13;
	(pc) =	sbr.rel @p0 .LBB2_45-.Ltmp21, $4  }
0x52c: {  	s0 =	sadd.s32 $0x80, s0;
	v2 =	vld.idx.msk [tilespmem:v3+s25+$0x0], $0xffff;
	[tilespmem:s30+$0x20] =	vst v14  }
0x52d: {  	v3 =	vld.idx.msk [tilespmem:v4+s25+$0x0], $0xffff;
	[tilespmem:s0+$0x30] =	vst v6  }
0x52e: {  	[tilespmem:s30+$0xFFFFFFC0] =	vst v8;
	v4 =	vld.idx.msk [tilespmem:v5+s25+$0x0], $0xffff  }
0x52f: {  	s6 =	sadd.s32 $0x80, s6;
	v5 =	vld.idx.msk [tilespmem:v7+s25+$0x0], $0xffff;
	[tilespmem:s0+$0xFFFFFFD0] =	vst v9  }
0x530: {  	[tilespmem:s0+$0xFFFFFFE0] =	vst v0  }
0x531: {  	[tilespmem:s0+$0xFFFFFFF0] =	vst v1  }
0x532: {  	[tilespmem:s0+$0x0] =	vst v2  }
0x533: {  	[tilespmem:s0+$0x10] =	vst v3  }
0x534: {  	[tilespmem:s0+$0x20] =	vst v4  }
0x535: {  	[tilespmem:s0+$0xFFFFFFC0] =	vst v5  }
0x536: {  	v0 =	vld [tilespmem:$0x2700];
	_ =	sdelay $0x7  }
0x537: {  	v1 =	vld.idx.msk [tilespmem:v0+s24+$0x0], $0xffff;
	_ =	sdelay $0x4  }
0x538: {  	[tilespmem:$0x16180] =	vst v1  }
0x539: {  	v0 =	vld.idx.msk [tilespmem:v0+s25+$0x0], $0xffff;
	_ =	sdelay $0x4  }
0x53a: {  	s31 =	simm.s32 $0x2780;
	[tilespmem:$0x18900] =	vst v0  }
0x53b: {  	v0 =	vld [tilespmem:s31+$0x0]  }
0x53c: {  	v1 =	vld [tilespmem:s31+$0xFFFFFFA0]  }
0x53d: {  	v2 =	vld [tilespmem:s31+$0xFFFFFFB0]  }
0x53e: {  	v3 =	vld [tilespmem:s31+$0xFFFFFFC0]  }
0x53f: {  	v4 =	vld [tilespmem:s31+$0xFFFFFFD0]  }
0x540: {  	v5 =	vld [tilespmem:s31+$0xFFFFFFE0]  }
0x541: {  	v6 =	vld [tilespmem:s31+$0xFFFFFFF0]  }
0x542: {  	v7 =	vld [tilespmem:s31+$0xFFFFFF90]  }
0x543: {  	v8 =	vld.idx.msk [tilespmem:v0+s24+$0x0], $0xffff  }
0x544: {  	v9 =	vld.idx.msk [tilespmem:v1+s24+$0x0], $0xffff  }
0x545: {  	v10 =	vld.idx.msk [tilespmem:v2+s24+$0x0], $0xffff  }
0x546: {  	v11 =	vld.idx.msk [tilespmem:v3+s24+$0x0], $0xffff  }
0x547: {  	v12 =	vld.idx.msk [tilespmem:v4+s24+$0x0], $0xffff  }
0x548: {  	s30 =	simm.s32 $0x189C0;
	v13 =	vld.idx.msk [tilespmem:v5+s24+$0x0], $0xffff  }
0x549: {  	v14 =	vld.idx.msk [tilespmem:v6+s24+$0x0], $0xffff;
	[tilespmem:s30+$0x30] =	vst v8  }
0x54a: {  	v62 =	vld.idx.msk [tilespmem:v7+s24+$0x0], $0xffff;
	[tilespmem:s30+$0xFFFFFFD0] =	vst v9  }
0x54b: {  	[tilespmem:s30+$0xFFFFFFE0] =	vst v10;
	v8 =	vld.idx.msk [tilespmem:v0+s25+$0x0], $0xffff  }
0x54c: {  	[tilespmem:s30+$0xFFFFFFF0] =	vst v11;
	v63 =	vld.idx.msk [tilespmem:v1+s25+$0x0], $0xffff  }
0x54d: {  	[tilespmem:s30+$0x0] =	vst v12;
	v0 =	vld.idx.msk [tilespmem:v2+s25+$0x0], $0xffff  }
0x54e: {  	[tilespmem:s30+$0x10] =	vst v13;
	v1 =	vld.idx.msk [tilespmem:v3+s25+$0x0], $0xffff  }
0x54f: {  	[tilespmem:s30+$0x20] =	vst v14;
	v2 =	vld.idx.msk [tilespmem:v4+s25+$0x0], $0xffff  }
0x550: {  	s0 =	simm.s32 $0x1B140;
	[tilespmem:s30+$0xFFFFFFC0] =	vst v62;
	v3 =	vld.idx.msk [tilespmem:v5+s25+$0x0], $0xffff  }
0x551: {  	v4 =	vld.idx.msk [tilespmem:v6+s25+$0x0], $0xffff;
	[tilespmem:s0+$0x30] =	vst v8  }
0x552: {  	s2 =	simm.s32 $0x0;
	s6 =	simm.s32 $0x2800;
	v5 =	vld.idx.msk [tilespmem:v7+s25+$0x0], $0xffff;
	[tilespmem:s0+$0xFFFFFFD0] =	vst v63  }
.LBB2_47:
0x553: {  	v6 =	vld [tilespmem:s6+$0x0];
	s2 =	sadd.s32 $0x8, s2;
	[tilespmem:s0+$0xFFFFFFE0] =	vst v0  }
0x554: {  	v0 =	vld [tilespmem:s6+$0xFFFFFFA0];
	p0 =	slt.u32 s2, $0x268;
	[tilespmem:s0+$0xFFFFFFF0] =	vst v1  }
0x555: {  	v1 =	vld [tilespmem:s6+$0xFFFFFFB0];
	[tilespmem:s0+$0x0] =	vst v2  }
0x556: {  	v2 =	vld [tilespmem:s6+$0xFFFFFFC0];
	[tilespmem:s0+$0x10] =	vst v3  }
0x557: {  	v3 =	vld [tilespmem:s6+$0xFFFFFFD0];
	[tilespmem:s0+$0x20] =	vst v4  }
0x558: {  	v4 =	vld [tilespmem:s6+$0xFFFFFFE0];
	[tilespmem:s0+$0xFFFFFFC0] =	vst v5  }
0x559: {  	v5 =	vld [tilespmem:s6+$0xFFFFFFF0]  }
0x55a: {  	v7 =	vld [tilespmem:s6+$0xFFFFFF90]  }
0x55b: {  	v8 =	vld.idx.msk [tilespmem:v6+s24+$0x0], $0xffff  }
0x55c: {  	v9 =	vld.idx.msk [tilespmem:v0+s24+$0x0], $0xffff  }
0x55d: {  	v10 =	vld.idx.msk [tilespmem:v1+s24+$0x0], $0xffff  }
0x55e: {  	v11 =	vld.idx.msk [tilespmem:v2+s24+$0x0], $0xffff  }
0x55f: {  	v12 =	vld.idx.msk [tilespmem:v3+s24+$0x0], $0xffff  }
0x560: {  	s30 =	sadd.s32 $0x80, s30;
	v13 =	vld.idx.msk [tilespmem:v4+s24+$0x0], $0xffff  }
0x561: {  	v14 =	vld.idx.msk [tilespmem:v5+s24+$0x0], $0xffff;
	[tilespmem:s30+$0x30] =	vst v8  }
0x562: {  	[tilespmem:s30+$0xFFFFFFD0] =	vst v9;
	v6 =	vld.idx.msk [tilespmem:v6+s25+$0x0], $0xffff  }
0x563: {  	v8 =	vld.idx.msk [tilespmem:v7+s24+$0x0], $0xffff;
	[tilespmem:s30+$0xFFFFFFE0] =	vst v10  }
0x564: {  	v9 =	vld.idx.msk [tilespmem:v0+s25+$0x0], $0xffff;
	[tilespmem:s30+$0xFFFFFFF0] =	vst v11  }
0x565: {  	v0 =	vld.idx.msk [tilespmem:v1+s25+$0x0], $0xffff;
	[tilespmem:s30+$0x0] =	vst v12  }
.Ltmp22:
0x566: {  	v1 =	vld.idx.msk [tilespmem:v2+s25+$0x0], $0xffff;
	[tilespmem:s30+$0x10] =	vst v13;
	(pc) =	sbr.rel @p0 .LBB2_47-.Ltmp22, $4  }
0x567: {  	s0 =	sadd.s32 $0x80, s0;
	v2 =	vld.idx.msk [tilespmem:v3+s25+$0x0], $0xffff;
	[tilespmem:s30+$0x20] =	vst v14  }
0x568: {  	v3 =	vld.idx.msk [tilespmem:v4+s25+$0x0], $0xffff;
	[tilespmem:s0+$0x30] =	vst v6  }
0x569: {  	[tilespmem:s30+$0xFFFFFFC0] =	vst v8;
	v4 =	vld.idx.msk [tilespmem:v5+s25+$0x0], $0xffff  }
0x56a: {  	s6 =	sadd.s32 $0x80, s6;
	v5 =	vld.idx.msk [tilespmem:v7+s25+$0x0], $0xffff;
	[tilespmem:s0+$0xFFFFFFD0] =	vst v9  }
0x56b: {  	[tilespmem:s0+$0xFFFFFFE0] =	vst v0  }
0x56c: {  	[tilespmem:s0+$0xFFFFFFF0] =	vst v1  }
0x56d: {  	[tilespmem:s0+$0x0] =	vst v2  }
0x56e: {  	[tilespmem:s0+$0x10] =	vst v3  }
0x56f: {  	[tilespmem:s0+$0x20] =	vst v4  }
0x570: {  	[tilespmem:s0+$0xFFFFFFC0] =	vst v5  }
0x571: {  	v0 =	vld [tilespmem:$0x4E10];
	_ =	sdelay $0x7  }
0x572: {  	v1 =	vld.idx.msk [tilespmem:v0+s24+$0x0], $0xffff;
	_ =	sdelay $0x4  }
0x573: {  	[tilespmem:$0x1B080] =	vst v1  }
0x574: {  	v0 =	vld.idx.msk [tilespmem:v0+s25+$0x0], $0xffff;
	_ =	sdelay $0x4  }
0x575: {  	s30 =	simm.s32 $0x0;
	[tilespmem:$0x1D800] =	vst v0  }
0x576: {  	v1 =	vld [tilespmem:s30+$0x4E90]  }
0x577: {  	v2 =	vld [tilespmem:s30+$0x4E20]  }
0x578: {  	v4 =	vld [tilespmem:s30+$0x4E30]  }
0x579: {  	v5 =	vld [tilespmem:s30+$0x4E40]  }
0x57a: {  	v6 =	vld [tilespmem:s30+$0x4E50]  }
0x57b: {  	v7 =	vld [tilespmem:s30+$0x4E60]  }
0x57c: {  	v8 =	vld [tilespmem:s30+$0x4E70]  }
0x57d: {  	v0 =	vld [tilespmem:s30+$0x4E80]  }
0x57e: {  	v3 =	vld.idx.msk [tilespmem:v1+s24+$0x0], $0xffff  }
0x57f: {  	v9 =	vld.idx.msk [tilespmem:v2+s24+$0x0], $0xffff  }
0x580: {  	v10 =	vld.idx.msk [tilespmem:v4+s24+$0x0], $0xffff  }
0x581: {  	v11 =	vld.idx.msk [tilespmem:v5+s24+$0x0], $0xffff  }
0x582: {  	v12 =	vld.idx.msk [tilespmem:v6+s24+$0x0], $0xffff  }
0x583: {  	v13 =	vld.idx.msk [tilespmem:v7+s24+$0x0], $0xffff  }
0x584: {  	v14 =	vld.idx.msk [tilespmem:v8+s24+$0x0], $0xffff;
	[tilespmem:s30+$0x13AF0] =	vst v3  }
0x585: {  	v63 =	vld.idx.msk [tilespmem:v0+s24+$0x0], $0xffff;
	[tilespmem:s30+$0x13A80] =	vst v9  }
0x586: {  	[tilespmem:s30+$0x13A90] =	vst v10;
	v62 =	vld.idx.msk [tilespmem:v1+s25+$0x0], $0xffff  }
0x587: {  	[tilespmem:s30+$0x13AA0] =	vst v11;
	v3 =	vld.idx.msk [tilespmem:v2+s25+$0x0], $0xffff  }
0x588: {  	[tilespmem:s30+$0x13AB0] =	vst v12;
	v1 =	vld.idx.msk [tilespmem:v4+s25+$0x0], $0xffff  }
0x589: {  	[tilespmem:s30+$0x13AC0] =	vst v13;
	v2 =	vld.idx.msk [tilespmem:v5+s25+$0x0], $0xffff  }
0x58a: {  	[tilespmem:s30+$0x13AD0] =	vst v14;
	v4 =	vld.idx.msk [tilespmem:v6+s25+$0x0], $0xffff  }
0x58b: {  	[tilespmem:s30+$0x13AE0] =	vst v63;
	v5 =	vld.idx.msk [tilespmem:v7+s25+$0x0], $0xffff  }
0x58c: {  	s2 =	simm.s32 $0x200;
	s0 =	simm.s32 $0x0;
	v6 =	vld.idx.msk [tilespmem:v8+s25+$0x0], $0xffff;
	[tilespmem:s30+$0x16270] =	vst v62  }
.LBB2_49:
0x58d: {  	s6 =	sshra.s32 s2, $0x2;
	s0 =	sadd.s32 $0x8, s0;
	[tilespmem:s30+$0x16200] =	vst v3;
	v0 =	vld.idx.msk [tilespmem:v0+s25+$0x0], $0xffff  }
0x58e: {  	v3 =	vld [tilespmem:s6+$0x4E90];
	p0 =	slt.u32 s0, $0x268;
	[tilespmem:s30+$0x16210] =	vst v1  }
0x58f: {  	v1 =	vld [tilespmem:s6+$0x4E20];
	[tilespmem:s30+$0x16220] =	vst v2  }
0x590: {  	v2 =	vld [tilespmem:s6+$0x4E30];
	[tilespmem:s30+$0x16230] =	vst v4  }
0x591: {  	v4 =	vld [tilespmem:s6+$0x4E40];
	[tilespmem:s30+$0x16240] =	vst v5  }
0x592: {  	v5 =	vld [tilespmem:s6+$0x4E50];
	[tilespmem:s30+$0x16250] =	vst v6  }
0x593: {  	v6 =	vld [tilespmem:s6+$0x4E60];
	[tilespmem:s30+$0x16260] =	vst v0;
	s30 =	smov.u32 s6  }
0x594: {  	v7 =	vld [tilespmem:s30+$0x4E70]  }
0x595: {  	v0 =	vld [tilespmem:s30+$0x4E80]  }
0x596: {  	v8 =	vld.idx.msk [tilespmem:v3+s24+$0x0], $0xffff  }
0x597: {  	v9 =	vld.idx.msk [tilespmem:v1+s24+$0x0], $0xffff  }
0x598: {  	v10 =	vld.idx.msk [tilespmem:v2+s24+$0x0], $0xffff  }
0x599: {  	v11 =	vld.idx.msk [tilespmem:v4+s24+$0x0], $0xffff  }
0x59a: {  	v12 =	vld.idx.msk [tilespmem:v5+s24+$0x0], $0xffff  }
0x59b: {  	v13 =	vld.idx.msk [tilespmem:v6+s24+$0x0], $0xffff  }
0x59c: {  	v14 =	vld.idx.msk [tilespmem:v7+s24+$0x0], $0xffff;
	[tilespmem:s30+$0x13AF0] =	vst v8  }
0x59d: {  	[tilespmem:s30+$0x13A80] =	vst v9;
	v8 =	vld.idx.msk [tilespmem:v3+s25+$0x0], $0xffff  }
0x59e: {  	[tilespmem:s30+$0x13A90] =	vst v10;
	v9 =	vld.idx.msk [tilespmem:v0+s24+$0x0], $0xffff  }
0x59f: {  	v3 =	vld.idx.msk [tilespmem:v1+s25+$0x0], $0xffff;
	[tilespmem:s30+$0x13AA0] =	vst v11  }
.Ltmp23:
0x5a0: {  	v1 =	vld.idx.msk [tilespmem:v2+s25+$0x0], $0xffff;
	[tilespmem:s30+$0x13AB0] =	vst v12;
	(pc) =	sbr.rel @p0 .LBB2_49-.Ltmp23, $4  }
0x5a1: {  	v2 =	vld.idx.msk [tilespmem:v4+s25+$0x0], $0xffff;
	[tilespmem:s30+$0x13AC0] =	vst v13  }
0x5a2: {  	v4 =	vld.idx.msk [tilespmem:v5+s25+$0x0], $0xffff;
	[tilespmem:s30+$0x13AD0] =	vst v14  }
0x5a3: {  	v5 =	vld.idx.msk [tilespmem:v6+s25+$0x0], $0xffff;
	[tilespmem:s30+$0x16270] =	vst v8  }
0x5a4: {  	s2 =	sadd.s32 $0x200, s2;
	v6 =	vld.idx.msk [tilespmem:v7+s25+$0x0], $0xffff;
	[tilespmem:s30+$0x13AE0] =	vst v9  }
0x5a5: {  	_ =	sdelay $0x2  }
0x5a6: {  	[tilespmem:s30+$0x16200] =	vst v3  }
0x5a7: {  	v0 =	vld.idx.msk [tilespmem:v0+s25+$0x0], $0xffff;
	[tilespmem:s30+$0x16210] =	vst v1  }
0x5a8: {  	[tilespmem:s30+$0x16220] =	vst v2  }
0x5a9: {  	[tilespmem:s30+$0x16230] =	vst v4  }
0x5aa: {  	[tilespmem:s30+$0x16240] =	vst v5  }
0x5ab: {  	[tilespmem:s30+$0x16250] =	vst v6  }
0x5ac: {  	[tilespmem:s30+$0x16260] =	vst v0  }
0x5ad: {  	v0 =	vld [tilespmem:$0x7520];
	_ =	sdelay $0x7  }
0x5ae: {  	v1 =	vld.idx.msk [tilespmem:v0+s24+$0x0], $0xffff;
	_ =	sdelay $0x4  }
0x5af: {  	[tilespmem:$0x16180] =	vst v1  }
0x5b0: {  	v0 =	vld.idx.msk [tilespmem:v0+s25+$0x0], $0xffff;
	_ =	sdelay $0x4  }
0x5b1: {  	s30 =	simm.s32 $0x0;
	[tilespmem:$0x18900] =	vst v0  }
0x5b2: {  	v1 =	vld [tilespmem:s30+$0x75A0]  }
0x5b3: {  	v2 =	vld [tilespmem:s30+$0x7530]  }
0x5b4: {  	v4 =	vld [tilespmem:s30+$0x7540]  }
0x5b5: {  	v5 =	vld [tilespmem:s30+$0x7550]  }
0x5b6: {  	v6 =	vld [tilespmem:s30+$0x7560]  }
0x5b7: {  	v7 =	vld [tilespmem:s30+$0x7570]  }
0x5b8: {  	v8 =	vld [tilespmem:s30+$0x7580]  }
0x5b9: {  	v0 =	vld [tilespmem:s30+$0x7590]  }
0x5ba: {  	v3 =	vld.idx.msk [tilespmem:v1+s24+$0x0], $0xffff  }
0x5bb: {  	v9 =	vld.idx.msk [tilespmem:v2+s24+$0x0], $0xffff  }
0x5bc: {  	v10 =	vld.idx.msk [tilespmem:v4+s24+$0x0], $0xffff  }
0x5bd: {  	v11 =	vld.idx.msk [tilespmem:v5+s24+$0x0], $0xffff  }
0x5be: {  	v12 =	vld.idx.msk [tilespmem:v6+s24+$0x0], $0xffff  }
0x5bf: {  	v13 =	vld.idx.msk [tilespmem:v7+s24+$0x0], $0xffff  }
0x5c0: {  	v14 =	vld.idx.msk [tilespmem:v8+s24+$0x0], $0xffff;
	[tilespmem:s30+$0x189F0] =	vst v3  }
0x5c1: {  	v63 =	vld.idx.msk [tilespmem:v0+s24+$0x0], $0xffff;
	[tilespmem:s30+$0x18980] =	vst v9  }
0x5c2: {  	[tilespmem:s30+$0x18990] =	vst v10;
	v62 =	vld.idx.msk [tilespmem:v1+s25+$0x0], $0xffff  }
0x5c3: {  	[tilespmem:s30+$0x189A0] =	vst v11;
	v3 =	vld.idx.msk [tilespmem:v2+s25+$0x0], $0xffff  }
0x5c4: {  	[tilespmem:s30+$0x189B0] =	vst v12;
	v1 =	vld.idx.msk [tilespmem:v4+s25+$0x0], $0xffff  }
0x5c5: {  	[tilespmem:s30+$0x189C0] =	vst v13;
	v2 =	vld.idx.msk [tilespmem:v5+s25+$0x0], $0xffff  }
0x5c6: {  	[tilespmem:s30+$0x189D0] =	vst v14;
	v4 =	vld.idx.msk [tilespmem:v6+s25+$0x0], $0xffff  }
0x5c7: {  	[tilespmem:s30+$0x189E0] =	vst v63;
	v5 =	vld.idx.msk [tilespmem:v7+s25+$0x0], $0xffff  }
0x5c8: {  	s0 =	simm.s32 $0x0;
	s2 =	simm.s32 $0x200;
	v6 =	vld.idx.msk [tilespmem:v8+s25+$0x0], $0xffff;
	[tilespmem:s30+$0x1B170] =	vst v62  }
.LBB2_51:
0x5c9: {  	s6 =	sshra.s32 s2, $0x2;
	s0 =	sadd.s32 $0x8, s0;
	[tilespmem:s30+$0x1B100] =	vst v3;
	v0 =	vld.idx.msk [tilespmem:v0+s25+$0x0], $0xffff  }
0x5ca: {  	v3 =	vld [tilespmem:s6+$0x75A0];
	p0 =	slt.u32 s0, $0x268;
	[tilespmem:s30+$0x1B110] =	vst v1  }
0x5cb: {  	v1 =	vld [tilespmem:s6+$0x7530];
	[tilespmem:s30+$0x1B120] =	vst v2  }
0x5cc: {  	v2 =	vld [tilespmem:s6+$0x7540];
	[tilespmem:s30+$0x1B130] =	vst v4  }
0x5cd: {  	v4 =	vld [tilespmem:s6+$0x7550];
	[tilespmem:s30+$0x1B140] =	vst v5  }
0x5ce: {  	v5 =	vld [tilespmem:s6+$0x7560];
	[tilespmem:s30+$0x1B150] =	vst v6  }
0x5cf: {  	v6 =	vld [tilespmem:s6+$0x7570];
	[tilespmem:s30+$0x1B160] =	vst v0;
	s30 =	smov.u32 s6  }
0x5d0: {  	v7 =	vld [tilespmem:s30+$0x7580]  }
0x5d1: {  	v0 =	vld [tilespmem:s30+$0x7590]  }
0x5d2: {  	v8 =	vld.idx.msk [tilespmem:v3+s24+$0x0], $0xffff  }
0x5d3: {  	v9 =	vld.idx.msk [tilespmem:v1+s24+$0x0], $0xffff  }
0x5d4: {  	v10 =	vld.idx.msk [tilespmem:v2+s24+$0x0], $0xffff  }
0x5d5: {  	v11 =	vld.idx.msk [tilespmem:v4+s24+$0x0], $0xffff  }
0x5d6: {  	v12 =	vld.idx.msk [tilespmem:v5+s24+$0x0], $0xffff  }
0x5d7: {  	v13 =	vld.idx.msk [tilespmem:v6+s24+$0x0], $0xffff  }
0x5d8: {  	v14 =	vld.idx.msk [tilespmem:v7+s24+$0x0], $0xffff;
	[tilespmem:s30+$0x189F0] =	vst v8  }
0x5d9: {  	[tilespmem:s30+$0x18980] =	vst v9;
	v8 =	vld.idx.msk [tilespmem:v3+s25+$0x0], $0xffff  }
0x5da: {  	[tilespmem:s30+$0x18990] =	vst v10;
	v9 =	vld.idx.msk [tilespmem:v0+s24+$0x0], $0xffff  }
0x5db: {  	v3 =	vld.idx.msk [tilespmem:v1+s25+$0x0], $0xffff;
	[tilespmem:s30+$0x189A0] =	vst v11  }
.Ltmp24:
0x5dc: {  	v1 =	vld.idx.msk [tilespmem:v2+s25+$0x0], $0xffff;
	[tilespmem:s30+$0x189B0] =	vst v12;
	(pc) =	sbr.rel @p0 .LBB2_51-.Ltmp24, $4  }
0x5dd: {  	v2 =	vld.idx.msk [tilespmem:v4+s25+$0x0], $0xffff;
	[tilespmem:s30+$0x189C0] =	vst v13  }
0x5de: {  	v4 =	vld.idx.msk [tilespmem:v5+s25+$0x0], $0xffff;
	[tilespmem:s30+$0x189D0] =	vst v14  }
0x5df: {  	v5 =	vld.idx.msk [tilespmem:v6+s25+$0x0], $0xffff;
	[tilespmem:s30+$0x1B170] =	vst v8  }
0x5e0: {  	s2 =	sadd.s32 $0x200, s2;
	v6 =	vld.idx.msk [tilespmem:v7+s25+$0x0], $0xffff;
	[tilespmem:s30+$0x189E0] =	vst v9  }
0x5e1: {  	_ =	sdelay $0x2  }
0x5e2: {  	[tilespmem:s30+$0x1B100] =	vst v3  }
0x5e3: {  	v0 =	vld.idx.msk [tilespmem:v0+s25+$0x0], $0xffff;
	[tilespmem:s30+$0x1B110] =	vst v1  }
0x5e4: {  	[tilespmem:s30+$0x1B120] =	vst v2  }
0x5e5: {  	[tilespmem:s30+$0x1B130] =	vst v4  }
0x5e6: {  	[tilespmem:s30+$0x1B140] =	vst v5  }
0x5e7: {  	[tilespmem:s30+$0x1B150] =	vst v6  }
0x5e8: {  	[tilespmem:s30+$0x1B160] =	vst v0  }
0x5e9: {  	v0 =	vld [tilespmem:$0x9C30];
	_ =	sdelay $0x7  }
0x5ea: {  	v1 =	vld.idx.msk [tilespmem:v0+s24+$0x0], $0xffff;
	_ =	sdelay $0x4  }
0x5eb: {  	s29 =	sadd.s32 $0x1, s29;
	[tilespmem:$0x1B080] =	vst v1  }
0x5ec: {  	p0 =	sne.s32 s29, $0x4;
	v0 =	vld.idx.msk [tilespmem:v0+s25+$0x0], $0xffff  }
.Ltmp25:
0x5ed: {  	_ = 	snop;
	(pc) =	sbr.rel @p0 .LBB2_36-.Ltmp25, $2  }
0x5ee: {  	_ =	sdelay $0x2  }
0x5ef: {  	[tilespmem:$0x1D800] =	vst v0  }
0x5f0: {  	s29 =	simm.s32 $0x0  }
0x5f1: {  	[tilespmem:s29], [sflag:$0x3] =	stream.linear.gather [hbm4b:s15+s29], $0x9C40, $0x38;
	[tilespmem:$0x1D880] =	vst v63  }
0x5f2: {  	_ =	swait.ge [sflag:s20], $0x9C40  }
0x5f3: {  	[sflag:s20] =	ssyncset.done $0x0  }
0x5f4: {  	[sflag:s20] =	ssyncadd.s32 $0xFFFF63C0  }
0x5f5: {  	[tilespmem:s21], [sflag:$0x1] =	stream.linear.gather [hbm4b:s16+s29], $0x2710, $0x38;
	[tilespmem:$0x1D880] =	vst v63  }
0x5f6: {  	_ = 	snop  }
0x5f7: {  	[tilespmem:s22], [sflag:$0x1] =	stream.linear.gather [hbm4b:s17+s29], $0x2710, $0x38;
	[tilespmem:$0x1D880] =	vst v63  }
.LBB2_54:
0x5f8: {  	s30 =	sshll.u32 s29, $0x2;
	_ =	swait.ge [sflag:s23], $0x2710  }
0x5f9: {  	[sflag:s23] =	ssyncset.done $0x0;
	s0 =	sadd.s32 s30, s5  }
0x5fa: {  	[sflag:s23] =	ssyncadd.s32 $0xFFFFD8F0;
	s0 =	smul.u32 $0x4E2, s0  }
0x5fb: {  	_ =	swait.ge [sflag:s23], $0x2710  }
0x5fc: {  	[sflag:s23] =	ssyncset.done $0x0;
	s0 =	sadd.s32 s4, s0  }
0x5fd: {  	[sflag:s23] =	ssyncadd.s32 $0xFFFFD8F0;
	s2 =	sadd.s32 $0x9C4, s0  }
0x5fe: {  	[tilespmem:s24], [sflag:$0x2] =	stream.linear.gather [hbm4b:s2+s3], $0x2710, $0x38;
	[tilespmem:$0x1D880] =	vst v63  }
0x5ff: {  	s6 =	simm.s32 $0x40;
	s0 =	sadd.s32 $0xEA6, s0  }
0x600: {  	[tilespmem:s25], [sflag:$0x2] =	stream.linear.gather [hbm4b:s0+s3], $0x2710, $0x38;
	[tilespmem:$0x1D880] =	vst v63  }
0x601: {  	v0 =	vld [tilespmem:s6+$0x30]  }
0x602: {  	v1 =	vld [tilespmem:s6+$0xFFFFFFD0]  }
0x603: {  	v2 =	vld [tilespmem:s6+$0xFFFFFFE0]  }
0x604: {  	v3 =	vld [tilespmem:s6+$0xFFFFFFF0]  }
0x605: {  	v4 =	vld [tilespmem:s6+$0x0]  }
0x606: {  	v5 =	vld [tilespmem:s6+$0x10]  }
0x607: {  	v6 =	vld [tilespmem:s6+$0x20]  }
0x608: {  	v7 =	vld [tilespmem:s6+$0xFFFFFFC0]  }
0x609: {  	v8 =	vld.idx.msk [tilespmem:v0+s21+$0x0], $0xffff  }
0x60a: {  	v9 =	vld.idx.msk [tilespmem:v1+s21+$0x0], $0xffff  }
0x60b: {  	v10 =	vld.idx.msk [tilespmem:v2+s21+$0x0], $0xffff  }
0x60c: {  	v11 =	vld.idx.msk [tilespmem:v3+s21+$0x0], $0xffff  }
0x60d: {  	v12 =	vld.idx.msk [tilespmem:v4+s21+$0x0], $0xffff  }
0x60e: {  	s31 =	simm.s32 $0x13AC0;
	v13 =	vld.idx.msk [tilespmem:v5+s21+$0x0], $0xffff  }
0x60f: {  	v14 =	vld.idx.msk [tilespmem:v6+s21+$0x0], $0xffff;
	[tilespmem:s31+$0x30] =	vst v8  }
0x610: {  	v62 =	vld.idx.msk [tilespmem:v7+s21+$0x0], $0xffff;
	[tilespmem:s31+$0xFFFFFFD0] =	vst v9  }
0x611: {  	[tilespmem:s31+$0xFFFFFFE0] =	vst v10;
	v8 =	vld.idx.msk [tilespmem:v0+s22+$0x0], $0xffff  }
0x612: {  	[tilespmem:s31+$0xFFFFFFF0] =	vst v11;
	v63 =	vld.idx.msk [tilespmem:v1+s22+$0x0], $0xffff  }
0x613: {  	[tilespmem:s31+$0x0] =	vst v12;
	v0 =	vld.idx.msk [tilespmem:v2+s22+$0x0], $0xffff  }
0x614: {  	[tilespmem:s31+$0x10] =	vst v13;
	v1 =	vld.idx.msk [tilespmem:v3+s22+$0x0], $0xffff  }
0x615: {  	[tilespmem:s31+$0x20] =	vst v14;
	v2 =	vld.idx.msk [tilespmem:v4+s22+$0x0], $0xffff  }
0x616: {  	s0 =	simm.s32 $0x16240;
	[tilespmem:s31+$0xFFFFFFC0] =	vst v62;
	v3 =	vld.idx.msk [tilespmem:v5+s22+$0x0], $0xffff  }
0x617: {  	v4 =	vld.idx.msk [tilespmem:v6+s22+$0x0], $0xffff;
	[tilespmem:s0+$0x30] =	vst v8  }
0x618: {  	s2 =	simm.s32 $0x0;
	s6 =	simm.s32 $0xC0;
	v5 =	vld.idx.msk [tilespmem:v7+s22+$0x0], $0xffff;
	[tilespmem:s0+$0xFFFFFFD0] =	vst v63  }
.LBB2_55:
0x619: {  	v6 =	vld [tilespmem:s6+$0x30];
	s2 =	sadd.s32 $0x8, s2;
	[tilespmem:s0+$0xFFFFFFE0] =	vst v0  }
0x61a: {  	v0 =	vld [tilespmem:s6+$0xFFFFFFD0];
	p0 =	slt.u32 s2, $0x268;
	[tilespmem:s0+$0xFFFFFFF0] =	vst v1  }
0x61b: {  	v1 =	vld [tilespmem:s6+$0xFFFFFFE0];
	[tilespmem:s0+$0x0] =	vst v2  }
0x61c: {  	v2 =	vld [tilespmem:s6+$0xFFFFFFF0];
	[tilespmem:s0+$0x10] =	vst v3  }
0x61d: {  	v3 =	vld [tilespmem:s6+$0x0];
	[tilespmem:s0+$0x20] =	vst v4  }
0x61e: {  	v4 =	vld [tilespmem:s6+$0x10];
	[tilespmem:s0+$0xFFFFFFC0] =	vst v5  }
0x61f: {  	v5 =	vld [tilespmem:s6+$0x20]  }
0x620: {  	v7 =	vld [tilespmem:s6+$0xFFFFFFC0]  }
0x621: {  	v8 =	vld.idx.msk [tilespmem:v6+s21+$0x0], $0xffff  }
0x622: {  	v9 =	vld.idx.msk [tilespmem:v0+s21+$0x0], $0xffff  }
0x623: {  	v10 =	vld.idx.msk [tilespmem:v1+s21+$0x0], $0xffff  }
0x624: {  	v11 =	vld.idx.msk [tilespmem:v2+s21+$0x0], $0xffff  }
0x625: {  	v12 =	vld.idx.msk [tilespmem:v3+s21+$0x0], $0xffff  }
0x626: {  	s31 =	sadd.s32 $0x80, s31;
	v13 =	vld.idx.msk [tilespmem:v4+s21+$0x0], $0xffff  }
0x627: {  	v14 =	vld.idx.msk [tilespmem:v5+s21+$0x0], $0xffff;
	[tilespmem:s31+$0x30] =	vst v8  }
0x628: {  	[tilespmem:s31+$0xFFFFFFD0] =	vst v9;
	v6 =	vld.idx.msk [tilespmem:v6+s22+$0x0], $0xffff  }
0x629: {  	v8 =	vld.idx.msk [tilespmem:v7+s21+$0x0], $0xffff;
	[tilespmem:s31+$0xFFFFFFE0] =	vst v10  }
0x62a: {  	v9 =	vld.idx.msk [tilespmem:v0+s22+$0x0], $0xffff;
	[tilespmem:s31+$0xFFFFFFF0] =	vst v11  }
0x62b: {  	v0 =	vld.idx.msk [tilespmem:v1+s22+$0x0], $0xffff;
	[tilespmem:s31+$0x0] =	vst v12  }
.Ltmp26:
0x62c: {  	v1 =	vld.idx.msk [tilespmem:v2+s22+$0x0], $0xffff;
	[tilespmem:s31+$0x10] =	vst v13;
	(pc) =	sbr.rel @p0 .LBB2_55-.Ltmp26, $4  }
0x62d: {  	s0 =	sadd.s32 $0x80, s0;
	v2 =	vld.idx.msk [tilespmem:v3+s22+$0x0], $0xffff;
	[tilespmem:s31+$0x20] =	vst v14  }
0x62e: {  	v3 =	vld.idx.msk [tilespmem:v4+s22+$0x0], $0xffff;
	[tilespmem:s0+$0x30] =	vst v6  }
0x62f: {  	[tilespmem:s31+$0xFFFFFFC0] =	vst v8;
	v4 =	vld.idx.msk [tilespmem:v5+s22+$0x0], $0xffff  }
0x630: {  	s6 =	sadd.s32 $0x80, s6;
	v5 =	vld.idx.msk [tilespmem:v7+s22+$0x0], $0xffff;
	[tilespmem:s0+$0xFFFFFFD0] =	vst v9  }
0x631: {  	[tilespmem:s0+$0xFFFFFFE0] =	vst v0  }
0x632: {  	[tilespmem:s0+$0xFFFFFFF0] =	vst v1  }
0x633: {  	[tilespmem:s0+$0x0] =	vst v2  }
0x634: {  	[tilespmem:s0+$0x10] =	vst v3  }
0x635: {  	[tilespmem:s0+$0x20] =	vst v4  }
0x636: {  	[tilespmem:s0+$0xFFFFFFC0] =	vst v5  }
0x637: {  	v0 =	vld [tilespmem:$0x2700];
	_ =	sdelay $0x7  }
0x638: {  	v1 =	vld.idx.msk [tilespmem:v0+s21+$0x0], $0xffff;
	_ =	sdelay $0x4  }
0x639: {  	[tilespmem:$0x16180] =	vst v1  }
0x63a: {  	v0 =	vld.idx.msk [tilespmem:v0+s22+$0x0], $0xffff;
	_ =	sdelay $0x4  }
0x63b: {  	s6 =	simm.s32 $0x2780;
	[tilespmem:$0x18900] =	vst v0  }
0x63c: {  	v0 =	vld [tilespmem:s6+$0x0]  }
0x63d: {  	v1 =	vld [tilespmem:s6+$0xFFFFFFA0]  }
0x63e: {  	v2 =	vld [tilespmem:s6+$0xFFFFFFB0]  }
0x63f: {  	v3 =	vld [tilespmem:s6+$0xFFFFFFC0]  }
0x640: {  	v4 =	vld [tilespmem:s6+$0xFFFFFFD0]  }
0x641: {  	v5 =	vld [tilespmem:s6+$0xFFFFFFE0]  }
0x642: {  	v6 =	vld [tilespmem:s6+$0xFFFFFFF0]  }
0x643: {  	v7 =	vld [tilespmem:s6+$0xFFFFFF90]  }
0x644: {  	v8 =	vld.idx.msk [tilespmem:v0+s21+$0x0], $0xffff  }
0x645: {  	v9 =	vld.idx.msk [tilespmem:v1+s21+$0x0], $0xffff  }
0x646: {  	v10 =	vld.idx.msk [tilespmem:v2+s21+$0x0], $0xffff  }
0x647: {  	v11 =	vld.idx.msk [tilespmem:v3+s21+$0x0], $0xffff  }
0x648: {  	v12 =	vld.idx.msk [tilespmem:v4+s21+$0x0], $0xffff  }
0x649: {  	s31 =	simm.s32 $0x189C0;
	v13 =	vld.idx.msk [tilespmem:v5+s21+$0x0], $0xffff  }
0x64a: {  	v14 =	vld.idx.msk [tilespmem:v6+s21+$0x0], $0xffff;
	[tilespmem:s31+$0x30] =	vst v8  }
0x64b: {  	v62 =	vld.idx.msk [tilespmem:v7+s21+$0x0], $0xffff;
	[tilespmem:s31+$0xFFFFFFD0] =	vst v9  }
0x64c: {  	[tilespmem:s31+$0xFFFFFFE0] =	vst v10;
	v8 =	vld.idx.msk [tilespmem:v0+s22+$0x0], $0xffff  }
0x64d: {  	[tilespmem:s31+$0xFFFFFFF0] =	vst v11;
	v63 =	vld.idx.msk [tilespmem:v1+s22+$0x0], $0xffff  }
0x64e: {  	[tilespmem:s31+$0x0] =	vst v12;
	v0 =	vld.idx.msk [tilespmem:v2+s22+$0x0], $0xffff  }
0x64f: {  	[tilespmem:s31+$0x10] =	vst v13;
	v1 =	vld.idx.msk [tilespmem:v3+s22+$0x0], $0xffff  }
0x650: {  	[tilespmem:s31+$0x20] =	vst v14;
	v2 =	vld.idx.msk [tilespmem:v4+s22+$0x0], $0xffff  }
0x651: {  	s0 =	simm.s32 $0x1B140;
	[tilespmem:s31+$0xFFFFFFC0] =	vst v62;
	v3 =	vld.idx.msk [tilespmem:v5+s22+$0x0], $0xffff  }
0x652: {  	v4 =	vld.idx.msk [tilespmem:v6+s22+$0x0], $0xffff;
	[tilespmem:s0+$0x30] =	vst v8  }
0x653: {  	s2 =	simm.s32 $0x0;
	s6 =	simm.s32 $0x2800;
	v5 =	vld.idx.msk [tilespmem:v7+s22+$0x0], $0xffff;
	[tilespmem:s0+$0xFFFFFFD0] =	vst v63  }
.LBB2_57:
0x654: {  	v6 =	vld [tilespmem:s6+$0x0];
	s2 =	sadd.s32 $0x8, s2;
	[tilespmem:s0+$0xFFFFFFE0] =	vst v0  }
0x655: {  	v0 =	vld [tilespmem:s6+$0xFFFFFFA0];
	p0 =	slt.u32 s2, $0x268;
	[tilespmem:s0+$0xFFFFFFF0] =	vst v1  }
0x656: {  	v1 =	vld [tilespmem:s6+$0xFFFFFFB0];
	[tilespmem:s0+$0x0] =	vst v2  }
0x657: {  	v2 =	vld [tilespmem:s6+$0xFFFFFFC0];
	[tilespmem:s0+$0x10] =	vst v3  }
0x658: {  	v3 =	vld [tilespmem:s6+$0xFFFFFFD0];
	[tilespmem:s0+$0x20] =	vst v4  }
0x659: {  	v4 =	vld [tilespmem:s6+$0xFFFFFFE0];
	[tilespmem:s0+$0xFFFFFFC0] =	vst v5  }
0x65a: {  	v5 =	vld [tilespmem:s6+$0xFFFFFFF0]  }
0x65b: {  	v7 =	vld [tilespmem:s6+$0xFFFFFF90]  }
0x65c: {  	v8 =	vld.idx.msk [tilespmem:v6+s21+$0x0], $0xffff  }
0x65d: {  	v9 =	vld.idx.msk [tilespmem:v0+s21+$0x0], $0xffff  }
0x65e: {  	v10 =	vld.idx.msk [tilespmem:v1+s21+$0x0], $0xffff  }
0x65f: {  	v11 =	vld.idx.msk [tilespmem:v2+s21+$0x0], $0xffff  }
0x660: {  	v12 =	vld.idx.msk [tilespmem:v3+s21+$0x0], $0xffff  }
0x661: {  	s31 =	sadd.s32 $0x80, s31;
	v13 =	vld.idx.msk [tilespmem:v4+s21+$0x0], $0xffff  }
0x662: {  	v14 =	vld.idx.msk [tilespmem:v5+s21+$0x0], $0xffff;
	[tilespmem:s31+$0x30] =	vst v8  }
0x663: {  	[tilespmem:s31+$0xFFFFFFD0] =	vst v9;
	v6 =	vld.idx.msk [tilespmem:v6+s22+$0x0], $0xffff  }
0x664: {  	v8 =	vld.idx.msk [tilespmem:v7+s21+$0x0], $0xffff;
	[tilespmem:s31+$0xFFFFFFE0] =	vst v10  }
0x665: {  	v9 =	vld.idx.msk [tilespmem:v0+s22+$0x0], $0xffff;
	[tilespmem:s31+$0xFFFFFFF0] =	vst v11  }
0x666: {  	v0 =	vld.idx.msk [tilespmem:v1+s22+$0x0], $0xffff;
	[tilespmem:s31+$0x0] =	vst v12  }
.Ltmp27:
0x667: {  	v1 =	vld.idx.msk [tilespmem:v2+s22+$0x0], $0xffff;
	[tilespmem:s31+$0x10] =	vst v13;
	(pc) =	sbr.rel @p0 .LBB2_57-.Ltmp27, $4  }
0x668: {  	s0 =	sadd.s32 $0x80, s0;
	v2 =	vld.idx.msk [tilespmem:v3+s22+$0x0], $0xffff;
	[tilespmem:s31+$0x20] =	vst v14  }
0x669: {  	v3 =	vld.idx.msk [tilespmem:v4+s22+$0x0], $0xffff;
	[tilespmem:s0+$0x30] =	vst v6  }
0x66a: {  	[tilespmem:s31+$0xFFFFFFC0] =	vst v8;
	v4 =	vld.idx.msk [tilespmem:v5+s22+$0x0], $0xffff  }
0x66b: {  	s6 =	sadd.s32 $0x80, s6;
	v5 =	vld.idx.msk [tilespmem:v7+s22+$0x0], $0xffff;
	[tilespmem:s0+$0xFFFFFFD0] =	vst v9  }
0x66c: {  	[tilespmem:s0+$0xFFFFFFE0] =	vst v0  }
0x66d: {  	[tilespmem:s0+$0xFFFFFFF0] =	vst v1  }
0x66e: {  	[tilespmem:s0+$0x0] =	vst v2  }
0x66f: {  	[tilespmem:s0+$0x10] =	vst v3  }
0x670: {  	[tilespmem:s0+$0x20] =	vst v4  }
0x671: {  	[tilespmem:s0+$0xFFFFFFC0] =	vst v5  }
0x672: {  	v0 =	vld [tilespmem:$0x4E10];
	_ =	sdelay $0x7  }
0x673: {  	v1 =	vld.idx.msk [tilespmem:v0+s21+$0x0], $0xffff;
	_ =	sdelay $0x4  }
0x674: {  	[tilespmem:$0x1B080] =	vst v1  }
0x675: {  	v0 =	vld.idx.msk [tilespmem:v0+s22+$0x0], $0xffff;
	_ =	sdelay $0x4  }
0x676: {  	s31 =	simm.s32 $0x0;
	[tilespmem:$0x1D800] =	vst v0  }
0x677: {  	v1 =	vld [tilespmem:s31+$0x4E90]  }
0x678: {  	v2 =	vld [tilespmem:s31+$0x4E20]  }
0x679: {  	v4 =	vld [tilespmem:s31+$0x4E30]  }
0x67a: {  	v5 =	vld [tilespmem:s31+$0x4E40]  }
0x67b: {  	v6 =	vld [tilespmem:s31+$0x4E50]  }
0x67c: {  	v7 =	vld [tilespmem:s31+$0x4E60]  }
0x67d: {  	v8 =	vld [tilespmem:s31+$0x4E70]  }
0x67e: {  	v0 =	vld [tilespmem:s31+$0x4E80]  }
0x67f: {  	v3 =	vld.idx.msk [tilespmem:v1+s21+$0x0], $0xffff  }
0x680: {  	v9 =	vld.idx.msk [tilespmem:v2+s21+$0x0], $0xffff  }
0x681: {  	v10 =	vld.idx.msk [tilespmem:v4+s21+$0x0], $0xffff  }
0x682: {  	v11 =	vld.idx.msk [tilespmem:v5+s21+$0x0], $0xffff  }
0x683: {  	v12 =	vld.idx.msk [tilespmem:v6+s21+$0x0], $0xffff  }
0x684: {  	v13 =	vld.idx.msk [tilespmem:v7+s21+$0x0], $0xffff  }
0x685: {  	v14 =	vld.idx.msk [tilespmem:v8+s21+$0x0], $0xffff;
	[tilespmem:s31+$0x13AF0] =	vst v3  }
0x686: {  	v63 =	vld.idx.msk [tilespmem:v0+s21+$0x0], $0xffff;
	[tilespmem:s31+$0x13A80] =	vst v9  }
0x687: {  	[tilespmem:s31+$0x13A90] =	vst v10;
	v62 =	vld.idx.msk [tilespmem:v1+s22+$0x0], $0xffff  }
0x688: {  	[tilespmem:s31+$0x13AA0] =	vst v11;
	v3 =	vld.idx.msk [tilespmem:v2+s22+$0x0], $0xffff  }
0x689: {  	[tilespmem:s31+$0x13AB0] =	vst v12;
	v1 =	vld.idx.msk [tilespmem:v4+s22+$0x0], $0xffff  }
0x68a: {  	[tilespmem:s31+$0x13AC0] =	vst v13;
	v2 =	vld.idx.msk [tilespmem:v5+s22+$0x0], $0xffff  }
0x68b: {  	[tilespmem:s31+$0x13AD0] =	vst v14;
	v4 =	vld.idx.msk [tilespmem:v6+s22+$0x0], $0xffff  }
0x68c: {  	[tilespmem:s31+$0x13AE0] =	vst v63;
	v5 =	vld.idx.msk [tilespmem:v7+s22+$0x0], $0xffff  }
0x68d: {  	s2 =	simm.s32 $0x200;
	s0 =	simm.s32 $0x0;
	v6 =	vld.idx.msk [tilespmem:v8+s22+$0x0], $0xffff;
	[tilespmem:s31+$0x16270] =	vst v62  }
.LBB2_59:
0x68e: {  	s6 =	sshra.s32 s2, $0x2;
	s0 =	sadd.s32 $0x8, s0;
	[tilespmem:s31+$0x16200] =	vst v3;
	v0 =	vld.idx.msk [tilespmem:v0+s22+$0x0], $0xffff  }
0x68f: {  	v3 =	vld [tilespmem:s6+$0x4E90];
	p0 =	slt.u32 s0, $0x268;
	[tilespmem:s31+$0x16210] =	vst v1  }
0x690: {  	v1 =	vld [tilespmem:s6+$0x4E20];
	[tilespmem:s31+$0x16220] =	vst v2  }
0x691: {  	v2 =	vld [tilespmem:s6+$0x4E30];
	[tilespmem:s31+$0x16230] =	vst v4  }
0x692: {  	v4 =	vld [tilespmem:s6+$0x4E40];
	[tilespmem:s31+$0x16240] =	vst v5  }
0x693: {  	v5 =	vld [tilespmem:s6+$0x4E50];
	[tilespmem:s31+$0x16250] =	vst v6  }
0x694: {  	v6 =	vld [tilespmem:s6+$0x4E60];
	[tilespmem:s31+$0x16260] =	vst v0;
	s31 =	smov.u32 s6  }
0x695: {  	v7 =	vld [tilespmem:s31+$0x4E70]  }
0x696: {  	v0 =	vld [tilespmem:s31+$0x4E80]  }
0x697: {  	v8 =	vld.idx.msk [tilespmem:v3+s21+$0x0], $0xffff  }
0x698: {  	v9 =	vld.idx.msk [tilespmem:v1+s21+$0x0], $0xffff  }
0x699: {  	v10 =	vld.idx.msk [tilespmem:v2+s21+$0x0], $0xffff  }
0x69a: {  	v11 =	vld.idx.msk [tilespmem:v4+s21+$0x0], $0xffff  }
0x69b: {  	v12 =	vld.idx.msk [tilespmem:v5+s21+$0x0], $0xffff  }
0x69c: {  	v13 =	vld.idx.msk [tilespmem:v6+s21+$0x0], $0xffff  }
0x69d: {  	v14 =	vld.idx.msk [tilespmem:v7+s21+$0x0], $0xffff;
	[tilespmem:s31+$0x13AF0] =	vst v8  }
0x69e: {  	[tilespmem:s31+$0x13A80] =	vst v9;
	v8 =	vld.idx.msk [tilespmem:v3+s22+$0x0], $0xffff  }
0x69f: {  	[tilespmem:s31+$0x13A90] =	vst v10;
	v9 =	vld.idx.msk [tilespmem:v0+s21+$0x0], $0xffff  }
0x6a0: {  	v3 =	vld.idx.msk [tilespmem:v1+s22+$0x0], $0xffff;
	[tilespmem:s31+$0x13AA0] =	vst v11  }
.Ltmp28:
0x6a1: {  	v1 =	vld.idx.msk [tilespmem:v2+s22+$0x0], $0xffff;
	[tilespmem:s31+$0x13AB0] =	vst v12;
	(pc) =	sbr.rel @p0 .LBB2_59-.Ltmp28, $4  }
0x6a2: {  	v2 =	vld.idx.msk [tilespmem:v4+s22+$0x0], $0xffff;
	[tilespmem:s31+$0x13AC0] =	vst v13  }
0x6a3: {  	v4 =	vld.idx.msk [tilespmem:v5+s22+$0x0], $0xffff;
	[tilespmem:s31+$0x13AD0] =	vst v14  }
0x6a4: {  	v5 =	vld.idx.msk [tilespmem:v6+s22+$0x0], $0xffff;
	[tilespmem:s31+$0x16270] =	vst v8  }
0x6a5: {  	s2 =	sadd.s32 $0x200, s2;
	v6 =	vld.idx.msk [tilespmem:v7+s22+$0x0], $0xffff;
	[tilespmem:s31+$0x13AE0] =	vst v9  }
0x6a6: {  	_ =	sdelay $0x2  }
0x6a7: {  	[tilespmem:s31+$0x16200] =	vst v3  }
0x6a8: {  	v0 =	vld.idx.msk [tilespmem:v0+s22+$0x0], $0xffff;
	[tilespmem:s31+$0x16210] =	vst v1  }
0x6a9: {  	[tilespmem:s31+$0x16220] =	vst v2  }
0x6aa: {  	[tilespmem:s31+$0x16230] =	vst v4  }
0x6ab: {  	[tilespmem:s31+$0x16240] =	vst v5  }
0x6ac: {  	[tilespmem:s31+$0x16250] =	vst v6  }
0x6ad: {  	[tilespmem:s31+$0x16260] =	vst v0  }
0x6ae: {  	v0 =	vld [tilespmem:$0x7520];
	_ =	sdelay $0x7  }
0x6af: {  	v1 =	vld.idx.msk [tilespmem:v0+s21+$0x0], $0xffff;
	_ =	sdelay $0x4  }
0x6b0: {  	[tilespmem:$0x16180] =	vst v1  }
0x6b1: {  	v0 =	vld.idx.msk [tilespmem:v0+s22+$0x0], $0xffff;
	_ =	sdelay $0x4  }
0x6b2: {  	s31 =	simm.s32 $0x0;
	[tilespmem:$0x18900] =	vst v0  }
0x6b3: {  	v1 =	vld [tilespmem:s31+$0x75A0]  }
0x6b4: {  	v2 =	vld [tilespmem:s31+$0x7530]  }
0x6b5: {  	v4 =	vld [tilespmem:s31+$0x7540]  }
0x6b6: {  	v5 =	vld [tilespmem:s31+$0x7550]  }
0x6b7: {  	v6 =	vld [tilespmem:s31+$0x7560]  }
0x6b8: {  	v7 =	vld [tilespmem:s31+$0x7570]  }
0x6b9: {  	v8 =	vld [tilespmem:s31+$0x7580]  }
0x6ba: {  	v0 =	vld [tilespmem:s31+$0x7590]  }
0x6bb: {  	v3 =	vld.idx.msk [tilespmem:v1+s21+$0x0], $0xffff  }
0x6bc: {  	v9 =	vld.idx.msk [tilespmem:v2+s21+$0x0], $0xffff  }
0x6bd: {  	v10 =	vld.idx.msk [tilespmem:v4+s21+$0x0], $0xffff  }
0x6be: {  	v11 =	vld.idx.msk [tilespmem:v5+s21+$0x0], $0xffff  }
0x6bf: {  	v12 =	vld.idx.msk [tilespmem:v6+s21+$0x0], $0xffff  }
0x6c0: {  	v13 =	vld.idx.msk [tilespmem:v7+s21+$0x0], $0xffff  }
0x6c1: {  	v14 =	vld.idx.msk [tilespmem:v8+s21+$0x0], $0xffff;
	[tilespmem:s31+$0x189F0] =	vst v3  }
0x6c2: {  	v63 =	vld.idx.msk [tilespmem:v0+s21+$0x0], $0xffff;
	[tilespmem:s31+$0x18980] =	vst v9  }
0x6c3: {  	[tilespmem:s31+$0x18990] =	vst v10;
	v62 =	vld.idx.msk [tilespmem:v1+s22+$0x0], $0xffff  }
0x6c4: {  	[tilespmem:s31+$0x189A0] =	vst v11;
	v3 =	vld.idx.msk [tilespmem:v2+s22+$0x0], $0xffff  }
0x6c5: {  	[tilespmem:s31+$0x189B0] =	vst v12;
	v1 =	vld.idx.msk [tilespmem:v4+s22+$0x0], $0xffff  }
0x6c6: {  	[tilespmem:s31+$0x189C0] =	vst v13;
	v2 =	vld.idx.msk [tilespmem:v5+s22+$0x0], $0xffff  }
0x6c7: {  	[tilespmem:s31+$0x189D0] =	vst v14;
	v4 =	vld.idx.msk [tilespmem:v6+s22+$0x0], $0xffff  }
0x6c8: {  	[tilespmem:s31+$0x189E0] =	vst v63;
	v5 =	vld.idx.msk [tilespmem:v7+s22+$0x0], $0xffff  }
0x6c9: {  	s0 =	simm.s32 $0x0;
	s2 =	simm.s32 $0x200;
	v6 =	vld.idx.msk [tilespmem:v8+s22+$0x0], $0xffff;
	[tilespmem:s31+$0x1B170] =	vst v62  }
.LBB2_61:
0x6ca: {  	s6 =	sshra.s32 s2, $0x2;
	s0 =	sadd.s32 $0x8, s0;
	[tilespmem:s31+$0x1B100] =	vst v3;
	v0 =	vld.idx.msk [tilespmem:v0+s22+$0x0], $0xffff  }
0x6cb: {  	v3 =	vld [tilespmem:s6+$0x75A0];
	p0 =	slt.u32 s0, $0x268;
	[tilespmem:s31+$0x1B110] =	vst v1  }
0x6cc: {  	v1 =	vld [tilespmem:s6+$0x7530];
	[tilespmem:s31+$0x1B120] =	vst v2  }
0x6cd: {  	v2 =	vld [tilespmem:s6+$0x7540];
	[tilespmem:s31+$0x1B130] =	vst v4  }
0x6ce: {  	v4 =	vld [tilespmem:s6+$0x7550];
	[tilespmem:s31+$0x1B140] =	vst v5  }
0x6cf: {  	v5 =	vld [tilespmem:s6+$0x7560];
	[tilespmem:s31+$0x1B150] =	vst v6  }
0x6d0: {  	v6 =	vld [tilespmem:s6+$0x7570];
	[tilespmem:s31+$0x1B160] =	vst v0;
	s31 =	smov.u32 s6  }
0x6d1: {  	v7 =	vld [tilespmem:s31+$0x7580]  }
0x6d2: {  	v0 =	vld [tilespmem:s31+$0x7590]  }
0x6d3: {  	v8 =	vld.idx.msk [tilespmem:v3+s21+$0x0], $0xffff  }
0x6d4: {  	v9 =	vld.idx.msk [tilespmem:v1+s21+$0x0], $0xffff  }
0x6d5: {  	v10 =	vld.idx.msk [tilespmem:v2+s21+$0x0], $0xffff  }
0x6d6: {  	v11 =	vld.idx.msk [tilespmem:v4+s21+$0x0], $0xffff  }
0x6d7: {  	v12 =	vld.idx.msk [tilespmem:v5+s21+$0x0], $0xffff  }
0x6d8: {  	v13 =	vld.idx.msk [tilespmem:v6+s21+$0x0], $0xffff  }
0x6d9: {  	v14 =	vld.idx.msk [tilespmem:v7+s21+$0x0], $0xffff;
	[tilespmem:s31+$0x189F0] =	vst v8  }
0x6da: {  	[tilespmem:s31+$0x18980] =	vst v9;
	v8 =	vld.idx.msk [tilespmem:v3+s22+$0x0], $0xffff  }
0x6db: {  	[tilespmem:s31+$0x18990] =	vst v10;
	v9 =	vld.idx.msk [tilespmem:v0+s21+$0x0], $0xffff  }
0x6dc: {  	v3 =	vld.idx.msk [tilespmem:v1+s22+$0x0], $0xffff;
	[tilespmem:s31+$0x189A0] =	vst v11  }
.Ltmp29:
0x6dd: {  	v1 =	vld.idx.msk [tilespmem:v2+s22+$0x0], $0xffff;
	[tilespmem:s31+$0x189B0] =	vst v12;
	(pc) =	sbr.rel @p0 .LBB2_61-.Ltmp29, $4  }
0x6de: {  	v2 =	vld.idx.msk [tilespmem:v4+s22+$0x0], $0xffff;
	[tilespmem:s31+$0x189C0] =	vst v13  }
0x6df: {  	v4 =	vld.idx.msk [tilespmem:v5+s22+$0x0], $0xffff;
	[tilespmem:s31+$0x189D0] =	vst v14  }
0x6e0: {  	v5 =	vld.idx.msk [tilespmem:v6+s22+$0x0], $0xffff;
	[tilespmem:s31+$0x1B170] =	vst v8  }
0x6e1: {  	s2 =	sadd.s32 $0x200, s2;
	v6 =	vld.idx.msk [tilespmem:v7+s22+$0x0], $0xffff;
	[tilespmem:s31+$0x189E0] =	vst v9  }
0x6e2: {  	_ =	sdelay $0x2  }
0x6e3: {  	[tilespmem:s31+$0x1B100] =	vst v3  }
0x6e4: {  	v0 =	vld.idx.msk [tilespmem:v0+s22+$0x0], $0xffff;
	[tilespmem:s31+$0x1B110] =	vst v1  }
0x6e5: {  	[tilespmem:s31+$0x1B120] =	vst v2  }
0x6e6: {  	[tilespmem:s31+$0x1B130] =	vst v4  }
0x6e7: {  	[tilespmem:s31+$0x1B140] =	vst v5  }
0x6e8: {  	[tilespmem:s31+$0x1B150] =	vst v6  }
0x6e9: {  	[tilespmem:s31+$0x1B160] =	vst v0  }
0x6ea: {  	v0 =	vld [tilespmem:$0x9C30];
	_ =	sdelay $0x7  }
0x6eb: {  	v1 =	vld.idx.msk [tilespmem:v0+s21+$0x0], $0xffff;
	_ =	sdelay $0x4  }
0x6ec: {  	[tilespmem:$0x1B080] =	vst v1  }
0x6ed: {  	v0 =	vld.idx.msk [tilespmem:v0+s22+$0x0], $0xffff;
	_ =	sdelay $0x4  }
0x6ee: {  	[tilespmem:$0x1D800] =	vst v0  }
0x6ef: {  	p0 =	seq.s32 s29, $0x3;
	_ =	swait.ge [sflag:s26], $0x2710  }
0x6f0: {  	s0 =	sadd.s32 @!p0 $0x4, s30;
	[sflag:s26] =	ssyncset.done $0x0  }
0x6f1: {  	s2 =	sadd.s32 @!p0 s5, s0;
	[sflag:s26] =	ssyncadd.s32 $0xFFFFD8F0  }
0x6f2: {  	s6 =	simm.s32 @!p0 $0x0;
	s2 =	smul.u32 @!p0 $0x4E2, s2;
	_ =	swait.ge [sflag:s26], $0x2710  }
0x6f3: {  	s30 =	simm.s32 @!p0 $0x9C80;
	s0 =	sadd.s32 @!p0 s0, s13;
	[sflag:s26] =	ssyncset.done $0x0  }
0x6f4: {  	s0 =	smul.u32 @!p0 $0x4E2, s0;
	s2 =	sadd.s32 @!p0 s4, s2;
	[sflag:s26] =	ssyncadd.s32 $0xFFFFD8F0  }
0x6f5: {  	[tilespmem:s30], [sflag:$0x1] =	stream.linear.gather @!p0 [hbm4b:s2+s6], $0x2710, $0x38;
	[tilespmem:$0x1D880] =	vst v63  }
0x6f6: {  	s0 =	sadd.s32 @!p0 s4, s0;
	s31 =	simm.s32 $0x40;
	s2 =	simm.s32 @!p0 $0xC400  }
0x6f7: {  	[tilespmem:s2], [sflag:$0x1] =	stream.linear.gather @!p0 [hbm4b:s0+s6], $0x2710, $0x38;
	[tilespmem:$0x1D880] =	vst v63  }
0x6f8: {  	v0 =	vld [tilespmem:s31+$0x30]  }
0x6f9: {  	v1 =	vld [tilespmem:s31+$0xFFFFFFD0]  }
0x6fa: {  	v2 =	vld [tilespmem:s31+$0xFFFFFFE0]  }
0x6fb: {  	v3 =	vld [tilespmem:s31+$0xFFFFFFF0]  }
0x6fc: {  	v4 =	vld [tilespmem:s31+$0x0]  }
0x6fd: {  	v5 =	vld [tilespmem:s31+$0x10]  }
0x6fe: {  	v6 =	vld [tilespmem:s31+$0x20]  }
0x6ff: {  	v7 =	vld [tilespmem:s31+$0xFFFFFFC0]  }
0x700: {  	v8 =	vld.idx.msk [tilespmem:v0+s24+$0x0], $0xffff  }
0x701: {  	v9 =	vld.idx.msk [tilespmem:v1+s24+$0x0], $0xffff  }
0x702: {  	v10 =	vld.idx.msk [tilespmem:v2+s24+$0x0], $0xffff  }
0x703: {  	v11 =	vld.idx.msk [tilespmem:v3+s24+$0x0], $0xffff  }
0x704: {  	v12 =	vld.idx.msk [tilespmem:v4+s24+$0x0], $0xffff  }
0x705: {  	s30 =	simm.s32 $0x13AC0;
	v13 =	vld.idx.msk [tilespmem:v5+s24+$0x0], $0xffff  }
0x706: {  	v14 =	vld.idx.msk [tilespmem:v6+s24+$0x0], $0xffff;
	[tilespmem:s30+$0x30] =	vst v8  }
0x707: {  	v62 =	vld.idx.msk [tilespmem:v7+s24+$0x0], $0xffff;
	[tilespmem:s30+$0xFFFFFFD0] =	vst v9  }
0x708: {  	[tilespmem:s30+$0xFFFFFFE0] =	vst v10;
	v8 =	vld.idx.msk [tilespmem:v0+s25+$0x0], $0xffff  }
0x709: {  	[tilespmem:s30+$0xFFFFFFF0] =	vst v11;
	v63 =	vld.idx.msk [tilespmem:v1+s25+$0x0], $0xffff  }
0x70a: {  	[tilespmem:s30+$0x0] =	vst v12;
	v0 =	vld.idx.msk [tilespmem:v2+s25+$0x0], $0xffff  }
0x70b: {  	[tilespmem:s30+$0x10] =	vst v13;
	v1 =	vld.idx.msk [tilespmem:v3+s25+$0x0], $0xffff  }
0x70c: {  	[tilespmem:s30+$0x20] =	vst v14;
	v2 =	vld.idx.msk [tilespmem:v4+s25+$0x0], $0xffff  }
0x70d: {  	s0 =	simm.s32 $0x16240;
	[tilespmem:s30+$0xFFFFFFC0] =	vst v62;
	v3 =	vld.idx.msk [tilespmem:v5+s25+$0x0], $0xffff  }
0x70e: {  	v4 =	vld.idx.msk [tilespmem:v6+s25+$0x0], $0xffff;
	[tilespmem:s0+$0x30] =	vst v8  }
0x70f: {  	s2 =	simm.s32 $0x0;
	s6 =	simm.s32 $0xC0;
	v5 =	vld.idx.msk [tilespmem:v7+s25+$0x0], $0xffff;
	[tilespmem:s0+$0xFFFFFFD0] =	vst v63  }
.LBB2_63:
0x710: {  	v6 =	vld [tilespmem:s6+$0x30];
	s2 =	sadd.s32 $0x8, s2;
	[tilespmem:s0+$0xFFFFFFE0] =	vst v0  }
0x711: {  	v0 =	vld [tilespmem:s6+$0xFFFFFFD0];
	p0 =	slt.u32 s2, $0x268;
	[tilespmem:s0+$0xFFFFFFF0] =	vst v1  }
0x712: {  	v1 =	vld [tilespmem:s6+$0xFFFFFFE0];
	[tilespmem:s0+$0x0] =	vst v2  }
0x713: {  	v2 =	vld [tilespmem:s6+$0xFFFFFFF0];
	[tilespmem:s0+$0x10] =	vst v3  }
0x714: {  	v3 =	vld [tilespmem:s6+$0x0];
	[tilespmem:s0+$0x20] =	vst v4  }
0x715: {  	v4 =	vld [tilespmem:s6+$0x10];
	[tilespmem:s0+$0xFFFFFFC0] =	vst v5  }
0x716: {  	v5 =	vld [tilespmem:s6+$0x20]  }
0x717: {  	v7 =	vld [tilespmem:s6+$0xFFFFFFC0]  }
0x718: {  	v8 =	vld.idx.msk [tilespmem:v6+s24+$0x0], $0xffff  }
0x719: {  	v9 =	vld.idx.msk [tilespmem:v0+s24+$0x0], $0xffff  }
0x71a: {  	v10 =	vld.idx.msk [tilespmem:v1+s24+$0x0], $0xffff  }
0x71b: {  	v11 =	vld.idx.msk [tilespmem:v2+s24+$0x0], $0xffff  }
0x71c: {  	v12 =	vld.idx.msk [tilespmem:v3+s24+$0x0], $0xffff  }
0x71d: {  	s30 =	sadd.s32 $0x80, s30;
	v13 =	vld.idx.msk [tilespmem:v4+s24+$0x0], $0xffff  }
0x71e: {  	v14 =	vld.idx.msk [tilespmem:v5+s24+$0x0], $0xffff;
	[tilespmem:s30+$0x30] =	vst v8  }
0x71f: {  	[tilespmem:s30+$0xFFFFFFD0] =	vst v9;
	v6 =	vld.idx.msk [tilespmem:v6+s25+$0x0], $0xffff  }
0x720: {  	v8 =	vld.idx.msk [tilespmem:v7+s24+$0x0], $0xffff;
	[tilespmem:s30+$0xFFFFFFE0] =	vst v10  }
0x721: {  	v9 =	vld.idx.msk [tilespmem:v0+s25+$0x0], $0xffff;
	[tilespmem:s30+$0xFFFFFFF0] =	vst v11  }
0x722: {  	v0 =	vld.idx.msk [tilespmem:v1+s25+$0x0], $0xffff;
	[tilespmem:s30+$0x0] =	vst v12  }
.Ltmp30:
0x723: {  	v1 =	vld.idx.msk [tilespmem:v2+s25+$0x0], $0xffff;
	[tilespmem:s30+$0x10] =	vst v13;
	(pc) =	sbr.rel @p0 .LBB2_63-.Ltmp30, $4  }
0x724: {  	s0 =	sadd.s32 $0x80, s0;
	v2 =	vld.idx.msk [tilespmem:v3+s25+$0x0], $0xffff;
	[tilespmem:s30+$0x20] =	vst v14  }
0x725: {  	v3 =	vld.idx.msk [tilespmem:v4+s25+$0x0], $0xffff;
	[tilespmem:s0+$0x30] =	vst v6  }
0x726: {  	[tilespmem:s30+$0xFFFFFFC0] =	vst v8;
	v4 =	vld.idx.msk [tilespmem:v5+s25+$0x0], $0xffff  }
0x727: {  	s6 =	sadd.s32 $0x80, s6;
	v5 =	vld.idx.msk [tilespmem:v7+s25+$0x0], $0xffff;
	[tilespmem:s0+$0xFFFFFFD0] =	vst v9  }
0x728: {  	[tilespmem:s0+$0xFFFFFFE0] =	vst v0  }
0x729: {  	[tilespmem:s0+$0xFFFFFFF0] =	vst v1  }
0x72a: {  	[tilespmem:s0+$0x0] =	vst v2  }
0x72b: {  	[tilespmem:s0+$0x10] =	vst v3  }
0x72c: {  	[tilespmem:s0+$0x20] =	vst v4  }
0x72d: {  	[tilespmem:s0+$0xFFFFFFC0] =	vst v5  }
0x72e: {  	v0 =	vld [tilespmem:$0x2700];
	_ =	sdelay $0x7  }
0x72f: {  	v1 =	vld.idx.msk [tilespmem:v0+s24+$0x0], $0xffff;
	_ =	sdelay $0x4  }
0x730: {  	[tilespmem:$0x16180] =	vst v1  }
0x731: {  	v0 =	vld.idx.msk [tilespmem:v0+s25+$0x0], $0xffff;
	_ =	sdelay $0x4  }
0x732: {  	s31 =	simm.s32 $0x2780;
	[tilespmem:$0x18900] =	vst v0  }
0x733: {  	v0 =	vld [tilespmem:s31+$0x0]  }
0x734: {  	v1 =	vld [tilespmem:s31+$0xFFFFFFA0]  }
0x735: {  	v2 =	vld [tilespmem:s31+$0xFFFFFFB0]  }
0x736: {  	v3 =	vld [tilespmem:s31+$0xFFFFFFC0]  }
0x737: {  	v4 =	vld [tilespmem:s31+$0xFFFFFFD0]  }
0x738: {  	v5 =	vld [tilespmem:s31+$0xFFFFFFE0]  }
0x739: {  	v6 =	vld [tilespmem:s31+$0xFFFFFFF0]  }
0x73a: {  	v7 =	vld [tilespmem:s31+$0xFFFFFF90]  }
0x73b: {  	v8 =	vld.idx.msk [tilespmem:v0+s24+$0x0], $0xffff  }
0x73c: {  	v9 =	vld.idx.msk [tilespmem:v1+s24+$0x0], $0xffff  }
0x73d: {  	v10 =	vld.idx.msk [tilespmem:v2+s24+$0x0], $0xffff  }
0x73e: {  	v11 =	vld.idx.msk [tilespmem:v3+s24+$0x0], $0xffff  }
0x73f: {  	v12 =	vld.idx.msk [tilespmem:v4+s24+$0x0], $0xffff  }
0x740: {  	s30 =	simm.s32 $0x189C0;
	v13 =	vld.idx.msk [tilespmem:v5+s24+$0x0], $0xffff  }
0x741: {  	v14 =	vld.idx.msk [tilespmem:v6+s24+$0x0], $0xffff;
	[tilespmem:s30+$0x30] =	vst v8  }
0x742: {  	v62 =	vld.idx.msk [tilespmem:v7+s24+$0x0], $0xffff;
	[tilespmem:s30+$0xFFFFFFD0] =	vst v9  }
0x743: {  	[tilespmem:s30+$0xFFFFFFE0] =	vst v10;
	v8 =	vld.idx.msk [tilespmem:v0+s25+$0x0], $0xffff  }
0x744: {  	[tilespmem:s30+$0xFFFFFFF0] =	vst v11;
	v63 =	vld.idx.msk [tilespmem:v1+s25+$0x0], $0xffff  }
0x745: {  	[tilespmem:s30+$0x0] =	vst v12;
	v0 =	vld.idx.msk [tilespmem:v2+s25+$0x0], $0xffff  }
0x746: {  	[tilespmem:s30+$0x10] =	vst v13;
	v1 =	vld.idx.msk [tilespmem:v3+s25+$0x0], $0xffff  }
0x747: {  	[tilespmem:s30+$0x20] =	vst v14;
	v2 =	vld.idx.msk [tilespmem:v4+s25+$0x0], $0xffff  }
0x748: {  	s0 =	simm.s32 $0x1B140;
	[tilespmem:s30+$0xFFFFFFC0] =	vst v62;
	v3 =	vld.idx.msk [tilespmem:v5+s25+$0x0], $0xffff  }
0x749: {  	v4 =	vld.idx.msk [tilespmem:v6+s25+$0x0], $0xffff;
	[tilespmem:s0+$0x30] =	vst v8  }
0x74a: {  	s2 =	simm.s32 $0x0;
	s6 =	simm.s32 $0x2800;
	v5 =	vld.idx.msk [tilespmem:v7+s25+$0x0], $0xffff;
	[tilespmem:s0+$0xFFFFFFD0] =	vst v63  }
.LBB2_65:
0x74b: {  	v6 =	vld [tilespmem:s6+$0x0];
	s2 =	sadd.s32 $0x8, s2;
	[tilespmem:s0+$0xFFFFFFE0] =	vst v0  }
0x74c: {  	v0 =	vld [tilespmem:s6+$0xFFFFFFA0];
	p0 =	slt.u32 s2, $0x268;
	[tilespmem:s0+$0xFFFFFFF0] =	vst v1  }
0x74d: {  	v1 =	vld [tilespmem:s6+$0xFFFFFFB0];
	[tilespmem:s0+$0x0] =	vst v2  }
0x74e: {  	v2 =	vld [tilespmem:s6+$0xFFFFFFC0];
	[tilespmem:s0+$0x10] =	vst v3  }
0x74f: {  	v3 =	vld [tilespmem:s6+$0xFFFFFFD0];
	[tilespmem:s0+$0x20] =	vst v4  }
0x750: {  	v4 =	vld [tilespmem:s6+$0xFFFFFFE0];
	[tilespmem:s0+$0xFFFFFFC0] =	vst v5  }
0x751: {  	v5 =	vld [tilespmem:s6+$0xFFFFFFF0]  }
0x752: {  	v7 =	vld [tilespmem:s6+$0xFFFFFF90]  }
0x753: {  	v8 =	vld.idx.msk [tilespmem:v6+s24+$0x0], $0xffff  }
0x754: {  	v9 =	vld.idx.msk [tilespmem:v0+s24+$0x0], $0xffff  }
0x755: {  	v10 =	vld.idx.msk [tilespmem:v1+s24+$0x0], $0xffff  }
0x756: {  	v11 =	vld.idx.msk [tilespmem:v2+s24+$0x0], $0xffff  }
0x757: {  	v12 =	vld.idx.msk [tilespmem:v3+s24+$0x0], $0xffff  }
0x758: {  	s30 =	sadd.s32 $0x80, s30;
	v13 =	vld.idx.msk [tilespmem:v4+s24+$0x0], $0xffff  }
0x759: {  	v14 =	vld.idx.msk [tilespmem:v5+s24+$0x0], $0xffff;
	[tilespmem:s30+$0x30] =	vst v8  }
0x75a: {  	[tilespmem:s30+$0xFFFFFFD0] =	vst v9;
	v6 =	vld.idx.msk [tilespmem:v6+s25+$0x0], $0xffff  }
0x75b: {  	v8 =	vld.idx.msk [tilespmem:v7+s24+$0x0], $0xffff;
	[tilespmem:s30+$0xFFFFFFE0] =	vst v10  }
0x75c: {  	v9 =	vld.idx.msk [tilespmem:v0+s25+$0x0], $0xffff;
	[tilespmem:s30+$0xFFFFFFF0] =	vst v11  }
0x75d: {  	v0 =	vld.idx.msk [tilespmem:v1+s25+$0x0], $0xffff;
	[tilespmem:s30+$0x0] =	vst v12  }
.Ltmp31:
0x75e: {  	v1 =	vld.idx.msk [tilespmem:v2+s25+$0x0], $0xffff;
	[tilespmem:s30+$0x10] =	vst v13;
	(pc) =	sbr.rel @p0 .LBB2_65-.Ltmp31, $4  }
0x75f: {  	s0 =	sadd.s32 $0x80, s0;
	v2 =	vld.idx.msk [tilespmem:v3+s25+$0x0], $0xffff;
	[tilespmem:s30+$0x20] =	vst v14  }
0x760: {  	v3 =	vld.idx.msk [tilespmem:v4+s25+$0x0], $0xffff;
	[tilespmem:s0+$0x30] =	vst v6  }
0x761: {  	[tilespmem:s30+$0xFFFFFFC0] =	vst v8;
	v4 =	vld.idx.msk [tilespmem:v5+s25+$0x0], $0xffff  }
0x762: {  	s6 =	sadd.s32 $0x80, s6;
	v5 =	vld.idx.msk [tilespmem:v7+s25+$0x0], $0xffff;
	[tilespmem:s0+$0xFFFFFFD0] =	vst v9  }
0x763: {  	[tilespmem:s0+$0xFFFFFFE0] =	vst v0  }
0x764: {  	[tilespmem:s0+$0xFFFFFFF0] =	vst v1  }
0x765: {  	[tilespmem:s0+$0x0] =	vst v2  }
0x766: {  	[tilespmem:s0+$0x10] =	vst v3  }
0x767: {  	[tilespmem:s0+$0x20] =	vst v4  }
0x768: {  	[tilespmem:s0+$0xFFFFFFC0] =	vst v5  }
0x769: {  	v0 =	vld [tilespmem:$0x4E10];
	_ =	sdelay $0x7  }
0x76a: {  	v1 =	vld.idx.msk [tilespmem:v0+s24+$0x0], $0xffff;
	_ =	sdelay $0x4  }
0x76b: {  	[tilespmem:$0x1B080] =	vst v1  }
0x76c: {  	v0 =	vld.idx.msk [tilespmem:v0+s25+$0x0], $0xffff;
	_ =	sdelay $0x4  }
0x76d: {  	s30 =	simm.s32 $0x0;
	[tilespmem:$0x1D800] =	vst v0  }
0x76e: {  	v1 =	vld [tilespmem:s30+$0x4E90]  }
0x76f: {  	v2 =	vld [tilespmem:s30+$0x4E20]  }
0x770: {  	v4 =	vld [tilespmem:s30+$0x4E30]  }
0x771: {  	v5 =	vld [tilespmem:s30+$0x4E40]  }
0x772: {  	v6 =	vld [tilespmem:s30+$0x4E50]  }
0x773: {  	v7 =	vld [tilespmem:s30+$0x4E60]  }
0x774: {  	v8 =	vld [tilespmem:s30+$0x4E70]  }
0x775: {  	v0 =	vld [tilespmem:s30+$0x4E80]  }
0x776: {  	v3 =	vld.idx.msk [tilespmem:v1+s24+$0x0], $0xffff  }
0x777: {  	v9 =	vld.idx.msk [tilespmem:v2+s24+$0x0], $0xffff  }
0x778: {  	v10 =	vld.idx.msk [tilespmem:v4+s24+$0x0], $0xffff  }
0x779: {  	v11 =	vld.idx.msk [tilespmem:v5+s24+$0x0], $0xffff  }
0x77a: {  	v12 =	vld.idx.msk [tilespmem:v6+s24+$0x0], $0xffff  }
0x77b: {  	v13 =	vld.idx.msk [tilespmem:v7+s24+$0x0], $0xffff  }
0x77c: {  	v14 =	vld.idx.msk [tilespmem:v8+s24+$0x0], $0xffff;
	[tilespmem:s30+$0x13AF0] =	vst v3  }
0x77d: {  	v63 =	vld.idx.msk [tilespmem:v0+s24+$0x0], $0xffff;
	[tilespmem:s30+$0x13A80] =	vst v9  }
0x77e: {  	[tilespmem:s30+$0x13A90] =	vst v10;
	v62 =	vld.idx.msk [tilespmem:v1+s25+$0x0], $0xffff  }
0x77f: {  	[tilespmem:s30+$0x13AA0] =	vst v11;
	v3 =	vld.idx.msk [tilespmem:v2+s25+$0x0], $0xffff  }
0x780: {  	[tilespmem:s30+$0x13AB0] =	vst v12;
	v1 =	vld.idx.msk [tilespmem:v4+s25+$0x0], $0xffff  }
0x781: {  	[tilespmem:s30+$0x13AC0] =	vst v13;
	v2 =	vld.idx.msk [tilespmem:v5+s25+$0x0], $0xffff  }
0x782: {  	[tilespmem:s30+$0x13AD0] =	vst v14;
	v4 =	vld.idx.msk [tilespmem:v6+s25+$0x0], $0xffff  }
0x783: {  	[tilespmem:s30+$0x13AE0] =	vst v63;
	v5 =	vld.idx.msk [tilespmem:v7+s25+$0x0], $0xffff  }
0x784: {  	s2 =	simm.s32 $0x200;
	s0 =	simm.s32 $0x0;
	v6 =	vld.idx.msk [tilespmem:v8+s25+$0x0], $0xffff;
	[tilespmem:s30+$0x16270] =	vst v62  }
.LBB2_67:
0x785: {  	s6 =	sshra.s32 s2, $0x2;
	s0 =	sadd.s32 $0x8, s0;
	[tilespmem:s30+$0x16200] =	vst v3;
	v0 =	vld.idx.msk [tilespmem:v0+s25+$0x0], $0xffff  }
0x786: {  	v3 =	vld [tilespmem:s6+$0x4E90];
	p0 =	slt.u32 s0, $0x268;
	[tilespmem:s30+$0x16210] =	vst v1  }
0x787: {  	v1 =	vld [tilespmem:s6+$0x4E20];
	[tilespmem:s30+$0x16220] =	vst v2  }
0x788: {  	v2 =	vld [tilespmem:s6+$0x4E30];
	[tilespmem:s30+$0x16230] =	vst v4  }
0x789: {  	v4 =	vld [tilespmem:s6+$0x4E40];
	[tilespmem:s30+$0x16240] =	vst v5  }
0x78a: {  	v5 =	vld [tilespmem:s6+$0x4E50];
	[tilespmem:s30+$0x16250] =	vst v6  }
0x78b: {  	v6 =	vld [tilespmem:s6+$0x4E60];
	[tilespmem:s30+$0x16260] =	vst v0;
	s30 =	smov.u32 s6  }
0x78c: {  	v7 =	vld [tilespmem:s30+$0x4E70]  }
0x78d: {  	v0 =	vld [tilespmem:s30+$0x4E80]  }
0x78e: {  	v8 =	vld.idx.msk [tilespmem:v3+s24+$0x0], $0xffff  }
0x78f: {  	v9 =	vld.idx.msk [tilespmem:v1+s24+$0x0], $0xffff  }
0x790: {  	v10 =	vld.idx.msk [tilespmem:v2+s24+$0x0], $0xffff  }
0x791: {  	v11 =	vld.idx.msk [tilespmem:v4+s24+$0x0], $0xffff  }
0x792: {  	v12 =	vld.idx.msk [tilespmem:v5+s24+$0x0], $0xffff  }
0x793: {  	v13 =	vld.idx.msk [tilespmem:v6+s24+$0x0], $0xffff  }
0x794: {  	v14 =	vld.idx.msk [tilespmem:v7+s24+$0x0], $0xffff;
	[tilespmem:s30+$0x13AF0] =	vst v8  }
0x795: {  	[tilespmem:s30+$0x13A80] =	vst v9;
	v8 =	vld.idx.msk [tilespmem:v3+s25+$0x0], $0xffff  }
0x796: {  	[tilespmem:s30+$0x13A90] =	vst v10;
	v9 =	vld.idx.msk [tilespmem:v0+s24+$0x0], $0xffff  }
0x797: {  	v3 =	vld.idx.msk [tilespmem:v1+s25+$0x0], $0xffff;
	[tilespmem:s30+$0x13AA0] =	vst v11  }
.Ltmp32:
0x798: {  	v1 =	vld.idx.msk [tilespmem:v2+s25+$0x0], $0xffff;
	[tilespmem:s30+$0x13AB0] =	vst v12;
	(pc) =	sbr.rel @p0 .LBB2_67-.Ltmp32, $4  }
0x799: {  	v2 =	vld.idx.msk [tilespmem:v4+s25+$0x0], $0xffff;
	[tilespmem:s30+$0x13AC0] =	vst v13  }
0x79a: {  	v4 =	vld.idx.msk [tilespmem:v5+s25+$0x0], $0xffff;
	[tilespmem:s30+$0x13AD0] =	vst v14  }
0x79b: {  	v5 =	vld.idx.msk [tilespmem:v6+s25+$0x0], $0xffff;
	[tilespmem:s30+$0x16270] =	vst v8  }
0x79c: {  	s2 =	sadd.s32 $0x200, s2;
	v6 =	vld.idx.msk [tilespmem:v7+s25+$0x0], $0xffff;
	[tilespmem:s30+$0x13AE0] =	vst v9  }
0x79d: {  	_ =	sdelay $0x2  }
0x79e: {  	[tilespmem:s30+$0x16200] =	vst v3  }
0x79f: {  	v0 =	vld.idx.msk [tilespmem:v0+s25+$0x0], $0xffff;
	[tilespmem:s30+$0x16210] =	vst v1  }
0x7a0: {  	[tilespmem:s30+$0x16220] =	vst v2  }
0x7a1: {  	[tilespmem:s30+$0x16230] =	vst v4  }
0x7a2: {  	[tilespmem:s30+$0x16240] =	vst v5  }
0x7a3: {  	[tilespmem:s30+$0x16250] =	vst v6  }
0x7a4: {  	[tilespmem:s30+$0x16260] =	vst v0  }
0x7a5: {  	v0 =	vld [tilespmem:$0x7520];
	_ =	sdelay $0x7  }
0x7a6: {  	v1 =	vld.idx.msk [tilespmem:v0+s24+$0x0], $0xffff;
	_ =	sdelay $0x4  }
0x7a7: {  	[tilespmem:$0x16180] =	vst v1  }
0x7a8: {  	v0 =	vld.idx.msk [tilespmem:v0+s25+$0x0], $0xffff;
	_ =	sdelay $0x4  }
0x7a9: {  	s30 =	simm.s32 $0x0;
	[tilespmem:$0x18900] =	vst v0  }
0x7aa: {  	v1 =	vld [tilespmem:s30+$0x75A0]  }
0x7ab: {  	v2 =	vld [tilespmem:s30+$0x7530]  }
0x7ac: {  	v4 =	vld [tilespmem:s30+$0x7540]  }
0x7ad: {  	v5 =	vld [tilespmem:s30+$0x7550]  }
0x7ae: {  	v6 =	vld [tilespmem:s30+$0x7560]  }
0x7af: {  	v7 =	vld [tilespmem:s30+$0x7570]  }
0x7b0: {  	v8 =	vld [tilespmem:s30+$0x7580]  }
0x7b1: {  	v0 =	vld [tilespmem:s30+$0x7590]  }
0x7b2: {  	v3 =	vld.idx.msk [tilespmem:v1+s24+$0x0], $0xffff  }
0x7b3: {  	v9 =	vld.idx.msk [tilespmem:v2+s24+$0x0], $0xffff  }
0x7b4: {  	v10 =	vld.idx.msk [tilespmem:v4+s24+$0x0], $0xffff  }
0x7b5: {  	v11 =	vld.idx.msk [tilespmem:v5+s24+$0x0], $0xffff  }
0x7b6: {  	v12 =	vld.idx.msk [tilespmem:v6+s24+$0x0], $0xffff  }
0x7b7: {  	v13 =	vld.idx.msk [tilespmem:v7+s24+$0x0], $0xffff  }
0x7b8: {  	v14 =	vld.idx.msk [tilespmem:v8+s24+$0x0], $0xffff;
	[tilespmem:s30+$0x189F0] =	vst v3  }
0x7b9: {  	v63 =	vld.idx.msk [tilespmem:v0+s24+$0x0], $0xffff;
	[tilespmem:s30+$0x18980] =	vst v9  }
0x7ba: {  	[tilespmem:s30+$0x18990] =	vst v10;
	v62 =	vld.idx.msk [tilespmem:v1+s25+$0x0], $0xffff  }
0x7bb: {  	[tilespmem:s30+$0x189A0] =	vst v11;
	v3 =	vld.idx.msk [tilespmem:v2+s25+$0x0], $0xffff  }
0x7bc: {  	[tilespmem:s30+$0x189B0] =	vst v12;
	v1 =	vld.idx.msk [tilespmem:v4+s25+$0x0], $0xffff  }
0x7bd: {  	[tilespmem:s30+$0x189C0] =	vst v13;
	v2 =	vld.idx.msk [tilespmem:v5+s25+$0x0], $0xffff  }
0x7be: {  	[tilespmem:s30+$0x189D0] =	vst v14;
	v4 =	vld.idx.msk [tilespmem:v6+s25+$0x0], $0xffff  }
0x7bf: {  	[tilespmem:s30+$0x189E0] =	vst v63;
	v5 =	vld.idx.msk [tilespmem:v7+s25+$0x0], $0xffff  }
0x7c0: {  	s0 =	simm.s32 $0x0;
	s2 =	simm.s32 $0x200;
	v6 =	vld.idx.msk [tilespmem:v8+s25+$0x0], $0xffff;
	[tilespmem:s30+$0x1B170] =	vst v62  }
.LBB2_69:
0x7c1: {  	s6 =	sshra.s32 s2, $0x2;
	s0 =	sadd.s32 $0x8, s0;
	[tilespmem:s30+$0x1B100] =	vst v3;
	v0 =	vld.idx.msk [tilespmem:v0+s25+$0x0], $0xffff  }
0x7c2: {  	v3 =	vld [tilespmem:s6+$0x75A0];
	p0 =	slt.u32 s0, $0x268;
	[tilespmem:s30+$0x1B110] =	vst v1  }
0x7c3: {  	v1 =	vld [tilespmem:s6+$0x7530];
	[tilespmem:s30+$0x1B120] =	vst v2  }
0x7c4: {  	v2 =	vld [tilespmem:s6+$0x7540];
	[tilespmem:s30+$0x1B130] =	vst v4  }
0x7c5: {  	v4 =	vld [tilespmem:s6+$0x7550];
	[tilespmem:s30+$0x1B140] =	vst v5  }
0x7c6: {  	v5 =	vld [tilespmem:s6+$0x7560];
	[tilespmem:s30+$0x1B150] =	vst v6  }
0x7c7: {  	v6 =	vld [tilespmem:s6+$0x7570];
	[tilespmem:s30+$0x1B160] =	vst v0;
	s30 =	smov.u32 s6  }
0x7c8: {  	v7 =	vld [tilespmem:s30+$0x7580]  }
0x7c9: {  	v0 =	vld [tilespmem:s30+$0x7590]  }
0x7ca: {  	v8 =	vld.idx.msk [tilespmem:v3+s24+$0x0], $0xffff  }
0x7cb: {  	v9 =	vld.idx.msk [tilespmem:v1+s24+$0x0], $0xffff  }
0x7cc: {  	v10 =	vld.idx.msk [tilespmem:v2+s24+$0x0], $0xffff  }
0x7cd: {  	v11 =	vld.idx.msk [tilespmem:v4+s24+$0x0], $0xffff  }
0x7ce: {  	v12 =	vld.idx.msk [tilespmem:v5+s24+$0x0], $0xffff  }
0x7cf: {  	v13 =	vld.idx.msk [tilespmem:v6+s24+$0x0], $0xffff  }
0x7d0: {  	v14 =	vld.idx.msk [tilespmem:v7+s24+$0x0], $0xffff;
	[tilespmem:s30+$0x189F0] =	vst v8  }
0x7d1: {  	[tilespmem:s30+$0x18980] =	vst v9;
	v8 =	vld.idx.msk [tilespmem:v3+s25+$0x0], $0xffff  }
0x7d2: {  	[tilespmem:s30+$0x18990] =	vst v10;
	v9 =	vld.idx.msk [tilespmem:v0+s24+$0x0], $0xffff  }
0x7d3: {  	v3 =	vld.idx.msk [tilespmem:v1+s25+$0x0], $0xffff;
	[tilespmem:s30+$0x189A0] =	vst v11  }
.Ltmp33:
0x7d4: {  	v1 =	vld.idx.msk [tilespmem:v2+s25+$0x0], $0xffff;
	[tilespmem:s30+$0x189B0] =	vst v12;
	(pc) =	sbr.rel @p0 .LBB2_69-.Ltmp33, $4  }
0x7d5: {  	v2 =	vld.idx.msk [tilespmem:v4+s25+$0x0], $0xffff;
	[tilespmem:s30+$0x189C0] =	vst v13  }
0x7d6: {  	v4 =	vld.idx.msk [tilespmem:v5+s25+$0x0], $0xffff;
	[tilespmem:s30+$0x189D0] =	vst v14  }
0x7d7: {  	v5 =	vld.idx.msk [tilespmem:v6+s25+$0x0], $0xffff;
	[tilespmem:s30+$0x1B170] =	vst v8  }
0x7d8: {  	s2 =	sadd.s32 $0x200, s2;
	v6 =	vld.idx.msk [tilespmem:v7+s25+$0x0], $0xffff;
	[tilespmem:s30+$0x189E0] =	vst v9  }
0x7d9: {  	_ =	sdelay $0x2  }
0x7da: {  	[tilespmem:s30+$0x1B100] =	vst v3  }
0x7db: {  	v0 =	vld.idx.msk [tilespmem:v0+s25+$0x0], $0xffff;
	[tilespmem:s30+$0x1B110] =	vst v1  }
0x7dc: {  	[tilespmem:s30+$0x1B120] =	vst v2  }
0x7dd: {  	[tilespmem:s30+$0x1B130] =	vst v4  }
0x7de: {  	[tilespmem:s30+$0x1B140] =	vst v5  }
0x7df: {  	[tilespmem:s30+$0x1B150] =	vst v6  }
0x7e0: {  	[tilespmem:s30+$0x1B160] =	vst v0  }
0x7e1: {  	v0 =	vld [tilespmem:$0x9C30];
	_ =	sdelay $0x7  }
0x7e2: {  	v1 =	vld.idx.msk [tilespmem:v0+s24+$0x0], $0xffff;
	_ =	sdelay $0x4  }
0x7e3: {  	s29 =	sadd.s32 $0x1, s29;
	[tilespmem:$0x1B080] =	vst v1  }
0x7e4: {  	p0 =	sne.s32 s29, $0x4;
	v0 =	vld.idx.msk [tilespmem:v0+s25+$0x0], $0xffff  }
.Ltmp34:
0x7e5: {  	_ = 	snop;
	(pc) =	sbr.rel @p0 .LBB2_54-.Ltmp34, $2  }
0x7e6: {  	_ =	sdelay $0x2  }
0x7e7: {  	[tilespmem:$0x1D800] =	vst v0  }
0x7e8: {  	s29 =	simm.s32 $0x0  }
0x7e9: {  	[tilespmem:s29], [sflag:$0x3] =	stream.linear.gather [hbm4b:s18+s29], $0x9C40, $0x38;
	[tilespmem:$0x1D880] =	vst v63  }
0x7ea: {  	_ =	swait.ge [sflag:s20], $0x9C40  }
0x7eb: {  	[sflag:s20] =	ssyncset.done $0x0  }
0x7ec: {  	[sflag:s20] =	ssyncadd.s32 $0xFFFF63C0  }
0x7ed: {  	[tilespmem:s21], [sflag:$0x1] =	stream.linear.gather [hbm4b:s16+s29], $0x2710, $0x38;
	[tilespmem:$0x1D880] =	vst v63  }
0x7ee: {  	_ = 	snop  }
0x7ef: {  	[tilespmem:s22], [sflag:$0x1] =	stream.linear.gather [hbm4b:s17+s29], $0x2710, $0x38;
	[tilespmem:$0x1D880] =	vst v63  }
.LBB2_72:
0x7f0: {  	s30 =	sshll.u32 s29, $0x2;
	_ =	swait.ge [sflag:s23], $0x2710  }
0x7f1: {  	[sflag:s23] =	ssyncset.done $0x0;
	s0 =	sadd.s32 s30, s5  }
0x7f2: {  	[sflag:s23] =	ssyncadd.s32 $0xFFFFD8F0;
	s0 =	smul.u32 $0x4E2, s0  }
0x7f3: {  	_ =	swait.ge [sflag:s23], $0x2710  }
0x7f4: {  	[sflag:s23] =	ssyncset.done $0x0;
	s0 =	sadd.s32 s4, s0  }
0x7f5: {  	[sflag:s23] =	ssyncadd.s32 $0xFFFFD8F0;
	s2 =	sadd.s32 $0x9C4, s0  }
0x7f6: {  	[tilespmem:s24], [sflag:$0x2] =	stream.linear.gather [hbm4b:s2+s3], $0x2710, $0x38;
	[tilespmem:$0x1D880] =	vst v63  }
0x7f7: {  	s6 =	simm.s32 $0x40;
	s0 =	sadd.s32 $0xEA6, s0  }
0x7f8: {  	[tilespmem:s25], [sflag:$0x2] =	stream.linear.gather [hbm4b:s0+s3], $0x2710, $0x38;
	[tilespmem:$0x1D880] =	vst v63  }
0x7f9: {  	v0 =	vld [tilespmem:s6+$0x30]  }
0x7fa: {  	v1 =	vld [tilespmem:s6+$0xFFFFFFD0]  }
0x7fb: {  	v2 =	vld [tilespmem:s6+$0xFFFFFFE0]  }
0x7fc: {  	v3 =	vld [tilespmem:s6+$0xFFFFFFF0]  }
0x7fd: {  	v4 =	vld [tilespmem:s6+$0x0]  }
0x7fe: {  	v5 =	vld [tilespmem:s6+$0x10]  }
0x7ff: {  	v6 =	vld [tilespmem:s6+$0x20]  }
0x800: {  	v7 =	vld [tilespmem:s6+$0xFFFFFFC0]  }
0x801: {  	v8 =	vld.idx.msk [tilespmem:v0+s21+$0x0], $0xffff  }
0x802: {  	v9 =	vld.idx.msk [tilespmem:v1+s21+$0x0], $0xffff  }
0x803: {  	v10 =	vld.idx.msk [tilespmem:v2+s21+$0x0], $0xffff  }
0x804: {  	v11 =	vld.idx.msk [tilespmem:v3+s21+$0x0], $0xffff  }
0x805: {  	v12 =	vld.idx.msk [tilespmem:v4+s21+$0x0], $0xffff  }
0x806: {  	s31 =	simm.s32 $0x13AC0;
	v13 =	vld.idx.msk [tilespmem:v5+s21+$0x0], $0xffff  }
0x807: {  	v14 =	vld.idx.msk [tilespmem:v6+s21+$0x0], $0xffff;
	[tilespmem:s31+$0x30] =	vst v8  }
0x808: {  	v62 =	vld.idx.msk [tilespmem:v7+s21+$0x0], $0xffff;
	[tilespmem:s31+$0xFFFFFFD0] =	vst v9  }
0x809: {  	[tilespmem:s31+$0xFFFFFFE0] =	vst v10;
	v8 =	vld.idx.msk [tilespmem:v0+s22+$0x0], $0xffff  }
0x80a: {  	[tilespmem:s31+$0xFFFFFFF0] =	vst v11;
	v63 =	vld.idx.msk [tilespmem:v1+s22+$0x0], $0xffff  }
0x80b: {  	[tilespmem:s31+$0x0] =	vst v12;
	v0 =	vld.idx.msk [tilespmem:v2+s22+$0x0], $0xffff  }
0x80c: {  	[tilespmem:s31+$0x10] =	vst v13;
	v1 =	vld.idx.msk [tilespmem:v3+s22+$0x0], $0xffff  }
0x80d: {  	[tilespmem:s31+$0x20] =	vst v14;
	v2 =	vld.idx.msk [tilespmem:v4+s22+$0x0], $0xffff  }
0x80e: {  	s0 =	simm.s32 $0x16240;
	[tilespmem:s31+$0xFFFFFFC0] =	vst v62;
	v3 =	vld.idx.msk [tilespmem:v5+s22+$0x0], $0xffff  }
0x80f: {  	v4 =	vld.idx.msk [tilespmem:v6+s22+$0x0], $0xffff;
	[tilespmem:s0+$0x30] =	vst v8  }
0x810: {  	s2 =	simm.s32 $0x0;
	s6 =	simm.s32 $0xC0;
	v5 =	vld.idx.msk [tilespmem:v7+s22+$0x0], $0xffff;
	[tilespmem:s0+$0xFFFFFFD0] =	vst v63  }
.LBB2_73:
0x811: {  	v6 =	vld [tilespmem:s6+$0x30];
	s2 =	sadd.s32 $0x8, s2;
	[tilespmem:s0+$0xFFFFFFE0] =	vst v0  }
0x812: {  	v0 =	vld [tilespmem:s6+$0xFFFFFFD0];
	p0 =	slt.u32 s2, $0x268;
	[tilespmem:s0+$0xFFFFFFF0] =	vst v1  }
0x813: {  	v1 =	vld [tilespmem:s6+$0xFFFFFFE0];
	[tilespmem:s0+$0x0] =	vst v2  }
0x814: {  	v2 =	vld [tilespmem:s6+$0xFFFFFFF0];
	[tilespmem:s0+$0x10] =	vst v3  }
0x815: {  	v3 =	vld [tilespmem:s6+$0x0];
	[tilespmem:s0+$0x20] =	vst v4  }
0x816: {  	v4 =	vld [tilespmem:s6+$0x10];
	[tilespmem:s0+$0xFFFFFFC0] =	vst v5  }
0x817: {  	v5 =	vld [tilespmem:s6+$0x20]  }
0x818: {  	v7 =	vld [tilespmem:s6+$0xFFFFFFC0]  }
0x819: {  	v8 =	vld.idx.msk [tilespmem:v6+s21+$0x0], $0xffff  }
0x81a: {  	v9 =	vld.idx.msk [tilespmem:v0+s21+$0x0], $0xffff  }
0x81b: {  	v10 =	vld.idx.msk [tilespmem:v1+s21+$0x0], $0xffff  }
0x81c: {  	v11 =	vld.idx.msk [tilespmem:v2+s21+$0x0], $0xffff  }
0x81d: {  	v12 =	vld.idx.msk [tilespmem:v3+s21+$0x0], $0xffff  }
0x81e: {  	s31 =	sadd.s32 $0x80, s31;
	v13 =	vld.idx.msk [tilespmem:v4+s21+$0x0], $0xffff  }
0x81f: {  	v14 =	vld.idx.msk [tilespmem:v5+s21+$0x0], $0xffff;
	[tilespmem:s31+$0x30] =	vst v8  }
0x820: {  	[tilespmem:s31+$0xFFFFFFD0] =	vst v9;
	v6 =	vld.idx.msk [tilespmem:v6+s22+$0x0], $0xffff  }
0x821: {  	v8 =	vld.idx.msk [tilespmem:v7+s21+$0x0], $0xffff;
	[tilespmem:s31+$0xFFFFFFE0] =	vst v10  }
0x822: {  	v9 =	vld.idx.msk [tilespmem:v0+s22+$0x0], $0xffff;
	[tilespmem:s31+$0xFFFFFFF0] =	vst v11  }
0x823: {  	v0 =	vld.idx.msk [tilespmem:v1+s22+$0x0], $0xffff;
	[tilespmem:s31+$0x0] =	vst v12  }
.Ltmp35:
0x824: {  	v1 =	vld.idx.msk [tilespmem:v2+s22+$0x0], $0xffff;
	[tilespmem:s31+$0x10] =	vst v13;
	(pc) =	sbr.rel @p0 .LBB2_73-.Ltmp35, $4  }
0x825: {  	s0 =	sadd.s32 $0x80, s0;
	v2 =	vld.idx.msk [tilespmem:v3+s22+$0x0], $0xffff;
	[tilespmem:s31+$0x20] =	vst v14  }
0x826: {  	v3 =	vld.idx.msk [tilespmem:v4+s22+$0x0], $0xffff;
	[tilespmem:s0+$0x30] =	vst v6  }
0x827: {  	[tilespmem:s31+$0xFFFFFFC0] =	vst v8;
	v4 =	vld.idx.msk [tilespmem:v5+s22+$0x0], $0xffff  }
0x828: {  	s6 =	sadd.s32 $0x80, s6;
	v5 =	vld.idx.msk [tilespmem:v7+s22+$0x0], $0xffff;
	[tilespmem:s0+$0xFFFFFFD0] =	vst v9  }
0x829: {  	[tilespmem:s0+$0xFFFFFFE0] =	vst v0  }
0x82a: {  	[tilespmem:s0+$0xFFFFFFF0] =	vst v1  }
0x82b: {  	[tilespmem:s0+$0x0] =	vst v2  }
0x82c: {  	[tilespmem:s0+$0x10] =	vst v3  }
0x82d: {  	[tilespmem:s0+$0x20] =	vst v4  }
0x82e: {  	[tilespmem:s0+$0xFFFFFFC0] =	vst v5  }
0x82f: {  	v0 =	vld [tilespmem:$0x2700];
	_ =	sdelay $0x7  }
0x830: {  	v1 =	vld.idx.msk [tilespmem:v0+s21+$0x0], $0xffff;
	_ =	sdelay $0x4  }
0x831: {  	[tilespmem:$0x16180] =	vst v1  }
0x832: {  	v0 =	vld.idx.msk [tilespmem:v0+s22+$0x0], $0xffff;
	_ =	sdelay $0x4  }
0x833: {  	s6 =	simm.s32 $0x2780;
	[tilespmem:$0x18900] =	vst v0  }
0x834: {  	v0 =	vld [tilespmem:s6+$0x0]  }
0x835: {  	v1 =	vld [tilespmem:s6+$0xFFFFFFA0]  }
0x836: {  	v2 =	vld [tilespmem:s6+$0xFFFFFFB0]  }
0x837: {  	v3 =	vld [tilespmem:s6+$0xFFFFFFC0]  }
0x838: {  	v4 =	vld [tilespmem:s6+$0xFFFFFFD0]  }
0x839: {  	v5 =	vld [tilespmem:s6+$0xFFFFFFE0]  }
0x83a: {  	v6 =	vld [tilespmem:s6+$0xFFFFFFF0]  }
0x83b: {  	v7 =	vld [tilespmem:s6+$0xFFFFFF90]  }
0x83c: {  	v8 =	vld.idx.msk [tilespmem:v0+s21+$0x0], $0xffff  }
0x83d: {  	v9 =	vld.idx.msk [tilespmem:v1+s21+$0x0], $0xffff  }
0x83e: {  	v10 =	vld.idx.msk [tilespmem:v2+s21+$0x0], $0xffff  }
0x83f: {  	v11 =	vld.idx.msk [tilespmem:v3+s21+$0x0], $0xffff  }
0x840: {  	v12 =	vld.idx.msk [tilespmem:v4+s21+$0x0], $0xffff  }
0x841: {  	s31 =	simm.s32 $0x189C0;
	v13 =	vld.idx.msk [tilespmem:v5+s21+$0x0], $0xffff  }
0x842: {  	v14 =	vld.idx.msk [tilespmem:v6+s21+$0x0], $0xffff;
	[tilespmem:s31+$0x30] =	vst v8  }
0x843: {  	v62 =	vld.idx.msk [tilespmem:v7+s21+$0x0], $0xffff;
	[tilespmem:s31+$0xFFFFFFD0] =	vst v9  }
0x844: {  	[tilespmem:s31+$0xFFFFFFE0] =	vst v10;
	v8 =	vld.idx.msk [tilespmem:v0+s22+$0x0], $0xffff  }
0x845: {  	[tilespmem:s31+$0xFFFFFFF0] =	vst v11;
	v63 =	vld.idx.msk [tilespmem:v1+s22+$0x0], $0xffff  }
0x846: {  	[tilespmem:s31+$0x0] =	vst v12;
	v0 =	vld.idx.msk [tilespmem:v2+s22+$0x0], $0xffff  }
0x847: {  	[tilespmem:s31+$0x10] =	vst v13;
	v1 =	vld.idx.msk [tilespmem:v3+s22+$0x0], $0xffff  }
0x848: {  	[tilespmem:s31+$0x20] =	vst v14;
	v2 =	vld.idx.msk [tilespmem:v4+s22+$0x0], $0xffff  }
0x849: {  	s0 =	simm.s32 $0x1B140;
	[tilespmem:s31+$0xFFFFFFC0] =	vst v62;
	v3 =	vld.idx.msk [tilespmem:v5+s22+$0x0], $0xffff  }
0x84a: {  	v4 =	vld.idx.msk [tilespmem:v6+s22+$0x0], $0xffff;
	[tilespmem:s0+$0x30] =	vst v8  }
0x84b: {  	s2 =	simm.s32 $0x0;
	s6 =	simm.s32 $0x2800;
	v5 =	vld.idx.msk [tilespmem:v7+s22+$0x0], $0xffff;
	[tilespmem:s0+$0xFFFFFFD0] =	vst v63  }
.LBB2_75:
0x84c: {  	v6 =	vld [tilespmem:s6+$0x0];
	s2 =	sadd.s32 $0x8, s2;
	[tilespmem:s0+$0xFFFFFFE0] =	vst v0  }
0x84d: {  	v0 =	vld [tilespmem:s6+$0xFFFFFFA0];
	p0 =	slt.u32 s2, $0x268;
	[tilespmem:s0+$0xFFFFFFF0] =	vst v1  }
0x84e: {  	v1 =	vld [tilespmem:s6+$0xFFFFFFB0];
	[tilespmem:s0+$0x0] =	vst v2  }
0x84f: {  	v2 =	vld [tilespmem:s6+$0xFFFFFFC0];
	[tilespmem:s0+$0x10] =	vst v3  }
0x850: {  	v3 =	vld [tilespmem:s6+$0xFFFFFFD0];
	[tilespmem:s0+$0x20] =	vst v4  }
0x851: {  	v4 =	vld [tilespmem:s6+$0xFFFFFFE0];
	[tilespmem:s0+$0xFFFFFFC0] =	vst v5  }
0x852: {  	v5 =	vld [tilespmem:s6+$0xFFFFFFF0]  }
0x853: {  	v7 =	vld [tilespmem:s6+$0xFFFFFF90]  }
0x854: {  	v8 =	vld.idx.msk [tilespmem:v6+s21+$0x0], $0xffff  }
0x855: {  	v9 =	vld.idx.msk [tilespmem:v0+s21+$0x0], $0xffff  }
0x856: {  	v10 =	vld.idx.msk [tilespmem:v1+s21+$0x0], $0xffff  }
0x857: {  	v11 =	vld.idx.msk [tilespmem:v2+s21+$0x0], $0xffff  }
0x858: {  	v12 =	vld.idx.msk [tilespmem:v3+s21+$0x0], $0xffff  }
0x859: {  	s31 =	sadd.s32 $0x80, s31;
	v13 =	vld.idx.msk [tilespmem:v4+s21+$0x0], $0xffff  }
0x85a: {  	v14 =	vld.idx.msk [tilespmem:v5+s21+$0x0], $0xffff;
	[tilespmem:s31+$0x30] =	vst v8  }
0x85b: {  	[tilespmem:s31+$0xFFFFFFD0] =	vst v9;
	v6 =	vld.idx.msk [tilespmem:v6+s22+$0x0], $0xffff  }
0x85c: {  	v8 =	vld.idx.msk [tilespmem:v7+s21+$0x0], $0xffff;
	[tilespmem:s31+$0xFFFFFFE0] =	vst v10  }
0x85d: {  	v9 =	vld.idx.msk [tilespmem:v0+s22+$0x0], $0xffff;
	[tilespmem:s31+$0xFFFFFFF0] =	vst v11  }
0x85e: {  	v0 =	vld.idx.msk [tilespmem:v1+s22+$0x0], $0xffff;
	[tilespmem:s31+$0x0] =	vst v12  }
.Ltmp36:
0x85f: {  	v1 =	vld.idx.msk [tilespmem:v2+s22+$0x0], $0xffff;
	[tilespmem:s31+$0x10] =	vst v13;
	(pc) =	sbr.rel @p0 .LBB2_75-.Ltmp36, $4  }
0x860: {  	s0 =	sadd.s32 $0x80, s0;
	v2 =	vld.idx.msk [tilespmem:v3+s22+$0x0], $0xffff;
	[tilespmem:s31+$0x20] =	vst v14  }
0x861: {  	v3 =	vld.idx.msk [tilespmem:v4+s22+$0x0], $0xffff;
	[tilespmem:s0+$0x30] =	vst v6  }
0x862: {  	[tilespmem:s31+$0xFFFFFFC0] =	vst v8;
	v4 =	vld.idx.msk [tilespmem:v5+s22+$0x0], $0xffff  }
0x863: {  	s6 =	sadd.s32 $0x80, s6;
	v5 =	vld.idx.msk [tilespmem:v7+s22+$0x0], $0xffff;
	[tilespmem:s0+$0xFFFFFFD0] =	vst v9  }
0x864: {  	[tilespmem:s0+$0xFFFFFFE0] =	vst v0  }
0x865: {  	[tilespmem:s0+$0xFFFFFFF0] =	vst v1  }
0x866: {  	[tilespmem:s0+$0x0] =	vst v2  }
0x867: {  	[tilespmem:s0+$0x10] =	vst v3  }
0x868: {  	[tilespmem:s0+$0x20] =	vst v4  }
0x869: {  	[tilespmem:s0+$0xFFFFFFC0] =	vst v5  }
0x86a: {  	v0 =	vld [tilespmem:$0x4E10];
	_ =	sdelay $0x7  }
0x86b: {  	v1 =	vld.idx.msk [tilespmem:v0+s21+$0x0], $0xffff;
	_ =	sdelay $0x4  }
0x86c: {  	[tilespmem:$0x1B080] =	vst v1  }
0x86d: {  	v0 =	vld.idx.msk [tilespmem:v0+s22+$0x0], $0xffff;
	_ =	sdelay $0x4  }
0x86e: {  	s31 =	simm.s32 $0x0;
	[tilespmem:$0x1D800] =	vst v0  }
0x86f: {  	v1 =	vld [tilespmem:s31+$0x4E90]  }
0x870: {  	v2 =	vld [tilespmem:s31+$0x4E20]  }
0x871: {  	v4 =	vld [tilespmem:s31+$0x4E30]  }
0x872: {  	v5 =	vld [tilespmem:s31+$0x4E40]  }
0x873: {  	v6 =	vld [tilespmem:s31+$0x4E50]  }
0x874: {  	v7 =	vld [tilespmem:s31+$0x4E60]  }
0x875: {  	v8 =	vld [tilespmem:s31+$0x4E70]  }
0x876: {  	v0 =	vld [tilespmem:s31+$0x4E80]  }
0x877: {  	v3 =	vld.idx.msk [tilespmem:v1+s21+$0x0], $0xffff  }
0x878: {  	v9 =	vld.idx.msk [tilespmem:v2+s21+$0x0], $0xffff  }
0x879: {  	v10 =	vld.idx.msk [tilespmem:v4+s21+$0x0], $0xffff  }
0x87a: {  	v11 =	vld.idx.msk [tilespmem:v5+s21+$0x0], $0xffff  }
0x87b: {  	v12 =	vld.idx.msk [tilespmem:v6+s21+$0x0], $0xffff  }
0x87c: {  	v13 =	vld.idx.msk [tilespmem:v7+s21+$0x0], $0xffff  }
0x87d: {  	v14 =	vld.idx.msk [tilespmem:v8+s21+$0x0], $0xffff;
	[tilespmem:s31+$0x13AF0] =	vst v3  }
0x87e: {  	v63 =	vld.idx.msk [tilespmem:v0+s21+$0x0], $0xffff;
	[tilespmem:s31+$0x13A80] =	vst v9  }
0x87f: {  	[tilespmem:s31+$0x13A90] =	vst v10;
	v62 =	vld.idx.msk [tilespmem:v1+s22+$0x0], $0xffff  }
0x880: {  	[tilespmem:s31+$0x13AA0] =	vst v11;
	v3 =	vld.idx.msk [tilespmem:v2+s22+$0x0], $0xffff  }
0x881: {  	[tilespmem:s31+$0x13AB0] =	vst v12;
	v1 =	vld.idx.msk [tilespmem:v4+s22+$0x0], $0xffff  }
0x882: {  	[tilespmem:s31+$0x13AC0] =	vst v13;
	v2 =	vld.idx.msk [tilespmem:v5+s22+$0x0], $0xffff  }
0x883: {  	[tilespmem:s31+$0x13AD0] =	vst v14;
	v4 =	vld.idx.msk [tilespmem:v6+s22+$0x0], $0xffff  }
0x884: {  	[tilespmem:s31+$0x13AE0] =	vst v63;
	v5 =	vld.idx.msk [tilespmem:v7+s22+$0x0], $0xffff  }
0x885: {  	s2 =	simm.s32 $0x200;
	s0 =	simm.s32 $0x0;
	v6 =	vld.idx.msk [tilespmem:v8+s22+$0x0], $0xffff;
	[tilespmem:s31+$0x16270] =	vst v62  }
.LBB2_77:
0x886: {  	s6 =	sshra.s32 s2, $0x2;
	s0 =	sadd.s32 $0x8, s0;
	[tilespmem:s31+$0x16200] =	vst v3;
	v0 =	vld.idx.msk [tilespmem:v0+s22+$0x0], $0xffff  }
0x887: {  	v3 =	vld [tilespmem:s6+$0x4E90];
	p0 =	slt.u32 s0, $0x268;
	[tilespmem:s31+$0x16210] =	vst v1  }
0x888: {  	v1 =	vld [tilespmem:s6+$0x4E20];
	[tilespmem:s31+$0x16220] =	vst v2  }
0x889: {  	v2 =	vld [tilespmem:s6+$0x4E30];
	[tilespmem:s31+$0x16230] =	vst v4  }
0x88a: {  	v4 =	vld [tilespmem:s6+$0x4E40];
	[tilespmem:s31+$0x16240] =	vst v5  }
0x88b: {  	v5 =	vld [tilespmem:s6+$0x4E50];
	[tilespmem:s31+$0x16250] =	vst v6  }
0x88c: {  	v6 =	vld [tilespmem:s6+$0x4E60];
	[tilespmem:s31+$0x16260] =	vst v0;
	s31 =	smov.u32 s6  }
0x88d: {  	v7 =	vld [tilespmem:s31+$0x4E70]  }
0x88e: {  	v0 =	vld [tilespmem:s31+$0x4E80]  }
0x88f: {  	v8 =	vld.idx.msk [tilespmem:v3+s21+$0x0], $0xffff  }
0x890: {  	v9 =	vld.idx.msk [tilespmem:v1+s21+$0x0], $0xffff  }
0x891: {  	v10 =	vld.idx.msk [tilespmem:v2+s21+$0x0], $0xffff  }
0x892: {  	v11 =	vld.idx.msk [tilespmem:v4+s21+$0x0], $0xffff  }
0x893: {  	v12 =	vld.idx.msk [tilespmem:v5+s21+$0x0], $0xffff  }
0x894: {  	v13 =	vld.idx.msk [tilespmem:v6+s21+$0x0], $0xffff  }
0x895: {  	v14 =	vld.idx.msk [tilespmem:v7+s21+$0x0], $0xffff;
	[tilespmem:s31+$0x13AF0] =	vst v8  }
0x896: {  	[tilespmem:s31+$0x13A80] =	vst v9;
	v8 =	vld.idx.msk [tilespmem:v3+s22+$0x0], $0xffff  }
0x897: {  	[tilespmem:s31+$0x13A90] =	vst v10;
	v9 =	vld.idx.msk [tilespmem:v0+s21+$0x0], $0xffff  }
0x898: {  	v3 =	vld.idx.msk [tilespmem:v1+s22+$0x0], $0xffff;
	[tilespmem:s31+$0x13AA0] =	vst v11  }
.Ltmp37:
0x899: {  	v1 =	vld.idx.msk [tilespmem:v2+s22+$0x0], $0xffff;
	[tilespmem:s31+$0x13AB0] =	vst v12;
	(pc) =	sbr.rel @p0 .LBB2_77-.Ltmp37, $4  }
0x89a: {  	v2 =	vld.idx.msk [tilespmem:v4+s22+$0x0], $0xffff;
	[tilespmem:s31+$0x13AC0] =	vst v13  }
0x89b: {  	v4 =	vld.idx.msk [tilespmem:v5+s22+$0x0], $0xffff;
	[tilespmem:s31+$0x13AD0] =	vst v14  }
0x89c: {  	v5 =	vld.idx.msk [tilespmem:v6+s22+$0x0], $0xffff;
	[tilespmem:s31+$0x16270] =	vst v8  }
0x89d: {  	s2 =	sadd.s32 $0x200, s2;
	v6 =	vld.idx.msk [tilespmem:v7+s22+$0x0], $0xffff;
	[tilespmem:s31+$0x13AE0] =	vst v9  }
0x89e: {  	_ =	sdelay $0x2  }
0x89f: {  	[tilespmem:s31+$0x16200] =	vst v3  }
0x8a0: {  	v0 =	vld.idx.msk [tilespmem:v0+s22+$0x0], $0xffff;
	[tilespmem:s31+$0x16210] =	vst v1  }
0x8a1: {  	[tilespmem:s31+$0x16220] =	vst v2  }
0x8a2: {  	[tilespmem:s31+$0x16230] =	vst v4  }
0x8a3: {  	[tilespmem:s31+$0x16240] =	vst v5  }
0x8a4: {  	[tilespmem:s31+$0x16250] =	vst v6  }
0x8a5: {  	[tilespmem:s31+$0x16260] =	vst v0  }
0x8a6: {  	v0 =	vld [tilespmem:$0x7520];
	_ =	sdelay $0x7  }
0x8a7: {  	v1 =	vld.idx.msk [tilespmem:v0+s21+$0x0], $0xffff;
	_ =	sdelay $0x4  }
0x8a8: {  	[tilespmem:$0x16180] =	vst v1  }
0x8a9: {  	v0 =	vld.idx.msk [tilespmem:v0+s22+$0x0], $0xffff;
	_ =	sdelay $0x4  }
0x8aa: {  	s31 =	simm.s32 $0x0;
	[tilespmem:$0x18900] =	vst v0  }
0x8ab: {  	v1 =	vld [tilespmem:s31+$0x75A0]  }
0x8ac: {  	v2 =	vld [tilespmem:s31+$0x7530]  }
0x8ad: {  	v4 =	vld [tilespmem:s31+$0x7540]  }
0x8ae: {  	v5 =	vld [tilespmem:s31+$0x7550]  }
0x8af: {  	v6 =	vld [tilespmem:s31+$0x7560]  }
0x8b0: {  	v7 =	vld [tilespmem:s31+$0x7570]  }
0x8b1: {  	v8 =	vld [tilespmem:s31+$0x7580]  }
0x8b2: {  	v0 =	vld [tilespmem:s31+$0x7590]  }
0x8b3: {  	v3 =	vld.idx.msk [tilespmem:v1+s21+$0x0], $0xffff  }
0x8b4: {  	v9 =	vld.idx.msk [tilespmem:v2+s21+$0x0], $0xffff  }
0x8b5: {  	v10 =	vld.idx.msk [tilespmem:v4+s21+$0x0], $0xffff  }
0x8b6: {  	v11 =	vld.idx.msk [tilespmem:v5+s21+$0x0], $0xffff  }
0x8b7: {  	v12 =	vld.idx.msk [tilespmem:v6+s21+$0x0], $0xffff  }
0x8b8: {  	v13 =	vld.idx.msk [tilespmem:v7+s21+$0x0], $0xffff  }
0x8b9: {  	v14 =	vld.idx.msk [tilespmem:v8+s21+$0x0], $0xffff;
	[tilespmem:s31+$0x189F0] =	vst v3  }
0x8ba: {  	v63 =	vld.idx.msk [tilespmem:v0+s21+$0x0], $0xffff;
	[tilespmem:s31+$0x18980] =	vst v9  }
0x8bb: {  	[tilespmem:s31+$0x18990] =	vst v10;
	v62 =	vld.idx.msk [tilespmem:v1+s22+$0x0], $0xffff  }
0x8bc: {  	[tilespmem:s31+$0x189A0] =	vst v11;
	v3 =	vld.idx.msk [tilespmem:v2+s22+$0x0], $0xffff  }
0x8bd: {  	[tilespmem:s31+$0x189B0] =	vst v12;
	v1 =	vld.idx.msk [tilespmem:v4+s22+$0x0], $0xffff  }
0x8be: {  	[tilespmem:s31+$0x189C0] =	vst v13;
	v2 =	vld.idx.msk [tilespmem:v5+s22+$0x0], $0xffff  }
0x8bf: {  	[tilespmem:s31+$0x189D0] =	vst v14;
	v4 =	vld.idx.msk [tilespmem:v6+s22+$0x0], $0xffff  }
0x8c0: {  	[tilespmem:s31+$0x189E0] =	vst v63;
	v5 =	vld.idx.msk [tilespmem:v7+s22+$0x0], $0xffff  }
0x8c1: {  	s0 =	simm.s32 $0x0;
	s2 =	simm.s32 $0x200;
	v6 =	vld.idx.msk [tilespmem:v8+s22+$0x0], $0xffff;
	[tilespmem:s31+$0x1B170] =	vst v62  }
.LBB2_79:
0x8c2: {  	s6 =	sshra.s32 s2, $0x2;
	s0 =	sadd.s32 $0x8, s0;
	[tilespmem:s31+$0x1B100] =	vst v3;
	v0 =	vld.idx.msk [tilespmem:v0+s22+$0x0], $0xffff  }
0x8c3: {  	v3 =	vld [tilespmem:s6+$0x75A0];
	p0 =	slt.u32 s0, $0x268;
	[tilespmem:s31+$0x1B110] =	vst v1  }
0x8c4: {  	v1 =	vld [tilespmem:s6+$0x7530];
	[tilespmem:s31+$0x1B120] =	vst v2  }
0x8c5: {  	v2 =	vld [tilespmem:s6+$0x7540];
	[tilespmem:s31+$0x1B130] =	vst v4  }
0x8c6: {  	v4 =	vld [tilespmem:s6+$0x7550];
	[tilespmem:s31+$0x1B140] =	vst v5  }
0x8c7: {  	v5 =	vld [tilespmem:s6+$0x7560];
	[tilespmem:s31+$0x1B150] =	vst v6  }
0x8c8: {  	v6 =	vld [tilespmem:s6+$0x7570];
	[tilespmem:s31+$0x1B160] =	vst v0;
	s31 =	smov.u32 s6  }
0x8c9: {  	v7 =	vld [tilespmem:s31+$0x7580]  }
0x8ca: {  	v0 =	vld [tilespmem:s31+$0x7590]  }
0x8cb: {  	v8 =	vld.idx.msk [tilespmem:v3+s21+$0x0], $0xffff  }
0x8cc: {  	v9 =	vld.idx.msk [tilespmem:v1+s21+$0x0], $0xffff  }
0x8cd: {  	v10 =	vld.idx.msk [tilespmem:v2+s21+$0x0], $0xffff  }
0x8ce: {  	v11 =	vld.idx.msk [tilespmem:v4+s21+$0x0], $0xffff  }
0x8cf: {  	v12 =	vld.idx.msk [tilespmem:v5+s21+$0x0], $0xffff  }
0x8d0: {  	v13 =	vld.idx.msk [tilespmem:v6+s21+$0x0], $0xffff  }
0x8d1: {  	v14 =	vld.idx.msk [tilespmem:v7+s21+$0x0], $0xffff;
	[tilespmem:s31+$0x189F0] =	vst v8  }
0x8d2: {  	[tilespmem:s31+$0x18980] =	vst v9;
	v8 =	vld.idx.msk [tilespmem:v3+s22+$0x0], $0xffff  }
0x8d3: {  	[tilespmem:s31+$0x18990] =	vst v10;
	v9 =	vld.idx.msk [tilespmem:v0+s21+$0x0], $0xffff  }
0x8d4: {  	v3 =	vld.idx.msk [tilespmem:v1+s22+$0x0], $0xffff;
	[tilespmem:s31+$0x189A0] =	vst v11  }
.Ltmp38:
0x8d5: {  	v1 =	vld.idx.msk [tilespmem:v2+s22+$0x0], $0xffff;
	[tilespmem:s31+$0x189B0] =	vst v12;
	(pc) =	sbr.rel @p0 .LBB2_79-.Ltmp38, $4  }
0x8d6: {  	v2 =	vld.idx.msk [tilespmem:v4+s22+$0x0], $0xffff;
	[tilespmem:s31+$0x189C0] =	vst v13  }
0x8d7: {  	v4 =	vld.idx.msk [tilespmem:v5+s22+$0x0], $0xffff;
	[tilespmem:s31+$0x189D0] =	vst v14  }
0x8d8: {  	v5 =	vld.idx.msk [tilespmem:v6+s22+$0x0], $0xffff;
	[tilespmem:s31+$0x1B170] =	vst v8  }
0x8d9: {  	s2 =	sadd.s32 $0x200, s2;
	v6 =	vld.idx.msk [tilespmem:v7+s22+$0x0], $0xffff;
	[tilespmem:s31+$0x189E0] =	vst v9  }
0x8da: {  	_ =	sdelay $0x2  }
0x8db: {  	[tilespmem:s31+$0x1B100] =	vst v3  }
0x8dc: {  	v0 =	vld.idx.msk [tilespmem:v0+s22+$0x0], $0xffff;
	[tilespmem:s31+$0x1B110] =	vst v1  }
0x8dd: {  	[tilespmem:s31+$0x1B120] =	vst v2  }
0x8de: {  	[tilespmem:s31+$0x1B130] =	vst v4  }
0x8df: {  	[tilespmem:s31+$0x1B140] =	vst v5  }
0x8e0: {  	[tilespmem:s31+$0x1B150] =	vst v6  }
0x8e1: {  	[tilespmem:s31+$0x1B160] =	vst v0  }
0x8e2: {  	v0 =	vld [tilespmem:$0x9C30];
	_ =	sdelay $0x7  }
0x8e3: {  	v1 =	vld.idx.msk [tilespmem:v0+s21+$0x0], $0xffff;
	_ =	sdelay $0x4  }
0x8e4: {  	[tilespmem:$0x1B080] =	vst v1  }
0x8e5: {  	v0 =	vld.idx.msk [tilespmem:v0+s22+$0x0], $0xffff;
	_ =	sdelay $0x4  }
0x8e6: {  	[tilespmem:$0x1D800] =	vst v0  }
0x8e7: {  	p0 =	seq.s32 s29, $0x3;
	_ =	swait.ge [sflag:s26], $0x2710  }
0x8e8: {  	s0 =	sadd.s32 @!p0 $0x4, s30;
	[sflag:s26] =	ssyncset.done $0x0  }
0x8e9: {  	s2 =	sadd.s32 @!p0 s5, s0;
	[sflag:s26] =	ssyncadd.s32 $0xFFFFD8F0  }
0x8ea: {  	s6 =	simm.s32 @!p0 $0x0;
	s2 =	smul.u32 @!p0 $0x4E2, s2;
	_ =	swait.ge [sflag:s26], $0x2710  }
0x8eb: {  	s30 =	simm.s32 @!p0 $0x9C80;
	s0 =	sadd.s32 @!p0 s0, s13;
	[sflag:s26] =	ssyncset.done $0x0  }
0x8ec: {  	s0 =	smul.u32 @!p0 $0x4E2, s0;
	s2 =	sadd.s32 @!p0 s4, s2;
	[sflag:s26] =	ssyncadd.s32 $0xFFFFD8F0  }
0x8ed: {  	[tilespmem:s30], [sflag:$0x1] =	stream.linear.gather @!p0 [hbm4b:s2+s6], $0x2710, $0x38;
	[tilespmem:$0x1D880] =	vst v63  }
0x8ee: {  	s0 =	sadd.s32 @!p0 s4, s0;
	s31 =	simm.s32 $0x40;
	s2 =	simm.s32 @!p0 $0xC400  }
0x8ef: {  	[tilespmem:s2], [sflag:$0x1] =	stream.linear.gather @!p0 [hbm4b:s0+s6], $0x2710, $0x38;
	[tilespmem:$0x1D880] =	vst v63  }
0x8f0: {  	v0 =	vld [tilespmem:s31+$0x30]  }
0x8f1: {  	v1 =	vld [tilespmem:s31+$0xFFFFFFD0]  }
0x8f2: {  	v2 =	vld [tilespmem:s31+$0xFFFFFFE0]  }
0x8f3: {  	v3 =	vld [tilespmem:s31+$0xFFFFFFF0]  }
0x8f4: {  	v4 =	vld [tilespmem:s31+$0x0]  }
0x8f5: {  	v5 =	vld [tilespmem:s31+$0x10]  }
0x8f6: {  	v6 =	vld [tilespmem:s31+$0x20]  }
0x8f7: {  	v7 =	vld [tilespmem:s31+$0xFFFFFFC0]  }
0x8f8: {  	v8 =	vld.idx.msk [tilespmem:v0+s24+$0x0], $0xffff  }
0x8f9: {  	v9 =	vld.idx.msk [tilespmem:v1+s24+$0x0], $0xffff  }
0x8fa: {  	v10 =	vld.idx.msk [tilespmem:v2+s24+$0x0], $0xffff  }
0x8fb: {  	v11 =	vld.idx.msk [tilespmem:v3+s24+$0x0], $0xffff  }
0x8fc: {  	v12 =	vld.idx.msk [tilespmem:v4+s24+$0x0], $0xffff  }
0x8fd: {  	s30 =	simm.s32 $0x13AC0;
	v13 =	vld.idx.msk [tilespmem:v5+s24+$0x0], $0xffff  }
0x8fe: {  	v14 =	vld.idx.msk [tilespmem:v6+s24+$0x0], $0xffff;
	[tilespmem:s30+$0x30] =	vst v8  }
0x8ff: {  	v62 =	vld.idx.msk [tilespmem:v7+s24+$0x0], $0xffff;
	[tilespmem:s30+$0xFFFFFFD0] =	vst v9  }
0x900: {  	[tilespmem:s30+$0xFFFFFFE0] =	vst v10;
	v8 =	vld.idx.msk [tilespmem:v0+s25+$0x0], $0xffff  }
0x901: {  	[tilespmem:s30+$0xFFFFFFF0] =	vst v11;
	v63 =	vld.idx.msk [tilespmem:v1+s25+$0x0], $0xffff  }
0x902: {  	[tilespmem:s30+$0x0] =	vst v12;
	v0 =	vld.idx.msk [tilespmem:v2+s25+$0x0], $0xffff  }
0x903: {  	[tilespmem:s30+$0x10] =	vst v13;
	v1 =	vld.idx.msk [tilespmem:v3+s25+$0x0], $0xffff  }
0x904: {  	[tilespmem:s30+$0x20] =	vst v14;
	v2 =	vld.idx.msk [tilespmem:v4+s25+$0x0], $0xffff  }
0x905: {  	s0 =	simm.s32 $0x16240;
	[tilespmem:s30+$0xFFFFFFC0] =	vst v62;
	v3 =	vld.idx.msk [tilespmem:v5+s25+$0x0], $0xffff  }
0x906: {  	v4 =	vld.idx.msk [tilespmem:v6+s25+$0x0], $0xffff;
	[tilespmem:s0+$0x30] =	vst v8  }
0x907: {  	s2 =	simm.s32 $0x0;
	s6 =	simm.s32 $0xC0;
	v5 =	vld.idx.msk [tilespmem:v7+s25+$0x0], $0xffff;
	[tilespmem:s0+$0xFFFFFFD0] =	vst v63  }
.LBB2_81:
0x908: {  	v6 =	vld [tilespmem:s6+$0x30];
	s2 =	sadd.s32 $0x8, s2;
	[tilespmem:s0+$0xFFFFFFE0] =	vst v0  }
0x909: {  	v0 =	vld [tilespmem:s6+$0xFFFFFFD0];
	p0 =	slt.u32 s2, $0x268;
	[tilespmem:s0+$0xFFFFFFF0] =	vst v1  }
0x90a: {  	v1 =	vld [tilespmem:s6+$0xFFFFFFE0];
	[tilespmem:s0+$0x0] =	vst v2  }
0x90b: {  	v2 =	vld [tilespmem:s6+$0xFFFFFFF0];
	[tilespmem:s0+$0x10] =	vst v3  }
0x90c: {  	v3 =	vld [tilespmem:s6+$0x0];
	[tilespmem:s0+$0x20] =	vst v4  }
0x90d: {  	v4 =	vld [tilespmem:s6+$0x10];
	[tilespmem:s0+$0xFFFFFFC0] =	vst v5  }
0x90e: {  	v5 =	vld [tilespmem:s6+$0x20]  }
0x90f: {  	v7 =	vld [tilespmem:s6+$0xFFFFFFC0]  }
0x910: {  	v8 =	vld.idx.msk [tilespmem:v6+s24+$0x0], $0xffff  }
0x911: {  	v9 =	vld.idx.msk [tilespmem:v0+s24+$0x0], $0xffff  }
0x912: {  	v10 =	vld.idx.msk [tilespmem:v1+s24+$0x0], $0xffff  }
0x913: {  	v11 =	vld.idx.msk [tilespmem:v2+s24+$0x0], $0xffff  }
0x914: {  	v12 =	vld.idx.msk [tilespmem:v3+s24+$0x0], $0xffff  }
0x915: {  	s30 =	sadd.s32 $0x80, s30;
	v13 =	vld.idx.msk [tilespmem:v4+s24+$0x0], $0xffff  }
0x916: {  	v14 =	vld.idx.msk [tilespmem:v5+s24+$0x0], $0xffff;
	[tilespmem:s30+$0x30] =	vst v8  }
0x917: {  	[tilespmem:s30+$0xFFFFFFD0] =	vst v9;
	v6 =	vld.idx.msk [tilespmem:v6+s25+$0x0], $0xffff  }
0x918: {  	v8 =	vld.idx.msk [tilespmem:v7+s24+$0x0], $0xffff;
	[tilespmem:s30+$0xFFFFFFE0] =	vst v10  }
0x919: {  	v9 =	vld.idx.msk [tilespmem:v0+s25+$0x0], $0xffff;
	[tilespmem:s30+$0xFFFFFFF0] =	vst v11  }
0x91a: {  	v0 =	vld.idx.msk [tilespmem:v1+s25+$0x0], $0xffff;
	[tilespmem:s30+$0x0] =	vst v12  }
.Ltmp39:
0x91b: {  	v1 =	vld.idx.msk [tilespmem:v2+s25+$0x0], $0xffff;
	[tilespmem:s30+$0x10] =	vst v13;
	(pc) =	sbr.rel @p0 .LBB2_81-.Ltmp39, $4  }
0x91c: {  	s0 =	sadd.s32 $0x80, s0;
	v2 =	vld.idx.msk [tilespmem:v3+s25+$0x0], $0xffff;
	[tilespmem:s30+$0x20] =	vst v14  }
0x91d: {  	v3 =	vld.idx.msk [tilespmem:v4+s25+$0x0], $0xffff;
	[tilespmem:s0+$0x30] =	vst v6  }
0x91e: {  	[tilespmem:s30+$0xFFFFFFC0] =	vst v8;
	v4 =	vld.idx.msk [tilespmem:v5+s25+$0x0], $0xffff  }
0x91f: {  	s6 =	sadd.s32 $0x80, s6;
	v5 =	vld.idx.msk [tilespmem:v7+s25+$0x0], $0xffff;
	[tilespmem:s0+$0xFFFFFFD0] =	vst v9  }
0x920: {  	[tilespmem:s0+$0xFFFFFFE0] =	vst v0  }
0x921: {  	[tilespmem:s0+$0xFFFFFFF0] =	vst v1  }
0x922: {  	[tilespmem:s0+$0x0] =	vst v2  }
0x923: {  	[tilespmem:s0+$0x10] =	vst v3  }
0x924: {  	[tilespmem:s0+$0x20] =	vst v4  }
0x925: {  	[tilespmem:s0+$0xFFFFFFC0] =	vst v5  }
0x926: {  	v0 =	vld [tilespmem:$0x2700];
	_ =	sdelay $0x7  }
0x927: {  	v1 =	vld.idx.msk [tilespmem:v0+s24+$0x0], $0xffff;
	_ =	sdelay $0x4  }
0x928: {  	[tilespmem:$0x16180] =	vst v1  }
0x929: {  	v0 =	vld.idx.msk [tilespmem:v0+s25+$0x0], $0xffff;
	_ =	sdelay $0x4  }
0x92a: {  	s31 =	simm.s32 $0x2780;
	[tilespmem:$0x18900] =	vst v0  }
0x92b: {  	v0 =	vld [tilespmem:s31+$0x0]  }
0x92c: {  	v1 =	vld [tilespmem:s31+$0xFFFFFFA0]  }
0x92d: {  	v2 =	vld [tilespmem:s31+$0xFFFFFFB0]  }
0x92e: {  	v3 =	vld [tilespmem:s31+$0xFFFFFFC0]  }
0x92f: {  	v4 =	vld [tilespmem:s31+$0xFFFFFFD0]  }
0x930: {  	v5 =	vld [tilespmem:s31+$0xFFFFFFE0]  }
0x931: {  	v6 =	vld [tilespmem:s31+$0xFFFFFFF0]  }
0x932: {  	v7 =	vld [tilespmem:s31+$0xFFFFFF90]  }
0x933: {  	v8 =	vld.idx.msk [tilespmem:v0+s24+$0x0], $0xffff  }
0x934: {  	v9 =	vld.idx.msk [tilespmem:v1+s24+$0x0], $0xffff  }
0x935: {  	v10 =	vld.idx.msk [tilespmem:v2+s24+$0x0], $0xffff  }
0x936: {  	v11 =	vld.idx.msk [tilespmem:v3+s24+$0x0], $0xffff  }
0x937: {  	v12 =	vld.idx.msk [tilespmem:v4+s24+$0x0], $0xffff  }
0x938: {  	s30 =	simm.s32 $0x189C0;
	v13 =	vld.idx.msk [tilespmem:v5+s24+$0x0], $0xffff  }
0x939: {  	v14 =	vld.idx.msk [tilespmem:v6+s24+$0x0], $0xffff;
	[tilespmem:s30+$0x30] =	vst v8  }
0x93a: {  	v62 =	vld.idx.msk [tilespmem:v7+s24+$0x0], $0xffff;
	[tilespmem:s30+$0xFFFFFFD0] =	vst v9  }
0x93b: {  	[tilespmem:s30+$0xFFFFFFE0] =	vst v10;
	v8 =	vld.idx.msk [tilespmem:v0+s25+$0x0], $0xffff  }
0x93c: {  	[tilespmem:s30+$0xFFFFFFF0] =	vst v11;
	v63 =	vld.idx.msk [tilespmem:v1+s25+$0x0], $0xffff  }
0x93d: {  	[tilespmem:s30+$0x0] =	vst v12;
	v0 =	vld.idx.msk [tilespmem:v2+s25+$0x0], $0xffff  }
0x93e: {  	[tilespmem:s30+$0x10] =	vst v13;
	v1 =	vld.idx.msk [tilespmem:v3+s25+$0x0], $0xffff  }
0x93f: {  	[tilespmem:s30+$0x20] =	vst v14;
	v2 =	vld.idx.msk [tilespmem:v4+s25+$0x0], $0xffff  }
0x940: {  	s0 =	simm.s32 $0x1B140;
	[tilespmem:s30+$0xFFFFFFC0] =	vst v62;
	v3 =	vld.idx.msk [tilespmem:v5+s25+$0x0], $0xffff  }
0x941: {  	v4 =	vld.idx.msk [tilespmem:v6+s25+$0x0], $0xffff;
	[tilespmem:s0+$0x30] =	vst v8  }
0x942: {  	s2 =	simm.s32 $0x0;
	s6 =	simm.s32 $0x2800;
	v5 =	vld.idx.msk [tilespmem:v7+s25+$0x0], $0xffff;
	[tilespmem:s0+$0xFFFFFFD0] =	vst v63  }
.LBB2_83:
0x943: {  	v6 =	vld [tilespmem:s6+$0x0];
	s2 =	sadd.s32 $0x8, s2;
	[tilespmem:s0+$0xFFFFFFE0] =	vst v0  }
0x944: {  	v0 =	vld [tilespmem:s6+$0xFFFFFFA0];
	p0 =	slt.u32 s2, $0x268;
	[tilespmem:s0+$0xFFFFFFF0] =	vst v1  }
0x945: {  	v1 =	vld [tilespmem:s6+$0xFFFFFFB0];
	[tilespmem:s0+$0x0] =	vst v2  }
0x946: {  	v2 =	vld [tilespmem:s6+$0xFFFFFFC0];
	[tilespmem:s0+$0x10] =	vst v3  }
0x947: {  	v3 =	vld [tilespmem:s6+$0xFFFFFFD0];
	[tilespmem:s0+$0x20] =	vst v4  }
0x948: {  	v4 =	vld [tilespmem:s6+$0xFFFFFFE0];
	[tilespmem:s0+$0xFFFFFFC0] =	vst v5  }
0x949: {  	v5 =	vld [tilespmem:s6+$0xFFFFFFF0]  }
0x94a: {  	v7 =	vld [tilespmem:s6+$0xFFFFFF90]  }
0x94b: {  	v8 =	vld.idx.msk [tilespmem:v6+s24+$0x0], $0xffff  }
0x94c: {  	v9 =	vld.idx.msk [tilespmem:v0+s24+$0x0], $0xffff  }
0x94d: {  	v10 =	vld.idx.msk [tilespmem:v1+s24+$0x0], $0xffff  }
0x94e: {  	v11 =	vld.idx.msk [tilespmem:v2+s24+$0x0], $0xffff  }
0x94f: {  	v12 =	vld.idx.msk [tilespmem:v3+s24+$0x0], $0xffff  }
0x950: {  	s30 =	sadd.s32 $0x80, s30;
	v13 =	vld.idx.msk [tilespmem:v4+s24+$0x0], $0xffff  }
0x951: {  	v14 =	vld.idx.msk [tilespmem:v5+s24+$0x0], $0xffff;
	[tilespmem:s30+$0x30] =	vst v8  }
0x952: {  	[tilespmem:s30+$0xFFFFFFD0] =	vst v9;
	v6 =	vld.idx.msk [tilespmem:v6+s25+$0x0], $0xffff  }
0x953: {  	v8 =	vld.idx.msk [tilespmem:v7+s24+$0x0], $0xffff;
	[tilespmem:s30+$0xFFFFFFE0] =	vst v10  }
0x954: {  	v9 =	vld.idx.msk [tilespmem:v0+s25+$0x0], $0xffff;
	[tilespmem:s30+$0xFFFFFFF0] =	vst v11  }
0x955: {  	v0 =	vld.idx.msk [tilespmem:v1+s25+$0x0], $0xffff;
	[tilespmem:s30+$0x0] =	vst v12  }
.Ltmp40:
0x956: {  	v1 =	vld.idx.msk [tilespmem:v2+s25+$0x0], $0xffff;
	[tilespmem:s30+$0x10] =	vst v13;
	(pc) =	sbr.rel @p0 .LBB2_83-.Ltmp40, $4  }
0x957: {  	s0 =	sadd.s32 $0x80, s0;
	v2 =	vld.idx.msk [tilespmem:v3+s25+$0x0], $0xffff;
	[tilespmem:s30+$0x20] =	vst v14  }
0x958: {  	v3 =	vld.idx.msk [tilespmem:v4+s25+$0x0], $0xffff;
	[tilespmem:s0+$0x30] =	vst v6  }
0x959: {  	[tilespmem:s30+$0xFFFFFFC0] =	vst v8;
	v4 =	vld.idx.msk [tilespmem:v5+s25+$0x0], $0xffff  }
0x95a: {  	s6 =	sadd.s32 $0x80, s6;
	v5 =	vld.idx.msk [tilespmem:v7+s25+$0x0], $0xffff;
	[tilespmem:s0+$0xFFFFFFD0] =	vst v9  }
0x95b: {  	[tilespmem:s0+$0xFFFFFFE0] =	vst v0  }
0x95c: {  	[tilespmem:s0+$0xFFFFFFF0] =	vst v1  }
0x95d: {  	[tilespmem:s0+$0x0] =	vst v2  }
0x95e: {  	[tilespmem:s0+$0x10] =	vst v3  }
0x95f: {  	[tilespmem:s0+$0x20] =	vst v4  }
0x960: {  	[tilespmem:s0+$0xFFFFFFC0] =	vst v5  }
0x961: {  	v0 =	vld [tilespmem:$0x4E10];
	_ =	sdelay $0x7  }
0x962: {  	v1 =	vld.idx.msk [tilespmem:v0+s24+$0x0], $0xffff;
	_ =	sdelay $0x4  }
0x963: {  	[tilespmem:$0x1B080] =	vst v1  }
0x964: {  	v0 =	vld.idx.msk [tilespmem:v0+s25+$0x0], $0xffff;
	_ =	sdelay $0x4  }
0x965: {  	s30 =	simm.s32 $0x0;
	[tilespmem:$0x1D800] =	vst v0  }
0x966: {  	v1 =	vld [tilespmem:s30+$0x4E90]  }
0x967: {  	v2 =	vld [tilespmem:s30+$0x4E20]  }
0x968: {  	v4 =	vld [tilespmem:s30+$0x4E30]  }
0x969: {  	v5 =	vld [tilespmem:s30+$0x4E40]  }
0x96a: {  	v6 =	vld [tilespmem:s30+$0x4E50]  }
0x96b: {  	v7 =	vld [tilespmem:s30+$0x4E60]  }
0x96c: {  	v8 =	vld [tilespmem:s30+$0x4E70]  }
0x96d: {  	v0 =	vld [tilespmem:s30+$0x4E80]  }
0x96e: {  	v3 =	vld.idx.msk [tilespmem:v1+s24+$0x0], $0xffff  }
0x96f: {  	v9 =	vld.idx.msk [tilespmem:v2+s24+$0x0], $0xffff  }
0x970: {  	v10 =	vld.idx.msk [tilespmem:v4+s24+$0x0], $0xffff  }
0x971: {  	v11 =	vld.idx.msk [tilespmem:v5+s24+$0x0], $0xffff  }
0x972: {  	v12 =	vld.idx.msk [tilespmem:v6+s24+$0x0], $0xffff  }
0x973: {  	v13 =	vld.idx.msk [tilespmem:v7+s24+$0x0], $0xffff  }
0x974: {  	v14 =	vld.idx.msk [tilespmem:v8+s24+$0x0], $0xffff;
	[tilespmem:s30+$0x13AF0] =	vst v3  }
0x975: {  	v63 =	vld.idx.msk [tilespmem:v0+s24+$0x0], $0xffff;
	[tilespmem:s30+$0x13A80] =	vst v9  }
0x976: {  	[tilespmem:s30+$0x13A90] =	vst v10;
	v62 =	vld.idx.msk [tilespmem:v1+s25+$0x0], $0xffff  }
0x977: {  	[tilespmem:s30+$0x13AA0] =	vst v11;
	v3 =	vld.idx.msk [tilespmem:v2+s25+$0x0], $0xffff  }
0x978: {  	[tilespmem:s30+$0x13AB0] =	vst v12;
	v1 =	vld.idx.msk [tilespmem:v4+s25+$0x0], $0xffff  }
0x979: {  	[tilespmem:s30+$0x13AC0] =	vst v13;
	v2 =	vld.idx.msk [tilespmem:v5+s25+$0x0], $0xffff  }
0x97a: {  	[tilespmem:s30+$0x13AD0] =	vst v14;
	v4 =	vld.idx.msk [tilespmem:v6+s25+$0x0], $0xffff  }
0x97b: {  	[tilespmem:s30+$0x13AE0] =	vst v63;
	v5 =	vld.idx.msk [tilespmem:v7+s25+$0x0], $0xffff  }
0x97c: {  	s2 =	simm.s32 $0x200;
	s0 =	simm.s32 $0x0;
	v6 =	vld.idx.msk [tilespmem:v8+s25+$0x0], $0xffff;
	[tilespmem:s30+$0x16270] =	vst v62  }
.LBB2_85:
0x97d: {  	s6 =	sshra.s32 s2, $0x2;
	s0 =	sadd.s32 $0x8, s0;
	[tilespmem:s30+$0x16200] =	vst v3;
	v0 =	vld.idx.msk [tilespmem:v0+s25+$0x0], $0xffff  }
0x97e: {  	v3 =	vld [tilespmem:s6+$0x4E90];
	p0 =	slt.u32 s0, $0x268;
	[tilespmem:s30+$0x16210] =	vst v1  }
0x97f: {  	v1 =	vld [tilespmem:s6+$0x4E20];
	[tilespmem:s30+$0x16220] =	vst v2  }
0x980: {  	v2 =	vld [tilespmem:s6+$0x4E30];
	[tilespmem:s30+$0x16230] =	vst v4  }
0x981: {  	v4 =	vld [tilespmem:s6+$0x4E40];
	[tilespmem:s30+$0x16240] =	vst v5  }
0x982: {  	v5 =	vld [tilespmem:s6+$0x4E50];
	[tilespmem:s30+$0x16250] =	vst v6  }
0x983: {  	v6 =	vld [tilespmem:s6+$0x4E60];
	[tilespmem:s30+$0x16260] =	vst v0;
	s30 =	smov.u32 s6  }
0x984: {  	v7 =	vld [tilespmem:s30+$0x4E70]  }
0x985: {  	v0 =	vld [tilespmem:s30+$0x4E80]  }
0x986: {  	v8 =	vld.idx.msk [tilespmem:v3+s24+$0x0], $0xffff  }
0x987: {  	v9 =	vld.idx.msk [tilespmem:v1+s24+$0x0], $0xffff  }
0x988: {  	v10 =	vld.idx.msk [tilespmem:v2+s24+$0x0], $0xffff  }
0x989: {  	v11 =	vld.idx.msk [tilespmem:v4+s24+$0x0], $0xffff  }
0x98a: {  	v12 =	vld.idx.msk [tilespmem:v5+s24+$0x0], $0xffff  }
0x98b: {  	v13 =	vld.idx.msk [tilespmem:v6+s24+$0x0], $0xffff  }
0x98c: {  	v14 =	vld.idx.msk [tilespmem:v7+s24+$0x0], $0xffff;
	[tilespmem:s30+$0x13AF0] =	vst v8  }
0x98d: {  	[tilespmem:s30+$0x13A80] =	vst v9;
	v8 =	vld.idx.msk [tilespmem:v3+s25+$0x0], $0xffff  }
0x98e: {  	[tilespmem:s30+$0x13A90] =	vst v10;
	v9 =	vld.idx.msk [tilespmem:v0+s24+$0x0], $0xffff  }
0x98f: {  	v3 =	vld.idx.msk [tilespmem:v1+s25+$0x0], $0xffff;
	[tilespmem:s30+$0x13AA0] =	vst v11  }
.Ltmp41:
0x990: {  	v1 =	vld.idx.msk [tilespmem:v2+s25+$0x0], $0xffff;
	[tilespmem:s30+$0x13AB0] =	vst v12;
	(pc) =	sbr.rel @p0 .LBB2_85-.Ltmp41, $4  }
0x991: {  	v2 =	vld.idx.msk [tilespmem:v4+s25+$0x0], $0xffff;
	[tilespmem:s30+$0x13AC0] =	vst v13  }
0x992: {  	v4 =	vld.idx.msk [tilespmem:v5+s25+$0x0], $0xffff;
	[tilespmem:s30+$0x13AD0] =	vst v14  }
0x993: {  	v5 =	vld.idx.msk [tilespmem:v6+s25+$0x0], $0xffff;
	[tilespmem:s30+$0x16270] =	vst v8  }
0x994: {  	s2 =	sadd.s32 $0x200, s2;
	v6 =	vld.idx.msk [tilespmem:v7+s25+$0x0], $0xffff;
	[tilespmem:s30+$0x13AE0] =	vst v9  }
0x995: {  	_ =	sdelay $0x2  }
0x996: {  	[tilespmem:s30+$0x16200] =	vst v3  }
0x997: {  	v0 =	vld.idx.msk [tilespmem:v0+s25+$0x0], $0xffff;
	[tilespmem:s30+$0x16210] =	vst v1  }
0x998: {  	[tilespmem:s30+$0x16220] =	vst v2  }
0x999: {  	[tilespmem:s30+$0x16230] =	vst v4  }
0x99a: {  	[tilespmem:s30+$0x16240] =	vst v5  }
0x99b: {  	[tilespmem:s30+$0x16250] =	vst v6  }
0x99c: {  	[tilespmem:s30+$0x16260] =	vst v0  }
0x99d: {  	v0 =	vld [tilespmem:$0x7520];
	_ =	sdelay $0x7  }
0x99e: {  	v1 =	vld.idx.msk [tilespmem:v0+s24+$0x0], $0xffff;
	_ =	sdelay $0x4  }
0x99f: {  	[tilespmem:$0x16180] =	vst v1  }
0x9a0: {  	v0 =	vld.idx.msk [tilespmem:v0+s25+$0x0], $0xffff;
	_ =	sdelay $0x4  }
0x9a1: {  	s30 =	simm.s32 $0x0;
	[tilespmem:$0x18900] =	vst v0  }
0x9a2: {  	v1 =	vld [tilespmem:s30+$0x75A0]  }
0x9a3: {  	v2 =	vld [tilespmem:s30+$0x7530]  }
0x9a4: {  	v4 =	vld [tilespmem:s30+$0x7540]  }
0x9a5: {  	v5 =	vld [tilespmem:s30+$0x7550]  }
0x9a6: {  	v6 =	vld [tilespmem:s30+$0x7560]  }
0x9a7: {  	v7 =	vld [tilespmem:s30+$0x7570]  }
0x9a8: {  	v8 =	vld [tilespmem:s30+$0x7580]  }
0x9a9: {  	v0 =	vld [tilespmem:s30+$0x7590]  }
0x9aa: {  	v3 =	vld.idx.msk [tilespmem:v1+s24+$0x0], $0xffff  }
0x9ab: {  	v9 =	vld.idx.msk [tilespmem:v2+s24+$0x0], $0xffff  }
0x9ac: {  	v10 =	vld.idx.msk [tilespmem:v4+s24+$0x0], $0xffff  }
0x9ad: {  	v11 =	vld.idx.msk [tilespmem:v5+s24+$0x0], $0xffff  }
0x9ae: {  	v12 =	vld.idx.msk [tilespmem:v6+s24+$0x0], $0xffff  }
0x9af: {  	v13 =	vld.idx.msk [tilespmem:v7+s24+$0x0], $0xffff  }
0x9b0: {  	v14 =	vld.idx.msk [tilespmem:v8+s24+$0x0], $0xffff;
	[tilespmem:s30+$0x189F0] =	vst v3  }
0x9b1: {  	v63 =	vld.idx.msk [tilespmem:v0+s24+$0x0], $0xffff;
	[tilespmem:s30+$0x18980] =	vst v9  }
0x9b2: {  	[tilespmem:s30+$0x18990] =	vst v10;
	v62 =	vld.idx.msk [tilespmem:v1+s25+$0x0], $0xffff  }
0x9b3: {  	[tilespmem:s30+$0x189A0] =	vst v11;
	v3 =	vld.idx.msk [tilespmem:v2+s25+$0x0], $0xffff  }
0x9b4: {  	[tilespmem:s30+$0x189B0] =	vst v12;
	v1 =	vld.idx.msk [tilespmem:v4+s25+$0x0], $0xffff  }
0x9b5: {  	[tilespmem:s30+$0x189C0] =	vst v13;
	v2 =	vld.idx.msk [tilespmem:v5+s25+$0x0], $0xffff  }
0x9b6: {  	[tilespmem:s30+$0x189D0] =	vst v14;
	v4 =	vld.idx.msk [tilespmem:v6+s25+$0x0], $0xffff  }
0x9b7: {  	[tilespmem:s30+$0x189E0] =	vst v63;
	v5 =	vld.idx.msk [tilespmem:v7+s25+$0x0], $0xffff  }
0x9b8: {  	s0 =	simm.s32 $0x0;
	s2 =	simm.s32 $0x200;
	v6 =	vld.idx.msk [tilespmem:v8+s25+$0x0], $0xffff;
	[tilespmem:s30+$0x1B170] =	vst v62  }
.LBB2_87:
0x9b9: {  	s6 =	sshra.s32 s2, $0x2;
	s0 =	sadd.s32 $0x8, s0;
	[tilespmem:s30+$0x1B100] =	vst v3;
	v0 =	vld.idx.msk [tilespmem:v0+s25+$0x0], $0xffff  }
0x9ba: {  	v3 =	vld [tilespmem:s6+$0x75A0];
	p0 =	slt.u32 s0, $0x268;
	[tilespmem:s30+$0x1B110] =	vst v1  }
0x9bb: {  	v1 =	vld [tilespmem:s6+$0x7530];
	[tilespmem:s30+$0x1B120] =	vst v2  }
0x9bc: {  	v2 =	vld [tilespmem:s6+$0x7540];
	[tilespmem:s30+$0x1B130] =	vst v4  }
0x9bd: {  	v4 =	vld [tilespmem:s6+$0x7550];
	[tilespmem:s30+$0x1B140] =	vst v5  }
0x9be: {  	v5 =	vld [tilespmem:s6+$0x7560];
	[tilespmem:s30+$0x1B150] =	vst v6  }
0x9bf: {  	v6 =	vld [tilespmem:s6+$0x7570];
	[tilespmem:s30+$0x1B160] =	vst v0;
	s30 =	smov.u32 s6  }
0x9c0: {  	v7 =	vld [tilespmem:s30+$0x7580]  }
0x9c1: {  	v0 =	vld [tilespmem:s30+$0x7590]  }
0x9c2: {  	v8 =	vld.idx.msk [tilespmem:v3+s24+$0x0], $0xffff  }
0x9c3: {  	v9 =	vld.idx.msk [tilespmem:v1+s24+$0x0], $0xffff  }
0x9c4: {  	v10 =	vld.idx.msk [tilespmem:v2+s24+$0x0], $0xffff  }
0x9c5: {  	v11 =	vld.idx.msk [tilespmem:v4+s24+$0x0], $0xffff  }
0x9c6: {  	v12 =	vld.idx.msk [tilespmem:v5+s24+$0x0], $0xffff  }
0x9c7: {  	v13 =	vld.idx.msk [tilespmem:v6+s24+$0x0], $0xffff  }
0x9c8: {  	v14 =	vld.idx.msk [tilespmem:v7+s24+$0x0], $0xffff;
	[tilespmem:s30+$0x189F0] =	vst v8  }
0x9c9: {  	[tilespmem:s30+$0x18980] =	vst v9;
	v8 =	vld.idx.msk [tilespmem:v3+s25+$0x0], $0xffff  }
0x9ca: {  	[tilespmem:s30+$0x18990] =	vst v10;
	v9 =	vld.idx.msk [tilespmem:v0+s24+$0x0], $0xffff  }
0x9cb: {  	v3 =	vld.idx.msk [tilespmem:v1+s25+$0x0], $0xffff;
	[tilespmem:s30+$0x189A0] =	vst v11  }
.Ltmp42:
0x9cc: {  	v1 =	vld.idx.msk [tilespmem:v2+s25+$0x0], $0xffff;
	[tilespmem:s30+$0x189B0] =	vst v12;
	(pc) =	sbr.rel @p0 .LBB2_87-.Ltmp42, $4  }
0x9cd: {  	v2 =	vld.idx.msk [tilespmem:v4+s25+$0x0], $0xffff;
	[tilespmem:s30+$0x189C0] =	vst v13  }
0x9ce: {  	v4 =	vld.idx.msk [tilespmem:v5+s25+$0x0], $0xffff;
	[tilespmem:s30+$0x189D0] =	vst v14  }
0x9cf: {  	v5 =	vld.idx.msk [tilespmem:v6+s25+$0x0], $0xffff;
	[tilespmem:s30+$0x1B170] =	vst v8  }
0x9d0: {  	s2 =	sadd.s32 $0x200, s2;
	v6 =	vld.idx.msk [tilespmem:v7+s25+$0x0], $0xffff;
	[tilespmem:s30+$0x189E0] =	vst v9  }
0x9d1: {  	_ =	sdelay $0x2  }
0x9d2: {  	[tilespmem:s30+$0x1B100] =	vst v3  }
0x9d3: {  	v0 =	vld.idx.msk [tilespmem:v0+s25+$0x0], $0xffff;
	[tilespmem:s30+$0x1B110] =	vst v1  }
0x9d4: {  	[tilespmem:s30+$0x1B120] =	vst v2  }
0x9d5: {  	[tilespmem:s30+$0x1B130] =	vst v4  }
0x9d6: {  	[tilespmem:s30+$0x1B140] =	vst v5  }
0x9d7: {  	[tilespmem:s30+$0x1B150] =	vst v6  }
0x9d8: {  	[tilespmem:s30+$0x1B160] =	vst v0  }
0x9d9: {  	v0 =	vld [tilespmem:$0x9C30];
	_ =	sdelay $0x7  }
0x9da: {  	v1 =	vld.idx.msk [tilespmem:v0+s24+$0x0], $0xffff;
	_ =	sdelay $0x4  }
0x9db: {  	s29 =	sadd.s32 $0x1, s29;
	[tilespmem:$0x1B080] =	vst v1  }
0x9dc: {  	p0 =	sne.s32 s29, $0x4;
	v0 =	vld.idx.msk [tilespmem:v0+s25+$0x0], $0xffff  }
.Ltmp43:
0x9dd: {  	_ = 	snop;
	(pc) =	sbr.rel @p0 .LBB2_72-.Ltmp43, $2  }
0x9de: {  	_ =	sdelay $0x2  }
0x9df: {  	[tilespmem:$0x1D800] =	vst v0  }
0x9e0: {  	s28 =	sadd.s32 $0x1, s28  }
0x9e1: {  	p0 =	sne.s32 s28, s19  }
.Ltmp44:
0x9e2: {  	_ = 	snop;
	(pc) =	sbr.rel @p0 .LBB2_1-.Ltmp44, $1  }
0x9e3: {  	_ =	sdelay $0x3  }
0x9e4: {  	_ =	sfence.sel $0x180000  }
0x9e5: {  	[bflag:$0x0] =	sbarrier.arrive $0xFFFF  }
0x9e6: {  	_ =	strace $0x90000047  }
0x9e7: {  	s0 =	stileid.u32;
	[bflag:$0x2] =	sbarrier.arrive $0xFFFF  }
0x9e8: {  	p0 =	sne.s32 s0, $0x0;
	s0 =	rddreg [dreg:$0x2]  }
0x9e9: {  	s0 =	sadd.s32 @!p0 $0x100000, s0  }
0x9ea: {  	[sflag:s0] =	ssyncadd.tile.s32 @!p0 $0x1;
	_ =	shalt  }
.Lfunc_end2:
_tile_overlayer_lowered:
.L_overlay_start_2:
0x9eb: {  	(tag) =	ssettag $0x2  }
0x9ec: {  	s0 =	rddreg [dreg:$0x0];
	s2 =	stileid.u32  }
0x9ed: {  	s1 =	rddreg [dreg:$0x1];
	p0 =	sne.s32 s2, $0x0  }
0x9ee: {  	s3 =	rddreg [dreg:$0x2];
	[bflag:$0x3] =	sbarrier.arrive $0xFFFF;
	s2 =	simm.s32 @!p0 $0x1C03  }
0x9ef: {  	[timem:s3], [sflag:s2] =	dma.local @!p0 [hbm:s0], s1  }
0x9f0: {  	s0 =	simm.s32 @!p0 $0x3  }
0x9f1: {  	_ =	swait.ge @!p0 [sflag:s0], s1  }
0x9f2: {  	s1 =	ssub.s32 @!p0 $0x0, s1;
	[sflag:s0] =	ssyncset.done @!p0 $0x0  }
0x9f3: {  	[sflag:s0] =	ssyncadd.s32 @!p0 s1  }
0x9f4: {  	[bflag:$0x3] =	sbarrier.arrive $0xFFFF  }
0x9f5: {  	_ =	shalt  }

</sc_bundles>
